<compile_context>
chip_gen: v7x
topology: tpu7x:2x2x1
jax: 0.10.2.dev20260603
libtpu: 0.0.44.dev20260713+nightly
codegen_flags: <defaults>
</compile_context>

<pallas_src>
import jax
import jax.numpy as jnp
from jax import lax
from jax.experimental import pallas as pl
from jax.experimental.pallas import tpu as pltpu
from jax.experimental.pallas import tpu_sc as plsc

NC = 2
NS = 16
NW = NC * NS

N = 10000
NP = 10240
E = 320000
EP = 322560
D = 128
V = 1000

CHUNK = 80
EPT = EP // NW
NCHUNKS = EPT // CHUNK
NBUF = 3
RPT = NP // NS
GPT = NP // NW
GCH = 40


def _mesh():
    return plsc.VectorSubcoreMesh(
        core_axis_name="c", subcore_axis_name="s", num_cores=NC, num_subcores=NS
    )


def _emb_body(emb_h, x_h,
              h_out,
              xidx_v, rows_v, gsem):
    cid = lax.axis_index("c")
    sid = lax.axis_index("s")
    wid = sid * NC + cid

    pltpu.sync_copy(x_h.at[pl.ds(wid * (GPT // GCH), GPT // GCH)], xidx_v)
    for j in range(GPT // GCH):
        pltpu.async_copy(emb_h.at[xidx_v.at[j]],
                         rows_v.at[pl.ds(j * GCH, GCH)], gsem)
    for j in range(GPT // GCH):
        pltpu.make_async_copy(emb_h.at[xidx_v.at[0]],
                              rows_v.at[pl.ds(j * GCH, GCH)], gsem).wait()
    pltpu.sync_copy(rows_v, h_out.at[pl.ds(wid * GPT, GPT)])


def _seg_sum_body(h_h, src_h, dst_h, z_h,
                  p_out,
                  sidx0, sidx1, sidx2, didx0, didx1, didx2,
                  rows0, rows1, rows2, z_v, semg, semi, agg_sh):
    cid = lax.axis_index("c")
    sid = lax.axis_index("s")
    wid = sid * NC + cid
    ebase = wid * EPT
    sidx = [sidx0, sidx1, sidx2]
    didx = [didx0, didx1, didx2]
    rows = [rows0, rows1, rows2]

    pltpu.sync_copy(z_h, z_v)
    for k in range(RPT // 64):
        pltpu.sync_copy(z_v, agg_sh.at[pl.ds(sid * RPT + k * 64, 64)])
    plsc.subcore_barrier()

    def group_step(i, carry):
        base = pl.multiple_of(ebase + i * (NBUF * CHUNK), 8)
        idone = []
        for j in range(NBUF):
            idone.append(pltpu.async_copy(
                src_h.at[pl.ds(base + j * CHUNK, CHUNK)], sidx[j], semi))
            idone.append(pltpu.async_copy(
                dst_h.at[pl.ds(base + j * CHUNK, CHUNK)], didx[j], semi))
        for d in idone:
            d.wait()
        gd = [pltpu.async_copy(h_h.at[sidx[j]], rows[j], semg)
              for j in range(NBUF)]
        for j in range(NBUF):
            gd[j].wait()
            pltpu.sync_copy(rows[j], agg_sh.at[didx[j]], add=True)
        return carry

    lax.fori_loop(0, NCHUNKS // NBUF, group_step, 0)
    plsc.subcore_barrier()

    pltpu.sync_copy(agg_sh.at[pl.ds(sid * RPT, RPT)],
                    p_out.at[pl.ds(cid * NP + sid * RPT, RPT)])


def _layer_body(p_ref, deg_ref, h_ref, wl_ref, wr_ref, bl_ref, o_ref):
    deg = deg_ref[0] + deg_ref[1]
    agg = (p_ref[0] + p_ref[1]) / jnp.maximum(deg, 1.0)
    t = jnp.dot(agg, wl_ref[...], preferred_element_type=jnp.float32)
    t = t + jnp.dot(h_ref[...], wr_ref[...], preferred_element_type=jnp.float32)
    o_ref[...] = jnp.maximum(t + bl_ref[...], 0.0)


def _layer_tc(p, deg, h, wlT, wrT, bl):
    bn = 1024
    grid = (NP // bn,)
    return pl.pallas_call(
        _layer_body,
        grid=grid,
        in_specs=[
            pl.BlockSpec((NC, bn, D), lambda i: (0, i, 0)),
            pl.BlockSpec((NC, bn, 1), lambda i: (0, i, 0)),
            pl.BlockSpec((bn, D), lambda i: (i, 0)),
            pl.BlockSpec((D, D), lambda i: (0, 0)),
            pl.BlockSpec((D, D), lambda i: (0, 0)),
            pl.BlockSpec((1, D), lambda i: (0, 0)),
        ],
        out_specs=pl.BlockSpec((bn, D), lambda i: (i, 0)),
        out_shape=jax.ShapeDtypeStruct((NP, D), jnp.float32),
    )(p, deg, h, wlT, wrT, bl)


def _final_body(h_ref, wt_ref, b_ref, o_ref):
    logits = jnp.dot(h_ref[...], wt_ref[...],
                     preferred_element_type=jnp.float32) + b_ref[...]
    m = jnp.max(logits, axis=1, keepdims=True)
    e = jnp.exp(logits - m)
    o_ref[...] = e / jnp.sum(e, axis=1, keepdims=True)


def _final_tc(h, wT, b):
    bn = 1000
    grid = (N // bn,)
    return pl.pallas_call(
        _final_body,
        grid=grid,
        in_specs=[
            pl.BlockSpec((bn, D), lambda i: (i, 0)),
            pl.BlockSpec((D, V), lambda i: (0, 0)),
            pl.BlockSpec((1, V), lambda i: (0, 0)),
        ],
        out_specs=pl.BlockSpec((bn, V), lambda i: (i, 0)),
        out_shape=jax.ShapeDtypeStruct((N, V), jnp.float32),
    )(h, wT, b)


def kernel(x, edge_index, emb, Wl0, bl0, Wr0, Wl1, bl1, Wr1, Wl2, bl2, Wr2,
           W_last, b_last):
    src = edge_index[0]
    dst = edge_index[1]
    pad = EP - E
    src2 = jnp.concatenate([src, jnp.zeros((pad,), src.dtype)])
    dst2 = jnp.concatenate([dst, jnp.full((pad,), N, dst.dtype)])
    x2 = jnp.concatenate([x, jnp.zeros((NP - N,), x.dtype)]).reshape(
        NP // GCH, GCH)

    z128 = jnp.zeros((64, D), jnp.float32)

    emb_gather = pl.kernel(
        _emb_body,
        out_type=jax.ShapeDtypeStruct((NP, D), jnp.float32),
        mesh=_mesh(),
        scratch_types=[
            pltpu.VMEM((GPT // GCH, GCH), jnp.int32),
            pltpu.VMEM((GPT, D), jnp.float32),
            pltpu.SemaphoreType.DMA,
        ],
    )
    h = emb_gather(emb, x2)

    seg_sum = pl.kernel(
        _seg_sum_body,
        out_type=jax.ShapeDtypeStruct((NC * NP, D), jnp.float32),
        mesh=_mesh(),
        scratch_types=[
            pltpu.VMEM((CHUNK,), jnp.int32),
            pltpu.VMEM((CHUNK,), jnp.int32),
            pltpu.VMEM((CHUNK,), jnp.int32),
            pltpu.VMEM((CHUNK,), jnp.int32),
            pltpu.VMEM((CHUNK,), jnp.int32),
            pltpu.VMEM((CHUNK,), jnp.int32),
            pltpu.VMEM((CHUNK, D), jnp.float32),
            pltpu.VMEM((CHUNK, D), jnp.float32),
            pltpu.VMEM((CHUNK, D), jnp.float32),
            pltpu.VMEM((64, D), jnp.float32),
            pltpu.SemaphoreType.DMA,
            pltpu.SemaphoreType.DMA,
            pltpu.VMEM_SHARED((NP, D), jnp.float32),
        ],
    )

    ones_nd = h * 0.0 + 1.0
    deg_raw = seg_sum(ones_nd, src2, dst2, z128)
    deg = deg_raw.reshape(NC, NP, D)[:, :, 0:1]
    h, _ = lax.optimization_barrier((h, deg_raw))

    for Wl, bl, Wr in ((Wl0, bl0, Wr0), (Wl1, bl1, Wr1), (Wl2, bl2, Wr2)):
        p = seg_sum(h, src2, dst2, z128).reshape(NC, NP, D)
        h = _layer_tc(p, deg, h, Wl.T, Wr.T, bl.reshape(1, D))

    return _final_tc(h, W_last.T, b_last.reshape(1, V))

# --- scband reference (transcript-rebuilt; emitter-appended) ---
"""Pipeline reference for scband-custom-sage-56796647522799 (READ-ONLY COPY).

The authoritative reference and input builder live on the scoring server;
editing this copy changes nothing except your own understanding.
"""

import jax, jax.numpy as jnp
import numpy as np

N = 10000
E = 320000
D = 128
V = 1000


def setup_inputs(seed: int = 0) -> dict:
    key = jax.random.key(seed)
    ks = jax.random.split(key, 16)
    inp = {}
    inp["x"] = jax.random.randint(ks[0], (N,), 0, V, dtype=jnp.int64 if jax.config.jax_enable_x64 else jnp.int32)
    inp["edge_index"] = jax.random.randint(ks[1], (2, E), 0, N, dtype=jnp.int64 if jax.config.jax_enable_x64 else jnp.int32)
    inp["emb"] = jax.random.normal(ks[2], (V, D), dtype=jnp.float32) * 0.05
    s = 1.0 / np.sqrt(D)
    for i in range(3):
        inp[f"Wl{i}"] = jax.random.normal(ks[3 + 3 * i], (D, D), dtype=jnp.float32) * s
        inp[f"bl{i}"] = jnp.zeros((D,), dtype=jnp.float32)
        inp[f"Wr{i}"] = jax.random.normal(ks[4 + 3 * i], (D, D), dtype=jnp.float32) * s
    inp["W_last"] = jax.random.normal(ks[12], (V, D), dtype=jnp.float32) * s
    inp["b_last"] = jnp.zeros((V,), dtype=jnp.float32)
    return inp


def _sage_conv(h, src, dst, Wl, bl, Wr):
    # PyG SAGEConv (aggr='mean', root_weight=True): out = lin_l(mean_j x_j) + lin_r(x_i)
    msg = h[src]
    agg = jax.ops.segment_sum(msg, dst, num_segments=N)
    deg = jax.ops.segment_sum(jnp.ones((E,), dtype=h.dtype), dst, num_segments=N)
    agg = agg / jnp.clip(deg, 1.0, None)[:, None]
    return agg @ Wl.T + bl + h @ Wr.T


def reference(x, edge_index, emb, Wl0, bl0, Wr0, Wl1, bl1, Wr1, Wl2, bl2, Wr2, W_last, b_last):
    src = edge_index[0]
    dst = edge_index[1]
    h = jnp.take(emb, x, axis=0)
    for Wl, bl, Wr in ((Wl0, bl0, Wr0), (Wl1, bl1, Wr1), (Wl2, bl2, Wr2)):
        h = jax.nn.relu(_sage_conv(h, src, dst, Wl, bl, Wr))
    logits = h @ W_last.T + b_last
    return jax.nn.softmax(logits, axis=1)

if __name__ == "__main__":
    import jax
    _d = setup_inputs()
    print(jax.jit(kernel)(*tuple(_d.values())))

</pallas_src>

<mosaic_0001>
#map = affine_map<(d0, d1) -> (0, 0)>
#map1 = affine_map<(d0, d1) -> (0)>
module attributes {stable_mosaic.version = 14 : i64} {
  func.func @_seg_sum_body(%arg0: i32, %arg1: i32, %arg2: memref<10240x128xf32, #tpu.memory_space<hbm>>, %arg3: memref<322560xi32, #tpu.memory_space<hbm>>, %arg4: memref<322560xi32, #tpu.memory_space<hbm>>, %arg5: memref<64x128xf32, #tpu.memory_space<hbm>>, %arg6: memref<20480x128xf32, #tpu.memory_space<hbm>>, %arg7: memref<80xi32, #tpu.memory_space<vmem>>, %arg8: memref<80xi32, #tpu.memory_space<vmem>>, %arg9: memref<80xi32, #tpu.memory_space<vmem>>, %arg10: memref<80xi32, #tpu.memory_space<vmem>>, %arg11: memref<80xi32, #tpu.memory_space<vmem>>, %arg12: memref<80xi32, #tpu.memory_space<vmem>>, %arg13: memref<80x128xf32, #tpu.memory_space<vmem>>, %arg14: memref<80x128xf32, #tpu.memory_space<vmem>>, %arg15: memref<80x128xf32, #tpu.memory_space<vmem>>, %arg16: memref<64x128xf32, #tpu.memory_space<vmem>>, %arg17: memref<!tpu.dma_semaphore, #tpu.memory_space<semaphore_mem>>, %arg18: memref<!tpu.dma_semaphore, #tpu.memory_space<semaphore_mem>>, %arg19: memref<10240x128xf32, #tpu.memory_space<vmem_shared>>) attributes {dimension_semantics = [#tpu.dimension_semantics<core_parallel>, #tpu.dimension_semantics<subcore_parallel>], iteration_bounds = array<i64: 2, 16>, scalar_prefetch = 0 : i64, scratch_operands = 13 : i64, tpu.core_type = #tpu.core_type<sc_vector_subcore>, window_params = [{transform_indices = #map}, {transform_indices = #map1}, {transform_indices = #map1}, {transform_indices = #map}, {transform_indices = #map}]} {
    %mul3A = arith.constant 2 : i32
    %mul3A_0 = arith.muli %arg1, %mul3A : i32
    %add3A = arith.addi %mul3A_0, %arg0 : i32
    %mul3A_1 = arith.constant 10080 : i32
    %mul3A_2 = arith.muli %add3A, %mul3A_1 : i32
    "tpu.region"() ({
      %run_scoped3A = tpu.sem_alloc : memref<!tpu.dma_semaphore, #tpu.memory_space<semaphore_mem>>
      tpu.enqueue_dma source(%arg5 : memref<64x128xf32, #tpu.memory_space<hbm>>) target(%arg16 : memref<64x128xf32, #tpu.memory_space<vmem>>) target_semaphore(%run_scoped3A : memref<!tpu.dma_semaphore, #tpu.memory_space<semaphore_mem>>)
      tpu.wait_dma2 semaphore(%run_scoped3A : memref<!tpu.dma_semaphore, #tpu.memory_space<semaphore_mem>>) src(%arg5 : memref<64x128xf32, #tpu.memory_space<hbm>>) dst(%arg16 : memref<64x128xf32, #tpu.memory_space<vmem>>)
      tpu.yield
    }) : () -> ()
    %mul3A_3 = arith.constant 640 : i32
    %mul3A_4 = arith.muli %arg1, %mul3A_3 : i32
    %add3A_5 = arith.constant 0 : i32
    %add3A_6 = arith.addi %mul3A_4, %add3A_5 : i32
    "tpu.region"() ({
      %run_scoped3A = tpu.sem_alloc : memref<!tpu.dma_semaphore, #tpu.memory_space<semaphore_mem>>
      %dma_start3A = arith.constant 0 : i32
      %dma_start3A_56 = tpu.memref_slice %arg19[%add3A_6, %dma_start3A] : memref<10240x128xf32, #tpu.memory_space<vmem_shared>> -> memref<64x128xf32, #tpu.memory_space<vmem_shared>>
      %dma_start3A_57 = arith.constant 0 : i32
      %dma_start3A_58 = tpu.memref_slice %arg19[%add3A_6, %dma_start3A_57] : memref<10240x128xf32, #tpu.memory_space<vmem_shared>> -> memref<64x128xf32, #tpu.memory_space<vmem_shared>>
      tpu.enqueue_dma source(%arg16 : memref<64x128xf32, #tpu.memory_space<vmem>>) target(%dma_start3A_58 : memref<64x128xf32, #tpu.memory_space<vmem_shared>>) target_semaphore(%run_scoped3A : memref<!tpu.dma_semaphore, #tpu.memory_space<semaphore_mem>>)
      %dma_wait3A = arith.constant 0 : i32
      %dma_wait3A_59 = tpu.memref_slice %arg19[%add3A_6, %dma_wait3A] : memref<10240x128xf32, #tpu.memory_space<vmem_shared>> -> memref<64x128xf32, #tpu.memory_space<vmem_shared>>
      %dma_wait3A_60 = arith.constant 0 : i32
      %dma_wait3A_61 = tpu.memref_slice %arg19[%add3A_6, %dma_wait3A_60] : memref<10240x128xf32, #tpu.memory_space<vmem_shared>> -> memref<64x128xf32, #tpu.memory_space<vmem_shared>>
      tpu.wait_dma2 semaphore(%run_scoped3A : memref<!tpu.dma_semaphore, #tpu.memory_space<semaphore_mem>>) src(%arg16 : memref<64x128xf32, #tpu.memory_space<vmem>>) dst(%dma_wait3A_61 : memref<64x128xf32, #tpu.memory_space<vmem_shared>>)
      tpu.yield
    }) : () -> ()
    %mul3A_7 = arith.constant 640 : i32
    %mul3A_8 = arith.muli %arg1, %mul3A_7 : i32
    %add3A_9 = arith.constant 64 : i32
    %add3A_10 = arith.addi %mul3A_8, %add3A_9 : i32
    "tpu.region"() ({
      %run_scoped3A = tpu.sem_alloc : memref<!tpu.dma_semaphore, #tpu.memory_space<semaphore_mem>>
      %dma_start3A = arith.constant 0 : i32
      %dma_start3A_56 = tpu.memref_slice %arg19[%add3A_10, %dma_start3A] : memref<10240x128xf32, #tpu.memory_space<vmem_shared>> -> memref<64x128xf32, #tpu.memory_space<vmem_shared>>
      %dma_start3A_57 = arith.constant 0 : i32
      %dma_start3A_58 = tpu.memref_slice %arg19[%add3A_10, %dma_start3A_57] : memref<10240x128xf32, #tpu.memory_space<vmem_shared>> -> memref<64x128xf32, #tpu.memory_space<vmem_shared>>
      tpu.enqueue_dma source(%arg16 : memref<64x128xf32, #tpu.memory_space<vmem>>) target(%dma_start3A_58 : memref<64x128xf32, #tpu.memory_space<vmem_shared>>) target_semaphore(%run_scoped3A : memref<!tpu.dma_semaphore, #tpu.memory_space<semaphore_mem>>)
      %dma_wait3A = arith.constant 0 : i32
      %dma_wait3A_59 = tpu.memref_slice %arg19[%add3A_10, %dma_wait3A] : memref<10240x128xf32, #tpu.memory_space<vmem_shared>> -> memref<64x128xf32, #tpu.memory_space<vmem_shared>>
      %dma_wait3A_60 = arith.constant 0 : i32
      %dma_wait3A_61 = tpu.memref_slice %arg19[%add3A_10, %dma_wait3A_60] : memref<10240x128xf32, #tpu.memory_space<vmem_shared>> -> memref<64x128xf32, #tpu.memory_space<vmem_shared>>
      tpu.wait_dma2 semaphore(%run_scoped3A : memref<!tpu.dma_semaphore, #tpu.memory_space<semaphore_mem>>) src(%arg16 : memref<64x128xf32, #tpu.memory_space<vmem>>) dst(%dma_wait3A_61 : memref<64x128xf32, #tpu.memory_space<vmem_shared>>)
      tpu.yield
    }) : () -> ()
    %mul3A_11 = arith.constant 640 : i32
    %mul3A_12 = arith.muli %arg1, %mul3A_11 : i32
    %add3A_13 = arith.constant 128 : i32
    %add3A_14 = arith.addi %mul3A_12, %add3A_13 : i32
    "tpu.region"() ({
      %run_scoped3A = tpu.sem_alloc : memref<!tpu.dma_semaphore, #tpu.memory_space<semaphore_mem>>
      %dma_start3A = arith.constant 0 : i32
      %dma_start3A_56 = tpu.memref_slice %arg19[%add3A_14, %dma_start3A] : memref<10240x128xf32, #tpu.memory_space<vmem_shared>> -> memref<64x128xf32, #tpu.memory_space<vmem_shared>>
      %dma_start3A_57 = arith.constant 0 : i32
      %dma_start3A_58 = tpu.memref_slice %arg19[%add3A_14, %dma_start3A_57] : memref<10240x128xf32, #tpu.memory_space<vmem_shared>> -> memref<64x128xf32, #tpu.memory_space<vmem_shared>>
      tpu.enqueue_dma source(%arg16 : memref<64x128xf32, #tpu.memory_space<vmem>>) target(%dma_start3A_58 : memref<64x128xf32, #tpu.memory_space<vmem_shared>>) target_semaphore(%run_scoped3A : memref<!tpu.dma_semaphore, #tpu.memory_space<semaphore_mem>>)
      %dma_wait3A = arith.constant 0 : i32
      %dma_wait3A_59 = tpu.memref_slice %arg19[%add3A_14, %dma_wait3A] : memref<10240x128xf32, #tpu.memory_space<vmem_shared>> -> memref<64x128xf32, #tpu.memory_space<vmem_shared>>
      %dma_wait3A_60 = arith.constant 0 : i32
      %dma_wait3A_61 = tpu.memref_slice %arg19[%add3A_14, %dma_wait3A_60] : memref<10240x128xf32, #tpu.memory_space<vmem_shared>> -> memref<64x128xf32, #tpu.memory_space<vmem_shared>>
      tpu.wait_dma2 semaphore(%run_scoped3A : memref<!tpu.dma_semaphore, #tpu.memory_space<semaphore_mem>>) src(%arg16 : memref<64x128xf32, #tpu.memory_space<vmem>>) dst(%dma_wait3A_61 : memref<64x128xf32, #tpu.memory_space<vmem_shared>>)
      tpu.yield
    }) : () -> ()
    %mul3A_15 = arith.constant 640 : i32
    %mul3A_16 = arith.muli %arg1, %mul3A_15 : i32
    %add3A_17 = arith.constant 192 : i32
    %add3A_18 = arith.addi %mul3A_16, %add3A_17 : i32
    "tpu.region"() ({
      %run_scoped3A = tpu.sem_alloc : memref<!tpu.dma_semaphore, #tpu.memory_space<semaphore_mem>>
      %dma_start3A = arith.constant 0 : i32
      %dma_start3A_56 = tpu.memref_slice %arg19[%add3A_18, %dma_start3A] : memref<10240x128xf32, #tpu.memory_space<vmem_shared>> -> memref<64x128xf32, #tpu.memory_space<vmem_shared>>
      %dma_start3A_57 = arith.constant 0 : i32
      %dma_start3A_58 = tpu.memref_slice %arg19[%add3A_18, %dma_start3A_57] : memref<10240x128xf32, #tpu.memory_space<vmem_shared>> -> memref<64x128xf32, #tpu.memory_space<vmem_shared>>
      tpu.enqueue_dma source(%arg16 : memref<64x128xf32, #tpu.memory_space<vmem>>) target(%dma_start3A_58 : memref<64x128xf32, #tpu.memory_space<vmem_shared>>) target_semaphore(%run_scoped3A : memref<!tpu.dma_semaphore, #tpu.memory_space<semaphore_mem>>)
      %dma_wait3A = arith.constant 0 : i32
      %dma_wait3A_59 = tpu.memref_slice %arg19[%add3A_18, %dma_wait3A] : memref<10240x128xf32, #tpu.memory_space<vmem_shared>> -> memref<64x128xf32, #tpu.memory_space<vmem_shared>>
      %dma_wait3A_60 = arith.constant 0 : i32
      %dma_wait3A_61 = tpu.memref_slice %arg19[%add3A_18, %dma_wait3A_60] : memref<10240x128xf32, #tpu.memory_space<vmem_shared>> -> memref<64x128xf32, #tpu.memory_space<vmem_shared>>
      tpu.wait_dma2 semaphore(%run_scoped3A : memref<!tpu.dma_semaphore, #tpu.memory_space<semaphore_mem>>) src(%arg16 : memref<64x128xf32, #tpu.memory_space<vmem>>) dst(%dma_wait3A_61 : memref<64x128xf32, #tpu.memory_space<vmem_shared>>)
      tpu.yield
    }) : () -> ()
    %mul3A_19 = arith.constant 640 : i32
    %mul3A_20 = arith.muli %arg1, %mul3A_19 : i32
    %add3A_21 = arith.constant 256 : i32
    %add3A_22 = arith.addi %mul3A_20, %add3A_21 : i32
    "tpu.region"() ({
      %run_scoped3A = tpu.sem_alloc : memref<!tpu.dma_semaphore, #tpu.memory_space<semaphore_mem>>
      %dma_start3A = arith.constant 0 : i32
      %dma_start3A_56 = tpu.memref_slice %arg19[%add3A_22, %dma_start3A] : memref<10240x128xf32, #tpu.memory_space<vmem_shared>> -> memref<64x128xf32, #tpu.memory_space<vmem_shared>>
      %dma_start3A_57 = arith.constant 0 : i32
      %dma_start3A_58 = tpu.memref_slice %arg19[%add3A_22, %dma_start3A_57] : memref<10240x128xf32, #tpu.memory_space<vmem_shared>> -> memref<64x128xf32, #tpu.memory_space<vmem_shared>>
      tpu.enqueue_dma source(%arg16 : memref<64x128xf32, #tpu.memory_space<vmem>>) target(%dma_start3A_58 : memref<64x128xf32, #tpu.memory_space<vmem_shared>>) target_semaphore(%run_scoped3A : memref<!tpu.dma_semaphore, #tpu.memory_space<semaphore_mem>>)
      %dma_wait3A = arith.constant 0 : i32
      %dma_wait3A_59 = tpu.memref_slice %arg19[%add3A_22, %dma_wait3A] : memref<10240x128xf32, #tpu.memory_space<vmem_shared>> -> memref<64x128xf32, #tpu.memory_space<vmem_shared>>
      %dma_wait3A_60 = arith.constant 0 : i32
      %dma_wait3A_61 = tpu.memref_slice %arg19[%add3A_22, %dma_wait3A_60] : memref<10240x128xf32, #tpu.memory_space<vmem_shared>> -> memref<64x128xf32, #tpu.memory_space<vmem_shared>>
      tpu.wait_dma2 semaphore(%run_scoped3A : memref<!tpu.dma_semaphore, #tpu.memory_space<semaphore_mem>>) src(%arg16 : memref<64x128xf32, #tpu.memory_space<vmem>>) dst(%dma_wait3A_61 : memref<64x128xf32, #tpu.memory_space<vmem_shared>>)
      tpu.yield
    }) : () -> ()
    %mul3A_23 = arith.constant 640 : i32
    %mul3A_24 = arith.muli %arg1, %mul3A_23 : i32
    %add3A_25 = arith.constant 320 : i32
    %add3A_26 = arith.addi %mul3A_24, %add3A_25 : i32
    "tpu.region"() ({
      %run_scoped3A = tpu.sem_alloc : memref<!tpu.dma_semaphore, #tpu.memory_space<semaphore_mem>>
      %dma_start3A = arith.constant 0 : i32
      %dma_start3A_56 = tpu.memref_slice %arg19[%add3A_26, %dma_start3A] : memref<10240x128xf32, #tpu.memory_space<vmem_shared>> -> memref<64x128xf32, #tpu.memory_space<vmem_shared>>
      %dma_start3A_57 = arith.constant 0 : i32
      %dma_start3A_58 = tpu.memref_slice %arg19[%add3A_26, %dma_start3A_57] : memref<10240x128xf32, #tpu.memory_space<vmem_shared>> -> memref<64x128xf32, #tpu.memory_space<vmem_shared>>
      tpu.enqueue_dma source(%arg16 : memref<64x128xf32, #tpu.memory_space<vmem>>) target(%dma_start3A_58 : memref<64x128xf32, #tpu.memory_space<vmem_shared>>) target_semaphore(%run_scoped3A : memref<!tpu.dma_semaphore, #tpu.memory_space<semaphore_mem>>)
      %dma_wait3A = arith.constant 0 : i32
      %dma_wait3A_59 = tpu.memref_slice %arg19[%add3A_26, %dma_wait3A] : memref<10240x128xf32, #tpu.memory_space<vmem_shared>> -> memref<64x128xf32, #tpu.memory_space<vmem_shared>>
      %dma_wait3A_60 = arith.constant 0 : i32
      %dma_wait3A_61 = tpu.memref_slice %arg19[%add3A_26, %dma_wait3A_60] : memref<10240x128xf32, #tpu.memory_space<vmem_shared>> -> memref<64x128xf32, #tpu.memory_space<vmem_shared>>
      tpu.wait_dma2 semaphore(%run_scoped3A : memref<!tpu.dma_semaphore, #tpu.memory_space<semaphore_mem>>) src(%arg16 : memref<64x128xf32, #tpu.memory_space<vmem>>) dst(%dma_wait3A_61 : memref<64x128xf32, #tpu.memory_space<vmem_shared>>)
      tpu.yield
    }) : () -> ()
    %mul3A_27 = arith.constant 640 : i32
    %mul3A_28 = arith.muli %arg1, %mul3A_27 : i32
    %add3A_29 = arith.constant 384 : i32
    %add3A_30 = arith.addi %mul3A_28, %add3A_29 : i32
    "tpu.region"() ({
      %run_scoped3A = tpu.sem_alloc : memref<!tpu.dma_semaphore, #tpu.memory_space<semaphore_mem>>
      %dma_start3A = arith.constant 0 : i32
      %dma_start3A_56 = tpu.memref_slice %arg19[%add3A_30, %dma_start3A] : memref<10240x128xf32, #tpu.memory_space<vmem_shared>> -> memref<64x128xf32, #tpu.memory_space<vmem_shared>>
      %dma_start3A_57 = arith.constant 0 : i32
      %dma_start3A_58 = tpu.memref_slice %arg19[%add3A_30, %dma_start3A_57] : memref<10240x128xf32, #tpu.memory_space<vmem_shared>> -> memref<64x128xf32, #tpu.memory_space<vmem_shared>>
      tpu.enqueue_dma source(%arg16 : memref<64x128xf32, #tpu.memory_space<vmem>>) target(%dma_start3A_58 : memref<64x128xf32, #tpu.memory_space<vmem_shared>>) target_semaphore(%run_scoped3A : memref<!tpu.dma_semaphore, #tpu.memory_space<semaphore_mem>>)
      %dma_wait3A = arith.constant 0 : i32
      %dma_wait3A_59 = tpu.memref_slice %arg19[%add3A_30, %dma_wait3A] : memref<10240x128xf32, #tpu.memory_space<vmem_shared>> -> memref<64x128xf32, #tpu.memory_space<vmem_shared>>
      %dma_wait3A_60 = arith.constant 0 : i32
      %dma_wait3A_61 = tpu.memref_slice %arg19[%add3A_30, %dma_wait3A_60] : memref<10240x128xf32, #tpu.memory_space<vmem_shared>> -> memref<64x128xf32, #tpu.memory_space<vmem_shared>>
      tpu.wait_dma2 semaphore(%run_scoped3A : memref<!tpu.dma_semaphore, #tpu.memory_space<semaphore_mem>>) src(%arg16 : memref<64x128xf32, #tpu.memory_space<vmem>>) dst(%dma_wait3A_61 : memref<64x128xf32, #tpu.memory_space<vmem_shared>>)
      tpu.yield
    }) : () -> ()
    %mul3A_31 = arith.constant 640 : i32
    %mul3A_32 = arith.muli %arg1, %mul3A_31 : i32
    %add3A_33 = arith.constant 448 : i32
    %add3A_34 = arith.addi %mul3A_32, %add3A_33 : i32
    "tpu.region"() ({
      %run_scoped3A = tpu.sem_alloc : memref<!tpu.dma_semaphore, #tpu.memory_space<semaphore_mem>>
      %dma_start3A = arith.constant 0 : i32
      %dma_start3A_56 = tpu.memref_slice %arg19[%add3A_34, %dma_start3A] : memref<10240x128xf32, #tpu.memory_space<vmem_shared>> -> memref<64x128xf32, #tpu.memory_space<vmem_shared>>
      %dma_start3A_57 = arith.constant 0 : i32
      %dma_start3A_58 = tpu.memref_slice %arg19[%add3A_34, %dma_start3A_57] : memref<10240x128xf32, #tpu.memory_space<vmem_shared>> -> memref<64x128xf32, #tpu.memory_space<vmem_shared>>
      tpu.enqueue_dma source(%arg16 : memref<64x128xf32, #tpu.memory_space<vmem>>) target(%dma_start3A_58 : memref<64x128xf32, #tpu.memory_space<vmem_shared>>) target_semaphore(%run_scoped3A : memref<!tpu.dma_semaphore, #tpu.memory_space<semaphore_mem>>)
      %dma_wait3A = arith.constant 0 : i32
      %dma_wait3A_59 = tpu.memref_slice %arg19[%add3A_34, %dma_wait3A] : memref<10240x128xf32, #tpu.memory_space<vmem_shared>> -> memref<64x128xf32, #tpu.memory_space<vmem_shared>>
      %dma_wait3A_60 = arith.constant 0 : i32
      %dma_wait3A_61 = tpu.memref_slice %arg19[%add3A_34, %dma_wait3A_60] : memref<10240x128xf32, #tpu.memory_space<vmem_shared>> -> memref<64x128xf32, #tpu.memory_space<vmem_shared>>
      tpu.wait_dma2 semaphore(%run_scoped3A : memref<!tpu.dma_semaphore, #tpu.memory_space<semaphore_mem>>) src(%arg16 : memref<64x128xf32, #tpu.memory_space<vmem>>) dst(%dma_wait3A_61 : memref<64x128xf32, #tpu.memory_space<vmem_shared>>)
      tpu.yield
    }) : () -> ()
    %mul3A_35 = arith.constant 640 : i32
    %mul3A_36 = arith.muli %arg1, %mul3A_35 : i32
    %add3A_37 = arith.constant 512 : i32
    %add3A_38 = arith.addi %mul3A_36, %add3A_37 : i32
    "tpu.region"() ({
      %run_scoped3A = tpu.sem_alloc : memref<!tpu.dma_semaphore, #tpu.memory_space<semaphore_mem>>
      %dma_start3A = arith.constant 0 : i32
      %dma_start3A_56 = tpu.memref_slice %arg19[%add3A_38, %dma_start3A] : memref<10240x128xf32, #tpu.memory_space<vmem_shared>> -> memref<64x128xf32, #tpu.memory_space<vmem_shared>>
      %dma_start3A_57 = arith.constant 0 : i32
      %dma_start3A_58 = tpu.memref_slice %arg19[%add3A_38, %dma_start3A_57] : memref<10240x128xf32, #tpu.memory_space<vmem_shared>> -> memref<64x128xf32, #tpu.memory_space<vmem_shared>>
      tpu.enqueue_dma source(%arg16 : memref<64x128xf32, #tpu.memory_space<vmem>>) target(%dma_start3A_58 : memref<64x128xf32, #tpu.memory_space<vmem_shared>>) target_semaphore(%run_scoped3A : memref<!tpu.dma_semaphore, #tpu.memory_space<semaphore_mem>>)
      %dma_wait3A = arith.constant 0 : i32
      %dma_wait3A_59 = tpu.memref_slice %arg19[%add3A_38, %dma_wait3A] : memref<10240x128xf32, #tpu.memory_space<vmem_shared>> -> memref<64x128xf32, #tpu.memory_space<vmem_shared>>
      %dma_wait3A_60 = arith.constant 0 : i32
      %dma_wait3A_61 = tpu.memref_slice %arg19[%add3A_38, %dma_wait3A_60] : memref<10240x128xf32, #tpu.memory_space<vmem_shared>> -> memref<64x128xf32, #tpu.memory_space<vmem_shared>>
      tpu.wait_dma2 semaphore(%run_scoped3A : memref<!tpu.dma_semaphore, #tpu.memory_space<semaphore_mem>>) src(%arg16 : memref<64x128xf32, #tpu.memory_space<vmem>>) dst(%dma_wait3A_61 : memref<64x128xf32, #tpu.memory_space<vmem_shared>>)
      tpu.yield
    }) : () -> ()
    %mul3A_39 = arith.constant 640 : i32
    %mul3A_40 = arith.muli %arg1, %mul3A_39 : i32
    %add3A_41 = arith.constant 576 : i32
    %add3A_42 = arith.addi %mul3A_40, %add3A_41 : i32
    "tpu.region"() ({
      %run_scoped3A = tpu.sem_alloc : memref<!tpu.dma_semaphore, #tpu.memory_space<semaphore_mem>>
      %dma_start3A = arith.constant 0 : i32
      %dma_start3A_56 = tpu.memref_slice %arg19[%add3A_42, %dma_start3A] : memref<10240x128xf32, #tpu.memory_space<vmem_shared>> -> memref<64x128xf32, #tpu.memory_space<vmem_shared>>
      %dma_start3A_57 = arith.constant 0 : i32
      %dma_start3A_58 = tpu.memref_slice %arg19[%add3A_42, %dma_start3A_57] : memref<10240x128xf32, #tpu.memory_space<vmem_shared>> -> memref<64x128xf32, #tpu.memory_space<vmem_shared>>
      tpu.enqueue_dma source(%arg16 : memref<64x128xf32, #tpu.memory_space<vmem>>) target(%dma_start3A_58 : memref<64x128xf32, #tpu.memory_space<vmem_shared>>) target_semaphore(%run_scoped3A : memref<!tpu.dma_semaphore, #tpu.memory_space<semaphore_mem>>)
      %dma_wait3A = arith.constant 0 : i32
      %dma_wait3A_59 = tpu.memref_slice %arg19[%add3A_42, %dma_wait3A] : memref<10240x128xf32, #tpu.memory_space<vmem_shared>> -> memref<64x128xf32, #tpu.memory_space<vmem_shared>>
      %dma_wait3A_60 = arith.constant 0 : i32
      %dma_wait3A_61 = tpu.memref_slice %arg19[%add3A_42, %dma_wait3A_60] : memref<10240x128xf32, #tpu.memory_space<vmem_shared>> -> memref<64x128xf32, #tpu.memory_space<vmem_shared>>
      tpu.wait_dma2 semaphore(%run_scoped3A : memref<!tpu.dma_semaphore, #tpu.memory_space<semaphore_mem>>) src(%arg16 : memref<64x128xf32, #tpu.memory_space<vmem>>) dst(%dma_wait3A_61 : memref<64x128xf32, #tpu.memory_space<vmem_shared>>)
      tpu.yield
    }) : () -> ()
    %barrier3A = arith.constant 0 : index
    tpu.barrier barrier_id(%barrier3A)
    %scan3A = arith.constant 0 : i32
    %scan3A_43 = arith.constant 0 : i32
    %scan3A_44 = arith.constant 42 : i32
    %scan3A_45 = arith.addi %scan3A_43, %scan3A_44 : i32
    %scan3A_46 = arith.constant 1 : i32
    scf.for %scan3A_56 = %scan3A_43 to %scan3A_45 step %scan3A_46  : i32 {
      %mul3A_57 = arith.constant 240 : i32
      %mul3A_58 = arith.muli %scan3A_56, %mul3A_57 : i32
      %add3A_59 = arith.addi %mul3A_2, %mul3A_58 : i32
      %multiple_of3A = tpu.assume_multiple %add3A_59, 8 : i32
      %add3A_60 = arith.constant 0 : i32
      %add3A_61 = arith.addi %multiple_of3A, %add3A_60 : i32
      %dma_start3A = tpu.memref_slice %arg3[%add3A_61] : memref<322560xi32, #tpu.memory_space<hbm>> -> memref<80xi32, #tpu.memory_space<hbm>>
      %dma_start3A_62 = tpu.memref_slice %arg3[%add3A_61] : memref<322560xi32, #tpu.memory_space<hbm>> -> memref<80xi32, #tpu.memory_space<hbm>>
      tpu.enqueue_dma source(%dma_start3A_62 : memref<80xi32, #tpu.memory_space<hbm>>) target(%arg7 : memref<80xi32, #tpu.memory_space<vmem>>) target_semaphore(%arg18 : memref<!tpu.dma_semaphore, #tpu.memory_space<semaphore_mem>>)
      %add3A_63 = arith.constant 0 : i32
      %add3A_64 = arith.addi %multiple_of3A, %add3A_63 : i32
      %dma_start3A_65 = tpu.memref_slice %arg4[%add3A_64] : memref<322560xi32, #tpu.memory_space<hbm>> -> memref<80xi32, #tpu.memory_space<hbm>>
      %dma_start3A_66 = tpu.memref_slice %arg4[%add3A_64] : memref<322560xi32, #tpu.memory_space<hbm>> -> memref<80xi32, #tpu.memory_space<hbm>>
      tpu.enqueue_dma source(%dma_start3A_66 : memref<80xi32, #tpu.memory_space<hbm>>) target(%arg10 : memref<80xi32, #tpu.memory_space<vmem>>) target_semaphore(%arg18 : memref<!tpu.dma_semaphore, #tpu.memory_space<semaphore_mem>>)
      %add3A_67 = arith.constant 80 : i32
      %add3A_68 = arith.addi %multiple_of3A, %add3A_67 : i32
      %dma_start3A_69 = tpu.memref_slice %arg3[%add3A_68] : memref<322560xi32, #tpu.memory_space<hbm>> -> memref<80xi32, #tpu.memory_space<hbm>>
      %dma_start3A_70 = tpu.memref_slice %arg3[%add3A_68] : memref<322560xi32, #tpu.memory_space<hbm>> -> memref<80xi32, #tpu.memory_space<hbm>>
      tpu.enqueue_dma source(%dma_start3A_70 : memref<80xi32, #tpu.memory_space<hbm>>) target(%arg8 : memref<80xi32, #tpu.memory_space<vmem>>) target_semaphore(%arg18 : memref<!tpu.dma_semaphore, #tpu.memory_space<semaphore_mem>>)
      %add3A_71 = arith.constant 80 : i32
      %add3A_72 = arith.addi %multiple_of3A, %add3A_71 : i32
      %dma_start3A_73 = tpu.memref_slice %arg4[%add3A_72] : memref<322560xi32, #tpu.memory_space<hbm>> -> memref<80xi32, #tpu.memory_space<hbm>>
      %dma_start3A_74 = tpu.memref_slice %arg4[%add3A_72] : memref<322560xi32, #tpu.memory_space<hbm>> -> memref<80xi32, #tpu.memory_space<hbm>>
      tpu.enqueue_dma source(%dma_start3A_74 : memref<80xi32, #tpu.memory_space<hbm>>) target(%arg11 : memref<80xi32, #tpu.memory_space<vmem>>) target_semaphore(%arg18 : memref<!tpu.dma_semaphore, #tpu.memory_space<semaphore_mem>>)
      %add3A_75 = arith.constant 160 : i32
      %add3A_76 = arith.addi %multiple_of3A, %add3A_75 : i32
      %dma_start3A_77 = tpu.memref_slice %arg3[%add3A_76] : memref<322560xi32, #tpu.memory_space<hbm>> -> memref<80xi32, #tpu.memory_space<hbm>>
      %dma_start3A_78 = tpu.memref_slice %arg3[%add3A_76] : memref<322560xi32, #tpu.memory_space<hbm>> -> memref<80xi32, #tpu.memory_space<hbm>>
      tpu.enqueue_dma source(%dma_start3A_78 : memref<80xi32, #tpu.memory_space<hbm>>) target(%arg9 : memref<80xi32, #tpu.memory_space<vmem>>) target_semaphore(%arg18 : memref<!tpu.dma_semaphore, #tpu.memory_space<semaphore_mem>>)
      %add3A_79 = arith.constant 160 : i32
      %add3A_80 = arith.addi %multiple_of3A, %add3A_79 : i32
      %dma_start3A_81 = tpu.memref_slice %arg4[%add3A_80] : memref<322560xi32, #tpu.memory_space<hbm>> -> memref<80xi32, #tpu.memory_space<hbm>>
      %dma_start3A_82 = tpu.memref_slice %arg4[%add3A_80] : memref<322560xi32, #tpu.memory_space<hbm>> -> memref<80xi32, #tpu.memory_space<hbm>>
      tpu.enqueue_dma source(%dma_start3A_82 : memref<80xi32, #tpu.memory_space<hbm>>) target(%arg12 : memref<80xi32, #tpu.memory_space<vmem>>) target_semaphore(%arg18 : memref<!tpu.dma_semaphore, #tpu.memory_space<semaphore_mem>>)
      %dma_wait3A = tpu.memref_slice %arg3[%add3A_61] : memref<322560xi32, #tpu.memory_space<hbm>> -> memref<80xi32, #tpu.memory_space<hbm>>
      %dma_wait3A_83 = tpu.memref_slice %arg3[%add3A_61] : memref<322560xi32, #tpu.memory_space<hbm>> -> memref<80xi32, #tpu.memory_space<hbm>>
      tpu.wait_dma2 semaphore(%arg18 : memref<!tpu.dma_semaphore, #tpu.memory_space<semaphore_mem>>) src(%dma_wait3A_83 : memref<80xi32, #tpu.memory_space<hbm>>) dst(%arg7 : memref<80xi32, #tpu.memory_space<vmem>>)
      %dma_wait3A_84 = tpu.memref_slice %arg4[%add3A_64] : memref<322560xi32, #tpu.memory_space<hbm>> -> memref<80xi32, #tpu.memory_space<hbm>>
      %dma_wait3A_85 = tpu.memref_slice %arg4[%add3A_64] : memref<322560xi32, #tpu.memory_space<hbm>> -> memref<80xi32, #tpu.memory_space<hbm>>
      tpu.wait_dma2 semaphore(%arg18 : memref<!tpu.dma_semaphore, #tpu.memory_space<semaphore_mem>>) src(%dma_wait3A_85 : memref<80xi32, #tpu.memory_space<hbm>>) dst(%arg10 : memref<80xi32, #tpu.memory_space<vmem>>)
      %dma_wait3A_86 = tpu.memref_slice %arg3[%add3A_68] : memref<322560xi32, #tpu.memory_space<hbm>> -> memref<80xi32, #tpu.memory_space<hbm>>
      %dma_wait3A_87 = tpu.memref_slice %arg3[%add3A_68] : memref<322560xi32, #tpu.memory_space<hbm>> -> memref<80xi32, #tpu.memory_space<hbm>>
      tpu.wait_dma2 semaphore(%arg18 : memref<!tpu.dma_semaphore, #tpu.memory_space<semaphore_mem>>) src(%dma_wait3A_87 : memref<80xi32, #tpu.memory_space<hbm>>) dst(%arg8 : memref<80xi32, #tpu.memory_space<vmem>>)
      %dma_wait3A_88 = tpu.memref_slice %arg4[%add3A_72] : memref<322560xi32, #tpu.memory_space<hbm>> -> memref<80xi32, #tpu.memory_space<hbm>>
      %dma_wait3A_89 = tpu.memref_slice %arg4[%add3A_72] : memref<322560xi32, #tpu.memory_space<hbm>> -> memref<80xi32, #tpu.memory_space<hbm>>
      tpu.wait_dma2 semaphore(%arg18 : memref<!tpu.dma_semaphore, #tpu.memory_space<semaphore_mem>>) src(%dma_wait3A_89 : memref<80xi32, #tpu.memory_space<hbm>>) dst(%arg11 : memref<80xi32, #tpu.memory_space<vmem>>)
      %dma_wait3A_90 = tpu.memref_slice %arg3[%add3A_76] : memref<322560xi32, #tpu.memory_space<hbm>> -> memref<80xi32, #tpu.memory_space<hbm>>
      %dma_wait3A_91 = tpu.memref_slice %arg3[%add3A_76] : memref<322560xi32, #tpu.memory_space<hbm>> -> memref<80xi32, #tpu.memory_space<hbm>>
      tpu.wait_dma2 semaphore(%arg18 : memref<!tpu.dma_semaphore, #tpu.memory_space<semaphore_mem>>) src(%dma_wait3A_91 : memref<80xi32, #tpu.memory_space<hbm>>) dst(%arg9 : memref<80xi32, #tpu.memory_space<vmem>>)
      %dma_wait3A_92 = tpu.memref_slice %arg4[%add3A_80] : memref<322560xi32, #tpu.memory_space<hbm>> -> memref<80xi32, #tpu.memory_space<hbm>>
      %dma_wait3A_93 = tpu.memref_slice %arg4[%add3A_80] : memref<322560xi32, #tpu.memory_space<hbm>> -> memref<80xi32, #tpu.memory_space<hbm>>
      tpu.wait_dma2 semaphore(%arg18 : memref<!tpu.dma_semaphore, #tpu.memory_space<semaphore_mem>>) src(%dma_wait3A_93 : memref<80xi32, #tpu.memory_space<hbm>>) dst(%arg12 : memref<80xi32, #tpu.memory_space<vmem>>)
      %dma_start3A_94 = arith.constant 0 : i32
      %dma_start3A_95 = arith.constant 0 : i32
      %dma_start3A_96 = tpu.memref_slice %arg2[%dma_start3A_94, %dma_start3A_95] : memref<10240x128xf32, #tpu.memory_space<hbm>> -> memref<10240x128xf32, #tpu.memory_space<hbm>>
      tpu.enqueue_indirect_dma source(%dma_start3A_96 : memref<10240x128xf32, #tpu.memory_space<hbm>>) target(%arg13 : memref<80x128xf32, #tpu.memory_space<vmem>>) offsets(%arg7 : memref<80xi32, #tpu.memory_space<vmem>>) semaphore(%arg17 : memref<!tpu.dma_semaphore, #tpu.memory_space<semaphore_mem>>)
      %dma_start3A_97 = arith.constant 0 : i32
      %dma_start3A_98 = arith.constant 0 : i32
      %dma_start3A_99 = tpu.memref_slice %arg2[%dma_start3A_97, %dma_start3A_98] : memref<10240x128xf32, #tpu.memory_space<hbm>> -> memref<10240x128xf32, #tpu.memory_space<hbm>>
      tpu.enqueue_indirect_dma source(%dma_start3A_99 : memref<10240x128xf32, #tpu.memory_space<hbm>>) target(%arg14 : memref<80x128xf32, #tpu.memory_space<vmem>>) offsets(%arg8 : memref<80xi32, #tpu.memory_space<vmem>>) semaphore(%arg17 : memref<!tpu.dma_semaphore, #tpu.memory_space<semaphore_mem>>)
      %dma_start3A_100 = arith.constant 0 : i32
      %dma_start3A_101 = arith.constant 0 : i32
      %dma_start3A_102 = tpu.memref_slice %arg2[%dma_start3A_100, %dma_start3A_101] : memref<10240x128xf32, #tpu.memory_space<hbm>> -> memref<10240x128xf32, #tpu.memory_space<hbm>>
      tpu.enqueue_indirect_dma source(%dma_start3A_102 : memref<10240x128xf32, #tpu.memory_space<hbm>>) target(%arg15 : memref<80x128xf32, #tpu.memory_space<vmem>>) offsets(%arg9 : memref<80xi32, #tpu.memory_space<vmem>>) semaphore(%arg17 : memref<!tpu.dma_semaphore, #tpu.memory_space<semaphore_mem>>)
      %dma_wait3A_103 = arith.constant 0 : i32
      %dma_wait3A_104 = arith.constant 0 : i32
      %dma_wait3A_105 = tpu.memref_slice %arg2[%dma_wait3A_103, %dma_wait3A_104] : memref<10240x128xf32, #tpu.memory_space<hbm>> -> memref<10240x128xf32, #tpu.memory_space<hbm>>
      tpu.wait_indirect_dma semaphore(%arg17 : memref<!tpu.dma_semaphore, #tpu.memory_space<semaphore_mem>>) src(%dma_wait3A_105 : memref<10240x128xf32, #tpu.memory_space<hbm>>) dst(%arg13 : memref<80x128xf32, #tpu.memory_space<vmem>>)
      "tpu.region"() ({
        %run_scoped3A = tpu.sem_alloc : memref<!tpu.dma_semaphore, #tpu.memory_space<semaphore_mem>>
        %dma_start3A_112 = arith.constant 0 : i32
        %dma_start3A_113 = arith.constant 0 : i32
        %dma_start3A_114 = tpu.memref_slice %arg19[%dma_start3A_112, %dma_start3A_113] : memref<10240x128xf32, #tpu.memory_space<vmem_shared>> -> memref<10240x128xf32, #tpu.memory_space<vmem_shared>>
        tpu.enqueue_indirect_dma source(%arg13 : memref<80x128xf32, #tpu.memory_space<vmem>>) target(%dma_start3A_114 : memref<10240x128xf32, #tpu.memory_space<vmem_shared>>) offsets(%arg10 : memref<80xi32, #tpu.memory_space<vmem>>) semaphore(%run_scoped3A : memref<!tpu.dma_semaphore, #tpu.memory_space<semaphore_mem>>) {add = true}
        %dma_wait3A_115 = arith.constant 0 : i32
        %dma_wait3A_116 = arith.constant 0 : i32
        %dma_wait3A_117 = tpu.memref_slice %arg19[%dma_wait3A_115, %dma_wait3A_116] : memref<10240x128xf32, #tpu.memory_space<vmem_shared>> -> memref<10240x128xf32, #tpu.memory_space<vmem_shared>>
        tpu.wait_indirect_dma semaphore(%run_scoped3A : memref<!tpu.dma_semaphore, #tpu.memory_space<semaphore_mem>>) src(%arg13 : memref<80x128xf32, #tpu.memory_space<vmem>>) dst(%dma_wait3A_117 : memref<10240x128xf32, #tpu.memory_space<vmem_shared>>)
        tpu.yield
      }) : () -> ()
      %dma_wait3A_106 = arith.constant 0 : i32
      %dma_wait3A_107 = arith.constant 0 : i32
      %dma_wait3A_108 = tpu.memref_slice %arg2[%dma_wait3A_106, %dma_wait3A_107] : memref<10240x128xf32, #tpu.memory_space<hbm>> -> memref<10240x128xf32, #tpu.memory_space<hbm>>
      tpu.wait_indirect_dma semaphore(%arg17 : memref<!tpu.dma_semaphore, #tpu.memory_space<semaphore_mem>>) src(%dma_wait3A_108 : memref<10240x128xf32, #tpu.memory_space<hbm>>) dst(%arg14 : memref<80x128xf32, #tpu.memory_space<vmem>>)
      "tpu.region"() ({
        %run_scoped3A = tpu.sem_alloc : memref<!tpu.dma_semaphore, #tpu.memory_space<semaphore_mem>>
        %dma_start3A_112 = arith.constant 0 : i32
        %dma_start3A_113 = arith.constant 0 : i32
        %dma_start3A_114 = tpu.memref_slice %arg19[%dma_start3A_112, %dma_start3A_113] : memref<10240x128xf32, #tpu.memory_space<vmem_shared>> -> memref<10240x128xf32, #tpu.memory_space<vmem_shared>>
        tpu.enqueue_indirect_dma source(%arg14 : memref<80x128xf32, #tpu.memory_space<vmem>>) target(%dma_start3A_114 : memref<10240x128xf32, #tpu.memory_space<vmem_shared>>) offsets(%arg11 : memref<80xi32, #tpu.memory_space<vmem>>) semaphore(%run_scoped3A : memref<!tpu.dma_semaphore, #tpu.memory_space<semaphore_mem>>) {add = true}
        %dma_wait3A_115 = arith.constant 0 : i32
        %dma_wait3A_116 = arith.constant 0 : i32
        %dma_wait3A_117 = tpu.memref_slice %arg19[%dma_wait3A_115, %dma_wait3A_116] : memref<10240x128xf32, #tpu.memory_space<vmem_shared>> -> memref<10240x128xf32, #tpu.memory_space<vmem_shared>>
        tpu.wait_indirect_dma semaphore(%run_scoped3A : memref<!tpu.dma_semaphore, #tpu.memory_space<semaphore_mem>>) src(%arg14 : memref<80x128xf32, #tpu.memory_space<vmem>>) dst(%dma_wait3A_117 : memref<10240x128xf32, #tpu.memory_space<vmem_shared>>)
        tpu.yield
      }) : () -> ()
      %dma_wait3A_109 = arith.constant 0 : i32
      %dma_wait3A_110 = arith.constant 0 : i32
      %dma_wait3A_111 = tpu.memref_slice %arg2[%dma_wait3A_109, %dma_wait3A_110] : memref<10240x128xf32, #tpu.memory_space<hbm>> -> memref<10240x128xf32, #tpu.memory_space<hbm>>
      tpu.wait_indirect_dma semaphore(%arg17 : memref<!tpu.dma_semaphore, #tpu.memory_space<semaphore_mem>>) src(%dma_wait3A_111 : memref<10240x128xf32, #tpu.memory_space<hbm>>) dst(%arg15 : memref<80x128xf32, #tpu.memory_space<vmem>>)
      "tpu.region"() ({
        %run_scoped3A = tpu.sem_alloc : memref<!tpu.dma_semaphore, #tpu.memory_space<semaphore_mem>>
        %dma_start3A_112 = arith.constant 0 : i32
        %dma_start3A_113 = arith.constant 0 : i32
        %dma_start3A_114 = tpu.memref_slice %arg19[%dma_start3A_112, %dma_start3A_113] : memref<10240x128xf32, #tpu.memory_space<vmem_shared>> -> memref<10240x128xf32, #tpu.memory_space<vmem_shared>>
        tpu.enqueue_indirect_dma source(%arg15 : memref<80x128xf32, #tpu.memory_space<vmem>>) target(%dma_start3A_114 : memref<10240x128xf32, #tpu.memory_space<vmem_shared>>) offsets(%arg12 : memref<80xi32, #tpu.memory_space<vmem>>) semaphore(%run_scoped3A : memref<!tpu.dma_semaphore, #tpu.memory_space<semaphore_mem>>) {add = true}
        %dma_wait3A_115 = arith.constant 0 : i32
        %dma_wait3A_116 = arith.constant 0 : i32
        %dma_wait3A_117 = tpu.memref_slice %arg19[%dma_wait3A_115, %dma_wait3A_116] : memref<10240x128xf32, #tpu.memory_space<vmem_shared>> -> memref<10240x128xf32, #tpu.memory_space<vmem_shared>>
        tpu.wait_indirect_dma semaphore(%run_scoped3A : memref<!tpu.dma_semaphore, #tpu.memory_space<semaphore_mem>>) src(%arg15 : memref<80x128xf32, #tpu.memory_space<vmem>>) dst(%dma_wait3A_117 : memref<10240x128xf32, #tpu.memory_space<vmem_shared>>)
        tpu.yield
      }) : () -> ()
    }
    %scan3A_47 = arith.constant 42 : i32
    %barrier3A_48 = arith.constant 0 : index
    tpu.barrier barrier_id(%barrier3A_48)
    %mul3A_49 = arith.constant 640 : i32
    %mul3A_50 = arith.muli %arg1, %mul3A_49 : i32
    %mul3A_51 = arith.constant 10240 : i32
    %mul3A_52 = arith.muli %arg0, %mul3A_51 : i32
    %mul3A_53 = arith.constant 640 : i32
    %mul3A_54 = arith.muli %arg1, %mul3A_53 : i32
    %add3A_55 = arith.addi %mul3A_52, %mul3A_54 : i32
    "tpu.region"() ({
      %run_scoped3A = tpu.sem_alloc : memref<!tpu.dma_semaphore, #tpu.memory_space<semaphore_mem>>
      %dma_start3A = arith.constant 0 : i32
      %dma_start3A_56 = tpu.memref_slice %arg6[%add3A_55, %dma_start3A] : memref<20480x128xf32, #tpu.memory_space<hbm>> -> memref<640x128xf32, #tpu.memory_space<hbm>>
      %dma_start3A_57 = arith.constant 0 : i32
      %dma_start3A_58 = tpu.memref_slice %arg19[%mul3A_50, %dma_start3A_57] : memref<10240x128xf32, #tpu.memory_space<vmem_shared>> -> memref<640x128xf32, #tpu.memory_space<vmem_shared>>
      tpu.enqueue_dma source(%dma_start3A_58 : memref<640x128xf32, #tpu.memory_space<vmem_shared>>) target(%dma_start3A_56 : memref<640x128xf32, #tpu.memory_space<hbm>>) target_semaphore(%run_scoped3A : memref<!tpu.dma_semaphore, #tpu.memory_space<semaphore_mem>>)
      %dma_wait3A = arith.constant 0 : i32
      %dma_wait3A_59 = tpu.memref_slice %arg6[%add3A_55, %dma_wait3A] : memref<20480x128xf32, #tpu.memory_space<hbm>> -> memref<640x128xf32, #tpu.memory_space<hbm>>
      %dma_wait3A_60 = arith.constant 0 : i32
      %dma_wait3A_61 = tpu.memref_slice %arg19[%mul3A_50, %dma_wait3A_60] : memref<10240x128xf32, #tpu.memory_space<vmem_shared>> -> memref<640x128xf32, #tpu.memory_space<vmem_shared>>
      tpu.wait_dma2 semaphore(%run_scoped3A : memref<!tpu.dma_semaphore, #tpu.memory_space<semaphore_mem>>) src(%dma_wait3A_61 : memref<640x128xf32, #tpu.memory_space<vmem_shared>>) dst(%dma_wait3A_59 : memref<640x128xf32, #tpu.memory_space<hbm>>)
      tpu.yield
    }) : () -> ()
    return
  }
}

#map = affine_map<(d0, d1) -> (0, 0)>
module attributes {stable_mosaic.version = 14 : i64} {
  func.func @_emb_body(%arg0: i32, %arg1: i32, %arg2: memref<1000x128xf32, #tpu.memory_space<hbm>>, %arg3: memref<256x40xi32, #tpu.memory_space<hbm>>, %arg4: memref<10240x128xf32, #tpu.memory_space<hbm>>, %arg5: memref<8x40xi32, #tpu.memory_space<vmem>>, %arg6: memref<320x128xf32, #tpu.memory_space<vmem>>, %arg7: memref<!tpu.dma_semaphore, #tpu.memory_space<semaphore_mem>>) attributes {dimension_semantics = [#tpu.dimension_semantics<core_parallel>, #tpu.dimension_semantics<subcore_parallel>], iteration_bounds = array<i64: 2, 16>, scalar_prefetch = 0 : i64, scratch_operands = 3 : i64, tpu.core_type = #tpu.core_type<sc_vector_subcore>, window_params = [{transform_indices = #map}, {transform_indices = #map}, {transform_indices = #map}]} {
    %mul3A = arith.constant 2 : i32
    %mul3A_0 = arith.muli %arg1, %mul3A : i32
    %add3A = arith.addi %mul3A_0, %arg0 : i32
    %mul3A_1 = arith.constant 8 : i32
    %mul3A_2 = arith.muli %add3A, %mul3A_1 : i32
    "tpu.region"() ({
      %run_scoped3A = tpu.sem_alloc : memref<!tpu.dma_semaphore, #tpu.memory_space<semaphore_mem>>
      %dma_start3A_163 = arith.constant 0 : i32
      %dma_start3A_164 = tpu.memref_slice %arg3[%mul3A_2, %dma_start3A_163] : memref<256x40xi32, #tpu.memory_space<hbm>> -> memref<8x40xi32, #tpu.memory_space<hbm>>
      %dma_start3A_165 = arith.constant 0 : i32
      %dma_start3A_166 = tpu.memref_slice %arg3[%mul3A_2, %dma_start3A_165] : memref<256x40xi32, #tpu.memory_space<hbm>> -> memref<8x40xi32, #tpu.memory_space<hbm>>
      tpu.enqueue_dma source(%dma_start3A_166 : memref<8x40xi32, #tpu.memory_space<hbm>>) target(%arg5 : memref<8x40xi32, #tpu.memory_space<vmem>>) target_semaphore(%run_scoped3A : memref<!tpu.dma_semaphore, #tpu.memory_space<semaphore_mem>>)
      %dma_wait3A_167 = arith.constant 0 : i32
      %dma_wait3A_168 = tpu.memref_slice %arg3[%mul3A_2, %dma_wait3A_167] : memref<256x40xi32, #tpu.memory_space<hbm>> -> memref<8x40xi32, #tpu.memory_space<hbm>>
      %dma_wait3A_169 = arith.constant 0 : i32
      %dma_wait3A_170 = tpu.memref_slice %arg3[%mul3A_2, %dma_wait3A_169] : memref<256x40xi32, #tpu.memory_space<hbm>> -> memref<8x40xi32, #tpu.memory_space<hbm>>
      tpu.wait_dma2 semaphore(%run_scoped3A : memref<!tpu.dma_semaphore, #tpu.memory_space<semaphore_mem>>) src(%dma_wait3A_170 : memref<8x40xi32, #tpu.memory_space<hbm>>) dst(%arg5 : memref<8x40xi32, #tpu.memory_space<vmem>>)
      tpu.yield
    }) : () -> ()
    %dma_start3A = arith.constant 0 : i32
    %dma_start3A_3 = arith.constant 0 : i32
    %dma_start3A_4 = arith.constant 0 : i32
    %dma_start3A_5 = tpu.memref_slice %arg6[%dma_start3A_3, %dma_start3A_4] : memref<320x128xf32, #tpu.memory_space<vmem>> -> memref<40x128xf32, #tpu.memory_space<vmem>>
    %dma_start3A_6 = arith.constant 0 : i32
    %dma_start3A_7 = tpu.memref_slice %arg5[%dma_start3A, %dma_start3A_6] : memref<8x40xi32, #tpu.memory_space<vmem>> -> memref<1x40xi32, #tpu.memory_space<vmem>>
    %dma_start3A_8 = tpu.memref_squeeze %dma_start3A_7 : memref<1x40xi32, #tpu.memory_space<vmem>> -> memref<40xi32, #tpu.memory_space<vmem>>
    %dma_start3A_9 = arith.constant 0 : i32
    %dma_start3A_10 = arith.constant 0 : i32
    %dma_start3A_11 = tpu.memref_slice %arg2[%dma_start3A_9, %dma_start3A_10] : memref<1000x128xf32, #tpu.memory_space<hbm>> -> memref<1000x128xf32, #tpu.memory_space<hbm>>
    tpu.enqueue_indirect_dma source(%dma_start3A_11 : memref<1000x128xf32, #tpu.memory_space<hbm>>) target(%dma_start3A_5 : memref<40x128xf32, #tpu.memory_space<vmem>>) offsets(%dma_start3A_8 : memref<40xi32, #tpu.memory_space<vmem>>) semaphore(%arg7 : memref<!tpu.dma_semaphore, #tpu.memory_space<semaphore_mem>>)
    %dma_start3A_12 = arith.constant 1 : i32
    %dma_start3A_13 = arith.constant 40 : i32
    %dma_start3A_14 = arith.constant 0 : i32
    %dma_start3A_15 = tpu.memref_slice %arg6[%dma_start3A_13, %dma_start3A_14] : memref<320x128xf32, #tpu.memory_space<vmem>> -> memref<40x128xf32, #tpu.memory_space<vmem>>
    %dma_start3A_16 = arith.constant 0 : i32
    %dma_start3A_17 = tpu.memref_slice %arg5[%dma_start3A_12, %dma_start3A_16] : memref<8x40xi32, #tpu.memory_space<vmem>> -> memref<1x40xi32, #tpu.memory_space<vmem>>
    %dma_start3A_18 = tpu.memref_squeeze %dma_start3A_17 : memref<1x40xi32, #tpu.memory_space<vmem>> -> memref<40xi32, #tpu.memory_space<vmem>>
    %dma_start3A_19 = arith.constant 0 : i32
    %dma_start3A_20 = arith.constant 0 : i32
    %dma_start3A_21 = tpu.memref_slice %arg2[%dma_start3A_19, %dma_start3A_20] : memref<1000x128xf32, #tpu.memory_space<hbm>> -> memref<1000x128xf32, #tpu.memory_space<hbm>>
    tpu.enqueue_indirect_dma source(%dma_start3A_21 : memref<1000x128xf32, #tpu.memory_space<hbm>>) target(%dma_start3A_15 : memref<40x128xf32, #tpu.memory_space<vmem>>) offsets(%dma_start3A_18 : memref<40xi32, #tpu.memory_space<vmem>>) semaphore(%arg7 : memref<!tpu.dma_semaphore, #tpu.memory_space<semaphore_mem>>)
    %dma_start3A_22 = arith.constant 2 : i32
    %dma_start3A_23 = arith.constant 80 : i32
    %dma_start3A_24 = arith.constant 0 : i32
    %dma_start3A_25 = tpu.memref_slice %arg6[%dma_start3A_23, %dma_start3A_24] : memref<320x128xf32, #tpu.memory_space<vmem>> -> memref<40x128xf32, #tpu.memory_space<vmem>>
    %dma_start3A_26 = arith.constant 0 : i32
    %dma_start3A_27 = tpu.memref_slice %arg5[%dma_start3A_22, %dma_start3A_26] : memref<8x40xi32, #tpu.memory_space<vmem>> -> memref<1x40xi32, #tpu.memory_space<vmem>>
    %dma_start3A_28 = tpu.memref_squeeze %dma_start3A_27 : memref<1x40xi32, #tpu.memory_space<vmem>> -> memref<40xi32, #tpu.memory_space<vmem>>
    %dma_start3A_29 = arith.constant 0 : i32
    %dma_start3A_30 = arith.constant 0 : i32
    %dma_start3A_31 = tpu.memref_slice %arg2[%dma_start3A_29, %dma_start3A_30] : memref<1000x128xf32, #tpu.memory_space<hbm>> -> memref<1000x128xf32, #tpu.memory_space<hbm>>
    tpu.enqueue_indirect_dma source(%dma_start3A_31 : memref<1000x128xf32, #tpu.memory_space<hbm>>) target(%dma_start3A_25 : memref<40x128xf32, #tpu.memory_space<vmem>>) offsets(%dma_start3A_28 : memref<40xi32, #tpu.memory_space<vmem>>) semaphore(%arg7 : memref<!tpu.dma_semaphore, #tpu.memory_space<semaphore_mem>>)
    %dma_start3A_32 = arith.constant 3 : i32
    %dma_start3A_33 = arith.constant 120 : i32
    %dma_start3A_34 = arith.constant 0 : i32
    %dma_start3A_35 = tpu.memref_slice %arg6[%dma_start3A_33, %dma_start3A_34] : memref<320x128xf32, #tpu.memory_space<vmem>> -> memref<40x128xf32, #tpu.memory_space<vmem>>
    %dma_start3A_36 = arith.constant 0 : i32
    %dma_start3A_37 = tpu.memref_slice %arg5[%dma_start3A_32, %dma_start3A_36] : memref<8x40xi32, #tpu.memory_space<vmem>> -> memref<1x40xi32, #tpu.memory_space<vmem>>
    %dma_start3A_38 = tpu.memref_squeeze %dma_start3A_37 : memref<1x40xi32, #tpu.memory_space<vmem>> -> memref<40xi32, #tpu.memory_space<vmem>>
    %dma_start3A_39 = arith.constant 0 : i32
    %dma_start3A_40 = arith.constant 0 : i32
    %dma_start3A_41 = tpu.memref_slice %arg2[%dma_start3A_39, %dma_start3A_40] : memref<1000x128xf32, #tpu.memory_space<hbm>> -> memref<1000x128xf32, #tpu.memory_space<hbm>>
    tpu.enqueue_indirect_dma source(%dma_start3A_41 : memref<1000x128xf32, #tpu.memory_space<hbm>>) target(%dma_start3A_35 : memref<40x128xf32, #tpu.memory_space<vmem>>) offsets(%dma_start3A_38 : memref<40xi32, #tpu.memory_space<vmem>>) semaphore(%arg7 : memref<!tpu.dma_semaphore, #tpu.memory_space<semaphore_mem>>)
    %dma_start3A_42 = arith.constant 4 : i32
    %dma_start3A_43 = arith.constant 160 : i32
    %dma_start3A_44 = arith.constant 0 : i32
    %dma_start3A_45 = tpu.memref_slice %arg6[%dma_start3A_43, %dma_start3A_44] : memref<320x128xf32, #tpu.memory_space<vmem>> -> memref<40x128xf32, #tpu.memory_space<vmem>>
    %dma_start3A_46 = arith.constant 0 : i32
    %dma_start3A_47 = tpu.memref_slice %arg5[%dma_start3A_42, %dma_start3A_46] : memref<8x40xi32, #tpu.memory_space<vmem>> -> memref<1x40xi32, #tpu.memory_space<vmem>>
    %dma_start3A_48 = tpu.memref_squeeze %dma_start3A_47 : memref<1x40xi32, #tpu.memory_space<vmem>> -> memref<40xi32, #tpu.memory_space<vmem>>
    %dma_start3A_49 = arith.constant 0 : i32
    %dma_start3A_50 = arith.constant 0 : i32
    %dma_start3A_51 = tpu.memref_slice %arg2[%dma_start3A_49, %dma_start3A_50] : memref<1000x128xf32, #tpu.memory_space<hbm>> -> memref<1000x128xf32, #tpu.memory_space<hbm>>
    tpu.enqueue_indirect_dma source(%dma_start3A_51 : memref<1000x128xf32, #tpu.memory_space<hbm>>) target(%dma_start3A_45 : memref<40x128xf32, #tpu.memory_space<vmem>>) offsets(%dma_start3A_48 : memref<40xi32, #tpu.memory_space<vmem>>) semaphore(%arg7 : memref<!tpu.dma_semaphore, #tpu.memory_space<semaphore_mem>>)
    %dma_start3A_52 = arith.constant 5 : i32
    %dma_start3A_53 = arith.constant 200 : i32
    %dma_start3A_54 = arith.constant 0 : i32
    %dma_start3A_55 = tpu.memref_slice %arg6[%dma_start3A_53, %dma_start3A_54] : memref<320x128xf32, #tpu.memory_space<vmem>> -> memref<40x128xf32, #tpu.memory_space<vmem>>
    %dma_start3A_56 = arith.constant 0 : i32
    %dma_start3A_57 = tpu.memref_slice %arg5[%dma_start3A_52, %dma_start3A_56] : memref<8x40xi32, #tpu.memory_space<vmem>> -> memref<1x40xi32, #tpu.memory_space<vmem>>
    %dma_start3A_58 = tpu.memref_squeeze %dma_start3A_57 : memref<1x40xi32, #tpu.memory_space<vmem>> -> memref<40xi32, #tpu.memory_space<vmem>>
    %dma_start3A_59 = arith.constant 0 : i32
    %dma_start3A_60 = arith.constant 0 : i32
    %dma_start3A_61 = tpu.memref_slice %arg2[%dma_start3A_59, %dma_start3A_60] : memref<1000x128xf32, #tpu.memory_space<hbm>> -> memref<1000x128xf32, #tpu.memory_space<hbm>>
    tpu.enqueue_indirect_dma source(%dma_start3A_61 : memref<1000x128xf32, #tpu.memory_space<hbm>>) target(%dma_start3A_55 : memref<40x128xf32, #tpu.memory_space<vmem>>) offsets(%dma_start3A_58 : memref<40xi32, #tpu.memory_space<vmem>>) semaphore(%arg7 : memref<!tpu.dma_semaphore, #tpu.memory_space<semaphore_mem>>)
    %dma_start3A_62 = arith.constant 6 : i32
    %dma_start3A_63 = arith.constant 240 : i32
    %dma_start3A_64 = arith.constant 0 : i32
    %dma_start3A_65 = tpu.memref_slice %arg6[%dma_start3A_63, %dma_start3A_64] : memref<320x128xf32, #tpu.memory_space<vmem>> -> memref<40x128xf32, #tpu.memory_space<vmem>>
    %dma_start3A_66 = arith.constant 0 : i32
    %dma_start3A_67 = tpu.memref_slice %arg5[%dma_start3A_62, %dma_start3A_66] : memref<8x40xi32, #tpu.memory_space<vmem>> -> memref<1x40xi32, #tpu.memory_space<vmem>>
    %dma_start3A_68 = tpu.memref_squeeze %dma_start3A_67 : memref<1x40xi32, #tpu.memory_space<vmem>> -> memref<40xi32, #tpu.memory_space<vmem>>
    %dma_start3A_69 = arith.constant 0 : i32
    %dma_start3A_70 = arith.constant 0 : i32
    %dma_start3A_71 = tpu.memref_slice %arg2[%dma_start3A_69, %dma_start3A_70] : memref<1000x128xf32, #tpu.memory_space<hbm>> -> memref<1000x128xf32, #tpu.memory_space<hbm>>
    tpu.enqueue_indirect_dma source(%dma_start3A_71 : memref<1000x128xf32, #tpu.memory_space<hbm>>) target(%dma_start3A_65 : memref<40x128xf32, #tpu.memory_space<vmem>>) offsets(%dma_start3A_68 : memref<40xi32, #tpu.memory_space<vmem>>) semaphore(%arg7 : memref<!tpu.dma_semaphore, #tpu.memory_space<semaphore_mem>>)
    %dma_start3A_72 = arith.constant 7 : i32
    %dma_start3A_73 = arith.constant 280 : i32
    %dma_start3A_74 = arith.constant 0 : i32
    %dma_start3A_75 = tpu.memref_slice %arg6[%dma_start3A_73, %dma_start3A_74] : memref<320x128xf32, #tpu.memory_space<vmem>> -> memref<40x128xf32, #tpu.memory_space<vmem>>
    %dma_start3A_76 = arith.constant 0 : i32
    %dma_start3A_77 = tpu.memref_slice %arg5[%dma_start3A_72, %dma_start3A_76] : memref<8x40xi32, #tpu.memory_space<vmem>> -> memref<1x40xi32, #tpu.memory_space<vmem>>
    %dma_start3A_78 = tpu.memref_squeeze %dma_start3A_77 : memref<1x40xi32, #tpu.memory_space<vmem>> -> memref<40xi32, #tpu.memory_space<vmem>>
    %dma_start3A_79 = arith.constant 0 : i32
    %dma_start3A_80 = arith.constant 0 : i32
    %dma_start3A_81 = tpu.memref_slice %arg2[%dma_start3A_79, %dma_start3A_80] : memref<1000x128xf32, #tpu.memory_space<hbm>> -> memref<1000x128xf32, #tpu.memory_space<hbm>>
    tpu.enqueue_indirect_dma source(%dma_start3A_81 : memref<1000x128xf32, #tpu.memory_space<hbm>>) target(%dma_start3A_75 : memref<40x128xf32, #tpu.memory_space<vmem>>) offsets(%dma_start3A_78 : memref<40xi32, #tpu.memory_space<vmem>>) semaphore(%arg7 : memref<!tpu.dma_semaphore, #tpu.memory_space<semaphore_mem>>)
    %dma_wait3A = arith.constant 0 : i32
    %dma_wait3A_82 = arith.constant 0 : i32
    %dma_wait3A_83 = arith.constant 0 : i32
    %dma_wait3A_84 = tpu.memref_slice %arg6[%dma_wait3A_82, %dma_wait3A_83] : memref<320x128xf32, #tpu.memory_space<vmem>> -> memref<40x128xf32, #tpu.memory_space<vmem>>
    %dma_wait3A_85 = arith.constant 0 : i32
    %dma_wait3A_86 = tpu.memref_slice %arg5[%dma_wait3A, %dma_wait3A_85] : memref<8x40xi32, #tpu.memory_space<vmem>> -> memref<1x40xi32, #tpu.memory_space<vmem>>
    %dma_wait3A_87 = tpu.memref_squeeze %dma_wait3A_86 : memref<1x40xi32, #tpu.memory_space<vmem>> -> memref<40xi32, #tpu.memory_space<vmem>>
    %dma_wait3A_88 = arith.constant 0 : i32
    %dma_wait3A_89 = arith.constant 0 : i32
    %dma_wait3A_90 = tpu.memref_slice %arg2[%dma_wait3A_88, %dma_wait3A_89] : memref<1000x128xf32, #tpu.memory_space<hbm>> -> memref<1000x128xf32, #tpu.memory_space<hbm>>
    tpu.wait_indirect_dma semaphore(%arg7 : memref<!tpu.dma_semaphore, #tpu.memory_space<semaphore_mem>>) src(%dma_wait3A_90 : memref<1000x128xf32, #tpu.memory_space<hbm>>) dst(%dma_wait3A_84 : memref<40x128xf32, #tpu.memory_space<vmem>>)
    %dma_wait3A_91 = arith.constant 0 : i32
    %dma_wait3A_92 = arith.constant 40 : i32
    %dma_wait3A_93 = arith.constant 0 : i32
    %dma_wait3A_94 = tpu.memref_slice %arg6[%dma_wait3A_92, %dma_wait3A_93] : memref<320x128xf32, #tpu.memory_space<vmem>> -> memref<40x128xf32, #tpu.memory_space<vmem>>
    %dma_wait3A_95 = arith.constant 0 : i32
    %dma_wait3A_96 = tpu.memref_slice %arg5[%dma_wait3A_91, %dma_wait3A_95] : memref<8x40xi32, #tpu.memory_space<vmem>> -> memref<1x40xi32, #tpu.memory_space<vmem>>
    %dma_wait3A_97 = tpu.memref_squeeze %dma_wait3A_96 : memref<1x40xi32, #tpu.memory_space<vmem>> -> memref<40xi32, #tpu.memory_space<vmem>>
    %dma_wait3A_98 = arith.constant 0 : i32
    %dma_wait3A_99 = arith.constant 0 : i32
    %dma_wait3A_100 = tpu.memref_slice %arg2[%dma_wait3A_98, %dma_wait3A_99] : memref<1000x128xf32, #tpu.memory_space<hbm>> -> memref<1000x128xf32, #tpu.memory_space<hbm>>
    tpu.wait_indirect_dma semaphore(%arg7 : memref<!tpu.dma_semaphore, #tpu.memory_space<semaphore_mem>>) src(%dma_wait3A_100 : memref<1000x128xf32, #tpu.memory_space<hbm>>) dst(%dma_wait3A_94 : memref<40x128xf32, #tpu.memory_space<vmem>>)
    %dma_wait3A_101 = arith.constant 0 : i32
    %dma_wait3A_102 = arith.constant 80 : i32
    %dma_wait3A_103 = arith.constant 0 : i32
    %dma_wait3A_104 = tpu.memref_slice %arg6[%dma_wait3A_102, %dma_wait3A_103] : memref<320x128xf32, #tpu.memory_space<vmem>> -> memref<40x128xf32, #tpu.memory_space<vmem>>
    %dma_wait3A_105 = arith.constant 0 : i32
    %dma_wait3A_106 = tpu.memref_slice %arg5[%dma_wait3A_101, %dma_wait3A_105] : memref<8x40xi32, #tpu.memory_space<vmem>> -> memref<1x40xi32, #tpu.memory_space<vmem>>
    %dma_wait3A_107 = tpu.memref_squeeze %dma_wait3A_106 : memref<1x40xi32, #tpu.memory_space<vmem>> -> memref<40xi32, #tpu.memory_space<vmem>>
    %dma_wait3A_108 = arith.constant 0 : i32
    %dma_wait3A_109 = arith.constant 0 : i32
    %dma_wait3A_110 = tpu.memref_slice %arg2[%dma_wait3A_108, %dma_wait3A_109] : memref<1000x128xf32, #tpu.memory_space<hbm>> -> memref<1000x128xf32, #tpu.memory_space<hbm>>
    tpu.wait_indirect_dma semaphore(%arg7 : memref<!tpu.dma_semaphore, #tpu.memory_space<semaphore_mem>>) src(%dma_wait3A_110 : memref<1000x128xf32, #tpu.memory_space<hbm>>) dst(%dma_wait3A_104 : memref<40x128xf32, #tpu.memory_space<vmem>>)
    %dma_wait3A_111 = arith.constant 0 : i32
    %dma_wait3A_112 = arith.constant 120 : i32
    %dma_wait3A_113 = arith.constant 0 : i32
    %dma_wait3A_114 = tpu.memref_slice %arg6[%dma_wait3A_112, %dma_wait3A_113] : memref<320x128xf32, #tpu.memory_space<vmem>> -> memref<40x128xf32, #tpu.memory_space<vmem>>
    %dma_wait3A_115 = arith.constant 0 : i32
    %dma_wait3A_116 = tpu.memref_slice %arg5[%dma_wait3A_111, %dma_wait3A_115] : memref<8x40xi32, #tpu.memory_space<vmem>> -> memref<1x40xi32, #tpu.memory_space<vmem>>
    %dma_wait3A_117 = tpu.memref_squeeze %dma_wait3A_116 : memref<1x40xi32, #tpu.memory_space<vmem>> -> memref<40xi32, #tpu.memory_space<vmem>>
    %dma_wait3A_118 = arith.constant 0 : i32
    %dma_wait3A_119 = arith.constant 0 : i32
    %dma_wait3A_120 = tpu.memref_slice %arg2[%dma_wait3A_118, %dma_wait3A_119] : memref<1000x128xf32, #tpu.memory_space<hbm>> -> memref<1000x128xf32, #tpu.memory_space<hbm>>
    tpu.wait_indirect_dma semaphore(%arg7 : memref<!tpu.dma_semaphore, #tpu.memory_space<semaphore_mem>>) src(%dma_wait3A_120 : memref<1000x128xf32, #tpu.memory_space<hbm>>) dst(%dma_wait3A_114 : memref<40x128xf32, #tpu.memory_space<vmem>>)
    %dma_wait3A_121 = arith.constant 0 : i32
    %dma_wait3A_122 = arith.constant 160 : i32
    %dma_wait3A_123 = arith.constant 0 : i32
    %dma_wait3A_124 = tpu.memref_slice %arg6[%dma_wait3A_122, %dma_wait3A_123] : memref<320x128xf32, #tpu.memory_space<vmem>> -> memref<40x128xf32, #tpu.memory_space<vmem>>
    %dma_wait3A_125 = arith.constant 0 : i32
    %dma_wait3A_126 = tpu.memref_slice %arg5[%dma_wait3A_121, %dma_wait3A_125] : memref<8x40xi32, #tpu.memory_space<vmem>> -> memref<1x40xi32, #tpu.memory_space<vmem>>
    %dma_wait3A_127 = tpu.memref_squeeze %dma_wait3A_126 : memref<1x40xi32, #tpu.memory_space<vmem>> -> memref<40xi32, #tpu.memory_space<vmem>>
    %dma_wait3A_128 = arith.constant 0 : i32
    %dma_wait3A_129 = arith.constant 0 : i32
    %dma_wait3A_130 = tpu.memref_slice %arg2[%dma_wait3A_128, %dma_wait3A_129] : memref<1000x128xf32, #tpu.memory_space<hbm>> -> memref<1000x128xf32, #tpu.memory_space<hbm>>
    tpu.wait_indirect_dma semaphore(%arg7 : memref<!tpu.dma_semaphore, #tpu.memory_space<semaphore_mem>>) src(%dma_wait3A_130 : memref<1000x128xf32, #tpu.memory_space<hbm>>) dst(%dma_wait3A_124 : memref<40x128xf32, #tpu.memory_space<vmem>>)
    %dma_wait3A_131 = arith.constant 0 : i32
    %dma_wait3A_132 = arith.constant 200 : i32
    %dma_wait3A_133 = arith.constant 0 : i32
    %dma_wait3A_134 = tpu.memref_slice %arg6[%dma_wait3A_132, %dma_wait3A_133] : memref<320x128xf32, #tpu.memory_space<vmem>> -> memref<40x128xf32, #tpu.memory_space<vmem>>
    %dma_wait3A_135 = arith.constant 0 : i32
    %dma_wait3A_136 = tpu.memref_slice %arg5[%dma_wait3A_131, %dma_wait3A_135] : memref<8x40xi32, #tpu.memory_space<vmem>> -> memref<1x40xi32, #tpu.memory_space<vmem>>
    %dma_wait3A_137 = tpu.memref_squeeze %dma_wait3A_136 : memref<1x40xi32, #tpu.memory_space<vmem>> -> memref<40xi32, #tpu.memory_space<vmem>>
    %dma_wait3A_138 = arith.constant 0 : i32
    %dma_wait3A_139 = arith.constant 0 : i32
    %dma_wait3A_140 = tpu.memref_slice %arg2[%dma_wait3A_138, %dma_wait3A_139] : memref<1000x128xf32, #tpu.memory_space<hbm>> -> memref<1000x128xf32, #tpu.memory_space<hbm>>
    tpu.wait_indirect_dma semaphore(%arg7 : memref<!tpu.dma_semaphore, #tpu.memory_space<semaphore_mem>>) src(%dma_wait3A_140 : memref<1000x128xf32, #tpu.memory_space<hbm>>) dst(%dma_wait3A_134 : memref<40x128xf32, #tpu.memory_space<vmem>>)
    %dma_wait3A_141 = arith.constant 0 : i32
    %dma_wait3A_142 = arith.constant 240 : i32
    %dma_wait3A_143 = arith.constant 0 : i32
    %dma_wait3A_144 = tpu.memref_slice %arg6[%dma_wait3A_142, %dma_wait3A_143] : memref<320x128xf32, #tpu.memory_space<vmem>> -> memref<40x128xf32, #tpu.memory_space<vmem>>
    %dma_wait3A_145 = arith.constant 0 : i32
    %dma_wait3A_146 = tpu.memref_slice %arg5[%dma_wait3A_141, %dma_wait3A_145] : memref<8x40xi32, #tpu.memory_space<vmem>> -> memref<1x40xi32, #tpu.memory_space<vmem>>
    %dma_wait3A_147 = tpu.memref_squeeze %dma_wait3A_146 : memref<1x40xi32, #tpu.memory_space<vmem>> -> memref<40xi32, #tpu.memory_space<vmem>>
    %dma_wait3A_148 = arith.constant 0 : i32
    %dma_wait3A_149 = arith.constant 0 : i32
    %dma_wait3A_150 = tpu.memref_slice %arg2[%dma_wait3A_148, %dma_wait3A_149] : memref<1000x128xf32, #tpu.memory_space<hbm>> -> memref<1000x128xf32, #tpu.memory_space<hbm>>
    tpu.wait_indirect_dma semaphore(%arg7 : memref<!tpu.dma_semaphore, #tpu.memory_space<semaphore_mem>>) src(%dma_wait3A_150 : memref<1000x128xf32, #tpu.memory_space<hbm>>) dst(%dma_wait3A_144 : memref<40x128xf32, #tpu.memory_space<vmem>>)
    %dma_wait3A_151 = arith.constant 0 : i32
    %dma_wait3A_152 = arith.constant 280 : i32
    %dma_wait3A_153 = arith.constant 0 : i32
    %dma_wait3A_154 = tpu.memref_slice %arg6[%dma_wait3A_152, %dma_wait3A_153] : memref<320x128xf32, #tpu.memory_space<vmem>> -> memref<40x128xf32, #tpu.memory_space<vmem>>
    %dma_wait3A_155 = arith.constant 0 : i32
    %dma_wait3A_156 = tpu.memref_slice %arg5[%dma_wait3A_151, %dma_wait3A_155] : memref<8x40xi32, #tpu.memory_space<vmem>> -> memref<1x40xi32, #tpu.memory_space<vmem>>
    %dma_wait3A_157 = tpu.memref_squeeze %dma_wait3A_156 : memref<1x40xi32, #tpu.memory_space<vmem>> -> memref<40xi32, #tpu.memory_space<vmem>>
    %dma_wait3A_158 = arith.constant 0 : i32
    %dma_wait3A_159 = arith.constant 0 : i32
    %dma_wait3A_160 = tpu.memref_slice %arg2[%dma_wait3A_158, %dma_wait3A_159] : memref<1000x128xf32, #tpu.memory_space<hbm>> -> memref<1000x128xf32, #tpu.memory_space<hbm>>
    tpu.wait_indirect_dma semaphore(%arg7 : memref<!tpu.dma_semaphore, #tpu.memory_space<semaphore_mem>>) src(%dma_wait3A_160 : memref<1000x128xf32, #tpu.memory_space<hbm>>) dst(%dma_wait3A_154 : memref<40x128xf32, #tpu.memory_space<vmem>>)
    %mul3A_161 = arith.constant 320 : i32
    %mul3A_162 = arith.muli %add3A, %mul3A_161 : i32
    "tpu.region"() ({
      %run_scoped3A = tpu.sem_alloc : memref<!tpu.dma_semaphore, #tpu.memory_space<semaphore_mem>>
      %dma_start3A_163 = arith.constant 0 : i32
      %dma_start3A_164 = tpu.memref_slice %arg4[%mul3A_162, %dma_start3A_163] : memref<10240x128xf32, #tpu.memory_space<hbm>> -> memref<320x128xf32, #tpu.memory_space<hbm>>
      %dma_start3A_165 = arith.constant 0 : i32
      %dma_start3A_166 = tpu.memref_slice %arg4[%mul3A_162, %dma_start3A_165] : memref<10240x128xf32, #tpu.memory_space<hbm>> -> memref<320x128xf32, #tpu.memory_space<hbm>>
      tpu.enqueue_dma source(%arg6 : memref<320x128xf32, #tpu.memory_space<vmem>>) target(%dma_start3A_166 : memref<320x128xf32, #tpu.memory_space<hbm>>) target_semaphore(%run_scoped3A : memref<!tpu.dma_semaphore, #tpu.memory_space<semaphore_mem>>)
      %dma_wait3A_167 = arith.constant 0 : i32
      %dma_wait3A_168 = tpu.memref_slice %arg4[%mul3A_162, %dma_wait3A_167] : memref<10240x128xf32, #tpu.memory_space<hbm>> -> memref<320x128xf32, #tpu.memory_space<hbm>>
      %dma_wait3A_169 = arith.constant 0 : i32
      %dma_wait3A_170 = tpu.memref_slice %arg4[%mul3A_162, %dma_wait3A_169] : memref<10240x128xf32, #tpu.memory_space<hbm>> -> memref<320x128xf32, #tpu.memory_space<hbm>>
      tpu.wait_dma2 semaphore(%run_scoped3A : memref<!tpu.dma_semaphore, #tpu.memory_space<semaphore_mem>>) src(%arg6 : memref<320x128xf32, #tpu.memory_space<vmem>>) dst(%dma_wait3A_170 : memref<320x128xf32, #tpu.memory_space<hbm>>)
      tpu.yield
    }) : () -> ()
    return
  }
}

#map = affine_map<(d0, d1) -> (0, 0)>
#map1 = affine_map<(d0, d1) -> (0)>
module attributes {stable_mosaic.version = 14 : i64} {
  func.func @_seg_sum_body(%arg0: i32, %arg1: i32, %arg2: memref<10240x128xf32, #tpu.memory_space<hbm>>, %arg3: memref<322560xi32, #tpu.memory_space<hbm>>, %arg4: memref<322560xi32, #tpu.memory_space<hbm>>, %arg5: memref<64x128xf32, #tpu.memory_space<hbm>>, %arg6: memref<20480x128xf32, #tpu.memory_space<hbm>>, %arg7: memref<80xi32, #tpu.memory_space<vmem>>, %arg8: memref<80xi32, #tpu.memory_space<vmem>>, %arg9: memref<80xi32, #tpu.memory_space<vmem>>, %arg10: memref<80xi32, #tpu.memory_space<vmem>>, %arg11: memref<80xi32, #tpu.memory_space<vmem>>, %arg12: memref<80xi32, #tpu.memory_space<vmem>>, %arg13: memref<80x128xf32, #tpu.memory_space<vmem>>, %arg14: memref<80x128xf32, #tpu.memory_space<vmem>>, %arg15: memref<80x128xf32, #tpu.memory_space<vmem>>, %arg16: memref<64x128xf32, #tpu.memory_space<vmem>>, %arg17: memref<!tpu.dma_semaphore, #tpu.memory_space<semaphore_mem>>, %arg18: memref<!tpu.dma_semaphore, #tpu.memory_space<semaphore_mem>>, %arg19: memref<10240x128xf32, #tpu.memory_space<vmem_shared>>) attributes {dimension_semantics = [#tpu.dimension_semantics<core_parallel>, #tpu.dimension_semantics<subcore_parallel>], iteration_bounds = array<i64: 2, 16>, scalar_prefetch = 0 : i64, scratch_operands = 13 : i64, tpu.core_type = #tpu.core_type<sc_vector_subcore>, window_params = [{transform_indices = #map}, {transform_indices = #map1}, {transform_indices = #map1}, {transform_indices = #map}, {transform_indices = #map}]} {
    %mul3A = arith.constant 2 : i32
    %mul3A_0 = arith.muli %arg1, %mul3A : i32
    %add3A = arith.addi %mul3A_0, %arg0 : i32
    %mul3A_1 = arith.constant 10080 : i32
    %mul3A_2 = arith.muli %add3A, %mul3A_1 : i32
    "tpu.region"() ({
      %run_scoped3A = tpu.sem_alloc : memref<!tpu.dma_semaphore, #tpu.memory_space<semaphore_mem>>
      tpu.enqueue_dma source(%arg5 : memref<64x128xf32, #tpu.memory_space<hbm>>) target(%arg16 : memref<64x128xf32, #tpu.memory_space<vmem>>) target_semaphore(%run_scoped3A : memref<!tpu.dma_semaphore, #tpu.memory_space<semaphore_mem>>)
      tpu.wait_dma2 semaphore(%run_scoped3A : memref<!tpu.dma_semaphore, #tpu.memory_space<semaphore_mem>>) src(%arg5 : memref<64x128xf32, #tpu.memory_space<hbm>>) dst(%arg16 : memref<64x128xf32, #tpu.memory_space<vmem>>)
      tpu.yield
    }) : () -> ()
    %mul3A_3 = arith.constant 640 : i32
    %mul3A_4 = arith.muli %arg1, %mul3A_3 : i32
    %add3A_5 = arith.constant 0 : i32
    %add3A_6 = arith.addi %mul3A_4, %add3A_5 : i32
    "tpu.region"() ({
      %run_scoped3A = tpu.sem_alloc : memref<!tpu.dma_semaphore, #tpu.memory_space<semaphore_mem>>
      %dma_start3A = arith.constant 0 : i32
      %dma_start3A_56 = tpu.memref_slice %arg19[%add3A_6, %dma_start3A] : memref<10240x128xf32, #tpu.memory_space<vmem_shared>> -> memref<64x128xf32, #tpu.memory_space<vmem_shared>>
      %dma_start3A_57 = arith.constant 0 : i32
      %dma_start3A_58 = tpu.memref_slice %arg19[%add3A_6, %dma_start3A_57] : memref<10240x128xf32, #tpu.memory_space<vmem_shared>> -> memref<64x128xf32, #tpu.memory_space<vmem_shared>>
      tpu.enqueue_dma source(%arg16 : memref<64x128xf32, #tpu.memory_space<vmem>>) target(%dma_start3A_58 : memref<64x128xf32, #tpu.memory_space<vmem_shared>>) target_semaphore(%run_scoped3A : memref<!tpu.dma_semaphore, #tpu.memory_space<semaphore_mem>>)
      %dma_wait3A = arith.constant 0 : i32
      %dma_wait3A_59 = tpu.memref_slice %arg19[%add3A_6, %dma_wait3A] : memref<10240x128xf32, #tpu.memory_space<vmem_shared>> -> memref<64x128xf32, #tpu.memory_space<vmem_shared>>
      %dma_wait3A_60 = arith.constant 0 : i32
      %dma_wait3A_61 = tpu.memref_slice %arg19[%add3A_6, %dma_wait3A_60] : memref<10240x128xf32, #tpu.memory_space<vmem_shared>> -> memref<64x128xf32, #tpu.memory_space<vmem_shared>>
      tpu.wait_dma2 semaphore(%run_scoped3A : memref<!tpu.dma_semaphore, #tpu.memory_space<semaphore_mem>>) src(%arg16 : memref<64x128xf32, #tpu.memory_space<vmem>>) dst(%dma_wait3A_61 : memref<64x128xf32, #tpu.memory_space<vmem_shared>>)
      tpu.yield
    }) : () -> ()
    %mul3A_7 = arith.constant 640 : i32
    %mul3A_8 = arith.muli %arg1, %mul3A_7 : i32
    %add3A_9 = arith.constant 64 : i32
    %add3A_10 = arith.addi %mul3A_8, %add3A_9 : i32
    "tpu.region"() ({
      %run_scoped3A = tpu.sem_alloc : memref<!tpu.dma_semaphore, #tpu.memory_space<semaphore_mem>>
      %dma_start3A = arith.constant 0 : i32
      %dma_start3A_56 = tpu.memref_slice %arg19[%add3A_10, %dma_start3A] : memref<10240x128xf32, #tpu.memory_space<vmem_shared>> -> memref<64x128xf32, #tpu.memory_space<vmem_shared>>
      %dma_start3A_57 = arith.constant 0 : i32
      %dma_start3A_58 = tpu.memref_slice %arg19[%add3A_10, %dma_start3A_57] : memref<10240x128xf32, #tpu.memory_space<vmem_shared>> -> memref<64x128xf32, #tpu.memory_space<vmem_shared>>
      tpu.enqueue_dma source(%arg16 : memref<64x128xf32, #tpu.memory_space<vmem>>) target(%dma_start3A_58 : memref<64x128xf32, #tpu.memory_space<vmem_shared>>) target_semaphore(%run_scoped3A : memref<!tpu.dma_semaphore, #tpu.memory_space<semaphore_mem>>)
      %dma_wait3A = arith.constant 0 : i32
      %dma_wait3A_59 = tpu.memref_slice %arg19[%add3A_10, %dma_wait3A] : memref<10240x128xf32, #tpu.memory_space<vmem_shared>> -> memref<64x128xf32, #tpu.memory_space<vmem_shared>>
      %dma_wait3A_60 = arith.constant 0 : i32
      %dma_wait3A_61 = tpu.memref_slice %arg19[%add3A_10, %dma_wait3A_60] : memref<10240x128xf32, #tpu.memory_space<vmem_shared>> -> memref<64x128xf32, #tpu.memory_space<vmem_shared>>
      tpu.wait_dma2 semaphore(%run_scoped3A : memref<!tpu.dma_semaphore, #tpu.memory_space<semaphore_mem>>) src(%arg16 : memref<64x128xf32, #tpu.memory_space<vmem>>) dst(%dma_wait3A_61 : memref<64x128xf32, #tpu.memory_space<vmem_shared>>)
      tpu.yield
    }) : () -> ()
    %mul3A_11 = arith.constant 640 : i32
    %mul3A_12 = arith.muli %arg1, %mul3A_11 : i32
    %add3A_13 = arith.constant 128 : i32
    %add3A_14 = arith.addi %mul3A_12, %add3A_13 : i32
    "tpu.region"() ({
      %run_scoped3A = tpu.sem_alloc : memref<!tpu.dma_semaphore, #tpu.memory_space<semaphore_mem>>
      %dma_start3A = arith.constant 0 : i32
      %dma_start3A_56 = tpu.memref_slice %arg19[%add3A_14, %dma_start3A] : memref<10240x128xf32, #tpu.memory_space<vmem_shared>> -> memref<64x128xf32, #tpu.memory_space<vmem_shared>>
      %dma_start3A_57 = arith.constant 0 : i32
      %dma_start3A_58 = tpu.memref_slice %arg19[%add3A_14, %dma_start3A_57] : memref<10240x128xf32, #tpu.memory_space<vmem_shared>> -> memref<64x128xf32, #tpu.memory_space<vmem_shared>>
      tpu.enqueue_dma source(%arg16 : memref<64x128xf32, #tpu.memory_space<vmem>>) target(%dma_start3A_58 : memref<64x128xf32, #tpu.memory_space<vmem_shared>>) target_semaphore(%run_scoped3A : memref<!tpu.dma_semaphore, #tpu.memory_space<semaphore_mem>>)
      %dma_wait3A = arith.constant 0 : i32
      %dma_wait3A_59 = tpu.memref_slice %arg19[%add3A_14, %dma_wait3A] : memref<10240x128xf32, #tpu.memory_space<vmem_shared>> -> memref<64x128xf32, #tpu.memory_space<vmem_shared>>
      %dma_wait3A_60 = arith.constant 0 : i32
      %dma_wait3A_61 = tpu.memref_slice %arg19[%add3A_14, %dma_wait3A_60] : memref<10240x128xf32, #tpu.memory_space<vmem_shared>> -> memref<64x128xf32, #tpu.memory_space<vmem_shared>>
      tpu.wait_dma2 semaphore(%run_scoped3A : memref<!tpu.dma_semaphore, #tpu.memory_space<semaphore_mem>>) src(%arg16 : memref<64x128xf32, #tpu.memory_space<vmem>>) dst(%dma_wait3A_61 : memref<64x128xf32, #tpu.memory_space<vmem_shared>>)
      tpu.yield
    }) : () -> ()
    %mul3A_15 = arith.constant 640 : i32
    %mul3A_16 = arith.muli %arg1, %mul3A_15 : i32
    %add3A_17 = arith.constant 192 : i32
    %add3A_18 = arith.addi %mul3A_16, %add3A_17 : i32
    "tpu.region"() ({
      %run_scoped3A = tpu.sem_alloc : memref<!tpu.dma_semaphore, #tpu.memory_space<semaphore_mem>>
      %dma_start3A = arith.constant 0 : i32
      %dma_start3A_56 = tpu.memref_slice %arg19[%add3A_18, %dma_start3A] : memref<10240x128xf32, #tpu.memory_space<vmem_shared>> -> memref<64x128xf32, #tpu.memory_space<vmem_shared>>
      %dma_start3A_57 = arith.constant 0 : i32
      %dma_start3A_58 = tpu.memref_slice %arg19[%add3A_18, %dma_start3A_57] : memref<10240x128xf32, #tpu.memory_space<vmem_shared>> -> memref<64x128xf32, #tpu.memory_space<vmem_shared>>
      tpu.enqueue_dma source(%arg16 : memref<64x128xf32, #tpu.memory_space<vmem>>) target(%dma_start3A_58 : memref<64x128xf32, #tpu.memory_space<vmem_shared>>) target_semaphore(%run_scoped3A : memref<!tpu.dma_semaphore, #tpu.memory_space<semaphore_mem>>)
      %dma_wait3A = arith.constant 0 : i32
      %dma_wait3A_59 = tpu.memref_slice %arg19[%add3A_18, %dma_wait3A] : memref<10240x128xf32, #tpu.memory_space<vmem_shared>> -> memref<64x128xf32, #tpu.memory_space<vmem_shared>>
      %dma_wait3A_60 = arith.constant 0 : i32
      %dma_wait3A_61 = tpu.memref_slice %arg19[%add3A_18, %dma_wait3A_60] : memref<10240x128xf32, #tpu.memory_space<vmem_shared>> -> memref<64x128xf32, #tpu.memory_space<vmem_shared>>
      tpu.wait_dma2 semaphore(%run_scoped3A : memref<!tpu.dma_semaphore, #tpu.memory_space<semaphore_mem>>) src(%arg16 : memref<64x128xf32, #tpu.memory_space<vmem>>) dst(%dma_wait3A_61 : memref<64x128xf32, #tpu.memory_space<vmem_shared>>)
      tpu.yield
    }) : () -> ()
    %mul3A_19 = arith.constant 640 : i32
    %mul3A_20 = arith.muli %arg1, %mul3A_19 : i32
    %add3A_21 = arith.constant 256 : i32
    %add3A_22 = arith.addi %mul3A_20, %add3A_21 : i32
    "tpu.region"() ({
      %run_scoped3A = tpu.sem_alloc : memref<!tpu.dma_semaphore, #tpu.memory_space<semaphore_mem>>
      %dma_start3A = arith.constant 0 : i32
      %dma_start3A_56 = tpu.memref_slice %arg19[%add3A_22, %dma_start3A] : memref<10240x128xf32, #tpu.memory_space<vmem_shared>> -> memref<64x128xf32, #tpu.memory_space<vmem_shared>>
      %dma_start3A_57 = arith.constant 0 : i32
      %dma_start3A_58 = tpu.memref_slice %arg19[%add3A_22, %dma_start3A_57] : memref<10240x128xf32, #tpu.memory_space<vmem_shared>> -> memref<64x128xf32, #tpu.memory_space<vmem_shared>>
      tpu.enqueue_dma source(%arg16 : memref<64x128xf32, #tpu.memory_space<vmem>>) target(%dma_start3A_58 : memref<64x128xf32, #tpu.memory_space<vmem_shared>>) target_semaphore(%run_scoped3A : memref<!tpu.dma_semaphore, #tpu.memory_space<semaphore_mem>>)
      %dma_wait3A = arith.constant 0 : i32
      %dma_wait3A_59 = tpu.memref_slice %arg19[%add3A_22, %dma_wait3A] : memref<10240x128xf32, #tpu.memory_space<vmem_shared>> -> memref<64x128xf32, #tpu.memory_space<vmem_shared>>
      %dma_wait3A_60 = arith.constant 0 : i32
      %dma_wait3A_61 = tpu.memref_slice %arg19[%add3A_22, %dma_wait3A_60] : memref<10240x128xf32, #tpu.memory_space<vmem_shared>> -> memref<64x128xf32, #tpu.memory_space<vmem_shared>>
      tpu.wait_dma2 semaphore(%run_scoped3A : memref<!tpu.dma_semaphore, #tpu.memory_space<semaphore_mem>>) src(%arg16 : memref<64x128xf32, #tpu.memory_space<vmem>>) dst(%dma_wait3A_61 : memref<64x128xf32, #tpu.memory_space<vmem_shared>>)
      tpu.yield
    }) : () -> ()
    %mul3A_23 = arith.constant 640 : i32
    %mul3A_24 = arith.muli %arg1, %mul3A_23 : i32
    %add3A_25 = arith.constant 320 : i32
    %add3A_26 = arith.addi %mul3A_24, %add3A_25 : i32
    "tpu.region"() ({
      %run_scoped3A = tpu.sem_alloc : memref<!tpu.dma_semaphore, #tpu.memory_space<semaphore_mem>>
      %dma_start3A = arith.constant 0 : i32
      %dma_start3A_56 = tpu.memref_slice %arg19[%add3A_26, %dma_start3A] : memref<10240x128xf32, #tpu.memory_space<vmem_shared>> -> memref<64x128xf32, #tpu.memory_space<vmem_shared>>
      %dma_start3A_57 = arith.constant 0 : i32
      %dma_start3A_58 = tpu.memref_slice %arg19[%add3A_26, %dma_start3A_57] : memref<10240x128xf32, #tpu.memory_space<vmem_shared>> -> memref<64x128xf32, #tpu.memory_space<vmem_shared>>
      tpu.enqueue_dma source(%arg16 : memref<64x128xf32, #tpu.memory_space<vmem>>) target(%dma_start3A_58 : memref<64x128xf32, #tpu.memory_space<vmem_shared>>) target_semaphore(%run_scoped3A : memref<!tpu.dma_semaphore, #tpu.memory_space<semaphore_mem>>)
      %dma_wait3A = arith.constant 0 : i32
      %dma_wait3A_59 = tpu.memref_slice %arg19[%add3A_26, %dma_wait3A] : memref<10240x128xf32, #tpu.memory_space<vmem_shared>> -> memref<64x128xf32, #tpu.memory_space<vmem_shared>>
      %dma_wait3A_60 = arith.constant 0 : i32
      %dma_wait3A_61 = tpu.memref_slice %arg19[%add3A_26, %dma_wait3A_60] : memref<10240x128xf32, #tpu.memory_space<vmem_shared>> -> memref<64x128xf32, #tpu.memory_space<vmem_shared>>
      tpu.wait_dma2 semaphore(%run_scoped3A : memref<!tpu.dma_semaphore, #tpu.memory_space<semaphore_mem>>) src(%arg16 : memref<64x128xf32, #tpu.memory_space<vmem>>) dst(%dma_wait3A_61 : memref<64x128xf32, #tpu.memory_space<vmem_shared>>)
      tpu.yield
    }) : () -> ()
    %mul3A_27 = arith.constant 640 : i32
    %mul3A_28 = arith.muli %arg1, %mul3A_27 : i32
    %add3A_29 = arith.constant 384 : i32
    %add3A_30 = arith.addi %mul3A_28, %add3A_29 : i32
    "tpu.region"() ({
      %run_scoped3A = tpu.sem_alloc : memref<!tpu.dma_semaphore, #tpu.memory_space<semaphore_mem>>
      %dma_start3A = arith.constant 0 : i32
      %dma_start3A_56 = tpu.memref_slice %arg19[%add3A_30, %dma_start3A] : memref<10240x128xf32, #tpu.memory_space<vmem_shared>> -> memref<64x128xf32, #tpu.memory_space<vmem_shared>>
      %dma_start3A_57 = arith.constant 0 : i32
      %dma_start3A_58 = tpu.memref_slice %arg19[%add3A_30, %dma_start3A_57] : memref<10240x128xf32, #tpu.memory_space<vmem_shared>> -> memref<64x128xf32, #tpu.memory_space<vmem_shared>>
      tpu.enqueue_dma source(%arg16 : memref<64x128xf32, #tpu.memory_space<vmem>>) target(%dma_start3A_58 : memref<64x128xf32, #tpu.memory_space<vmem_shared>>) target_semaphore(%run_scoped3A : memref<!tpu.dma_semaphore, #tpu.memory_space<semaphore_mem>>)
      %dma_wait3A = arith.constant 0 : i32
      %dma_wait3A_59 = tpu.memref_slice %arg19[%add3A_30, %dma_wait3A] : memref<10240x128xf32, #tpu.memory_space<vmem_shared>> -> memref<64x128xf32, #tpu.memory_space<vmem_shared>>
      %dma_wait3A_60 = arith.constant 0 : i32
      %dma_wait3A_61 = tpu.memref_slice %arg19[%add3A_30, %dma_wait3A_60] : memref<10240x128xf32, #tpu.memory_space<vmem_shared>> -> memref<64x128xf32, #tpu.memory_space<vmem_shared>>
      tpu.wait_dma2 semaphore(%run_scoped3A : memref<!tpu.dma_semaphore, #tpu.memory_space<semaphore_mem>>) src(%arg16 : memref<64x128xf32, #tpu.memory_space<vmem>>) dst(%dma_wait3A_61 : memref<64x128xf32, #tpu.memory_space<vmem_shared>>)
      tpu.yield
    }) : () -> ()
    %mul3A_31 = arith.constant 640 : i32
    %mul3A_32 = arith.muli %arg1, %mul3A_31 : i32
    %add3A_33 = arith.constant 448 : i32
    %add3A_34 = arith.addi %mul3A_32, %add3A_33 : i32
    "tpu.region"() ({
      %run_scoped3A = tpu.sem_alloc : memref<!tpu.dma_semaphore, #tpu.memory_space<semaphore_mem>>
      %dma_start3A = arith.constant 0 : i32
      %dma_start3A_56 = tpu.memref_slice %arg19[%add3A_34, %dma_start3A] : memref<10240x128xf32, #tpu.memory_space<vmem_shared>> -> memref<64x128xf32, #tpu.memory_space<vmem_shared>>
      %dma_start3A_57 = arith.constant 0 : i32
      %dma_start3A_58 = tpu.memref_slice %arg19[%add3A_34, %dma_start3A_57] : memref<10240x128xf32, #tpu.memory_space<vmem_shared>> -> memref<64x128xf32, #tpu.memory_space<vmem_shared>>
      tpu.enqueue_dma source(%arg16 : memref<64x128xf32, #tpu.memory_space<vmem>>) target(%dma_start3A_58 : memref<64x128xf32, #tpu.memory_space<vmem_shared>>) target_semaphore(%run_scoped3A : memref<!tpu.dma_semaphore, #tpu.memory_space<semaphore_mem>>)
      %dma_wait3A = arith.constant 0 : i32
      %dma_wait3A_59 = tpu.memref_slice %arg19[%add3A_34, %dma_wait3A] : memref<10240x128xf32, #tpu.memory_space<vmem_shared>> -> memref<64x128xf32, #tpu.memory_space<vmem_shared>>
      %dma_wait3A_60 = arith.constant 0 : i32
      %dma_wait3A_61 = tpu.memref_slice %arg19[%add3A_34, %dma_wait3A_60] : memref<10240x128xf32, #tpu.memory_space<vmem_shared>> -> memref<64x128xf32, #tpu.memory_space<vmem_shared>>
      tpu.wait_dma2 semaphore(%run_scoped3A : memref<!tpu.dma_semaphore, #tpu.memory_space<semaphore_mem>>) src(%arg16 : memref<64x128xf32, #tpu.memory_space<vmem>>) dst(%dma_wait3A_61 : memref<64x128xf32, #tpu.memory_space<vmem_shared>>)
      tpu.yield
    }) : () -> ()
    %mul3A_35 = arith.constant 640 : i32
    %mul3A_36 = arith.muli %arg1, %mul3A_35 : i32
    %add3A_37 = arith.constant 512 : i32
    %add3A_38 = arith.addi %mul3A_36, %add3A_37 : i32
    "tpu.region"() ({
      %run_scoped3A = tpu.sem_alloc : memref<!tpu.dma_semaphore, #tpu.memory_space<semaphore_mem>>
      %dma_start3A = arith.constant 0 : i32
      %dma_start3A_56 = tpu.memref_slice %arg19[%add3A_38, %dma_start3A] : memref<10240x128xf32, #tpu.memory_space<vmem_shared>> -> memref<64x128xf32, #tpu.memory_space<vmem_shared>>
      %dma_start3A_57 = arith.constant 0 : i32
      %dma_start3A_58 = tpu.memref_slice %arg19[%add3A_38, %dma_start3A_57] : memref<10240x128xf32, #tpu.memory_space<vmem_shared>> -> memref<64x128xf32, #tpu.memory_space<vmem_shared>>
      tpu.enqueue_dma source(%arg16 : memref<64x128xf32, #tpu.memory_space<vmem>>) target(%dma_start3A_58 : memref<64x128xf32, #tpu.memory_space<vmem_shared>>) target_semaphore(%run_scoped3A : memref<!tpu.dma_semaphore, #tpu.memory_space<semaphore_mem>>)
      %dma_wait3A = arith.constant 0 : i32
      %dma_wait3A_59 = tpu.memref_slice %arg19[%add3A_38, %dma_wait3A] : memref<10240x128xf32, #tpu.memory_space<vmem_shared>> -> memref<64x128xf32, #tpu.memory_space<vmem_shared>>
      %dma_wait3A_60 = arith.constant 0 : i32
      %dma_wait3A_61 = tpu.memref_slice %arg19[%add3A_38, %dma_wait3A_60] : memref<10240x128xf32, #tpu.memory_space<vmem_shared>> -> memref<64x128xf32, #tpu.memory_space<vmem_shared>>
      tpu.wait_dma2 semaphore(%run_scoped3A : memref<!tpu.dma_semaphore, #tpu.memory_space<semaphore_mem>>) src(%arg16 : memref<64x128xf32, #tpu.memory_space<vmem>>) dst(%dma_wait3A_61 : memref<64x128xf32, #tpu.memory_space<vmem_shared>>)
      tpu.yield
    }) : () -> ()
    %mul3A_39 = arith.constant 640 : i32
    %mul3A_40 = arith.muli %arg1, %mul3A_39 : i32
    %add3A_41 = arith.constant 576 : i32
    %add3A_42 = arith.addi %mul3A_40, %add3A_41 : i32
    "tpu.region"() ({
      %run_scoped3A = tpu.sem_alloc : memref<!tpu.dma_semaphore, #tpu.memory_space<semaphore_mem>>
      %dma_start3A = arith.constant 0 : i32
      %dma_start3A_56 = tpu.memref_slice %arg19[%add3A_42, %dma_start3A] : memref<10240x128xf32, #tpu.memory_space<vmem_shared>> -> memref<64x128xf32, #tpu.memory_space<vmem_shared>>
      %dma_start3A_57 = arith.constant 0 : i32
      %dma_start3A_58 = tpu.memref_slice %arg19[%add3A_42, %dma_start3A_57] : memref<10240x128xf32, #tpu.memory_space<vmem_shared>> -> memref<64x128xf32, #tpu.memory_space<vmem_shared>>
      tpu.enqueue_dma source(%arg16 : memref<64x128xf32, #tpu.memory_space<vmem>>) target(%dma_start3A_58 : memref<64x128xf32, #tpu.memory_space<vmem_shared>>) target_semaphore(%run_scoped3A : memref<!tpu.dma_semaphore, #tpu.memory_space<semaphore_mem>>)
      %dma_wait3A = arith.constant 0 : i32
      %dma_wait3A_59 = tpu.memref_slice %arg19[%add3A_42, %dma_wait3A] : memref<10240x128xf32, #tpu.memory_space<vmem_shared>> -> memref<64x128xf32, #tpu.memory_space<vmem_shared>>
      %dma_wait3A_60 = arith.constant 0 : i32
      %dma_wait3A_61 = tpu.memref_slice %arg19[%add3A_42, %dma_wait3A_60] : memref<10240x128xf32, #tpu.memory_space<vmem_shared>> -> memref<64x128xf32, #tpu.memory_space<vmem_shared>>
      tpu.wait_dma2 semaphore(%run_scoped3A : memref<!tpu.dma_semaphore, #tpu.memory_space<semaphore_mem>>) src(%arg16 : memref<64x128xf32, #tpu.memory_space<vmem>>) dst(%dma_wait3A_61 : memref<64x128xf32, #tpu.memory_space<vmem_shared>>)
      tpu.yield
    }) : () -> ()
    %barrier3A = arith.constant 0 : index
    tpu.barrier barrier_id(%barrier3A)
    %scan3A = arith.constant 0 : i32
    %scan3A_43 = arith.constant 0 : i32
    %scan3A_44 = arith.constant 42 : i32
    %scan3A_45 = arith.addi %scan3A_43, %scan3A_44 : i32
    %scan3A_46 = arith.constant 1 : i32
    scf.for %scan3A_56 = %scan3A_43 to %scan3A_45 step %scan3A_46  : i32 {
      %mul3A_57 = arith.constant 240 : i32
      %mul3A_58 = arith.muli %scan3A_56, %mul3A_57 : i32
      %add3A_59 = arith.addi %mul3A_2, %mul3A_58 : i32
      %multiple_of3A = tpu.assume_multiple %add3A_59, 8 : i32
      %add3A_60 = arith.constant 0 : i32
      %add3A_61 = arith.addi %multiple_of3A, %add3A_60 : i32
      %dma_start3A = tpu.memref_slice %arg3[%add3A_61] : memref<322560xi32, #tpu.memory_space<hbm>> -> memref<80xi32, #tpu.memory_space<hbm>>
      %dma_start3A_62 = tpu.memref_slice %arg3[%add3A_61] : memref<322560xi32, #tpu.memory_space<hbm>> -> memref<80xi32, #tpu.memory_space<hbm>>
      tpu.enqueue_dma source(%dma_start3A_62 : memref<80xi32, #tpu.memory_space<hbm>>) target(%arg7 : memref<80xi32, #tpu.memory_space<vmem>>) target_semaphore(%arg18 : memref<!tpu.dma_semaphore, #tpu.memory_space<semaphore_mem>>)
      %add3A_63 = arith.constant 0 : i32
      %add3A_64 = arith.addi %multiple_of3A, %add3A_63 : i32
      %dma_start3A_65 = tpu.memref_slice %arg4[%add3A_64] : memref<322560xi32, #tpu.memory_space<hbm>> -> memref<80xi32, #tpu.memory_space<hbm>>
      %dma_start3A_66 = tpu.memref_slice %arg4[%add3A_64] : memref<322560xi32, #tpu.memory_space<hbm>> -> memref<80xi32, #tpu.memory_space<hbm>>
      tpu.enqueue_dma source(%dma_start3A_66 : memref<80xi32, #tpu.memory_space<hbm>>) target(%arg10 : memref<80xi32, #tpu.memory_space<vmem>>) target_semaphore(%arg18 : memref<!tpu.dma_semaphore, #tpu.memory_space<semaphore_mem>>)
      %add3A_67 = arith.constant 80 : i32
      %add3A_68 = arith.addi %multiple_of3A, %add3A_67 : i32
      %dma_start3A_69 = tpu.memref_slice %arg3[%add3A_68] : memref<322560xi32, #tpu.memory_space<hbm>> -> memref<80xi32, #tpu.memory_space<hbm>>
      %dma_start3A_70 = tpu.memref_slice %arg3[%add3A_68] : memref<322560xi32, #tpu.memory_space<hbm>> -> memref<80xi32, #tpu.memory_space<hbm>>
      tpu.enqueue_dma source(%dma_start3A_70 : memref<80xi32, #tpu.memory_space<hbm>>) target(%arg8 : memref<80xi32, #tpu.memory_space<vmem>>) target_semaphore(%arg18 : memref<!tpu.dma_semaphore, #tpu.memory_space<semaphore_mem>>)
      %add3A_71 = arith.constant 80 : i32
      %add3A_72 = arith.addi %multiple_of3A, %add3A_71 : i32
      %dma_start3A_73 = tpu.memref_slice %arg4[%add3A_72] : memref<322560xi32, #tpu.memory_space<hbm>> -> memref<80xi32, #tpu.memory_space<hbm>>
      %dma_start3A_74 = tpu.memref_slice %arg4[%add3A_72] : memref<322560xi32, #tpu.memory_space<hbm>> -> memref<80xi32, #tpu.memory_space<hbm>>
      tpu.enqueue_dma source(%dma_start3A_74 : memref<80xi32, #tpu.memory_space<hbm>>) target(%arg11 : memref<80xi32, #tpu.memory_space<vmem>>) target_semaphore(%arg18 : memref<!tpu.dma_semaphore, #tpu.memory_space<semaphore_mem>>)
      %add3A_75 = arith.constant 160 : i32
      %add3A_76 = arith.addi %multiple_of3A, %add3A_75 : i32
      %dma_start3A_77 = tpu.memref_slice %arg3[%add3A_76] : memref<322560xi32, #tpu.memory_space<hbm>> -> memref<80xi32, #tpu.memory_space<hbm>>
      %dma_start3A_78 = tpu.memref_slice %arg3[%add3A_76] : memref<322560xi32, #tpu.memory_space<hbm>> -> memref<80xi32, #tpu.memory_space<hbm>>
      tpu.enqueue_dma source(%dma_start3A_78 : memref<80xi32, #tpu.memory_space<hbm>>) target(%arg9 : memref<80xi32, #tpu.memory_space<vmem>>) target_semaphore(%arg18 : memref<!tpu.dma_semaphore, #tpu.memory_space<semaphore_mem>>)
      %add3A_79 = arith.constant 160 : i32
      %add3A_80 = arith.addi %multiple_of3A, %add3A_79 : i32
      %dma_start3A_81 = tpu.memref_slice %arg4[%add3A_80] : memref<322560xi32, #tpu.memory_space<hbm>> -> memref<80xi32, #tpu.memory_space<hbm>>
      %dma_start3A_82 = tpu.memref_slice %arg4[%add3A_80] : memref<322560xi32, #tpu.memory_space<hbm>> -> memref<80xi32, #tpu.memory_space<hbm>>
      tpu.enqueue_dma source(%dma_start3A_82 : memref<80xi32, #tpu.memory_space<hbm>>) target(%arg12 : memref<80xi32, #tpu.memory_space<vmem>>) target_semaphore(%arg18 : memref<!tpu.dma_semaphore, #tpu.memory_space<semaphore_mem>>)
      %dma_wait3A = tpu.memref_slice %arg3[%add3A_61] : memref<322560xi32, #tpu.memory_space<hbm>> -> memref<80xi32, #tpu.memory_space<hbm>>
      %dma_wait3A_83 = tpu.memref_slice %arg3[%add3A_61] : memref<322560xi32, #tpu.memory_space<hbm>> -> memref<80xi32, #tpu.memory_space<hbm>>
      tpu.wait_dma2 semaphore(%arg18 : memref<!tpu.dma_semaphore, #tpu.memory_space<semaphore_mem>>) src(%dma_wait3A_83 : memref<80xi32, #tpu.memory_space<hbm>>) dst(%arg7 : memref<80xi32, #tpu.memory_space<vmem>>)
      %dma_wait3A_84 = tpu.memref_slice %arg4[%add3A_64] : memref<322560xi32, #tpu.memory_space<hbm>> -> memref<80xi32, #tpu.memory_space<hbm>>
      %dma_wait3A_85 = tpu.memref_slice %arg4[%add3A_64] : memref<322560xi32, #tpu.memory_space<hbm>> -> memref<80xi32, #tpu.memory_space<hbm>>
      tpu.wait_dma2 semaphore(%arg18 : memref<!tpu.dma_semaphore, #tpu.memory_space<semaphore_mem>>) src(%dma_wait3A_85 : memref<80xi32, #tpu.memory_space<hbm>>) dst(%arg10 : memref<80xi32, #tpu.memory_space<vmem>>)
      %dma_wait3A_86 = tpu.memref_slice %arg3[%add3A_68] : memref<322560xi32, #tpu.memory_space<hbm>> -> memref<80xi32, #tpu.memory_space<hbm>>
      %dma_wait3A_87 = tpu.memref_slice %arg3[%add3A_68] : memref<322560xi32, #tpu.memory_space<hbm>> -> memref<80xi32, #tpu.memory_space<hbm>>
      tpu.wait_dma2 semaphore(%arg18 : memref<!tpu.dma_semaphore, #tpu.memory_space<semaphore_mem>>) src(%dma_wait3A_87 : memref<80xi32, #tpu.memory_space<hbm>>) dst(%arg8 : memref<80xi32, #tpu.memory_space<vmem>>)
      %dma_wait3A_88 = tpu.memref_slice %arg4[%add3A_72] : memref<322560xi32, #tpu.memory_space<hbm>> -> memref<80xi32, #tpu.memory_space<hbm>>
      %dma_wait3A_89 = tpu.memref_slice %arg4[%add3A_72] : memref<322560xi32, #tpu.memory_space<hbm>> -> memref<80xi32, #tpu.memory_space<hbm>>
      tpu.wait_dma2 semaphore(%arg18 : memref<!tpu.dma_semaphore, #tpu.memory_space<semaphore_mem>>) src(%dma_wait3A_89 : memref<80xi32, #tpu.memory_space<hbm>>) dst(%arg11 : memref<80xi32, #tpu.memory_space<vmem>>)
      %dma_wait3A_90 = tpu.memref_slice %arg3[%add3A_76] : memref<322560xi32, #tpu.memory_space<hbm>> -> memref<80xi32, #tpu.memory_space<hbm>>
      %dma_wait3A_91 = tpu.memref_slice %arg3[%add3A_76] : memref<322560xi32, #tpu.memory_space<hbm>> -> memref<80xi32, #tpu.memory_space<hbm>>
      tpu.wait_dma2 semaphore(%arg18 : memref<!tpu.dma_semaphore, #tpu.memory_space<semaphore_mem>>) src(%dma_wait3A_91 : memref<80xi32, #tpu.memory_space<hbm>>) dst(%arg9 : memref<80xi32, #tpu.memory_space<vmem>>)
      %dma_wait3A_92 = tpu.memref_slice %arg4[%add3A_80] : memref<322560xi32, #tpu.memory_space<hbm>> -> memref<80xi32, #tpu.memory_space<hbm>>
      %dma_wait3A_93 = tpu.memref_slice %arg4[%add3A_80] : memref<322560xi32, #tpu.memory_space<hbm>> -> memref<80xi32, #tpu.memory_space<hbm>>
      tpu.wait_dma2 semaphore(%arg18 : memref<!tpu.dma_semaphore, #tpu.memory_space<semaphore_mem>>) src(%dma_wait3A_93 : memref<80xi32, #tpu.memory_space<hbm>>) dst(%arg12 : memref<80xi32, #tpu.memory_space<vmem>>)
      %dma_start3A_94 = arith.constant 0 : i32
      %dma_start3A_95 = arith.constant 0 : i32
      %dma_start3A_96 = tpu.memref_slice %arg2[%dma_start3A_94, %dma_start3A_95] : memref<10240x128xf32, #tpu.memory_space<hbm>> -> memref<10240x128xf32, #tpu.memory_space<hbm>>
      tpu.enqueue_indirect_dma source(%dma_start3A_96 : memref<10240x128xf32, #tpu.memory_space<hbm>>) target(%arg13 : memref<80x128xf32, #tpu.memory_space<vmem>>) offsets(%arg7 : memref<80xi32, #tpu.memory_space<vmem>>) semaphore(%arg17 : memref<!tpu.dma_semaphore, #tpu.memory_space<semaphore_mem>>)
      %dma_start3A_97 = arith.constant 0 : i32
      %dma_start3A_98 = arith.constant 0 : i32
      %dma_start3A_99 = tpu.memref_slice %arg2[%dma_start3A_97, %dma_start3A_98] : memref<10240x128xf32, #tpu.memory_space<hbm>> -> memref<10240x128xf32, #tpu.memory_space<hbm>>
      tpu.enqueue_indirect_dma source(%dma_start3A_99 : memref<10240x128xf32, #tpu.memory_space<hbm>>) target(%arg14 : memref<80x128xf32, #tpu.memory_space<vmem>>) offsets(%arg8 : memref<80xi32, #tpu.memory_space<vmem>>) semaphore(%arg17 : memref<!tpu.dma_semaphore, #tpu.memory_space<semaphore_mem>>)
      %dma_start3A_100 = arith.constant 0 : i32
      %dma_start3A_101 = arith.constant 0 : i32
      %dma_start3A_102 = tpu.memref_slice %arg2[%dma_start3A_100, %dma_start3A_101] : memref<10240x128xf32, #tpu.memory_space<hbm>> -> memref<10240x128xf32, #tpu.memory_space<hbm>>
      tpu.enqueue_indirect_dma source(%dma_start3A_102 : memref<10240x128xf32, #tpu.memory_space<hbm>>) target(%arg15 : memref<80x128xf32, #tpu.memory_space<vmem>>) offsets(%arg9 : memref<80xi32, #tpu.memory_space<vmem>>) semaphore(%arg17 : memref<!tpu.dma_semaphore, #tpu.memory_space<semaphore_mem>>)
      %dma_wait3A_103 = arith.constant 0 : i32
      %dma_wait3A_104 = arith.constant 0 : i32
      %dma_wait3A_105 = tpu.memref_slice %arg2[%dma_wait3A_103, %dma_wait3A_104] : memref<10240x128xf32, #tpu.memory_space<hbm>> -> memref<10240x128xf32, #tpu.memory_space<hbm>>
      tpu.wait_indirect_dma semaphore(%arg17 : memref<!tpu.dma_semaphore, #tpu.memory_space<semaphore_mem>>) src(%dma_wait3A_105 : memref<10240x128xf32, #tpu.memory_space<hbm>>) dst(%arg13 : memref<80x128xf32, #tpu.memory_space<vmem>>)
      "tpu.region"() ({
        %run_scoped3A = tpu.sem_alloc : memref<!tpu.dma_semaphore, #tpu.memory_space<semaphore_mem>>
        %dma_start3A_112 = arith.constant 0 : i32
        %dma_start3A_113 = arith.constant 0 : i32
        %dma_start3A_114 = tpu.memref_slice %arg19[%dma_start3A_112, %dma_start3A_113] : memref<10240x128xf32, #tpu.memory_space<vmem_shared>> -> memref<10240x128xf32, #tpu.memory_space<vmem_shared>>
        tpu.enqueue_indirect_dma source(%arg13 : memref<80x128xf32, #tpu.memory_space<vmem>>) target(%dma_start3A_114 : memref<10240x128xf32, #tpu.memory_space<vmem_shared>>) offsets(%arg10 : memref<80xi32, #tpu.memory_space<vmem>>) semaphore(%run_scoped3A : memref<!tpu.dma_semaphore, #tpu.memory_space<semaphore_mem>>) {add = true}
        %dma_wait3A_115 = arith.constant 0 : i32
        %dma_wait3A_116 = arith.constant 0 : i32
        %dma_wait3A_117 = tpu.memref_slice %arg19[%dma_wait3A_115, %dma_wait3A_116] : memref<10240x128xf32, #tpu.memory_space<vmem_shared>> -> memref<10240x128xf32, #tpu.memory_space<vmem_shared>>
        tpu.wait_indirect_dma semaphore(%run_scoped3A : memref<!tpu.dma_semaphore, #tpu.memory_space<semaphore_mem>>) src(%arg13 : memref<80x128xf32, #tpu.memory_space<vmem>>) dst(%dma_wait3A_117 : memref<10240x128xf32, #tpu.memory_space<vmem_shared>>)
        tpu.yield
      }) : () -> ()
      %dma_wait3A_106 = arith.constant 0 : i32
      %dma_wait3A_107 = arith.constant 0 : i32
      %dma_wait3A_108 = tpu.memref_slice %arg2[%dma_wait3A_106, %dma_wait3A_107] : memref<10240x128xf32, #tpu.memory_space<hbm>> -> memref<10240x128xf32, #tpu.memory_space<hbm>>
      tpu.wait_indirect_dma semaphore(%arg17 : memref<!tpu.dma_semaphore, #tpu.memory_space<semaphore_mem>>) src(%dma_wait3A_108 : memref<10240x128xf32, #tpu.memory_space<hbm>>) dst(%arg14 : memref<80x128xf32, #tpu.memory_space<vmem>>)
      "tpu.region"() ({
        %run_scoped3A = tpu.sem_alloc : memref<!tpu.dma_semaphore, #tpu.memory_space<semaphore_mem>>
        %dma_start3A_112 = arith.constant 0 : i32
        %dma_start3A_113 = arith.constant 0 : i32
        %dma_start3A_114 = tpu.memref_slice %arg19[%dma_start3A_112, %dma_start3A_113] : memref<10240x128xf32, #tpu.memory_space<vmem_shared>> -> memref<10240x128xf32, #tpu.memory_space<vmem_shared>>
        tpu.enqueue_indirect_dma source(%arg14 : memref<80x128xf32, #tpu.memory_space<vmem>>) target(%dma_start3A_114 : memref<10240x128xf32, #tpu.memory_space<vmem_shared>>) offsets(%arg11 : memref<80xi32, #tpu.memory_space<vmem>>) semaphore(%run_scoped3A : memref<!tpu.dma_semaphore, #tpu.memory_space<semaphore_mem>>) {add = true}
        %dma_wait3A_115 = arith.constant 0 : i32
        %dma_wait3A_116 = arith.constant 0 : i32
        %dma_wait3A_117 = tpu.memref_slice %arg19[%dma_wait3A_115, %dma_wait3A_116] : memref<10240x128xf32, #tpu.memory_space<vmem_shared>> -> memref<10240x128xf32, #tpu.memory_space<vmem_shared>>
        tpu.wait_indirect_dma semaphore(%run_scoped3A : memref<!tpu.dma_semaphore, #tpu.memory_space<semaphore_mem>>) src(%arg14 : memref<80x128xf32, #tpu.memory_space<vmem>>) dst(%dma_wait3A_117 : memref<10240x128xf32, #tpu.memory_space<vmem_shared>>)
        tpu.yield
      }) : () -> ()
      %dma_wait3A_109 = arith.constant 0 : i32
      %dma_wait3A_110 = arith.constant 0 : i32
      %dma_wait3A_111 = tpu.memref_slice %arg2[%dma_wait3A_109, %dma_wait3A_110] : memref<10240x128xf32, #tpu.memory_space<hbm>> -> memref<10240x128xf32, #tpu.memory_space<hbm>>
      tpu.wait_indirect_dma semaphore(%arg17 : memref<!tpu.dma_semaphore, #tpu.memory_space<semaphore_mem>>) src(%dma_wait3A_111 : memref<10240x128xf32, #tpu.memory_space<hbm>>) dst(%arg15 : memref<80x128xf32, #tpu.memory_space<vmem>>)
      "tpu.region"() ({
        %run_scoped3A = tpu.sem_alloc : memref<!tpu.dma_semaphore, #tpu.memory_space<semaphore_mem>>
        %dma_start3A_112 = arith.constant 0 : i32
        %dma_start3A_113 = arith.constant 0 : i32
        %dma_start3A_114 = tpu.memref_slice %arg19[%dma_start3A_112, %dma_start3A_113] : memref<10240x128xf32, #tpu.memory_space<vmem_shared>> -> memref<10240x128xf32, #tpu.memory_space<vmem_shared>>
        tpu.enqueue_indirect_dma source(%arg15 : memref<80x128xf32, #tpu.memory_space<vmem>>) target(%dma_start3A_114 : memref<10240x128xf32, #tpu.memory_space<vmem_shared>>) offsets(%arg12 : memref<80xi32, #tpu.memory_space<vmem>>) semaphore(%run_scoped3A : memref<!tpu.dma_semaphore, #tpu.memory_space<semaphore_mem>>) {add = true}
        %dma_wait3A_115 = arith.constant 0 : i32
        %dma_wait3A_116 = arith.constant 0 : i32
        %dma_wait3A_117 = tpu.memref_slice %arg19[%dma_wait3A_115, %dma_wait3A_116] : memref<10240x128xf32, #tpu.memory_space<vmem_shared>> -> memref<10240x128xf32, #tpu.memory_space<vmem_shared>>
        tpu.wait_indirect_dma semaphore(%run_scoped3A : memref<!tpu.dma_semaphore, #tpu.memory_space<semaphore_mem>>) src(%arg15 : memref<80x128xf32, #tpu.memory_space<vmem>>) dst(%dma_wait3A_117 : memref<10240x128xf32, #tpu.memory_space<vmem_shared>>)
        tpu.yield
      }) : () -> ()
    }
    %scan3A_47 = arith.constant 42 : i32
    %barrier3A_48 = arith.constant 0 : index
    tpu.barrier barrier_id(%barrier3A_48)
    %mul3A_49 = arith.constant 640 : i32
    %mul3A_50 = arith.muli %arg1, %mul3A_49 : i32
    %mul3A_51 = arith.constant 10240 : i32
    %mul3A_52 = arith.muli %arg0, %mul3A_51 : i32
    %mul3A_53 = arith.constant 640 : i32
    %mul3A_54 = arith.muli %arg1, %mul3A_53 : i32
    %add3A_55 = arith.addi %mul3A_52, %mul3A_54 : i32
    "tpu.region"() ({
      %run_scoped3A = tpu.sem_alloc : memref<!tpu.dma_semaphore, #tpu.memory_space<semaphore_mem>>
      %dma_start3A = arith.constant 0 : i32
      %dma_start3A_56 = tpu.memref_slice %arg6[%add3A_55, %dma_start3A] : memref<20480x128xf32, #tpu.memory_space<hbm>> -> memref<640x128xf32, #tpu.memory_space<hbm>>
      %dma_start3A_57 = arith.constant 0 : i32
      %dma_start3A_58 = tpu.memref_slice %arg19[%mul3A_50, %dma_start3A_57] : memref<10240x128xf32, #tpu.memory_space<vmem_shared>> -> memref<640x128xf32, #tpu.memory_space<vmem_shared>>
      tpu.enqueue_dma source(%dma_start3A_58 : memref<640x128xf32, #tpu.memory_space<vmem_shared>>) target(%dma_start3A_56 : memref<640x128xf32, #tpu.memory_space<hbm>>) target_semaphore(%run_scoped3A : memref<!tpu.dma_semaphore, #tpu.memory_space<semaphore_mem>>)
      %dma_wait3A = arith.constant 0 : i32
      %dma_wait3A_59 = tpu.memref_slice %arg6[%add3A_55, %dma_wait3A] : memref<20480x128xf32, #tpu.memory_space<hbm>> -> memref<640x128xf32, #tpu.memory_space<hbm>>
      %dma_wait3A_60 = arith.constant 0 : i32
      %dma_wait3A_61 = tpu.memref_slice %arg19[%mul3A_50, %dma_wait3A_60] : memref<10240x128xf32, #tpu.memory_space<vmem_shared>> -> memref<640x128xf32, #tpu.memory_space<vmem_shared>>
      tpu.wait_dma2 semaphore(%run_scoped3A : memref<!tpu.dma_semaphore, #tpu.memory_space<semaphore_mem>>) src(%dma_wait3A_61 : memref<640x128xf32, #tpu.memory_space<vmem_shared>>) dst(%dma_wait3A_59 : memref<640x128xf32, #tpu.memory_space<hbm>>)
      tpu.yield
    }) : () -> ()
    return
  }
}

#map = affine_map<(d0, d1) -> (0, 0)>
#map1 = affine_map<(d0, d1) -> (0)>
module attributes {stable_mosaic.version = 14 : i64} {
  func.func @_seg_sum_body(%arg0: i32, %arg1: i32, %arg2: memref<10240x128xf32, #tpu.memory_space<hbm>>, %arg3: memref<322560xi32, #tpu.memory_space<hbm>>, %arg4: memref<322560xi32, #tpu.memory_space<hbm>>, %arg5: memref<64x128xf32, #tpu.memory_space<hbm>>, %arg6: memref<20480x128xf32, #tpu.memory_space<hbm>>, %arg7: memref<80xi32, #tpu.memory_space<vmem>>, %arg8: memref<80xi32, #tpu.memory_space<vmem>>, %arg9: memref<80xi32, #tpu.memory_space<vmem>>, %arg10: memref<80xi32, #tpu.memory_space<vmem>>, %arg11: memref<80xi32, #tpu.memory_space<vmem>>, %arg12: memref<80xi32, #tpu.memory_space<vmem>>, %arg13: memref<80x128xf32, #tpu.memory_space<vmem>>, %arg14: memref<80x128xf32, #tpu.memory_space<vmem>>, %arg15: memref<80x128xf32, #tpu.memory_space<vmem>>, %arg16: memref<64x128xf32, #tpu.memory_space<vmem>>, %arg17: memref<!tpu.dma_semaphore, #tpu.memory_space<semaphore_mem>>, %arg18: memref<!tpu.dma_semaphore, #tpu.memory_space<semaphore_mem>>, %arg19: memref<10240x128xf32, #tpu.memory_space<vmem_shared>>) attributes {dimension_semantics = [#tpu.dimension_semantics<core_parallel>, #tpu.dimension_semantics<subcore_parallel>], iteration_bounds = array<i64: 2, 16>, scalar_prefetch = 0 : i64, scratch_operands = 13 : i64, tpu.core_type = #tpu.core_type<sc_vector_subcore>, window_params = [{transform_indices = #map}, {transform_indices = #map1}, {transform_indices = #map1}, {transform_indices = #map}, {transform_indices = #map}]} {
    %mul3A = arith.constant 2 : i32
    %mul3A_0 = arith.muli %arg1, %mul3A : i32
    %add3A = arith.addi %mul3A_0, %arg0 : i32
    %mul3A_1 = arith.constant 10080 : i32
    %mul3A_2 = arith.muli %add3A, %mul3A_1 : i32
    "tpu.region"() ({
      %run_scoped3A = tpu.sem_alloc : memref<!tpu.dma_semaphore, #tpu.memory_space<semaphore_mem>>
      tpu.enqueue_dma source(%arg5 : memref<64x128xf32, #tpu.memory_space<hbm>>) target(%arg16 : memref<64x128xf32, #tpu.memory_space<vmem>>) target_semaphore(%run_scoped3A : memref<!tpu.dma_semaphore, #tpu.memory_space<semaphore_mem>>)
      tpu.wait_dma2 semaphore(%run_scoped3A : memref<!tpu.dma_semaphore, #tpu.memory_space<semaphore_mem>>) src(%arg5 : memref<64x128xf32, #tpu.memory_space<hbm>>) dst(%arg16 : memref<64x128xf32, #tpu.memory_space<vmem>>)
      tpu.yield
    }) : () -> ()
    %mul3A_3 = arith.constant 640 : i32
    %mul3A_4 = arith.muli %arg1, %mul3A_3 : i32
    %add3A_5 = arith.constant 0 : i32
    %add3A_6 = arith.addi %mul3A_4, %add3A_5 : i32
    "tpu.region"() ({
      %run_scoped3A = tpu.sem_alloc : memref<!tpu.dma_semaphore, #tpu.memory_space<semaphore_mem>>
      %dma_start3A = arith.constant 0 : i32
      %dma_start3A_56 = tpu.memref_slice %arg19[%add3A_6, %dma_start3A] : memref<10240x128xf32, #tpu.memory_space<vmem_shared>> -> memref<64x128xf32, #tpu.memory_space<vmem_shared>>
      %dma_start3A_57 = arith.constant 0 : i32
      %dma_start3A_58 = tpu.memref_slice %arg19[%add3A_6, %dma_start3A_57] : memref<10240x128xf32, #tpu.memory_space<vmem_shared>> -> memref<64x128xf32, #tpu.memory_space<vmem_shared>>
      tpu.enqueue_dma source(%arg16 : memref<64x128xf32, #tpu.memory_space<vmem>>) target(%dma_start3A_58 : memref<64x128xf32, #tpu.memory_space<vmem_shared>>) target_semaphore(%run_scoped3A : memref<!tpu.dma_semaphore, #tpu.memory_space<semaphore_mem>>)
      %dma_wait3A = arith.constant 0 : i32
      %dma_wait3A_59 = tpu.memref_slice %arg19[%add3A_6, %dma_wait3A] : memref<10240x128xf32, #tpu.memory_space<vmem_shared>> -> memref<64x128xf32, #tpu.memory_space<vmem_shared>>
      %dma_wait3A_60 = arith.constant 0 : i32
      %dma_wait3A_61 = tpu.memref_slice %arg19[%add3A_6, %dma_wait3A_60] : memref<10240x128xf32, #tpu.memory_space<vmem_shared>> -> memref<64x128xf32, #tpu.memory_space<vmem_shared>>
      tpu.wait_dma2 semaphore(%run_scoped3A : memref<!tpu.dma_semaphore, #tpu.memory_space<semaphore_mem>>) src(%arg16 : memref<64x128xf32, #tpu.memory_space<vmem>>) dst(%dma_wait3A_61 : memref<64x128xf32, #tpu.memory_space<vmem_shared>>)
      tpu.yield
    }) : () -> ()
    %mul3A_7 = arith.constant 640 : i32
    %mul3A_8 = arith.muli %arg1, %mul3A_7 : i32
    %add3A_9 = arith.constant 64 : i32
    %add3A_10 = arith.addi %mul3A_8, %add3A_9 : i32
    "tpu.region"() ({
      %run_scoped3A = tpu.sem_alloc : memref<!tpu.dma_semaphore, #tpu.memory_space<semaphore_mem>>
      %dma_start3A = arith.constant 0 : i32
      %dma_start3A_56 = tpu.memref_slice %arg19[%add3A_10, %dma_start3A] : memref<10240x128xf32, #tpu.memory_space<vmem_shared>> -> memref<64x128xf32, #tpu.memory_space<vmem_shared>>
      %dma_start3A_57 = arith.constant 0 : i32
      %dma_start3A_58 = tpu.memref_slice %arg19[%add3A_10, %dma_start3A_57] : memref<10240x128xf32, #tpu.memory_space<vmem_shared>> -> memref<64x128xf32, #tpu.memory_space<vmem_shared>>
      tpu.enqueue_dma source(%arg16 : memref<64x128xf32, #tpu.memory_space<vmem>>) target(%dma_start3A_58 : memref<64x128xf32, #tpu.memory_space<vmem_shared>>) target_semaphore(%run_scoped3A : memref<!tpu.dma_semaphore, #tpu.memory_space<semaphore_mem>>)
      %dma_wait3A = arith.constant 0 : i32
      %dma_wait3A_59 = tpu.memref_slice %arg19[%add3A_10, %dma_wait3A] : memref<10240x128xf32, #tpu.memory_space<vmem_shared>> -> memref<64x128xf32, #tpu.memory_space<vmem_shared>>
      %dma_wait3A_60 = arith.constant 0 : i32
      %dma_wait3A_61 = tpu.memref_slice %arg19[%add3A_10, %dma_wait3A_60] : memref<10240x128xf32, #tpu.memory_space<vmem_shared>> -> memref<64x128xf32, #tpu.memory_space<vmem_shared>>
      tpu.wait_dma2 semaphore(%run_scoped3A : memref<!tpu.dma_semaphore, #tpu.memory_space<semaphore_mem>>) src(%arg16 : memref<64x128xf32, #tpu.memory_space<vmem>>) dst(%dma_wait3A_61 : memref<64x128xf32, #tpu.memory_space<vmem_shared>>)
      tpu.yield
    }) : () -> ()
    %mul3A_11 = arith.constant 640 : i32
    %mul3A_12 = arith.muli %arg1, %mul3A_11 : i32
    %add3A_13 = arith.constant 128 : i32
    %add3A_14 = arith.addi %mul3A_12, %add3A_13 : i32
    "tpu.region"() ({
      %run_scoped3A = tpu.sem_alloc : memref<!tpu.dma_semaphore, #tpu.memory_space<semaphore_mem>>
      %dma_start3A = arith.constant 0 : i32
      %dma_start3A_56 = tpu.memref_slice %arg19[%add3A_14, %dma_start3A] : memref<10240x128xf32, #tpu.memory_space<vmem_shared>> -> memref<64x128xf32, #tpu.memory_space<vmem_shared>>
      %dma_start3A_57 = arith.constant 0 : i32
      %dma_start3A_58 = tpu.memref_slice %arg19[%add3A_14, %dma_start3A_57] : memref<10240x128xf32, #tpu.memory_space<vmem_shared>> -> memref<64x128xf32, #tpu.memory_space<vmem_shared>>
      tpu.enqueue_dma source(%arg16 : memref<64x128xf32, #tpu.memory_space<vmem>>) target(%dma_start3A_58 : memref<64x128xf32, #tpu.memory_space<vmem_shared>>) target_semaphore(%run_scoped3A : memref<!tpu.dma_semaphore, #tpu.memory_space<semaphore_mem>>)
      %dma_wait3A = arith.constant 0 : i32
      %dma_wait3A_59 = tpu.memref_slice %arg19[%add3A_14, %dma_wait3A] : memref<10240x128xf32, #tpu.memory_space<vmem_shared>> -> memref<64x128xf32, #tpu.memory_space<vmem_shared>>
      %dma_wait3A_60 = arith.constant 0 : i32
      %dma_wait3A_61 = tpu.memref_slice %arg19[%add3A_14, %dma_wait3A_60] : memref<10240x128xf32, #tpu.memory_space<vmem_shared>> -> memref<64x128xf32, #tpu.memory_space<vmem_shared>>
      tpu.wait_dma2 semaphore(%run_scoped3A : memref<!tpu.dma_semaphore, #tpu.memory_space<semaphore_mem>>) src(%arg16 : memref<64x128xf32, #tpu.memory_space<vmem>>) dst(%dma_wait3A_61 : memref<64x128xf32, #tpu.memory_space<vmem_shared>>)
      tpu.yield
    }) : () -> ()
    %mul3A_15 = arith.constant 640 : i32
    %mul3A_16 = arith.muli %arg1, %mul3A_15 : i32
    %add3A_17 = arith.constant 192 : i32
    %add3A_18 = arith.addi %mul3A_16, %add3A_17 : i32
    "tpu.region"() ({
      %run_scoped3A = tpu.sem_alloc : memref<!tpu.dma_semaphore, #tpu.memory_space<semaphore_mem>>
      %dma_start3A = arith.constant 0 : i32
      %dma_start3A_56 = tpu.memref_slice %arg19[%add3A_18, %dma_start3A] : memref<10240x128xf32, #tpu.memory_space<vmem_shared>> -> memref<64x128xf32, #tpu.memory_space<vmem_shared>>
      %dma_start3A_57 = arith.constant 0 : i32
      %dma_start3A_58 = tpu.memref_slice %arg19[%add3A_18, %dma_start3A_57] : memref<10240x128xf32, #tpu.memory_space<vmem_shared>> -> memref<64x128xf32, #tpu.memory_space<vmem_shared>>
      tpu.enqueue_dma source(%arg16 : memref<64x128xf32, #tpu.memory_space<vmem>>) target(%dma_start3A_58 : memref<64x128xf32, #tpu.memory_space<vmem_shared>>) target_semaphore(%run_scoped3A : memref<!tpu.dma_semaphore, #tpu.memory_space<semaphore_mem>>)
      %dma_wait3A = arith.constant 0 : i32
      %dma_wait3A_59 = tpu.memref_slice %arg19[%add3A_18, %dma_wait3A] : memref<10240x128xf32, #tpu.memory_space<vmem_shared>> -> memref<64x128xf32, #tpu.memory_space<vmem_shared>>
      %dma_wait3A_60 = arith.constant 0 : i32
      %dma_wait3A_61 = tpu.memref_slice %arg19[%add3A_18, %dma_wait3A_60] : memref<10240x128xf32, #tpu.memory_space<vmem_shared>> -> memref<64x128xf32, #tpu.memory_space<vmem_shared>>
      tpu.wait_dma2 semaphore(%run_scoped3A : memref<!tpu.dma_semaphore, #tpu.memory_space<semaphore_mem>>) src(%arg16 : memref<64x128xf32, #tpu.memory_space<vmem>>) dst(%dma_wait3A_61 : memref<64x128xf32, #tpu.memory_space<vmem_shared>>)
      tpu.yield
    }) : () -> ()
    %mul3A_19 = arith.constant 640 : i32
    %mul3A_20 = arith.muli %arg1, %mul3A_19 : i32
    %add3A_21 = arith.constant 256 : i32
    %add3A_22 = arith.addi %mul3A_20, %add3A_21 : i32
    "tpu.region"() ({
      %run_scoped3A = tpu.sem_alloc : memref<!tpu.dma_semaphore, #tpu.memory_space<semaphore_mem>>
      %dma_start3A = arith.constant 0 : i32
      %dma_start3A_56 = tpu.memref_slice %arg19[%add3A_22, %dma_start3A] : memref<10240x128xf32, #tpu.memory_space<vmem_shared>> -> memref<64x128xf32, #tpu.memory_space<vmem_shared>>
      %dma_start3A_57 = arith.constant 0 : i32
      %dma_start3A_58 = tpu.memref_slice %arg19[%add3A_22, %dma_start3A_57] : memref<10240x128xf32, #tpu.memory_space<vmem_shared>> -> memref<64x128xf32, #tpu.memory_space<vmem_shared>>
      tpu.enqueue_dma source(%arg16 : memref<64x128xf32, #tpu.memory_space<vmem>>) target(%dma_start3A_58 : memref<64x128xf32, #tpu.memory_space<vmem_shared>>) target_semaphore(%run_scoped3A : memref<!tpu.dma_semaphore, #tpu.memory_space<semaphore_mem>>)
      %dma_wait3A = arith.constant 0 : i32
      %dma_wait3A_59 = tpu.memref_slice %arg19[%add3A_22, %dma_wait3A] : memref<10240x128xf32, #tpu.memory_space<vmem_shared>> -> memref<64x128xf32, #tpu.memory_space<vmem_shared>>
      %dma_wait3A_60 = arith.constant 0 : i32
      %dma_wait3A_61 = tpu.memref_slice %arg19[%add3A_22, %dma_wait3A_60] : memref<10240x128xf32, #tpu.memory_space<vmem_shared>> -> memref<64x128xf32, #tpu.memory_space<vmem_shared>>
      tpu.wait_dma2 semaphore(%run_scoped3A : memref<!tpu.dma_semaphore, #tpu.memory_space<semaphore_mem>>) src(%arg16 : memref<64x128xf32, #tpu.memory_space<vmem>>) dst(%dma_wait3A_61 : memref<64x128xf32, #tpu.memory_space<vmem_shared>>)
      tpu.yield
    }) : () -> ()
    %mul3A_23 = arith.constant 640 : i32
    %mul3A_24 = arith.muli %arg1, %mul3A_23 : i32
    %add3A_25 = arith.constant 320 : i32
    %add3A_26 = arith.addi %mul3A_24, %add3A_25 : i32
    "tpu.region"() ({
      %run_scoped3A = tpu.sem_alloc : memref<!tpu.dma_semaphore, #tpu.memory_space<semaphore_mem>>
      %dma_start3A = arith.constant 0 : i32
      %dma_start3A_56 = tpu.memref_slice %arg19[%add3A_26, %dma_start3A] : memref<10240x128xf32, #tpu.memory_space<vmem_shared>> -> memref<64x128xf32, #tpu.memory_space<vmem_shared>>
      %dma_start3A_57 = arith.constant 0 : i32
      %dma_start3A_58 = tpu.memref_slice %arg19[%add3A_26, %dma_start3A_57] : memref<10240x128xf32, #tpu.memory_space<vmem_shared>> -> memref<64x128xf32, #tpu.memory_space<vmem_shared>>
      tpu.enqueue_dma source(%arg16 : memref<64x128xf32, #tpu.memory_space<vmem>>) target(%dma_start3A_58 : memref<64x128xf32, #tpu.memory_space<vmem_shared>>) target_semaphore(%run_scoped3A : memref<!tpu.dma_semaphore, #tpu.memory_space<semaphore_mem>>)
      %dma_wait3A = arith.constant 0 : i32
      %dma_wait3A_59 = tpu.memref_slice %arg19[%add3A_26, %dma_wait3A] : memref<10240x128xf32, #tpu.memory_space<vmem_shared>> -> memref<64x128xf32, #tpu.memory_space<vmem_shared>>
      %dma_wait3A_60 = arith.constant 0 : i32
      %dma_wait3A_61 = tpu.memref_slice %arg19[%add3A_26, %dma_wait3A_60] : memref<10240x128xf32, #tpu.memory_space<vmem_shared>> -> memref<64x128xf32, #tpu.memory_space<vmem_shared>>
      tpu.wait_dma2 semaphore(%run_scoped3A : memref<!tpu.dma_semaphore, #tpu.memory_space<semaphore_mem>>) src(%arg16 : memref<64x128xf32, #tpu.memory_space<vmem>>) dst(%dma_wait3A_61 : memref<64x128xf32, #tpu.memory_space<vmem_shared>>)
      tpu.yield
    }) : () -> ()
    %mul3A_27 = arith.constant 640 : i32
    %mul3A_28 = arith.muli %arg1, %mul3A_27 : i32
    %add3A_29 = arith.constant 384 : i32
    %add3A_30 = arith.addi %mul3A_28, %add3A_29 : i32
    "tpu.region"() ({
      %run_scoped3A = tpu.sem_alloc : memref<!tpu.dma_semaphore, #tpu.memory_space<semaphore_mem>>
      %dma_start3A = arith.constant 0 : i32
      %dma_start3A_56 = tpu.memref_slice %arg19[%add3A_30, %dma_start3A] : memref<10240x128xf32, #tpu.memory_space<vmem_shared>> -> memref<64x128xf32, #tpu.memory_space<vmem_shared>>
      %dma_start3A_57 = arith.constant 0 : i32
      %dma_start3A_58 = tpu.memref_slice %arg19[%add3A_30, %dma_start3A_57] : memref<10240x128xf32, #tpu.memory_space<vmem_shared>> -> memref<64x128xf32, #tpu.memory_space<vmem_shared>>
      tpu.enqueue_dma source(%arg16 : memref<64x128xf32, #tpu.memory_space<vmem>>) target(%dma_start3A_58 : memref<64x128xf32, #tpu.memory_space<vmem_shared>>) target_semaphore(%run_scoped3A : memref<!tpu.dma_semaphore, #tpu.memory_space<semaphore_mem>>)
      %dma_wait3A = arith.constant 0 : i32
      %dma_wait3A_59 = tpu.memref_slice %arg19[%add3A_30, %dma_wait3A] : memref<10240x128xf32, #tpu.memory_space<vmem_shared>> -> memref<64x128xf32, #tpu.memory_space<vmem_shared>>
      %dma_wait3A_60 = arith.constant 0 : i32
      %dma_wait3A_61 = tpu.memref_slice %arg19[%add3A_30, %dma_wait3A_60] : memref<10240x128xf32, #tpu.memory_space<vmem_shared>> -> memref<64x128xf32, #tpu.memory_space<vmem_shared>>
      tpu.wait_dma2 semaphore(%run_scoped3A : memref<!tpu.dma_semaphore, #tpu.memory_space<semaphore_mem>>) src(%arg16 : memref<64x128xf32, #tpu.memory_space<vmem>>) dst(%dma_wait3A_61 : memref<64x128xf32, #tpu.memory_space<vmem_shared>>)
      tpu.yield
    }) : () -> ()
    %mul3A_31 = arith.constant 640 : i32
    %mul3A_32 = arith.muli %arg1, %mul3A_31 : i32
    %add3A_33 = arith.constant 448 : i32
    %add3A_34 = arith.addi %mul3A_32, %add3A_33 : i32
    "tpu.region"() ({
      %run_scoped3A = tpu.sem_alloc : memref<!tpu.dma_semaphore, #tpu.memory_space<semaphore_mem>>
      %dma_start3A = arith.constant 0 : i32
      %dma_start3A_56 = tpu.memref_slice %arg19[%add3A_34, %dma_start3A] : memref<10240x128xf32, #tpu.memory_space<vmem_shared>> -> memref<64x128xf32, #tpu.memory_space<vmem_shared>>
      %dma_start3A_57 = arith.constant 0 : i32
      %dma_start3A_58 = tpu.memref_slice %arg19[%add3A_34, %dma_start3A_57] : memref<10240x128xf32, #tpu.memory_space<vmem_shared>> -> memref<64x128xf32, #tpu.memory_space<vmem_shared>>
      tpu.enqueue_dma source(%arg16 : memref<64x128xf32, #tpu.memory_space<vmem>>) target(%dma_start3A_58 : memref<64x128xf32, #tpu.memory_space<vmem_shared>>) target_semaphore(%run_scoped3A : memref<!tpu.dma_semaphore, #tpu.memory_space<semaphore_mem>>)
      %dma_wait3A = arith.constant 0 : i32
      %dma_wait3A_59 = tpu.memref_slice %arg19[%add3A_34, %dma_wait3A] : memref<10240x128xf32, #tpu.memory_space<vmem_shared>> -> memref<64x128xf32, #tpu.memory_space<vmem_shared>>
      %dma_wait3A_60 = arith.constant 0 : i32
      %dma_wait3A_61 = tpu.memref_slice %arg19[%add3A_34, %dma_wait3A_60] : memref<10240x128xf32, #tpu.memory_space<vmem_shared>> -> memref<64x128xf32, #tpu.memory_space<vmem_shared>>
      tpu.wait_dma2 semaphore(%run_scoped3A : memref<!tpu.dma_semaphore, #tpu.memory_space<semaphore_mem>>) src(%arg16 : memref<64x128xf32, #tpu.memory_space<vmem>>) dst(%dma_wait3A_61 : memref<64x128xf32, #tpu.memory_space<vmem_shared>>)
      tpu.yield
    }) : () -> ()
    %mul3A_35 = arith.constant 640 : i32
    %mul3A_36 = arith.muli %arg1, %mul3A_35 : i32
    %add3A_37 = arith.constant 512 : i32
    %add3A_38 = arith.addi %mul3A_36, %add3A_37 : i32
    "tpu.region"() ({
      %run_scoped3A = tpu.sem_alloc : memref<!tpu.dma_semaphore, #tpu.memory_space<semaphore_mem>>
      %dma_start3A = arith.constant 0 : i32
      %dma_start3A_56 = tpu.memref_slice %arg19[%add3A_38, %dma_start3A] : memref<10240x128xf32, #tpu.memory_space<vmem_shared>> -> memref<64x128xf32, #tpu.memory_space<vmem_shared>>
      %dma_start3A_57 = arith.constant 0 : i32
      %dma_start3A_58 = tpu.memref_slice %arg19[%add3A_38, %dma_start3A_57] : memref<10240x128xf32, #tpu.memory_space<vmem_shared>> -> memref<64x128xf32, #tpu.memory_space<vmem_shared>>
      tpu.enqueue_dma source(%arg16 : memref<64x128xf32, #tpu.memory_space<vmem>>) target(%dma_start3A_58 : memref<64x128xf32, #tpu.memory_space<vmem_shared>>) target_semaphore(%run_scoped3A : memref<!tpu.dma_semaphore, #tpu.memory_space<semaphore_mem>>)
      %dma_wait3A = arith.constant 0 : i32
      %dma_wait3A_59 = tpu.memref_slice %arg19[%add3A_38, %dma_wait3A] : memref<10240x128xf32, #tpu.memory_space<vmem_shared>> -> memref<64x128xf32, #tpu.memory_space<vmem_shared>>
      %dma_wait3A_60 = arith.constant 0 : i32
      %dma_wait3A_61 = tpu.memref_slice %arg19[%add3A_38, %dma_wait3A_60] : memref<10240x128xf32, #tpu.memory_space<vmem_shared>> -> memref<64x128xf32, #tpu.memory_space<vmem_shared>>
      tpu.wait_dma2 semaphore(%run_scoped3A : memref<!tpu.dma_semaphore, #tpu.memory_space<semaphore_mem>>) src(%arg16 : memref<64x128xf32, #tpu.memory_space<vmem>>) dst(%dma_wait3A_61 : memref<64x128xf32, #tpu.memory_space<vmem_shared>>)
      tpu.yield
    }) : () -> ()
    %mul3A_39 = arith.constant 640 : i32
    %mul3A_40 = arith.muli %arg1, %mul3A_39 : i32
    %add3A_41 = arith.constant 576 : i32
    %add3A_42 = arith.addi %mul3A_40, %add3A_41 : i32
    "tpu.region"() ({
      %run_scoped3A = tpu.sem_alloc : memref<!tpu.dma_semaphore, #tpu.memory_space<semaphore_mem>>
      %dma_start3A = arith.constant 0 : i32
      %dma_start3A_56 = tpu.memref_slice %arg19[%add3A_42, %dma_start3A] : memref<10240x128xf32, #tpu.memory_space<vmem_shared>> -> memref<64x128xf32, #tpu.memory_space<vmem_shared>>
      %dma_start3A_57 = arith.constant 0 : i32
      %dma_start3A_58 = tpu.memref_slice %arg19[%add3A_42, %dma_start3A_57] : memref<10240x128xf32, #tpu.memory_space<vmem_shared>> -> memref<64x128xf32, #tpu.memory_space<vmem_shared>>
      tpu.enqueue_dma source(%arg16 : memref<64x128xf32, #tpu.memory_space<vmem>>) target(%dma_start3A_58 : memref<64x128xf32, #tpu.memory_space<vmem_shared>>) target_semaphore(%run_scoped3A : memref<!tpu.dma_semaphore, #tpu.memory_space<semaphore_mem>>)
      %dma_wait3A = arith.constant 0 : i32
      %dma_wait3A_59 = tpu.memref_slice %arg19[%add3A_42, %dma_wait3A] : memref<10240x128xf32, #tpu.memory_space<vmem_shared>> -> memref<64x128xf32, #tpu.memory_space<vmem_shared>>
      %dma_wait3A_60 = arith.constant 0 : i32
      %dma_wait3A_61 = tpu.memref_slice %arg19[%add3A_42, %dma_wait3A_60] : memref<10240x128xf32, #tpu.memory_space<vmem_shared>> -> memref<64x128xf32, #tpu.memory_space<vmem_shared>>
      tpu.wait_dma2 semaphore(%run_scoped3A : memref<!tpu.dma_semaphore, #tpu.memory_space<semaphore_mem>>) src(%arg16 : memref<64x128xf32, #tpu.memory_space<vmem>>) dst(%dma_wait3A_61 : memref<64x128xf32, #tpu.memory_space<vmem_shared>>)
      tpu.yield
    }) : () -> ()
    %barrier3A = arith.constant 0 : index
    tpu.barrier barrier_id(%barrier3A)
    %scan3A = arith.constant 0 : i32
    %scan3A_43 = arith.constant 0 : i32
    %scan3A_44 = arith.constant 42 : i32
    %scan3A_45 = arith.addi %scan3A_43, %scan3A_44 : i32
    %scan3A_46 = arith.constant 1 : i32
    scf.for %scan3A_56 = %scan3A_43 to %scan3A_45 step %scan3A_46  : i32 {
      %mul3A_57 = arith.constant 240 : i32
      %mul3A_58 = arith.muli %scan3A_56, %mul3A_57 : i32
      %add3A_59 = arith.addi %mul3A_2, %mul3A_58 : i32
      %multiple_of3A = tpu.assume_multiple %add3A_59, 8 : i32
      %add3A_60 = arith.constant 0 : i32
      %add3A_61 = arith.addi %multiple_of3A, %add3A_60 : i32
      %dma_start3A = tpu.memref_slice %arg3[%add3A_61] : memref<322560xi32, #tpu.memory_space<hbm>> -> memref<80xi32, #tpu.memory_space<hbm>>
      %dma_start3A_62 = tpu.memref_slice %arg3[%add3A_61] : memref<322560xi32, #tpu.memory_space<hbm>> -> memref<80xi32, #tpu.memory_space<hbm>>
      tpu.enqueue_dma source(%dma_start3A_62 : memref<80xi32, #tpu.memory_space<hbm>>) target(%arg7 : memref<80xi32, #tpu.memory_space<vmem>>) target_semaphore(%arg18 : memref<!tpu.dma_semaphore, #tpu.memory_space<semaphore_mem>>)
      %add3A_63 = arith.constant 0 : i32
      %add3A_64 = arith.addi %multiple_of3A, %add3A_63 : i32
      %dma_start3A_65 = tpu.memref_slice %arg4[%add3A_64] : memref<322560xi32, #tpu.memory_space<hbm>> -> memref<80xi32, #tpu.memory_space<hbm>>
      %dma_start3A_66 = tpu.memref_slice %arg4[%add3A_64] : memref<322560xi32, #tpu.memory_space<hbm>> -> memref<80xi32, #tpu.memory_space<hbm>>
      tpu.enqueue_dma source(%dma_start3A_66 : memref<80xi32, #tpu.memory_space<hbm>>) target(%arg10 : memref<80xi32, #tpu.memory_space<vmem>>) target_semaphore(%arg18 : memref<!tpu.dma_semaphore, #tpu.memory_space<semaphore_mem>>)
      %add3A_67 = arith.constant 80 : i32
      %add3A_68 = arith.addi %multiple_of3A, %add3A_67 : i32
      %dma_start3A_69 = tpu.memref_slice %arg3[%add3A_68] : memref<322560xi32, #tpu.memory_space<hbm>> -> memref<80xi32, #tpu.memory_space<hbm>>
      %dma_start3A_70 = tpu.memref_slice %arg3[%add3A_68] : memref<322560xi32, #tpu.memory_space<hbm>> -> memref<80xi32, #tpu.memory_space<hbm>>
      tpu.enqueue_dma source(%dma_start3A_70 : memref<80xi32, #tpu.memory_space<hbm>>) target(%arg8 : memref<80xi32, #tpu.memory_space<vmem>>) target_semaphore(%arg18 : memref<!tpu.dma_semaphore, #tpu.memory_space<semaphore_mem>>)
      %add3A_71 = arith.constant 80 : i32
      %add3A_72 = arith.addi %multiple_of3A, %add3A_71 : i32
      %dma_start3A_73 = tpu.memref_slice %arg4[%add3A_72] : memref<322560xi32, #tpu.memory_space<hbm>> -> memref<80xi32, #tpu.memory_space<hbm>>
      %dma_start3A_74 = tpu.memref_slice %arg4[%add3A_72] : memref<322560xi32, #tpu.memory_space<hbm>> -> memref<80xi32, #tpu.memory_space<hbm>>
      tpu.enqueue_dma source(%dma_start3A_74 : memref<80xi32, #tpu.memory_space<hbm>>) target(%arg11 : memref<80xi32, #tpu.memory_space<vmem>>) target_semaphore(%arg18 : memref<!tpu.dma_semaphore, #tpu.memory_space<semaphore_mem>>)
      %add3A_75 = arith.constant 160 : i32
      %add3A_76 = arith.addi %multiple_of3A, %add3A_75 : i32
      %dma_start3A_77 = tpu.memref_slice %arg3[%add3A_76] : memref<322560xi32, #tpu.memory_space<hbm>> -> memref<80xi32, #tpu.memory_space<hbm>>
      %dma_start3A_78 = tpu.memref_slice %arg3[%add3A_76] : memref<322560xi32, #tpu.memory_space<hbm>> -> memref<80xi32, #tpu.memory_space<hbm>>
      tpu.enqueue_dma source(%dma_start3A_78 : memref<80xi32, #tpu.memory_space<hbm>>) target(%arg9 : memref<80xi32, #tpu.memory_space<vmem>>) target_semaphore(%arg18 : memref<!tpu.dma_semaphore, #tpu.memory_space<semaphore_mem>>)
      %add3A_79 = arith.constant 160 : i32
      %add3A_80 = arith.addi %multiple_of3A, %add3A_79 : i32
      %dma_start3A_81 = tpu.memref_slice %arg4[%add3A_80] : memref<322560xi32, #tpu.memory_space<hbm>> -> memref<80xi32, #tpu.memory_space<hbm>>
      %dma_start3A_82 = tpu.memref_slice %arg4[%add3A_80] : memref<322560xi32, #tpu.memory_space<hbm>> -> memref<80xi32, #tpu.memory_space<hbm>>
      tpu.enqueue_dma source(%dma_start3A_82 : memref<80xi32, #tpu.memory_space<hbm>>) target(%arg12 : memref<80xi32, #tpu.memory_space<vmem>>) target_semaphore(%arg18 : memref<!tpu.dma_semaphore, #tpu.memory_space<semaphore_mem>>)
      %dma_wait3A = tpu.memref_slice %arg3[%add3A_61] : memref<322560xi32, #tpu.memory_space<hbm>> -> memref<80xi32, #tpu.memory_space<hbm>>
      %dma_wait3A_83 = tpu.memref_slice %arg3[%add3A_61] : memref<322560xi32, #tpu.memory_space<hbm>> -> memref<80xi32, #tpu.memory_space<hbm>>
      tpu.wait_dma2 semaphore(%arg18 : memref<!tpu.dma_semaphore, #tpu.memory_space<semaphore_mem>>) src(%dma_wait3A_83 : memref<80xi32, #tpu.memory_space<hbm>>) dst(%arg7 : memref<80xi32, #tpu.memory_space<vmem>>)
      %dma_wait3A_84 = tpu.memref_slice %arg4[%add3A_64] : memref<322560xi32, #tpu.memory_space<hbm>> -> memref<80xi32, #tpu.memory_space<hbm>>
      %dma_wait3A_85 = tpu.memref_slice %arg4[%add3A_64] : memref<322560xi32, #tpu.memory_space<hbm>> -> memref<80xi32, #tpu.memory_space<hbm>>
      tpu.wait_dma2 semaphore(%arg18 : memref<!tpu.dma_semaphore, #tpu.memory_space<semaphore_mem>>) src(%dma_wait3A_85 : memref<80xi32, #tpu.memory_space<hbm>>) dst(%arg10 : memref<80xi32, #tpu.memory_space<vmem>>)
      %dma_wait3A_86 = tpu.memref_slice %arg3[%add3A_68] : memref<322560xi32, #tpu.memory_space<hbm>> -> memref<80xi32, #tpu.memory_space<hbm>>
      %dma_wait3A_87 = tpu.memref_slice %arg3[%add3A_68] : memref<322560xi32, #tpu.memory_space<hbm>> -> memref<80xi32, #tpu.memory_space<hbm>>
      tpu.wait_dma2 semaphore(%arg18 : memref<!tpu.dma_semaphore, #tpu.memory_space<semaphore_mem>>) src(%dma_wait3A_87 : memref<80xi32, #tpu.memory_space<hbm>>) dst(%arg8 : memref<80xi32, #tpu.memory_space<vmem>>)
      %dma_wait3A_88 = tpu.memref_slice %arg4[%add3A_72] : memref<322560xi32, #tpu.memory_space<hbm>> -> memref<80xi32, #tpu.memory_space<hbm>>
      %dma_wait3A_89 = tpu.memref_slice %arg4[%add3A_72] : memref<322560xi32, #tpu.memory_space<hbm>> -> memref<80xi32, #tpu.memory_space<hbm>>
      tpu.wait_dma2 semaphore(%arg18 : memref<!tpu.dma_semaphore, #tpu.memory_space<semaphore_mem>>) src(%dma_wait3A_89 : memref<80xi32, #tpu.memory_space<hbm>>) dst(%arg11 : memref<80xi32, #tpu.memory_space<vmem>>)
      %dma_wait3A_90 = tpu.memref_slice %arg3[%add3A_76] : memref<322560xi32, #tpu.memory_space<hbm>> -> memref<80xi32, #tpu.memory_space<hbm>>
      %dma_wait3A_91 = tpu.memref_slice %arg3[%add3A_76] : memref<322560xi32, #tpu.memory_space<hbm>> -> memref<80xi32, #tpu.memory_space<hbm>>
      tpu.wait_dma2 semaphore(%arg18 : memref<!tpu.dma_semaphore, #tpu.memory_space<semaphore_mem>>) src(%dma_wait3A_91 : memref<80xi32, #tpu.memory_space<hbm>>) dst(%arg9 : memref<80xi32, #tpu.memory_space<vmem>>)
      %dma_wait3A_92 = tpu.memref_slice %arg4[%add3A_80] : memref<322560xi32, #tpu.memory_space<hbm>> -> memref<80xi32, #tpu.memory_space<hbm>>
      %dma_wait3A_93 = tpu.memref_slice %arg4[%add3A_80] : memref<322560xi32, #tpu.memory_space<hbm>> -> memref<80xi32, #tpu.memory_space<hbm>>
      tpu.wait_dma2 semaphore(%arg18 : memref<!tpu.dma_semaphore, #tpu.memory_space<semaphore_mem>>) src(%dma_wait3A_93 : memref<80xi32, #tpu.memory_space<hbm>>) dst(%arg12 : memref<80xi32, #tpu.memory_space<vmem>>)
      %dma_start3A_94 = arith.constant 0 : i32
      %dma_start3A_95 = arith.constant 0 : i32
      %dma_start3A_96 = tpu.memref_slice %arg2[%dma_start3A_94, %dma_start3A_95] : memref<10240x128xf32, #tpu.memory_space<hbm>> -> memref<10240x128xf32, #tpu.memory_space<hbm>>
      tpu.enqueue_indirect_dma source(%dma_start3A_96 : memref<10240x128xf32, #tpu.memory_space<hbm>>) target(%arg13 : memref<80x128xf32, #tpu.memory_space<vmem>>) offsets(%arg7 : memref<80xi32, #tpu.memory_space<vmem>>) semaphore(%arg17 : memref<!tpu.dma_semaphore, #tpu.memory_space<semaphore_mem>>)
      %dma_start3A_97 = arith.constant 0 : i32
      %dma_start3A_98 = arith.constant 0 : i32
      %dma_start3A_99 = tpu.memref_slice %arg2[%dma_start3A_97, %dma_start3A_98] : memref<10240x128xf32, #tpu.memory_space<hbm>> -> memref<10240x128xf32, #tpu.memory_space<hbm>>
      tpu.enqueue_indirect_dma source(%dma_start3A_99 : memref<10240x128xf32, #tpu.memory_space<hbm>>) target(%arg14 : memref<80x128xf32, #tpu.memory_space<vmem>>) offsets(%arg8 : memref<80xi32, #tpu.memory_space<vmem>>) semaphore(%arg17 : memref<!tpu.dma_semaphore, #tpu.memory_space<semaphore_mem>>)
      %dma_start3A_100 = arith.constant 0 : i32
      %dma_start3A_101 = arith.constant 0 : i32
      %dma_start3A_102 = tpu.memref_slice %arg2[%dma_start3A_100, %dma_start3A_101] : memref<10240x128xf32, #tpu.memory_space<hbm>> -> memref<10240x128xf32, #tpu.memory_space<hbm>>
      tpu.enqueue_indirect_dma source(%dma_start3A_102 : memref<10240x128xf32, #tpu.memory_space<hbm>>) target(%arg15 : memref<80x128xf32, #tpu.memory_space<vmem>>) offsets(%arg9 : memref<80xi32, #tpu.memory_space<vmem>>) semaphore(%arg17 : memref<!tpu.dma_semaphore, #tpu.memory_space<semaphore_mem>>)
      %dma_wait3A_103 = arith.constant 0 : i32
      %dma_wait3A_104 = arith.constant 0 : i32
      %dma_wait3A_105 = tpu.memref_slice %arg2[%dma_wait3A_103, %dma_wait3A_104] : memref<10240x128xf32, #tpu.memory_space<hbm>> -> memref<10240x128xf32, #tpu.memory_space<hbm>>
      tpu.wait_indirect_dma semaphore(%arg17 : memref<!tpu.dma_semaphore, #tpu.memory_space<semaphore_mem>>) src(%dma_wait3A_105 : memref<10240x128xf32, #tpu.memory_space<hbm>>) dst(%arg13 : memref<80x128xf32, #tpu.memory_space<vmem>>)
      "tpu.region"() ({
        %run_scoped3A = tpu.sem_alloc : memref<!tpu.dma_semaphore, #tpu.memory_space<semaphore_mem>>
        %dma_start3A_112 = arith.constant 0 : i32
        %dma_start3A_113 = arith.constant 0 : i32
        %dma_start3A_114 = tpu.memref_slice %arg19[%dma_start3A_112, %dma_start3A_113] : memref<10240x128xf32, #tpu.memory_space<vmem_shared>> -> memref<10240x128xf32, #tpu.memory_space<vmem_shared>>
        tpu.enqueue_indirect_dma source(%arg13 : memref<80x128xf32, #tpu.memory_space<vmem>>) target(%dma_start3A_114 : memref<10240x128xf32, #tpu.memory_space<vmem_shared>>) offsets(%arg10 : memref<80xi32, #tpu.memory_space<vmem>>) semaphore(%run_scoped3A : memref<!tpu.dma_semaphore, #tpu.memory_space<semaphore_mem>>) {add = true}
        %dma_wait3A_115 = arith.constant 0 : i32
        %dma_wait3A_116 = arith.constant 0 : i32
        %dma_wait3A_117 = tpu.memref_slice %arg19[%dma_wait3A_115, %dma_wait3A_116] : memref<10240x128xf32, #tpu.memory_space<vmem_shared>> -> memref<10240x128xf32, #tpu.memory_space<vmem_shared>>
        tpu.wait_indirect_dma semaphore(%run_scoped3A : memref<!tpu.dma_semaphore, #tpu.memory_space<semaphore_mem>>) src(%arg13 : memref<80x128xf32, #tpu.memory_space<vmem>>) dst(%dma_wait3A_117 : memref<10240x128xf32, #tpu.memory_space<vmem_shared>>)
        tpu.yield
      }) : () -> ()
      %dma_wait3A_106 = arith.constant 0 : i32
      %dma_wait3A_107 = arith.constant 0 : i32
      %dma_wait3A_108 = tpu.memref_slice %arg2[%dma_wait3A_106, %dma_wait3A_107] : memref<10240x128xf32, #tpu.memory_space<hbm>> -> memref<10240x128xf32, #tpu.memory_space<hbm>>
      tpu.wait_indirect_dma semaphore(%arg17 : memref<!tpu.dma_semaphore, #tpu.memory_space<semaphore_mem>>) src(%dma_wait3A_108 : memref<10240x128xf32, #tpu.memory_space<hbm>>) dst(%arg14 : memref<80x128xf32, #tpu.memory_space<vmem>>)
      "tpu.region"() ({
        %run_scoped3A = tpu.sem_alloc : memref<!tpu.dma_semaphore, #tpu.memory_space<semaphore_mem>>
        %dma_start3A_112 = arith.constant 0 : i32
        %dma_start3A_113 = arith.constant 0 : i32
        %dma_start3A_114 = tpu.memref_slice %arg19[%dma_start3A_112, %dma_start3A_113] : memref<10240x128xf32, #tpu.memory_space<vmem_shared>> -> memref<10240x128xf32, #tpu.memory_space<vmem_shared>>
        tpu.enqueue_indirect_dma source(%arg14 : memref<80x128xf32, #tpu.memory_space<vmem>>) target(%dma_start3A_114 : memref<10240x128xf32, #tpu.memory_space<vmem_shared>>) offsets(%arg11 : memref<80xi32, #tpu.memory_space<vmem>>) semaphore(%run_scoped3A : memref<!tpu.dma_semaphore, #tpu.memory_space<semaphore_mem>>) {add = true}
        %dma_wait3A_115 = arith.constant 0 : i32
        %dma_wait3A_116 = arith.constant 0 : i32
        %dma_wait3A_117 = tpu.memref_slice %arg19[%dma_wait3A_115, %dma_wait3A_116] : memref<10240x128xf32, #tpu.memory_space<vmem_shared>> -> memref<10240x128xf32, #tpu.memory_space<vmem_shared>>
        tpu.wait_indirect_dma semaphore(%run_scoped3A : memref<!tpu.dma_semaphore, #tpu.memory_space<semaphore_mem>>) src(%arg14 : memref<80x128xf32, #tpu.memory_space<vmem>>) dst(%dma_wait3A_117 : memref<10240x128xf32, #tpu.memory_space<vmem_shared>>)
        tpu.yield
      }) : () -> ()
      %dma_wait3A_109 = arith.constant 0 : i32
      %dma_wait3A_110 = arith.constant 0 : i32
      %dma_wait3A_111 = tpu.memref_slice %arg2[%dma_wait3A_109, %dma_wait3A_110] : memref<10240x128xf32, #tpu.memory_space<hbm>> -> memref<10240x128xf32, #tpu.memory_space<hbm>>
      tpu.wait_indirect_dma semaphore(%arg17 : memref<!tpu.dma_semaphore, #tpu.memory_space<semaphore_mem>>) src(%dma_wait3A_111 : memref<10240x128xf32, #tpu.memory_space<hbm>>) dst(%arg15 : memref<80x128xf32, #tpu.memory_space<vmem>>)
      "tpu.region"() ({
        %run_scoped3A = tpu.sem_alloc : memref<!tpu.dma_semaphore, #tpu.memory_space<semaphore_mem>>
        %dma_start3A_112 = arith.constant 0 : i32
        %dma_start3A_113 = arith.constant 0 : i32
        %dma_start3A_114 = tpu.memref_slice %arg19[%dma_start3A_112, %dma_start3A_113] : memref<10240x128xf32, #tpu.memory_space<vmem_shared>> -> memref<10240x128xf32, #tpu.memory_space<vmem_shared>>
        tpu.enqueue_indirect_dma source(%arg15 : memref<80x128xf32, #tpu.memory_space<vmem>>) target(%dma_start3A_114 : memref<10240x128xf32, #tpu.memory_space<vmem_shared>>) offsets(%arg12 : memref<80xi32, #tpu.memory_space<vmem>>) semaphore(%run_scoped3A : memref<!tpu.dma_semaphore, #tpu.memory_space<semaphore_mem>>) {add = true}
        %dma_wait3A_115 = arith.constant 0 : i32
        %dma_wait3A_116 = arith.constant 0 : i32
        %dma_wait3A_117 = tpu.memref_slice %arg19[%dma_wait3A_115, %dma_wait3A_116] : memref<10240x128xf32, #tpu.memory_space<vmem_shared>> -> memref<10240x128xf32, #tpu.memory_space<vmem_shared>>
        tpu.wait_indirect_dma semaphore(%run_scoped3A : memref<!tpu.dma_semaphore, #tpu.memory_space<semaphore_mem>>) src(%arg15 : memref<80x128xf32, #tpu.memory_space<vmem>>) dst(%dma_wait3A_117 : memref<10240x128xf32, #tpu.memory_space<vmem_shared>>)
        tpu.yield
      }) : () -> ()
    }
    %scan3A_47 = arith.constant 42 : i32
    %barrier3A_48 = arith.constant 0 : index
    tpu.barrier barrier_id(%barrier3A_48)
    %mul3A_49 = arith.constant 640 : i32
    %mul3A_50 = arith.muli %arg1, %mul3A_49 : i32
    %mul3A_51 = arith.constant 10240 : i32
    %mul3A_52 = arith.muli %arg0, %mul3A_51 : i32
    %mul3A_53 = arith.constant 640 : i32
    %mul3A_54 = arith.muli %arg1, %mul3A_53 : i32
    %add3A_55 = arith.addi %mul3A_52, %mul3A_54 : i32
    "tpu.region"() ({
      %run_scoped3A = tpu.sem_alloc : memref<!tpu.dma_semaphore, #tpu.memory_space<semaphore_mem>>
      %dma_start3A = arith.constant 0 : i32
      %dma_start3A_56 = tpu.memref_slice %arg6[%add3A_55, %dma_start3A] : memref<20480x128xf32, #tpu.memory_space<hbm>> -> memref<640x128xf32, #tpu.memory_space<hbm>>
      %dma_start3A_57 = arith.constant 0 : i32
      %dma_start3A_58 = tpu.memref_slice %arg19[%mul3A_50, %dma_start3A_57] : memref<10240x128xf32, #tpu.memory_space<vmem_shared>> -> memref<640x128xf32, #tpu.memory_space<vmem_shared>>
      tpu.enqueue_dma source(%dma_start3A_58 : memref<640x128xf32, #tpu.memory_space<vmem_shared>>) target(%dma_start3A_56 : memref<640x128xf32, #tpu.memory_space<hbm>>) target_semaphore(%run_scoped3A : memref<!tpu.dma_semaphore, #tpu.memory_space<semaphore_mem>>)
      %dma_wait3A = arith.constant 0 : i32
      %dma_wait3A_59 = tpu.memref_slice %arg6[%add3A_55, %dma_wait3A] : memref<20480x128xf32, #tpu.memory_space<hbm>> -> memref<640x128xf32, #tpu.memory_space<hbm>>
      %dma_wait3A_60 = arith.constant 0 : i32
      %dma_wait3A_61 = tpu.memref_slice %arg19[%mul3A_50, %dma_wait3A_60] : memref<10240x128xf32, #tpu.memory_space<vmem_shared>> -> memref<640x128xf32, #tpu.memory_space<vmem_shared>>
      tpu.wait_dma2 semaphore(%run_scoped3A : memref<!tpu.dma_semaphore, #tpu.memory_space<semaphore_mem>>) src(%dma_wait3A_61 : memref<640x128xf32, #tpu.memory_space<vmem_shared>>) dst(%dma_wait3A_59 : memref<640x128xf32, #tpu.memory_space<hbm>>)
      tpu.yield
    }) : () -> ()
    return
  }
}

#map = affine_map<(d0, d1) -> (0, 0)>
#map1 = affine_map<(d0, d1) -> (0)>
module attributes {stable_mosaic.version = 14 : i64} {
  func.func @_seg_sum_body(%arg0: i32, %arg1: i32, %arg2: memref<10240x128xf32, #tpu.memory_space<hbm>>, %arg3: memref<322560xi32, #tpu.memory_space<hbm>>, %arg4: memref<322560xi32, #tpu.memory_space<hbm>>, %arg5: memref<64x128xf32, #tpu.memory_space<hbm>>, %arg6: memref<20480x128xf32, #tpu.memory_space<hbm>>, %arg7: memref<80xi32, #tpu.memory_space<vmem>>, %arg8: memref<80xi32, #tpu.memory_space<vmem>>, %arg9: memref<80xi32, #tpu.memory_space<vmem>>, %arg10: memref<80xi32, #tpu.memory_space<vmem>>, %arg11: memref<80xi32, #tpu.memory_space<vmem>>, %arg12: memref<80xi32, #tpu.memory_space<vmem>>, %arg13: memref<80x128xf32, #tpu.memory_space<vmem>>, %arg14: memref<80x128xf32, #tpu.memory_space<vmem>>, %arg15: memref<80x128xf32, #tpu.memory_space<vmem>>, %arg16: memref<64x128xf32, #tpu.memory_space<vmem>>, %arg17: memref<!tpu.dma_semaphore, #tpu.memory_space<semaphore_mem>>, %arg18: memref<!tpu.dma_semaphore, #tpu.memory_space<semaphore_mem>>, %arg19: memref<10240x128xf32, #tpu.memory_space<vmem_shared>>) attributes {dimension_semantics = [#tpu.dimension_semantics<core_parallel>, #tpu.dimension_semantics<subcore_parallel>], iteration_bounds = array<i64: 2, 16>, scalar_prefetch = 0 : i64, scratch_operands = 13 : i64, tpu.core_type = #tpu.core_type<sc_vector_subcore>, window_params = [{transform_indices = #map}, {transform_indices = #map1}, {transform_indices = #map1}, {transform_indices = #map}, {transform_indices = #map}]} {
    %mul3A = arith.constant 2 : i32
    %mul3A_0 = arith.muli %arg1, %mul3A : i32
    %add3A = arith.addi %mul3A_0, %arg0 : i32
    %mul3A_1 = arith.constant 10080 : i32
    %mul3A_2 = arith.muli %add3A, %mul3A_1 : i32
    "tpu.region"() ({
      %run_scoped3A = tpu.sem_alloc : memref<!tpu.dma_semaphore, #tpu.memory_space<semaphore_mem>>
      tpu.enqueue_dma source(%arg5 : memref<64x128xf32, #tpu.memory_space<hbm>>) target(%arg16 : memref<64x128xf32, #tpu.memory_space<vmem>>) target_semaphore(%run_scoped3A : memref<!tpu.dma_semaphore, #tpu.memory_space<semaphore_mem>>)
      tpu.wait_dma2 semaphore(%run_scoped3A : memref<!tpu.dma_semaphore, #tpu.memory_space<semaphore_mem>>) src(%arg5 : memref<64x128xf32, #tpu.memory_space<hbm>>) dst(%arg16 : memref<64x128xf32, #tpu.memory_space<vmem>>)
      tpu.yield
    }) : () -> ()
    %mul3A_3 = arith.constant 640 : i32
    %mul3A_4 = arith.muli %arg1, %mul3A_3 : i32
    %add3A_5 = arith.constant 0 : i32
    %add3A_6 = arith.addi %mul3A_4, %add3A_5 : i32
    "tpu.region"() ({
      %run_scoped3A = tpu.sem_alloc : memref<!tpu.dma_semaphore, #tpu.memory_space<semaphore_mem>>
      %dma_start3A = arith.constant 0 : i32
      %dma_start3A_56 = tpu.memref_slice %arg19[%add3A_6, %dma_start3A] : memref<10240x128xf32, #tpu.memory_space<vmem_shared>> -> memref<64x128xf32, #tpu.memory_space<vmem_shared>>
      %dma_start3A_57 = arith.constant 0 : i32
      %dma_start3A_58 = tpu.memref_slice %arg19[%add3A_6, %dma_start3A_57] : memref<10240x128xf32, #tpu.memory_space<vmem_shared>> -> memref<64x128xf32, #tpu.memory_space<vmem_shared>>
      tpu.enqueue_dma source(%arg16 : memref<64x128xf32, #tpu.memory_space<vmem>>) target(%dma_start3A_58 : memref<64x128xf32, #tpu.memory_space<vmem_shared>>) target_semaphore(%run_scoped3A : memref<!tpu.dma_semaphore, #tpu.memory_space<semaphore_mem>>)
      %dma_wait3A = arith.constant 0 : i32
      %dma_wait3A_59 = tpu.memref_slice %arg19[%add3A_6, %dma_wait3A] : memref<10240x128xf32, #tpu.memory_space<vmem_shared>> -> memref<64x128xf32, #tpu.memory_space<vmem_shared>>
      %dma_wait3A_60 = arith.constant 0 : i32
      %dma_wait3A_61 = tpu.memref_slice %arg19[%add3A_6, %dma_wait3A_60] : memref<10240x128xf32, #tpu.memory_space<vmem_shared>> -> memref<64x128xf32, #tpu.memory_space<vmem_shared>>
      tpu.wait_dma2 semaphore(%run_scoped3A : memref<!tpu.dma_semaphore, #tpu.memory_space<semaphore_mem>>) src(%arg16 : memref<64x128xf32, #tpu.memory_space<vmem>>) dst(%dma_wait3A_61 : memref<64x128xf32, #tpu.memory_space<vmem_shared>>)
      tpu.yield
    }) : () -> ()
    %mul3A_7 = arith.constant 640 : i32
    %mul3A_8 = arith.muli %arg1, %mul3A_7 : i32
    %add3A_9 = arith.constant 64 : i32
    %add3A_10 = arith.addi %mul3A_8, %add3A_9 : i32
    "tpu.region"() ({
      %run_scoped3A = tpu.sem_alloc : memref<!tpu.dma_semaphore, #tpu.memory_space<semaphore_mem>>
      %dma_start3A = arith.constant 0 : i32
      %dma_start3A_56 = tpu.memref_slice %arg19[%add3A_10, %dma_start3A] : memref<10240x128xf32, #tpu.memory_space<vmem_shared>> -> memref<64x128xf32, #tpu.memory_space<vmem_shared>>
      %dma_start3A_57 = arith.constant 0 : i32
      %dma_start3A_58 = tpu.memref_slice %arg19[%add3A_10, %dma_start3A_57] : memref<10240x128xf32, #tpu.memory_space<vmem_shared>> -> memref<64x128xf32, #tpu.memory_space<vmem_shared>>
      tpu.enqueue_dma source(%arg16 : memref<64x128xf32, #tpu.memory_space<vmem>>) target(%dma_start3A_58 : memref<64x128xf32, #tpu.memory_space<vmem_shared>>) target_semaphore(%run_scoped3A : memref<!tpu.dma_semaphore, #tpu.memory_space<semaphore_mem>>)
      %dma_wait3A = arith.constant 0 : i32
      %dma_wait3A_59 = tpu.memref_slice %arg19[%add3A_10, %dma_wait3A] : memref<10240x128xf32, #tpu.memory_space<vmem_shared>> -> memref<64x128xf32, #tpu.memory_space<vmem_shared>>
      %dma_wait3A_60 = arith.constant 0 : i32
      %dma_wait3A_61 = tpu.memref_slice %arg19[%add3A_10, %dma_wait3A_60] : memref<10240x128xf32, #tpu.memory_space<vmem_shared>> -> memref<64x128xf32, #tpu.memory_space<vmem_shared>>
      tpu.wait_dma2 semaphore(%run_scoped3A : memref<!tpu.dma_semaphore, #tpu.memory_space<semaphore_mem>>) src(%arg16 : memref<64x128xf32, #tpu.memory_space<vmem>>) dst(%dma_wait3A_61 : memref<64x128xf32, #tpu.memory_space<vmem_shared>>)
      tpu.yield
    }) : () -> ()
    %mul3A_11 = arith.constant 640 : i32
    %mul3A_12 = arith.muli %arg1, %mul3A_11 : i32
    %add3A_13 = arith.constant 128 : i32
    %add3A_14 = arith.addi %mul3A_12, %add3A_13 : i32
    "tpu.region"() ({
      %run_scoped3A = tpu.sem_alloc : memref<!tpu.dma_semaphore, #tpu.memory_space<semaphore_mem>>
      %dma_start3A = arith.constant 0 : i32
      %dma_start3A_56 = tpu.memref_slice %arg19[%add3A_14, %dma_start3A] : memref<10240x128xf32, #tpu.memory_space<vmem_shared>> -> memref<64x128xf32, #tpu.memory_space<vmem_shared>>
      %dma_start3A_57 = arith.constant 0 : i32
      %dma_start3A_58 = tpu.memref_slice %arg19[%add3A_14, %dma_start3A_57] : memref<10240x128xf32, #tpu.memory_space<vmem_shared>> -> memref<64x128xf32, #tpu.memory_space<vmem_shared>>
      tpu.enqueue_dma source(%arg16 : memref<64x128xf32, #tpu.memory_space<vmem>>) target(%dma_start3A_58 : memref<64x128xf32, #tpu.memory_space<vmem_shared>>) target_semaphore(%run_scoped3A : memref<!tpu.dma_semaphore, #tpu.memory_space<semaphore_mem>>)
      %dma_wait3A = arith.constant 0 : i32
      %dma_wait3A_59 = tpu.memref_slice %arg19[%add3A_14, %dma_wait3A] : memref<10240x128xf32, #tpu.memory_space<vmem_shared>> -> memref<64x128xf32, #tpu.memory_space<vmem_shared>>
      %dma_wait3A_60 = arith.constant 0 : i32
      %dma_wait3A_61 = tpu.memref_slice %arg19[%add3A_14, %dma_wait3A_60] : memref<10240x128xf32, #tpu.memory_space<vmem_shared>> -> memref<64x128xf32, #tpu.memory_space<vmem_shared>>
      tpu.wait_dma2 semaphore(%run_scoped3A : memref<!tpu.dma_semaphore, #tpu.memory_space<semaphore_mem>>) src(%arg16 : memref<64x128xf32, #tpu.memory_space<vmem>>) dst(%dma_wait3A_61 : memref<64x128xf32, #tpu.memory_space<vmem_shared>>)
      tpu.yield
    }) : () -> ()
    %mul3A_15 = arith.constant 640 : i32
    %mul3A_16 = arith.muli %arg1, %mul3A_15 : i32
    %add3A_17 = arith.constant 192 : i32
    %add3A_18 = arith.addi %mul3A_16, %add3A_17 : i32
    "tpu.region"() ({
      %run_scoped3A = tpu.sem_alloc : memref<!tpu.dma_semaphore, #tpu.memory_space<semaphore_mem>>
      %dma_start3A = arith.constant 0 : i32
      %dma_start3A_56 = tpu.memref_slice %arg19[%add3A_18, %dma_start3A] : memref<10240x128xf32, #tpu.memory_space<vmem_shared>> -> memref<64x128xf32, #tpu.memory_space<vmem_shared>>
      %dma_start3A_57 = arith.constant 0 : i32
      %dma_start3A_58 = tpu.memref_slice %arg19[%add3A_18, %dma_start3A_57] : memref<10240x128xf32, #tpu.memory_space<vmem_shared>> -> memref<64x128xf32, #tpu.memory_space<vmem_shared>>
      tpu.enqueue_dma source(%arg16 : memref<64x128xf32, #tpu.memory_space<vmem>>) target(%dma_start3A_58 : memref<64x128xf32, #tpu.memory_space<vmem_shared>>) target_semaphore(%run_scoped3A : memref<!tpu.dma_semaphore, #tpu.memory_space<semaphore_mem>>)
      %dma_wait3A = arith.constant 0 : i32
      %dma_wait3A_59 = tpu.memref_slice %arg19[%add3A_18, %dma_wait3A] : memref<10240x128xf32, #tpu.memory_space<vmem_shared>> -> memref<64x128xf32, #tpu.memory_space<vmem_shared>>
      %dma_wait3A_60 = arith.constant 0 : i32
      %dma_wait3A_61 = tpu.memref_slice %arg19[%add3A_18, %dma_wait3A_60] : memref<10240x128xf32, #tpu.memory_space<vmem_shared>> -> memref<64x128xf32, #tpu.memory_space<vmem_shared>>
      tpu.wait_dma2 semaphore(%run_scoped3A : memref<!tpu.dma_semaphore, #tpu.memory_space<semaphore_mem>>) src(%arg16 : memref<64x128xf32, #tpu.memory_space<vmem>>) dst(%dma_wait3A_61 : memref<64x128xf32, #tpu.memory_space<vmem_shared>>)
      tpu.yield
    }) : () -> ()
    %mul3A_19 = arith.constant 640 : i32
    %mul3A_20 = arith.muli %arg1, %mul3A_19 : i32
    %add3A_21 = arith.constant 256 : i32
    %add3A_22 = arith.addi %mul3A_20, %add3A_21 : i32
    "tpu.region"() ({
      %run_scoped3A = tpu.sem_alloc : memref<!tpu.dma_semaphore, #tpu.memory_space<semaphore_mem>>
      %dma_start3A = arith.constant 0 : i32
      %dma_start3A_56 = tpu.memref_slice %arg19[%add3A_22, %dma_start3A] : memref<10240x128xf32, #tpu.memory_space<vmem_shared>> -> memref<64x128xf32, #tpu.memory_space<vmem_shared>>
      %dma_start3A_57 = arith.constant 0 : i32
      %dma_start3A_58 = tpu.memref_slice %arg19[%add3A_22, %dma_start3A_57] : memref<10240x128xf32, #tpu.memory_space<vmem_shared>> -> memref<64x128xf32, #tpu.memory_space<vmem_shared>>
      tpu.enqueue_dma source(%arg16 : memref<64x128xf32, #tpu.memory_space<vmem>>) target(%dma_start3A_58 : memref<64x128xf32, #tpu.memory_space<vmem_shared>>) target_semaphore(%run_scoped3A : memref<!tpu.dma_semaphore, #tpu.memory_space<semaphore_mem>>)
      %dma_wait3A = arith.constant 0 : i32
      %dma_wait3A_59 = tpu.memref_slice %arg19[%add3A_22, %dma_wait3A] : memref<10240x128xf32, #tpu.memory_space<vmem_shared>> -> memref<64x128xf32, #tpu.memory_space<vmem_shared>>
      %dma_wait3A_60 = arith.constant 0 : i32
      %dma_wait3A_61 = tpu.memref_slice %arg19[%add3A_22, %dma_wait3A_60] : memref<10240x128xf32, #tpu.memory_space<vmem_shared>> -> memref<64x128xf32, #tpu.memory_space<vmem_shared>>
      tpu.wait_dma2 semaphore(%run_scoped3A : memref<!tpu.dma_semaphore, #tpu.memory_space<semaphore_mem>>) src(%arg16 : memref<64x128xf32, #tpu.memory_space<vmem>>) dst(%dma_wait3A_61 : memref<64x128xf32, #tpu.memory_space<vmem_shared>>)
      tpu.yield
    }) : () -> ()
    %mul3A_23 = arith.constant 640 : i32
    %mul3A_24 = arith.muli %arg1, %mul3A_23 : i32
    %add3A_25 = arith.constant 320 : i32
    %add3A_26 = arith.addi %mul3A_24, %add3A_25 : i32
    "tpu.region"() ({
      %run_scoped3A = tpu.sem_alloc : memref<!tpu.dma_semaphore, #tpu.memory_space<semaphore_mem>>
      %dma_start3A = arith.constant 0 : i32
      %dma_start3A_56 = tpu.memref_slice %arg19[%add3A_26, %dma_start3A] : memref<10240x128xf32, #tpu.memory_space<vmem_shared>> -> memref<64x128xf32, #tpu.memory_space<vmem_shared>>
      %dma_start3A_57 = arith.constant 0 : i32
      %dma_start3A_58 = tpu.memref_slice %arg19[%add3A_26, %dma_start3A_57] : memref<10240x128xf32, #tpu.memory_space<vmem_shared>> -> memref<64x128xf32, #tpu.memory_space<vmem_shared>>
      tpu.enqueue_dma source(%arg16 : memref<64x128xf32, #tpu.memory_space<vmem>>) target(%dma_start3A_58 : memref<64x128xf32, #tpu.memory_space<vmem_shared>>) target_semaphore(%run_scoped3A : memref<!tpu.dma_semaphore, #tpu.memory_space<semaphore_mem>>)
      %dma_wait3A = arith.constant 0 : i32
      %dma_wait3A_59 = tpu.memref_slice %arg19[%add3A_26, %dma_wait3A] : memref<10240x128xf32, #tpu.memory_space<vmem_shared>> -> memref<64x128xf32, #tpu.memory_space<vmem_shared>>
      %dma_wait3A_60 = arith.constant 0 : i32
      %dma_wait3A_61 = tpu.memref_slice %arg19[%add3A_26, %dma_wait3A_60] : memref<10240x128xf32, #tpu.memory_space<vmem_shared>> -> memref<64x128xf32, #tpu.memory_space<vmem_shared>>
      tpu.wait_dma2 semaphore(%run_scoped3A : memref<!tpu.dma_semaphore, #tpu.memory_space<semaphore_mem>>) src(%arg16 : memref<64x128xf32, #tpu.memory_space<vmem>>) dst(%dma_wait3A_61 : memref<64x128xf32, #tpu.memory_space<vmem_shared>>)
      tpu.yield
    }) : () -> ()
    %mul3A_27 = arith.constant 640 : i32
    %mul3A_28 = arith.muli %arg1, %mul3A_27 : i32
    %add3A_29 = arith.constant 384 : i32
    %add3A_30 = arith.addi %mul3A_28, %add3A_29 : i32
    "tpu.region"() ({
      %run_scoped3A = tpu.sem_alloc : memref<!tpu.dma_semaphore, #tpu.memory_space<semaphore_mem>>
      %dma_start3A = arith.constant 0 : i32
      %dma_start3A_56 = tpu.memref_slice %arg19[%add3A_30, %dma_start3A] : memref<10240x128xf32, #tpu.memory_space<vmem_shared>> -> memref<64x128xf32, #tpu.memory_space<vmem_shared>>
      %dma_start3A_57 = arith.constant 0 : i32
      %dma_start3A_58 = tpu.memref_slice %arg19[%add3A_30, %dma_start3A_57] : memref<10240x128xf32, #tpu.memory_space<vmem_shared>> -> memref<64x128xf32, #tpu.memory_space<vmem_shared>>
      tpu.enqueue_dma source(%arg16 : memref<64x128xf32, #tpu.memory_space<vmem>>) target(%dma_start3A_58 : memref<64x128xf32, #tpu.memory_space<vmem_shared>>) target_semaphore(%run_scoped3A : memref<!tpu.dma_semaphore, #tpu.memory_space<semaphore_mem>>)
      %dma_wait3A = arith.constant 0 : i32
      %dma_wait3A_59 = tpu.memref_slice %arg19[%add3A_30, %dma_wait3A] : memref<10240x128xf32, #tpu.memory_space<vmem_shared>> -> memref<64x128xf32, #tpu.memory_space<vmem_shared>>
      %dma_wait3A_60 = arith.constant 0 : i32
      %dma_wait3A_61 = tpu.memref_slice %arg19[%add3A_30, %dma_wait3A_60] : memref<10240x128xf32, #tpu.memory_space<vmem_shared>> -> memref<64x128xf32, #tpu.memory_space<vmem_shared>>
      tpu.wait_dma2 semaphore(%run_scoped3A : memref<!tpu.dma_semaphore, #tpu.memory_space<semaphore_mem>>) src(%arg16 : memref<64x128xf32, #tpu.memory_space<vmem>>) dst(%dma_wait3A_61 : memref<64x128xf32, #tpu.memory_space<vmem_shared>>)
      tpu.yield
    }) : () -> ()
    %mul3A_31 = arith.constant 640 : i32
    %mul3A_32 = arith.muli %arg1, %mul3A_31 : i32
    %add3A_33 = arith.constant 448 : i32
    %add3A_34 = arith.addi %mul3A_32, %add3A_33 : i32
    "tpu.region"() ({
      %run_scoped3A = tpu.sem_alloc : memref<!tpu.dma_semaphore, #tpu.memory_space<semaphore_mem>>
      %dma_start3A = arith.constant 0 : i32
      %dma_start3A_56 = tpu.memref_slice %arg19[%add3A_34, %dma_start3A] : memref<10240x128xf32, #tpu.memory_space<vmem_shared>> -> memref<64x128xf32, #tpu.memory_space<vmem_shared>>
      %dma_start3A_57 = arith.constant 0 : i32
      %dma_start3A_58 = tpu.memref_slice %arg19[%add3A_34, %dma_start3A_57] : memref<10240x128xf32, #tpu.memory_space<vmem_shared>> -> memref<64x128xf32, #tpu.memory_space<vmem_shared>>
      tpu.enqueue_dma source(%arg16 : memref<64x128xf32, #tpu.memory_space<vmem>>) target(%dma_start3A_58 : memref<64x128xf32, #tpu.memory_space<vmem_shared>>) target_semaphore(%run_scoped3A : memref<!tpu.dma_semaphore, #tpu.memory_space<semaphore_mem>>)
      %dma_wait3A = arith.constant 0 : i32
      %dma_wait3A_59 = tpu.memref_slice %arg19[%add3A_34, %dma_wait3A] : memref<10240x128xf32, #tpu.memory_space<vmem_shared>> -> memref<64x128xf32, #tpu.memory_space<vmem_shared>>
      %dma_wait3A_60 = arith.constant 0 : i32
      %dma_wait3A_61 = tpu.memref_slice %arg19[%add3A_34, %dma_wait3A_60] : memref<10240x128xf32, #tpu.memory_space<vmem_shared>> -> memref<64x128xf32, #tpu.memory_space<vmem_shared>>
      tpu.wait_dma2 semaphore(%run_scoped3A : memref<!tpu.dma_semaphore, #tpu.memory_space<semaphore_mem>>) src(%arg16 : memref<64x128xf32, #tpu.memory_space<vmem>>) dst(%dma_wait3A_61 : memref<64x128xf32, #tpu.memory_space<vmem_shared>>)
      tpu.yield
    }) : () -> ()
    %mul3A_35 = arith.constant 640 : i32
    %mul3A_36 = arith.muli %arg1, %mul3A_35 : i32
    %add3A_37 = arith.constant 512 : i32
    %add3A_38 = arith.addi %mul3A_36, %add3A_37 : i32
    "tpu.region"() ({
      %run_scoped3A = tpu.sem_alloc : memref<!tpu.dma_semaphore, #tpu.memory_space<semaphore_mem>>
      %dma_start3A = arith.constant 0 : i32
      %dma_start3A_56 = tpu.memref_slice %arg19[%add3A_38, %dma_start3A] : memref<10240x128xf32, #tpu.memory_space<vmem_shared>> -> memref<64x128xf32, #tpu.memory_space<vmem_shared>>
      %dma_start3A_57 = arith.constant 0 : i32
      %dma_start3A_58 = tpu.memref_slice %arg19[%add3A_38, %dma_start3A_57] : memref<10240x128xf32, #tpu.memory_space<vmem_shared>> -> memref<64x128xf32, #tpu.memory_space<vmem_shared>>
      tpu.enqueue_dma source(%arg16 : memref<64x128xf32, #tpu.memory_space<vmem>>) target(%dma_start3A_58 : memref<64x128xf32, #tpu.memory_space<vmem_shared>>) target_semaphore(%run_scoped3A : memref<!tpu.dma_semaphore, #tpu.memory_space<semaphore_mem>>)
      %dma_wait3A = arith.constant 0 : i32
      %dma_wait3A_59 = tpu.memref_slice %arg19[%add3A_38, %dma_wait3A] : memref<10240x128xf32, #tpu.memory_space<vmem_shared>> -> memref<64x128xf32, #tpu.memory_space<vmem_shared>>
      %dma_wait3A_60 = arith.constant 0 : i32
      %dma_wait3A_61 = tpu.memref_slice %arg19[%add3A_38, %dma_wait3A_60] : memref<10240x128xf32, #tpu.memory_space<vmem_shared>> -> memref<64x128xf32, #tpu.memory_space<vmem_shared>>
      tpu.wait_dma2 semaphore(%run_scoped3A : memref<!tpu.dma_semaphore, #tpu.memory_space<semaphore_mem>>) src(%arg16 : memref<64x128xf32, #tpu.memory_space<vmem>>) dst(%dma_wait3A_61 : memref<64x128xf32, #tpu.memory_space<vmem_shared>>)
      tpu.yield
    }) : () -> ()
    %mul3A_39 = arith.constant 640 : i32
    %mul3A_40 = arith.muli %arg1, %mul3A_39 : i32
    %add3A_41 = arith.constant 576 : i32
    %add3A_42 = arith.addi %mul3A_40, %add3A_41 : i32
    "tpu.region"() ({
      %run_scoped3A = tpu.sem_alloc : memref<!tpu.dma_semaphore, #tpu.memory_space<semaphore_mem>>
      %dma_start3A = arith.constant 0 : i32
      %dma_start3A_56 = tpu.memref_slice %arg19[%add3A_42, %dma_start3A] : memref<10240x128xf32, #tpu.memory_space<vmem_shared>> -> memref<64x128xf32, #tpu.memory_space<vmem_shared>>
      %dma_start3A_57 = arith.constant 0 : i32
      %dma_start3A_58 = tpu.memref_slice %arg19[%add3A_42, %dma_start3A_57] : memref<10240x128xf32, #tpu.memory_space<vmem_shared>> -> memref<64x128xf32, #tpu.memory_space<vmem_shared>>
      tpu.enqueue_dma source(%arg16 : memref<64x128xf32, #tpu.memory_space<vmem>>) target(%dma_start3A_58 : memref<64x128xf32, #tpu.memory_space<vmem_shared>>) target_semaphore(%run_scoped3A : memref<!tpu.dma_semaphore, #tpu.memory_space<semaphore_mem>>)
      %dma_wait3A = arith.constant 0 : i32
      %dma_wait3A_59 = tpu.memref_slice %arg19[%add3A_42, %dma_wait3A] : memref<10240x128xf32, #tpu.memory_space<vmem_shared>> -> memref<64x128xf32, #tpu.memory_space<vmem_shared>>
      %dma_wait3A_60 = arith.constant 0 : i32
      %dma_wait3A_61 = tpu.memref_slice %arg19[%add3A_42, %dma_wait3A_60] : memref<10240x128xf32, #tpu.memory_space<vmem_shared>> -> memref<64x128xf32, #tpu.memory_space<vmem_shared>>
      tpu.wait_dma2 semaphore(%run_scoped3A : memref<!tpu.dma_semaphore, #tpu.memory_space<semaphore_mem>>) src(%arg16 : memref<64x128xf32, #tpu.memory_space<vmem>>) dst(%dma_wait3A_61 : memref<64x128xf32, #tpu.memory_space<vmem_shared>>)
      tpu.yield
    }) : () -> ()
    %barrier3A = arith.constant 0 : index
    tpu.barrier barrier_id(%barrier3A)
    %scan3A = arith.constant 0 : i32
    %scan3A_43 = arith.constant 0 : i32
    %scan3A_44 = arith.constant 42 : i32
    %scan3A_45 = arith.addi %scan3A_43, %scan3A_44 : i32
    %scan3A_46 = arith.constant 1 : i32
    scf.for %scan3A_56 = %scan3A_43 to %scan3A_45 step %scan3A_46  : i32 {
      %mul3A_57 = arith.constant 240 : i32
      %mul3A_58 = arith.muli %scan3A_56, %mul3A_57 : i32
      %add3A_59 = arith.addi %mul3A_2, %mul3A_58 : i32
      %multiple_of3A = tpu.assume_multiple %add3A_59, 8 : i32
      %add3A_60 = arith.constant 0 : i32
      %add3A_61 = arith.addi %multiple_of3A, %add3A_60 : i32
      %dma_start3A = tpu.memref_slice %arg3[%add3A_61] : memref<322560xi32, #tpu.memory_space<hbm>> -> memref<80xi32, #tpu.memory_space<hbm>>
      %dma_start3A_62 = tpu.memref_slice %arg3[%add3A_61] : memref<322560xi32, #tpu.memory_space<hbm>> -> memref<80xi32, #tpu.memory_space<hbm>>
      tpu.enqueue_dma source(%dma_start3A_62 : memref<80xi32, #tpu.memory_space<hbm>>) target(%arg7 : memref<80xi32, #tpu.memory_space<vmem>>) target_semaphore(%arg18 : memref<!tpu.dma_semaphore, #tpu.memory_space<semaphore_mem>>)
      %add3A_63 = arith.constant 0 : i32
      %add3A_64 = arith.addi %multiple_of3A, %add3A_63 : i32
      %dma_start3A_65 = tpu.memref_slice %arg4[%add3A_64] : memref<322560xi32, #tpu.memory_space<hbm>> -> memref<80xi32, #tpu.memory_space<hbm>>
      %dma_start3A_66 = tpu.memref_slice %arg4[%add3A_64] : memref<322560xi32, #tpu.memory_space<hbm>> -> memref<80xi32, #tpu.memory_space<hbm>>
      tpu.enqueue_dma source(%dma_start3A_66 : memref<80xi32, #tpu.memory_space<hbm>>) target(%arg10 : memref<80xi32, #tpu.memory_space<vmem>>) target_semaphore(%arg18 : memref<!tpu.dma_semaphore, #tpu.memory_space<semaphore_mem>>)
      %add3A_67 = arith.constant 80 : i32
      %add3A_68 = arith.addi %multiple_of3A, %add3A_67 : i32
      %dma_start3A_69 = tpu.memref_slice %arg3[%add3A_68] : memref<322560xi32, #tpu.memory_space<hbm>> -> memref<80xi32, #tpu.memory_space<hbm>>
      %dma_start3A_70 = tpu.memref_slice %arg3[%add3A_68] : memref<322560xi32, #tpu.memory_space<hbm>> -> memref<80xi32, #tpu.memory_space<hbm>>
      tpu.enqueue_dma source(%dma_start3A_70 : memref<80xi32, #tpu.memory_space<hbm>>) target(%arg8 : memref<80xi32, #tpu.memory_space<vmem>>) target_semaphore(%arg18 : memref<!tpu.dma_semaphore, #tpu.memory_space<semaphore_mem>>)
      %add3A_71 = arith.constant 80 : i32
      %add3A_72 = arith.addi %multiple_of3A, %add3A_71 : i32
      %dma_start3A_73 = tpu.memref_slice %arg4[%add3A_72] : memref<322560xi32, #tpu.memory_space<hbm>> -> memref<80xi32, #tpu.memory_space<hbm>>
      %dma_start3A_74 = tpu.memref_slice %arg4[%add3A_72] : memref<322560xi32, #tpu.memory_space<hbm>> -> memref<80xi32, #tpu.memory_space<hbm>>
      tpu.enqueue_dma source(%dma_start3A_74 : memref<80xi32, #tpu.memory_space<hbm>>) target(%arg11 : memref<80xi32, #tpu.memory_space<vmem>>) target_semaphore(%arg18 : memref<!tpu.dma_semaphore, #tpu.memory_space<semaphore_mem>>)
      %add3A_75 = arith.constant 160 : i32
      %add3A_76 = arith.addi %multiple_of3A, %add3A_75 : i32
      %dma_start3A_77 = tpu.memref_slice %arg3[%add3A_76] : memref<322560xi32, #tpu.memory_space<hbm>> -> memref<80xi32, #tpu.memory_space<hbm>>
      %dma_start3A_78 = tpu.memref_slice %arg3[%add3A_76] : memref<322560xi32, #tpu.memory_space<hbm>> -> memref<80xi32, #tpu.memory_space<hbm>>
      tpu.enqueue_dma source(%dma_start3A_78 : memref<80xi32, #tpu.memory_space<hbm>>) target(%arg9 : memref<80xi32, #tpu.memory_space<vmem>>) target_semaphore(%arg18 : memref<!tpu.dma_semaphore, #tpu.memory_space<semaphore_mem>>)
      %add3A_79 = arith.constant 160 : i32
      %add3A_80 = arith.addi %multiple_of3A, %add3A_79 : i32
      %dma_start3A_81 = tpu.memref_slice %arg4[%add3A_80] : memref<322560xi32, #tpu.memory_space<hbm>> -> memref<80xi32, #tpu.memory_space<hbm>>
      %dma_start3A_82 = tpu.memref_slice %arg4[%add3A_80] : memref<322560xi32, #tpu.memory_space<hbm>> -> memref<80xi32, #tpu.memory_space<hbm>>
      tpu.enqueue_dma source(%dma_start3A_82 : memref<80xi32, #tpu.memory_space<hbm>>) target(%arg12 : memref<80xi32, #tpu.memory_space<vmem>>) target_semaphore(%arg18 : memref<!tpu.dma_semaphore, #tpu.memory_space<semaphore_mem>>)
      %dma_wait3A = tpu.memref_slice %arg3[%add3A_61] : memref<322560xi32, #tpu.memory_space<hbm>> -> memref<80xi32, #tpu.memory_space<hbm>>
      %dma_wait3A_83 = tpu.memref_slice %arg3[%add3A_61] : memref<322560xi32, #tpu.memory_space<hbm>> -> memref<80xi32, #tpu.memory_space<hbm>>
      tpu.wait_dma2 semaphore(%arg18 : memref<!tpu.dma_semaphore, #tpu.memory_space<semaphore_mem>>) src(%dma_wait3A_83 : memref<80xi32, #tpu.memory_space<hbm>>) dst(%arg7 : memref<80xi32, #tpu.memory_space<vmem>>)
      %dma_wait3A_84 = tpu.memref_slice %arg4[%add3A_64] : memref<322560xi32, #tpu.memory_space<hbm>> -> memref<80xi32, #tpu.memory_space<hbm>>
      %dma_wait3A_85 = tpu.memref_slice %arg4[%add3A_64] : memref<322560xi32, #tpu.memory_space<hbm>> -> memref<80xi32, #tpu.memory_space<hbm>>
      tpu.wait_dma2 semaphore(%arg18 : memref<!tpu.dma_semaphore, #tpu.memory_space<semaphore_mem>>) src(%dma_wait3A_85 : memref<80xi32, #tpu.memory_space<hbm>>) dst(%arg10 : memref<80xi32, #tpu.memory_space<vmem>>)
      %dma_wait3A_86 = tpu.memref_slice %arg3[%add3A_68] : memref<322560xi32, #tpu.memory_space<hbm>> -> memref<80xi32, #tpu.memory_space<hbm>>
      %dma_wait3A_87 = tpu.memref_slice %arg3[%add3A_68] : memref<322560xi32, #tpu.memory_space<hbm>> -> memref<80xi32, #tpu.memory_space<hbm>>
      tpu.wait_dma2 semaphore(%arg18 : memref<!tpu.dma_semaphore, #tpu.memory_space<semaphore_mem>>) src(%dma_wait3A_87 : memref<80xi32, #tpu.memory_space<hbm>>) dst(%arg8 : memref<80xi32, #tpu.memory_space<vmem>>)
      %dma_wait3A_88 = tpu.memref_slice %arg4[%add3A_72] : memref<322560xi32, #tpu.memory_space<hbm>> -> memref<80xi32, #tpu.memory_space<hbm>>
      %dma_wait3A_89 = tpu.memref_slice %arg4[%add3A_72] : memref<322560xi32, #tpu.memory_space<hbm>> -> memref<80xi32, #tpu.memory_space<hbm>>
      tpu.wait_dma2 semaphore(%arg18 : memref<!tpu.dma_semaphore, #tpu.memory_space<semaphore_mem>>) src(%dma_wait3A_89 : memref<80xi32, #tpu.memory_space<hbm>>) dst(%arg11 : memref<80xi32, #tpu.memory_space<vmem>>)
      %dma_wait3A_90 = tpu.memref_slice %arg3[%add3A_76] : memref<322560xi32, #tpu.memory_space<hbm>> -> memref<80xi32, #tpu.memory_space<hbm>>
      %dma_wait3A_91 = tpu.memref_slice %arg3[%add3A_76] : memref<322560xi32, #tpu.memory_space<hbm>> -> memref<80xi32, #tpu.memory_space<hbm>>
      tpu.wait_dma2 semaphore(%arg18 : memref<!tpu.dma_semaphore, #tpu.memory_space<semaphore_mem>>) src(%dma_wait3A_91 : memref<80xi32, #tpu.memory_space<hbm>>) dst(%arg9 : memref<80xi32, #tpu.memory_space<vmem>>)
      %dma_wait3A_92 = tpu.memref_slice %arg4[%add3A_80] : memref<322560xi32, #tpu.memory_space<hbm>> -> memref<80xi32, #tpu.memory_space<hbm>>
      %dma_wait3A_93 = tpu.memref_slice %arg4[%add3A_80] : memref<322560xi32, #tpu.memory_space<hbm>> -> memref<80xi32, #tpu.memory_space<hbm>>
      tpu.wait_dma2 semaphore(%arg18 : memref<!tpu.dma_semaphore, #tpu.memory_space<semaphore_mem>>) src(%dma_wait3A_93 : memref<80xi32, #tpu.memory_space<hbm>>) dst(%arg12 : memref<80xi32, #tpu.memory_space<vmem>>)
      %dma_start3A_94 = arith.constant 0 : i32
      %dma_start3A_95 = arith.constant 0 : i32
      %dma_start3A_96 = tpu.memref_slice %arg2[%dma_start3A_94, %dma_start3A_95] : memref<10240x128xf32, #tpu.memory_space<hbm>> -> memref<10240x128xf32, #tpu.memory_space<hbm>>
      tpu.enqueue_indirect_dma source(%dma_start3A_96 : memref<10240x128xf32, #tpu.memory_space<hbm>>) target(%arg13 : memref<80x128xf32, #tpu.memory_space<vmem>>) offsets(%arg7 : memref<80xi32, #tpu.memory_space<vmem>>) semaphore(%arg17 : memref<!tpu.dma_semaphore, #tpu.memory_space<semaphore_mem>>)
      %dma_start3A_97 = arith.constant 0 : i32
      %dma_start3A_98 = arith.constant 0 : i32
      %dma_start3A_99 = tpu.memref_slice %arg2[%dma_start3A_97, %dma_start3A_98] : memref<10240x128xf32, #tpu.memory_space<hbm>> -> memref<10240x128xf32, #tpu.memory_space<hbm>>
      tpu.enqueue_indirect_dma source(%dma_start3A_99 : memref<10240x128xf32, #tpu.memory_space<hbm>>) target(%arg14 : memref<80x128xf32, #tpu.memory_space<vmem>>) offsets(%arg8 : memref<80xi32, #tpu.memory_space<vmem>>) semaphore(%arg17 : memref<!tpu.dma_semaphore, #tpu.memory_space<semaphore_mem>>)
      %dma_start3A_100 = arith.constant 0 : i32
      %dma_start3A_101 = arith.constant 0 : i32
      %dma_start3A_102 = tpu.memref_slice %arg2[%dma_start3A_100, %dma_start3A_101] : memref<10240x128xf32, #tpu.memory_space<hbm>> -> memref<10240x128xf32, #tpu.memory_space<hbm>>
      tpu.enqueue_indirect_dma source(%dma_start3A_102 : memref<10240x128xf32, #tpu.memory_space<hbm>>) target(%arg15 : memref<80x128xf32, #tpu.memory_space<vmem>>) offsets(%arg9 : memref<80xi32, #tpu.memory_space<vmem>>) semaphore(%arg17 : memref<!tpu.dma_semaphore, #tpu.memory_space<semaphore_mem>>)
      %dma_wait3A_103 = arith.constant 0 : i32
      %dma_wait3A_104 = arith.constant 0 : i32
      %dma_wait3A_105 = tpu.memref_slice %arg2[%dma_wait3A_103, %dma_wait3A_104] : memref<10240x128xf32, #tpu.memory_space<hbm>> -> memref<10240x128xf32, #tpu.memory_space<hbm>>
      tpu.wait_indirect_dma semaphore(%arg17 : memref<!tpu.dma_semaphore, #tpu.memory_space<semaphore_mem>>) src(%dma_wait3A_105 : memref<10240x128xf32, #tpu.memory_space<hbm>>) dst(%arg13 : memref<80x128xf32, #tpu.memory_space<vmem>>)
      "tpu.region"() ({
        %run_scoped3A = tpu.sem_alloc : memref<!tpu.dma_semaphore, #tpu.memory_space<semaphore_mem>>
        %dma_start3A_112 = arith.constant 0 : i32
        %dma_start3A_113 = arith.constant 0 : i32
        %dma_start3A_114 = tpu.memref_slice %arg19[%dma_start3A_112, %dma_start3A_113] : memref<10240x128xf32, #tpu.memory_space<vmem_shared>> -> memref<10240x128xf32, #tpu.memory_space<vmem_shared>>
        tpu.enqueue_indirect_dma source(%arg13 : memref<80x128xf32, #tpu.memory_space<vmem>>) target(%dma_start3A_114 : memref<10240x128xf32, #tpu.memory_space<vmem_shared>>) offsets(%arg10 : memref<80xi32, #tpu.memory_space<vmem>>) semaphore(%run_scoped3A : memref<!tpu.dma_semaphore, #tpu.memory_space<semaphore_mem>>) {add = true}
        %dma_wait3A_115 = arith.constant 0 : i32
        %dma_wait3A_116 = arith.constant 0 : i32
        %dma_wait3A_117 = tpu.memref_slice %arg19[%dma_wait3A_115, %dma_wait3A_116] : memref<10240x128xf32, #tpu.memory_space<vmem_shared>> -> memref<10240x128xf32, #tpu.memory_space<vmem_shared>>
        tpu.wait_indirect_dma semaphore(%run_scoped3A : memref<!tpu.dma_semaphore, #tpu.memory_space<semaphore_mem>>) src(%arg13 : memref<80x128xf32, #tpu.memory_space<vmem>>) dst(%dma_wait3A_117 : memref<10240x128xf32, #tpu.memory_space<vmem_shared>>)
        tpu.yield
      }) : () -> ()
      %dma_wait3A_106 = arith.constant 0 : i32
      %dma_wait3A_107 = arith.constant 0 : i32
      %dma_wait3A_108 = tpu.memref_slice %arg2[%dma_wait3A_106, %dma_wait3A_107] : memref<10240x128xf32, #tpu.memory_space<hbm>> -> memref<10240x128xf32, #tpu.memory_space<hbm>>
      tpu.wait_indirect_dma semaphore(%arg17 : memref<!tpu.dma_semaphore, #tpu.memory_space<semaphore_mem>>) src(%dma_wait3A_108 : memref<10240x128xf32, #tpu.memory_space<hbm>>) dst(%arg14 : memref<80x128xf32, #tpu.memory_space<vmem>>)
      "tpu.region"() ({
        %run_scoped3A = tpu.sem_alloc : memref<!tpu.dma_semaphore, #tpu.memory_space<semaphore_mem>>
        %dma_start3A_112 = arith.constant 0 : i32
        %dma_start3A_113 = arith.constant 0 : i32
        %dma_start3A_114 = tpu.memref_slice %arg19[%dma_start3A_112, %dma_start3A_113] : memref<10240x128xf32, #tpu.memory_space<vmem_shared>> -> memref<10240x128xf32, #tpu.memory_space<vmem_shared>>
        tpu.enqueue_indirect_dma source(%arg14 : memref<80x128xf32, #tpu.memory_space<vmem>>) target(%dma_start3A_114 : memref<10240x128xf32, #tpu.memory_space<vmem_shared>>) offsets(%arg11 : memref<80xi32, #tpu.memory_space<vmem>>) semaphore(%run_scoped3A : memref<!tpu.dma_semaphore, #tpu.memory_space<semaphore_mem>>) {add = true}
        %dma_wait3A_115 = arith.constant 0 : i32
        %dma_wait3A_116 = arith.constant 0 : i32
        %dma_wait3A_117 = tpu.memref_slice %arg19[%dma_wait3A_115, %dma_wait3A_116] : memref<10240x128xf32, #tpu.memory_space<vmem_shared>> -> memref<10240x128xf32, #tpu.memory_space<vmem_shared>>
        tpu.wait_indirect_dma semaphore(%run_scoped3A : memref<!tpu.dma_semaphore, #tpu.memory_space<semaphore_mem>>) src(%arg14 : memref<80x128xf32, #tpu.memory_space<vmem>>) dst(%dma_wait3A_117 : memref<10240x128xf32, #tpu.memory_space<vmem_shared>>)
        tpu.yield
      }) : () -> ()
      %dma_wait3A_109 = arith.constant 0 : i32
      %dma_wait3A_110 = arith.constant 0 : i32
      %dma_wait3A_111 = tpu.memref_slice %arg2[%dma_wait3A_109, %dma_wait3A_110] : memref<10240x128xf32, #tpu.memory_space<hbm>> -> memref<10240x128xf32, #tpu.memory_space<hbm>>
      tpu.wait_indirect_dma semaphore(%arg17 : memref<!tpu.dma_semaphore, #tpu.memory_space<semaphore_mem>>) src(%dma_wait3A_111 : memref<10240x128xf32, #tpu.memory_space<hbm>>) dst(%arg15 : memref<80x128xf32, #tpu.memory_space<vmem>>)
      "tpu.region"() ({
        %run_scoped3A = tpu.sem_alloc : memref<!tpu.dma_semaphore, #tpu.memory_space<semaphore_mem>>
        %dma_start3A_112 = arith.constant 0 : i32
        %dma_start3A_113 = arith.constant 0 : i32
        %dma_start3A_114 = tpu.memref_slice %arg19[%dma_start3A_112, %dma_start3A_113] : memref<10240x128xf32, #tpu.memory_space<vmem_shared>> -> memref<10240x128xf32, #tpu.memory_space<vmem_shared>>
        tpu.enqueue_indirect_dma source(%arg15 : memref<80x128xf32, #tpu.memory_space<vmem>>) target(%dma_start3A_114 : memref<10240x128xf32, #tpu.memory_space<vmem_shared>>) offsets(%arg12 : memref<80xi32, #tpu.memory_space<vmem>>) semaphore(%run_scoped3A : memref<!tpu.dma_semaphore, #tpu.memory_space<semaphore_mem>>) {add = true}
        %dma_wait3A_115 = arith.constant 0 : i32
        %dma_wait3A_116 = arith.constant 0 : i32
        %dma_wait3A_117 = tpu.memref_slice %arg19[%dma_wait3A_115, %dma_wait3A_116] : memref<10240x128xf32, #tpu.memory_space<vmem_shared>> -> memref<10240x128xf32, #tpu.memory_space<vmem_shared>>
        tpu.wait_indirect_dma semaphore(%run_scoped3A : memref<!tpu.dma_semaphore, #tpu.memory_space<semaphore_mem>>) src(%arg15 : memref<80x128xf32, #tpu.memory_space<vmem>>) dst(%dma_wait3A_117 : memref<10240x128xf32, #tpu.memory_space<vmem_shared>>)
        tpu.yield
      }) : () -> ()
    }
    %scan3A_47 = arith.constant 42 : i32
    %barrier3A_48 = arith.constant 0 : index
    tpu.barrier barrier_id(%barrier3A_48)
    %mul3A_49 = arith.constant 640 : i32
    %mul3A_50 = arith.muli %arg1, %mul3A_49 : i32
    %mul3A_51 = arith.constant 10240 : i32
    %mul3A_52 = arith.muli %arg0, %mul3A_51 : i32
    %mul3A_53 = arith.constant 640 : i32
    %mul3A_54 = arith.muli %arg1, %mul3A_53 : i32
    %add3A_55 = arith.addi %mul3A_52, %mul3A_54 : i32
    "tpu.region"() ({
      %run_scoped3A = tpu.sem_alloc : memref<!tpu.dma_semaphore, #tpu.memory_space<semaphore_mem>>
      %dma_start3A = arith.constant 0 : i32
      %dma_start3A_56 = tpu.memref_slice %arg6[%add3A_55, %dma_start3A] : memref<20480x128xf32, #tpu.memory_space<hbm>> -> memref<640x128xf32, #tpu.memory_space<hbm>>
      %dma_start3A_57 = arith.constant 0 : i32
      %dma_start3A_58 = tpu.memref_slice %arg19[%mul3A_50, %dma_start3A_57] : memref<10240x128xf32, #tpu.memory_space<vmem_shared>> -> memref<640x128xf32, #tpu.memory_space<vmem_shared>>
      tpu.enqueue_dma source(%dma_start3A_58 : memref<640x128xf32, #tpu.memory_space<vmem_shared>>) target(%dma_start3A_56 : memref<640x128xf32, #tpu.memory_space<hbm>>) target_semaphore(%run_scoped3A : memref<!tpu.dma_semaphore, #tpu.memory_space<semaphore_mem>>)
      %dma_wait3A = arith.constant 0 : i32
      %dma_wait3A_59 = tpu.memref_slice %arg6[%add3A_55, %dma_wait3A] : memref<20480x128xf32, #tpu.memory_space<hbm>> -> memref<640x128xf32, #tpu.memory_space<hbm>>
      %dma_wait3A_60 = arith.constant 0 : i32
      %dma_wait3A_61 = tpu.memref_slice %arg19[%mul3A_50, %dma_wait3A_60] : memref<10240x128xf32, #tpu.memory_space<vmem_shared>> -> memref<640x128xf32, #tpu.memory_space<vmem_shared>>
      tpu.wait_dma2 semaphore(%run_scoped3A : memref<!tpu.dma_semaphore, #tpu.memory_space<semaphore_mem>>) src(%dma_wait3A_61 : memref<640x128xf32, #tpu.memory_space<vmem_shared>>) dst(%dma_wait3A_59 : memref<640x128xf32, #tpu.memory_space<hbm>>)
      tpu.yield
    }) : () -> ()
    return
  }
}

module attributes {stable_mosaic.version = 14 : i64} {
  func.func @_layer_body(%arg0: i32, %arg1: memref<2x1024x128xf32, #tpu.memory_space<vmem>>, %arg2: memref<2x1024x1xf32, #tpu.memory_space<vmem>>, %arg3: memref<1024x128xf32, #tpu.memory_space<vmem>>, %arg4: memref<128x128xf32, #tpu.memory_space<vmem>>, %arg5: memref<128x128xf32, #tpu.memory_space<vmem>>, %arg6: memref<1x128xf32, #tpu.memory_space<vmem>>, %arg7: memref<1024x128xf32, #tpu.memory_space<vmem>>) attributes {dimension_semantics = [#tpu.dimension_semantics<arbitrary>], iteration_bounds = array<i64: 10>, scalar_prefetch = 0 : i64, scratch_operands = 0 : i64, tpu.core_type = #tpu.core_type<tc>, window_params = [{transform_indices = @transform_0, window_bounds = array<i64: 2, 1024, 128>}, {transform_indices = @transform_1, window_bounds = array<i64: 2, 1024, 1>}, {transform_indices = @transform_2, window_bounds = array<i64: 1024, 128>}, {pipeline_mode = #tpu.pipeline_mode<synchronous>, transform_indices = @transform_3, window_bounds = array<i64: 128, 128>}, {pipeline_mode = #tpu.pipeline_mode<synchronous>, transform_indices = @transform_4, window_bounds = array<i64: 128, 128>}, {pipeline_mode = #tpu.pipeline_mode<synchronous>, transform_indices = @transform_5, window_bounds = array<i64: 1, 128>}, {transform_indices = @transform_6, window_bounds = array<i64: 1024, 128>}]} {
    %get3A = arith.constant 0 : index
    %get3A_0 = arith.constant 0 : index
    %get3A_1 = arith.constant 0 : index
    %get3A_2 = vector.load %arg2[%get3A, %get3A_0, %get3A_1] : memref<2x1024x1xf32, #tpu.memory_space<vmem>>, vector<1x1024x1xf32>
    %get3A_3 = vector.shape_cast %get3A_2 : vector<1x1024x1xf32> to vector<1024x1xf32>
    %get3A_4 = arith.constant 1 : index
    %get3A_5 = arith.constant 0 : index
    %get3A_6 = arith.constant 0 : index
    %get3A_7 = vector.load %arg2[%get3A_4, %get3A_5, %get3A_6] : memref<2x1024x1xf32, #tpu.memory_space<vmem>>, vector<1x1024x1xf32>
    %get3A_8 = vector.shape_cast %get3A_7 : vector<1x1024x1xf32> to vector<1024x1xf32>
    %add3A = arith.addf %get3A_3, %get3A_8 : vector<1024x1xf32>
    %get3A_9 = arith.constant 0 : index
    %get3A_10 = arith.constant 0 : index
    %get3A_11 = arith.constant 0 : index
    %get3A_12 = vector.load %arg1[%get3A_9, %get3A_10, %get3A_11] : memref<2x1024x128xf32, #tpu.memory_space<vmem>>, vector<1x1024x128xf32>
    %get3A_13 = vector.shape_cast %get3A_12 : vector<1x1024x128xf32> to vector<1024x128xf32>
    %get3A_14 = arith.constant 1 : index
    %get3A_15 = arith.constant 0 : index
    %get3A_16 = arith.constant 0 : index
    %get3A_17 = vector.load %arg1[%get3A_14, %get3A_15, %get3A_16] : memref<2x1024x128xf32, #tpu.memory_space<vmem>>, vector<1x1024x128xf32>
    %get3A_18 = vector.shape_cast %get3A_17 : vector<1x1024x128xf32> to vector<1024x128xf32>
    %add3A_19 = arith.addf %get3A_13, %get3A_18 : vector<1024x128xf32>
    %max3A = arith.constant 1.000000e+00 : f32
    %max3A_20 = vector.broadcast %max3A : f32 to vector<1024x1xf32>
    %max3A_21 = arith.maximumf %add3A, %max3A_20 : vector<1024x1xf32>
    %div3A = vector.broadcast %max3A_21 : vector<1024x1xf32> to vector<1024x128xf32>
    %div3A_22 = arith.divf %add3A_19, %div3A : vector<1024x128xf32>
    %get3A_23 = arith.constant 0 : index
    %get3A_24 = arith.constant 0 : index
    %get3A_25 = vector.load %arg4[%get3A_23, %get3A_24] : memref<128x128xf32, #tpu.memory_space<vmem>>, vector<128x128xf32>
    %dot_general3A = arith.constant dense<0.000000e+00> : vector<1024x128xf32>
    %dot_general3A_26 = tpu.matmul %div3A_22, %get3A_25, %dot_general3A {dimension_numbers = #tpu.dot_dimension_numbers<[1], [0], [0], [1], [0, 0, 1, 1], [], []>, transpose_lhs_hint = false} : vector<1024x128xf32>, vector<128x128xf32>, vector<1024x128xf32> -> vector<1024x128xf32>
    %get3A_27 = arith.constant 0 : index
    %get3A_28 = arith.constant 0 : index
    %get3A_29 = vector.load %arg3[%get3A_27, %get3A_28] : memref<1024x128xf32, #tpu.memory_space<vmem>>, vector<1024x128xf32>
    %get3A_30 = arith.constant 0 : index
    %get3A_31 = arith.constant 0 : index
    %get3A_32 = vector.load %arg5[%get3A_30, %get3A_31] : memref<128x128xf32, #tpu.memory_space<vmem>>, vector<128x128xf32>
    %dot_general3A_33 = arith.constant dense<0.000000e+00> : vector<1024x128xf32>
    %dot_general3A_34 = tpu.matmul %get3A_29, %get3A_32, %dot_general3A_33 {dimension_numbers = #tpu.dot_dimension_numbers<[1], [0], [0], [1], [0, 0, 1, 1], [], []>, transpose_lhs_hint = false} : vector<1024x128xf32>, vector<128x128xf32>, vector<1024x128xf32> -> vector<1024x128xf32>
    %add3A_35 = arith.addf %dot_general3A_26, %dot_general3A_34 : vector<1024x128xf32>
    %get3A_36 = arith.constant 0 : index
    %get3A_37 = arith.constant 0 : index
    %get3A_38 = vector.load %arg6[%get3A_36, %get3A_37] : memref<1x128xf32, #tpu.memory_space<vmem>>, vector<1x128xf32>
    %add3A_39 = vector.broadcast %get3A_38 : vector<1x128xf32> to vector<1024x128xf32>
    %add3A_40 = arith.addf %add3A_35, %add3A_39 : vector<1024x128xf32>
    %max3A_41 = arith.constant 0.000000e+00 : f32
    %max3A_42 = vector.broadcast %max3A_41 : f32 to vector<1024x128xf32>
    %max3A_43 = arith.maximumf %add3A_40, %max3A_42 : vector<1024x128xf32>
    %swap3A = arith.constant 0 : index
    %swap3A_44 = arith.constant 0 : index
    %swap3A_45 = vector.load %arg7[%swap3A, %swap3A_44] : memref<1024x128xf32, #tpu.memory_space<vmem>>, vector<1024x128xf32>
    tpu.vector_store %arg7[%swap3A, %swap3A_44], %max3A_43 {strides = array<i32>} : memref<1024x128xf32, #tpu.memory_space<vmem>>, vector<1024x128xf32>,
    return
  }
  func.func @transform_0(%arg0: i32) -> (i32, i32, i32) {
    %c0_i32 = arith.constant 0 : i32
    %c0_i32_0 = arith.constant 0 : i32
    %c0_i32_1 = arith.constant 0 : i32
    return %c0_i32, %arg0, %c0_i32_0 : i32, i32, i32
  }
  func.func @transform_1(%arg0: i32) -> (i32, i32, i32) {
    %c0_i32 = arith.constant 0 : i32
    %c0_i32_0 = arith.constant 0 : i32
    %c0_i32_1 = arith.constant 0 : i32
    return %c0_i32, %arg0, %c0_i32_0 : i32, i32, i32
  }
  func.func @transform_2(%arg0: i32) -> (i32, i32) {
    %c0_i32 = arith.constant 0 : i32
    %c0_i32_0 = arith.constant 0 : i32
    return %arg0, %c0_i32 : i32, i32
  }
  func.func @transform_3(%arg0: i32) -> (i32, i32) {
    %c0_i32 = arith.constant 0 : i32
    %c0_i32_0 = arith.constant 0 : i32
    %c0_i32_1 = arith.constant 0 : i32
    return %c0_i32, %c0_i32_0 : i32, i32
  }
  func.func @transform_4(%arg0: i32) -> (i32, i32) {
    %c0_i32 = arith.constant 0 : i32
    %c0_i32_0 = arith.constant 0 : i32
    %c0_i32_1 = arith.constant 0 : i32
    return %c0_i32, %c0_i32_0 : i32, i32
  }
  func.func @transform_5(%arg0: i32) -> (i32, i32) {
    %c0_i32 = arith.constant 0 : i32
    %c0_i32_0 = arith.constant 0 : i32
    %c0_i32_1 = arith.constant 0 : i32
    return %c0_i32, %c0_i32_0 : i32, i32
  }
  func.func @transform_6(%arg0: i32) -> (i32, i32) {
    %c0_i32 = arith.constant 0 : i32
    %c0_i32_0 = arith.constant 0 : i32
    return %arg0, %c0_i32 : i32, i32
  }
}

module attributes {stable_mosaic.version = 14 : i64} {
  func.func @_final_body(%arg0: i32, %arg1: memref<1000x128xf32, #tpu.memory_space<vmem>>, %arg2: memref<128x1000xf32, #tpu.memory_space<vmem>>, %arg3: memref<1x1000xf32, #tpu.memory_space<vmem>>, %arg4: memref<1000x1000xf32, #tpu.memory_space<vmem>>) attributes {dimension_semantics = [#tpu.dimension_semantics<arbitrary>], iteration_bounds = array<i64: 10>, scalar_prefetch = 0 : i64, scratch_operands = 0 : i64, tpu.core_type = #tpu.core_type<tc>, window_params = [{transform_indices = @transform_0, window_bounds = array<i64: 1000, 128>}, {pipeline_mode = #tpu.pipeline_mode<synchronous>, transform_indices = @transform_1, window_bounds = array<i64: 128, 1000>}, {pipeline_mode = #tpu.pipeline_mode<synchronous>, transform_indices = @transform_2, window_bounds = array<i64: 1, 1000>}, {transform_indices = @transform_3, window_bounds = array<i64: 1000, 1000>}]} {
    %get3A = arith.constant 0 : index
    %get3A_0 = arith.constant 0 : index
    %get3A_1 = vector.load %arg1[%get3A, %get3A_0] : memref<1000x128xf32, #tpu.memory_space<vmem>>, vector<1000x128xf32>
    %get3A_2 = arith.constant 0 : index
    %get3A_3 = arith.constant 0 : index
    %get3A_4 = vector.load %arg2[%get3A_2, %get3A_3] : memref<128x1000xf32, #tpu.memory_space<vmem>>, vector<128x1000xf32>
    %dot_general3A = arith.constant dense<0.000000e+00> : vector<1000x1000xf32>
    %dot_general3A_5 = tpu.matmul %get3A_1, %get3A_4, %dot_general3A {dimension_numbers = #tpu.dot_dimension_numbers<[1], [0], [0], [1], [0, 0, 1, 1], [], []>, transpose_lhs_hint = false} : vector<1000x128xf32>, vector<128x1000xf32>, vector<1000x1000xf32> -> vector<1000x1000xf32>
    %get3A_6 = arith.constant 0 : index
    %get3A_7 = arith.constant 0 : index
    %get3A_8 = vector.load %arg3[%get3A_6, %get3A_7] : memref<1x1000xf32, #tpu.memory_space<vmem>>, vector<1x1000xf32>
    %add3A = vector.broadcast %get3A_8 : vector<1x1000xf32> to vector<1000x1000xf32>
    %add3A_9 = arith.addf %dot_general3A_5, %add3A : vector<1000x1000xf32>
    %reduce_max3A = arith.constant dense<0xFF800000> : vector<1000xf32>
    %reduce_max3A_10 = vector.multi_reduction <maximumf>, %add3A_9, %reduce_max3A [1] : vector<1000x1000xf32> to vector<1000xf32>
    %broadcast_in_dim3A = vector.shape_cast %reduce_max3A_10 : vector<1000xf32> to vector<1000x1xf32>
    %sub3A = vector.broadcast %broadcast_in_dim3A : vector<1000x1xf32> to vector<1000x1000xf32>
    %sub3A_11 = arith.subf %add3A_9, %sub3A : vector<1000x1000xf32>
    %exp3A = math.exp %sub3A_11 : vector<1000x1000xf32>
    %reduce_sum3A = arith.constant dense<0.000000e+00> : vector<1000xf32>
    %reduce_sum3A_12 = vector.multi_reduction <add>, %exp3A, %reduce_sum3A [1] : vector<1000x1000xf32> to vector<1000xf32>
    %broadcast_in_dim3A_13 = vector.shape_cast %reduce_sum3A_12 : vector<1000xf32> to vector<1000x1xf32>
    %div3A = vector.broadcast %broadcast_in_dim3A_13 : vector<1000x1xf32> to vector<1000x1000xf32>
    %div3A_14 = arith.divf %exp3A, %div3A : vector<1000x1000xf32>
    %swap3A = arith.constant 0 : index
    %swap3A_15 = arith.constant 0 : index
    %swap3A_16 = vector.load %arg4[%swap3A, %swap3A_15] : memref<1000x1000xf32, #tpu.memory_space<vmem>>, vector<1000x1000xf32>
    tpu.vector_store %arg4[%swap3A, %swap3A_15], %div3A_14 {strides = array<i32>} : memref<1000x1000xf32, #tpu.memory_space<vmem>>, vector<1000x1000xf32>,
    return
  }
  func.func @transform_0(%arg0: i32) -> (i32, i32) {
    %c0_i32 = arith.constant 0 : i32
    %c0_i32_0 = arith.constant 0 : i32
    return %arg0, %c0_i32 : i32, i32
  }
  func.func @transform_1(%arg0: i32) -> (i32, i32) {
    %c0_i32 = arith.constant 0 : i32
    %c0_i32_0 = arith.constant 0 : i32
    %c0_i32_1 = arith.constant 0 : i32
    return %c0_i32, %c0_i32_0 : i32, i32
  }
  func.func @transform_2(%arg0: i32) -> (i32, i32) {
    %c0_i32 = arith.constant 0 : i32
    %c0_i32_0 = arith.constant 0 : i32
    %c0_i32_1 = arith.constant 0 : i32
    return %c0_i32, %c0_i32_0 : i32, i32
  }
  func.func @transform_3(%arg0: i32) -> (i32, i32) {
    %c0_i32 = arith.constant 0 : i32
    %c0_i32_0 = arith.constant 0 : i32
    return %arg0, %c0_i32 : i32, i32
  }
}

</mosaic_0001>

<sc_bundles>
// kernel: kernel.11.cloned.1.call-start
scs
__scs_entry_jumppad:
0x0: {  	(pc) =	sbr.rel $0x88, $3  }
0x1: {  	(tag) =	ssettag $0x0;
	lr =	simm.s32 $0x1  }
0x2: {  	[smem:$0x3F93] =	sst lr;
	_ =	strace $0xD0000000  }
0x3: {  	_ = 	snop  }
0x4: {  	_ = 	snop  }
0x5: {  	_ = 	snop  }
0x6: {  	_ = 	snop  }
0x7: {  	_ = 	snop  }
__scs_overlays_trampoline_lowered:
0x8: {  	[smem:$0x3FA2] =	sst s0  }
0x9: {  	[smem:$0x3FA3] =	sst s1  }
0xa: {  	[smem:$0x3FA4] =	sst s2  }
0xb: {  	[smem:$0x3FA5] =	sst s3  }
0xc: {  	[smem:$0x3FA6] =	sst s4  }
0xd: {  	[smem:$0x3FA7] =	sst s5  }
0xe: {  	[smem:$0x3FA8] =	sst s6  }
0xf: {  	[smem:$0x3FA9] =	sst s7  }
0x10: {  	[smem:$0x3FAA] =	sst s8  }
0x11: {  	[smem:$0x3FAB] =	sst s9;
	s0 =	simm.s32 @!p0 $0x0  }
0x12: {  	s1 =	sld [smem:$0x3F91];
	s0 =	simm.s32 @p0 $0x1  }
0x13: {  	[smem:$0x3FAC] =	sst s0;
	s0 =	simm.s32 @!p1 $0x0  }
0x14: {  	s2 =	sld [smem:$0x3F90];
	s0 =	simm.s32 @p1 $0x1  }
0x15: {  	[smem:$0x3FAD] =	sst s0;
	s0 =	simm.s32 @!p2 $0x0  }
0x16: {  	s3 =	sld [smem:$0x3FDB];
	s0 =	simm.s32 @p2 $0x1  }
0x17: {  	s4 =	simm.s32 $0x1BF5;
	[smem:$0x3FAF] =	sst s0  }
0x18: {  	s0 =	sld [smem:$0x3F92];
	_ =	swait.ge [sflag:s4], $0x0  }
0x19: {  	s7 =	sld [smem:$0x3F93]  }
0x1a: {  	s8 =	sadd.s32 $0xFFFFE003, lr  }
0x1b: {  	s9 =	sadd.s32 $0xFFFFFEF7, lr;
	s5 =	simm.s32 $0xFFFFFFFF;
	p2 =	slt.u32 s8, $0xFFFFF086  }
0x1c: {  	p1 =	slt.u32 s9, $0xF7A;
	s5 =	simm.s32 @!p2 $0x0  }
0x1d: {  	s5 =	simm.s32 @p1 $0x1;
	p0 =	seq.s32 s7, s2  }
0x1e: {  	s7 =	smul.u32 @!p0 $0xF7A, s2;
	p2 =	seq.s32 @!p0 s5, $0x0  }
0x1f: {  	s9 =	smul.u32 $0xF7A, s1;
	s8 =	simm.s32 @!p0 $0x1BF5;
	p2 =	por !p2, p0  }
0x20: {  	[sflag:s8] =	ssyncset.s32 @!p0 $0xFFFFF086;
	s6 =	sadd.s32 @!p0 s3, s7;
	s7 =	simm.s32 @!p0 $0x108  }
0x21: {  	s3 =	sadd.s32 s3, s9;
	s6 =	sadd.s32 @!p0 $0x88, s6;
	s7 =	simm.s32 @p2 $0x1082  }
0x22: {  	[simem:s7], [sflag:s8] =	dma.local @!p0 [hbm:s6], $0xF7A  }
0x23: {  	s9 =	sor.u32 $0xD0000000, s2;
	s6 =	simm.s32 $0x108;
	_ =	swait.ge @!p0 [sflag:s8], $0x0  }
0x24: {  	s3 =	sadd.s32 $0x88, s3;
	s6 =	simm.s32 @!p1 $0x1082;
	[sflag:s4] =	ssyncset.s32 $0xFFFFF086  }
0x25: {  	[simem:s6], [sflag:s4] =	dma.local [hbm:s3], $0xF7A  }
0x26: {  	[smem:$0x3F93] =	sst s1;
	(tag) =	ssettag s2;
	_ =	strace s9  }
0x27: {  	s1 =	sld [smem:$0x3FA3]  }
0x28: {  	s2 =	sld [smem:$0x3FA4]  }
0x29: {  	s4 =	sld [smem:$0x3FA6]  }
0x2a: {  	p0 =	seq.s32 s5, $0x0;
	s5 =	sld [smem:$0x3FA7]  }
0x2b: {  	s6 =	sld [smem:$0x3FA8]  }
0x2c: {  	s7 =	sld [smem:$0x3FA9]  }
0x2d: {  	s3 =	simm.s32 $0x108;
	s8 =	sld [smem:$0x3FAA]  }
0x2e: {  	s3 =	simm.s32 @!p0 $0x1082;
	s9 =	sld [smem:$0x3FAB]  }
0x2f: {  	lr =	sadd.s32 s0, s3;
	s0 =	sld [smem:$0x3FA2]  }
0x30: {  	s3 =	sld [smem:$0x3FA5]  }
0x31: {  	[smem:$0x3FAE] =	sst s10  }
0x32: {  	s10 =	sld [smem:$0x3FAC];
	_ =	sdelay $0x3  }
0x33: {  	p0 =	seq.s32 s10, $0x1;
	s10 =	sld [smem:$0x3FAE];
	_ =	sdelay $0x3  }
0x34: {  	[smem:$0x3FAE] =	sst s10  }
0x35: {  	s10 =	sld [smem:$0x3FAD];
	_ =	sdelay $0x3  }
0x36: {  	p1 =	seq.s32 s10, $0x1;
	s10 =	sld [smem:$0x3FAE];
	_ =	sdelay $0x3  }
0x37: {  	[smem:$0x3FAE] =	sst s10  }
0x38: {  	s10 =	sld [smem:$0x3FAF]  }
0x39: {  	_ = 	snop;
	(pc) =	sbr.ind lr, $3  }
0x3a: {  	_ = 	snop  }
0x3b: {  	_ = 	snop  }
0x3c: {  	p2 =	seq.s32 s10, $0x1;
	s10 =	sld [smem:$0x3FAE]  }
0x3d: {  	_ =	shalt  }
0x3e: {  	_ =	shalt  }
0x3f: {  	_ =	shalt  }
0x40: {  	_ =	shalt  }
0x41: {  	_ =	shalt  }
0x42: {  	_ =	shalt  }
0x43: {  	_ =	shalt  }
0x44: {  	_ =	shalt  }
0x45: {  	_ =	shalt  }
0x46: {  	_ =	shalt  }
0x47: {  	_ =	shalt  }
0x48: {  	_ =	shalt  }
0x49: {  	_ =	shalt  }
0x4a: {  	_ =	shalt  }
0x4b: {  	_ =	shalt  }
0x4c: {  	_ =	shalt  }
0x4d: {  	_ =	shalt  }
0x4e: {  	_ =	shalt  }
0x4f: {  	_ =	shalt  }
0x50: {  	_ =	shalt  }
0x51: {  	_ =	shalt  }
0x52: {  	_ =	shalt  }
0x53: {  	_ =	shalt  }
0x54: {  	_ =	shalt  }
0x55: {  	_ =	shalt  }
0x56: {  	_ =	shalt  }
0x57: {  	_ =	shalt  }
0x58: {  	_ =	shalt  }
0x59: {  	_ =	shalt  }
0x5a: {  	_ =	shalt  }
0x5b: {  	_ =	shalt  }
0x5c: {  	_ =	shalt  }
0x5d: {  	_ =	shalt  }
0x5e: {  	_ =	shalt  }
0x5f: {  	_ =	shalt  }
0x60: {  	_ =	shalt  }
0x61: {  	_ =	shalt  }
0x62: {  	_ =	shalt  }
0x63: {  	_ =	shalt  }
0x64: {  	_ =	shalt  }
0x65: {  	_ =	shalt  }
0x66: {  	_ =	shalt  }
0x67: {  	_ =	shalt  }
0x68: {  	_ =	shalt  }
0x69: {  	_ =	shalt  }
0x6a: {  	_ =	shalt  }
0x6b: {  	_ =	shalt  }
0x6c: {  	_ =	shalt  }
0x6d: {  	_ =	shalt  }
0x6e: {  	_ =	shalt  }
0x6f: {  	_ =	shalt  }
0x70: {  	_ =	shalt  }
0x71: {  	_ =	shalt  }
0x72: {  	_ =	shalt  }
0x73: {  	_ =	shalt  }
0x74: {  	_ =	shalt  }
0x75: {  	_ =	shalt  }
0x76: {  	_ =	shalt  }
0x77: {  	_ =	shalt  }
0x78: {  	_ =	shalt  }
0x79: {  	_ =	shalt  }
0x7a: {  	_ =	shalt  }
0x7b: {  	_ =	shalt  }
0x7c: {  	_ =	shalt  }
0x7d: {  	_ =	shalt  }
0x7e: {  	_ =	shalt  }
0x7f: {  	_ =	shalt  }
0x80: {  	_ =	shalt  }
0x81: {  	_ =	shalt  }
0x82: {  	_ =	shalt  }
0x83: {  	_ =	shalt  }
0x84: {  	_ =	shalt  }
0x85: {  	_ =	shalt  }
0x86: {  	_ =	shalt  }
0x87: {  	_ =	shalt  }
.Lfunc_end0:
.L_simem_size_0:
called_computation_lowered:
.L_overlay_start_0:
0x88: {  	s2 =	sld [smem:$0x3FD9]  }
0x89: {  	s3 =	sld [smem:$0x3FFE];
	_ =	sdelay $0x1  }
0x8a: {  	s1 =	srdreg.scid  }
0x8b: {  	s0 =	sand.u32 $0x1, s1  }
0x8c: {  	s17 =	sshll.u32 s0, $0xA;
	s2 =	sadd.s32 s3, s2  }
0x8d: {  	s2 =	sadd.s32 s2, s17  }
0x8e: {  	[smem:$0x3FBA] =	sst s2  }
0x8f: {  	_ = 	snop  }
0x90: {  	s2 =	sld [smem:$0x3FC7]  }
0x91: {  	s18 =	sld [smem:$0x3FD0];
	(tm) =	ssettm $0x1  }
0x92: {  	s4 =	sld [smem:$0x3FFB];
	_ =	sdelay $0x3  }
0x93: {  	_ =	strace s4  }
0x94: {  	s4 =	sld [smem:$0x3FFC];
	_ =	sdelay $0x3  }
0x95: {  	_ =	strace s4  }
0x96: {  	s4 =	sld [smem:$0x3FFD];
	_ =	sdelay $0x3  }
0x97: {  	_ =	strace s4  }
0x98: {  	_ =	strace $0x8FFFFFFF  }
0x99: {  	s19 =	sld [smem:$0x3FDB];
	_ =	sdelay $0x1  }
0x9a: {  	s5 =	simm.s32 $_scs_section_size  }
0x9b: {  	s6 =	simm.s32 $_size__tile_overlayer_lowered;
	s7 =	simm.s32 $_tile_overlayer_lowered  }
0x9c: {  	s22 =	simm.s32 $0x1BFF;
	s21 =	sshll.u32 s7, $0x1;
	s4 =	sadd.s32 s5, s19  }
0x9d: {  	s8 =	simm.s32 $0x0;
	s20 =	sshll.u32 s6, $0x1;
	s6 =	sadd.s32 s21, s4  }
0x9e: {  	[timem:s8], [sflag:s22] =	dma.local [hbm:s6], s20  }
0x9f: {  	_ =	swait.ge [sflag:s22], s20  }
0xa0: {  	s5 =	ssub.s32 $0x0, s20;
	[sflag:s22] =	ssyncset.done $0x0  }
0xa1: {  	[sflag:s22] =	ssyncadd.s32 s5;
	_ =	sdelay $0x1  }
0xa2: {  	s23 =	simm.s32 $0x1B8B  }
0xa3: {  	_ =	swait.ge [sflag:s23], $0x1  }
0xa4: {  	[sflag:s23] =	ssyncset.done $0x0  }
0xa5: {  	s25 =	simm.s32 $0x1B8E;
	s24 =	sld [smem:$0x3FFE];
	[sflag:s23] =	ssyncadd.s32 $0xFFFFFFFF  }
0xa6: {  	s26 =	simm.s32 $execute0_lowered;
	[smem:$0x3FD2] =	sst s25  }
0xa7: {  	s6 =	sshll.u32 s26, $0x1;
	_ =	strace $0x80000046;
	[dreg:$0x1] =	wrdreg $0xFFFFFFFF  }
0xa8: {  	s28 =	simm.s32 $_size_execute0_lowered;
	s4 =	sadd.s32 s4, s6;
	[dreg:$0x0] =	wrdreg $0x0  }
0xa9: {  	s6 =	sshll.u32 s28, $0x1;
	[dreg:$0x2] =	wrdreg s4  }
0xaa: {  	[dreg:$0x3] =	wrdreg s6  }
0xab: {  	[dreg:$0x4] =	wrdreg $0xC0  }
0xac: {  	_ =	task [dreg:s8], $0x5FFFF  }
0xad: {  	[dreg:$0x1] =	wrdreg $0xFFFFFFFF  }
0xae: {  	[dreg:$0x0] =	wrdreg $0x60  }
0xaf: {  	[dreg:$0x2] =	wrdreg s2  }
0xb0: {  	[dreg:$0x3] =	wrdreg s18  }
0xb1: {  	[dreg:$0x4] =	wrdreg s24  }
0xb2: {  	[dreg:$0x5] =	wrdreg $0x9  }
0xb3: {  	_ =	task.clear_ibuf [dreg:s8], $0x6FFFF;
	_ =	strace $0x90000046  }
0xb4: {  	s29 =	simm.s32 $0x9;
	_ =	strace $0x80000048  }
0xb5: {  	_ =	swait.ge [sflag:s29], $0x1  }
0xb6: {  	[sflag:s29] =	ssyncadd.s32 $0xFFFFFFFF  }
0xb7: {  	_ =	strace $0x90000048  }
0xb8: {  	_ =	sfence  }
0xb9: {  	s30 =	sld [smem:$0x0];
	_ =	sdelay $0x2  }
0xba: {  	s31 =	sshll.u32 s1, $0xD;
	s1 =	sshrl.u32 s1, $0x2  }
0xbb: {  	s3 =	sand.u32 $0x4000, s31;
	s1 =	sadd.s32 s1, s30  }
0xbc: {  	s0 =	sor.u32 s3, s0;
	s1 =	sshll.u32 s1, $0x11  }
0xbd: {  	s0 =	sor.u32 s1, s0  }
0xbe: {  	s0 =	sadd.s32 $0x8F2B, s0  }
0xbf: {  	[sflag:s0] =	ssyncadd.remote.s32 $0x1  }
0xc0: {  	_ =	sfence.sel $0xFFFF  }
0xc1: {  	[dreg:$0x0] =	wrdreg $0xFFFFFFFF;
	(pc) =	sbr.abs _section_cstart, $3  }
0xc2: {  	[dreg:$0x1] =	wrdreg $0xFFFFFFFF  }
0xc3: {  	_ =	task.clear_ibuf [dreg:s8], $0x2FFFF;
	_ =	strace $0x9FFFFFFF  }
0xc4: {  	(tm) =	ssettm $0x7FFFFFFF  }
0xc5: {  	_ =	shalt  }
tec
execute0_lowered:
.L_overlay_start_1:
0x0: {  	(tag) =	ssettag $0x1  }
0x1: {  	s2 =	rddreg [dreg:$0x0]  }
0x2: {  	s4 =	rddreg [dreg:$0x1]  }
0x3: {  	s1 =	srdreg.scid;
	s0 =	stileid.u32  }
0x4: {  	s23 =	rddreg [dreg:$0x2];
	s24 =	sand.u32 $0x1, s1;
	s5 =	sshll.u32 s0, $0x1  }
0x5: {  	s3 =	simm.s32 $0x0;
	s1 =	rddreg [dreg:$0x3];
	s25 =	sor.u32 s24, s5  }
0x6: {  	[smem:$0x7FF] =	sst s3;
	s5 =	sshll.u32 s25, $0x7  }
0x7: {  	_ =	strace $0x80000047;
	s5 =	sadd.s32 s4, s5;
	s4 =	simm.s32 $0x2  }
0x8: {  	[tilespmem:s3], [sflag:$0x2] =	stream.linear.gather [hbm4b:s5+s3], $0x400, $0x38;
	[tilespmem:$0xA400] =	vst v63  }
0x9: {  	_ =	swait.ge [sflag:s4], $0x400  }
0xa: {  	[sflag:s4] =	ssyncset.done $0x0  }
0xb: {  	s6 =	simm.s32 $0x28;
	s7 =	simm.s32 $0x400;
	[sflag:s4] =	ssyncadd.s32 $0xFFFFFC00  }
0xc: {  	[tilespmem:s7], [sflag:$0x1] =	stream.indirect.gather [hbm4b:s2+s6], $0x80, s3, s6, $0xb8;
	[tilespmem:$0xA400] =	vst v63  }
0xd: {  	s8 =	simm.s32 $0x80;
	s9 =	simm.s32 $0x1800  }
0xe: {  	[tilespmem:s9], [sflag:$0x1] =	stream.indirect.gather [hbm4b:s2+s6], $0x80, s8, s6, $0xb8;
	[tilespmem:$0xA400] =	vst v63  }
0xf: {  	s10 =	simm.s32 $0x100;
	s11 =	simm.s32 $0x2C00  }
0x10: {  	[tilespmem:s11], [sflag:$0x1] =	stream.indirect.gather [hbm4b:s2+s6], $0x80, s10, s6, $0xb8;
	[tilespmem:$0xA400] =	vst v63  }
0x11: {  	s12 =	simm.s32 $0x180;
	s13 =	simm.s32 $0x4000  }
0x12: {  	[tilespmem:s13], [sflag:$0x1] =	stream.indirect.gather [hbm4b:s2+s6], $0x80, s12, s6, $0xb8;
	[tilespmem:$0xA400] =	vst v63  }
0x13: {  	s14 =	simm.s32 $0x200;
	s15 =	simm.s32 $0x5400  }
0x14: {  	[tilespmem:s15], [sflag:$0x1] =	stream.indirect.gather [hbm4b:s2+s6], $0x80, s14, s6, $0xb8;
	[tilespmem:$0xA400] =	vst v63  }
0x15: {  	s16 =	simm.s32 $0x280;
	s17 =	simm.s32 $0x6800  }
0x16: {  	[tilespmem:s17], [sflag:$0x1] =	stream.indirect.gather [hbm4b:s2+s6], $0x80, s16, s6, $0xb8;
	[tilespmem:$0xA400] =	vst v63  }
0x17: {  	s18 =	simm.s32 $0x300;
	s19 =	simm.s32 $0x7C00  }
0x18: {  	[tilespmem:s19], [sflag:$0x1] =	stream.indirect.gather [hbm4b:s2+s6], $0x80, s18, s6, $0xb8;
	[tilespmem:$0xA400] =	vst v63  }
0x19: {  	s20 =	simm.s32 $0x380;
	s21 =	simm.s32 $0x9000;
	s22 =	simm.s32 $0x1  }
0x1a: {  	[tilespmem:s21], [sflag:$0x1] =	stream.indirect.gather [hbm4b:s2+s6], $0x80, s20, s6, $0xb8;
	[tilespmem:$0xA400] =	vst v63  }
0x1b: {  	_ =	swait.ge [sflag:s22], $0x1400  }
0x1c: {  	[sflag:s22] =	ssyncset.done $0x0  }
0x1d: {  	[sflag:s22] =	ssyncadd.s32 $0xFFFFEC00  }
0x1e: {  	_ =	swait.ge [sflag:s22], $0x1400  }
0x1f: {  	[sflag:s22] =	ssyncset.done $0x0  }
0x20: {  	[sflag:s22] =	ssyncadd.s32 $0xFFFFEC00  }
0x21: {  	_ =	swait.ge [sflag:s22], $0x1400  }
0x22: {  	[sflag:s22] =	ssyncset.done $0x0  }
0x23: {  	[sflag:s22] =	ssyncadd.s32 $0xFFFFEC00  }
0x24: {  	_ =	swait.ge [sflag:s22], $0x1400  }
0x25: {  	[sflag:s22] =	ssyncset.done $0x0  }
0x26: {  	[sflag:s22] =	ssyncadd.s32 $0xFFFFEC00  }
0x27: {  	_ =	swait.ge [sflag:s22], $0x1400  }
0x28: {  	[sflag:s22] =	ssyncset.done $0x0  }
0x29: {  	[sflag:s22] =	ssyncadd.s32 $0xFFFFEC00  }
0x2a: {  	_ =	swait.ge [sflag:s22], $0x1400  }
0x2b: {  	[sflag:s22] =	ssyncset.done $0x0  }
0x2c: {  	s24 =	ssub.s32 $0x2, s24;
	[sflag:s22] =	ssyncadd.s32 $0xFFFFEC00  }
0x2d: {  	s26 =	sshrl.u32 s24, $0x1;
	_ =	swait.ge [sflag:s22], $0x1400  }
0x2e: {  	s24 =	ssub.s32 s24, s26;
	[sflag:s22] =	ssyncset.done $0x0  }
0x2f: {  	s25 =	smul.u32 $0x1400, s25;
	s24 =	smax.u32 s24, $0x1;
	[sflag:s22] =	ssyncadd.s32 $0xFFFFEC00  }
0x30: {  	p0 =	sne.s32 s24, $0x1;
	_ =	swait.ge [sflag:s22], $0x1400  }
.Ltmp0:
0x31: {  	s23 =	sadd.s32 s25, s23;
	[sflag:s22] =	ssyncset.done $0x0;
	(pc) =	sbr.rel @!p0 .LBB2_2-.Ltmp0, $4  }
0x32: {  	s23 =	sadd.s32 $0x3A00, s23;
	[sflag:s22] =	ssyncadd.s32 $0xFFFFEC00  }
0x33: {  	[hbm4b:s23+s3] =	stream.linear.scatter [tilespmem:s7], [sflag:$0x2], $0xA000, $0x38;
	[tilespmem:$0xA400] =	vst v63  }
0x34: {  	_ =	swait.ge [sflag:s4], $0xA000  }
0x35: {  	s24 =	sadd.s32 $0xFFFFFFFF, s24;
	[sflag:s4] =	ssyncset.done $0x0  }
.LBB2_1:
0x36: {  	p0 =	sne.s32 s24, $0x1;
	s24 =	sadd.s32 $0xFFFFFFFF, s24;
	[sflag:s4] =	ssyncadd.s32 $0xFFFF6000  }
0x37: {  	[tilespmem:s3], [sflag:$0x2] =	stream.linear.gather [hbm4b:s5+s3], $0x400, $0x38;
	[tilespmem:$0xA400] =	vst v63  }
0x38: {  	_ =	swait.ge [sflag:s4], $0x400  }
0x39: {  	[sflag:s4] =	ssyncset.done $0x0  }
0x3a: {  	[sflag:s4] =	ssyncadd.s32 $0xFFFFFC00  }
0x3b: {  	[tilespmem:s7], [sflag:$0x1] =	stream.indirect.gather [hbm4b:s2+s6], $0x80, s3, s6, $0xb8;
	[tilespmem:$0xA400] =	vst v63  }
0x3c: {  	_ = 	snop  }
0x3d: {  	[tilespmem:s9], [sflag:$0x1] =	stream.indirect.gather [hbm4b:s2+s6], $0x80, s8, s6, $0xb8;
	[tilespmem:$0xA400] =	vst v63  }
0x3e: {  	_ = 	snop  }
0x3f: {  	[tilespmem:s11], [sflag:$0x1] =	stream.indirect.gather [hbm4b:s2+s6], $0x80, s10, s6, $0xb8;
	[tilespmem:$0xA400] =	vst v63  }
0x40: {  	_ = 	snop  }
0x41: {  	[tilespmem:s13], [sflag:$0x1] =	stream.indirect.gather [hbm4b:s2+s6], $0x80, s12, s6, $0xb8;
	[tilespmem:$0xA400] =	vst v63  }
0x42: {  	_ = 	snop  }
0x43: {  	[tilespmem:s15], [sflag:$0x1] =	stream.indirect.gather [hbm4b:s2+s6], $0x80, s14, s6, $0xb8;
	[tilespmem:$0xA400] =	vst v63  }
0x44: {  	_ = 	snop  }
0x45: {  	[tilespmem:s17], [sflag:$0x1] =	stream.indirect.gather [hbm4b:s2+s6], $0x80, s16, s6, $0xb8;
	[tilespmem:$0xA400] =	vst v63  }
0x46: {  	_ = 	snop  }
0x47: {  	[tilespmem:s19], [sflag:$0x1] =	stream.indirect.gather [hbm4b:s2+s6], $0x80, s18, s6, $0xb8;
	[tilespmem:$0xA400] =	vst v63  }
0x48: {  	_ = 	snop  }
0x49: {  	[tilespmem:s21], [sflag:$0x1] =	stream.indirect.gather [hbm4b:s2+s6], $0x80, s20, s6, $0xb8;
	[tilespmem:$0xA400] =	vst v63  }
0x4a: {  	_ =	swait.ge [sflag:s22], $0x1400  }
0x4b: {  	[sflag:s22] =	ssyncset.done $0x0  }
0x4c: {  	[sflag:s22] =	ssyncadd.s32 $0xFFFFEC00  }
0x4d: {  	_ =	swait.ge [sflag:s22], $0x1400  }
0x4e: {  	[sflag:s22] =	ssyncset.done $0x0  }
0x4f: {  	[sflag:s22] =	ssyncadd.s32 $0xFFFFEC00  }
0x50: {  	_ =	swait.ge [sflag:s22], $0x1400  }
0x51: {  	[sflag:s22] =	ssyncset.done $0x0  }
0x52: {  	[sflag:s22] =	ssyncadd.s32 $0xFFFFEC00  }
0x53: {  	_ =	swait.ge [sflag:s22], $0x1400  }
0x54: {  	[sflag:s22] =	ssyncset.done $0x0  }
0x55: {  	[sflag:s22] =	ssyncadd.s32 $0xFFFFEC00  }
0x56: {  	_ =	swait.ge [sflag:s22], $0x1400  }
0x57: {  	[sflag:s22] =	ssyncset.done $0x0  }
0x58: {  	[sflag:s22] =	ssyncadd.s32 $0xFFFFEC00  }
0x59: {  	_ =	swait.ge [sflag:s22], $0x1400  }
0x5a: {  	[sflag:s22] =	ssyncset.done $0x0  }
0x5b: {  	[sflag:s22] =	ssyncadd.s32 $0xFFFFEC00  }
0x5c: {  	_ =	swait.ge [sflag:s22], $0x1400  }
0x5d: {  	[sflag:s22] =	ssyncset.done $0x0  }
0x5e: {  	[sflag:s22] =	ssyncadd.s32 $0xFFFFEC00  }
0x5f: {  	_ =	swait.ge [sflag:s22], $0x1400  }
.Ltmp1:
0x60: {  	[sflag:s22] =	ssyncset.done $0x0;
	(pc) =	sbr.rel @p0 .LBB2_1-.Ltmp1, $4  }
0x61: {  	[sflag:s22] =	ssyncadd.s32 $0xFFFFEC00  }
0x62: {  	[hbm4b:s23+s3] =	stream.linear.scatter [tilespmem:s7], [sflag:$0x2], $0xA000, $0x38;
	[tilespmem:$0xA400] =	vst v63  }
0x63: {  	_ =	swait.ge [sflag:s4], $0xA000  }
0x64: {  	[sflag:s4] =	ssyncset.done $0x0  }
.LBB2_2:
0x65: {  	[sflag:s4] =	ssyncadd.s32 $0xFFFF6000  }
0x66: {  	_ =	sfence.sel $0x180000  }
0x67: {  	[bflag:$0x0] =	sbarrier.arrive $0xFFFF  }
0x68: {  	p0 =	sne.s32 s0, $0x0;
	_ =	strace $0x90000047  }
0x69: {  	s0 =	sadd.s32 @!p0 $0x100000, s1;
	[bflag:$0x2] =	sbarrier.arrive $0xFFFF  }
0x6a: {  	[sflag:s0] =	ssyncadd.tile.s32 @!p0 $0x1;
	_ =	shalt  }
.Lfunc_end2:
_tile_overlayer_lowered:
.L_overlay_start_2:
0x6b: {  	(tag) =	ssettag $0x2  }
0x6c: {  	s0 =	rddreg [dreg:$0x0];
	s2 =	stileid.u32  }
0x6d: {  	s1 =	rddreg [dreg:$0x1];
	p0 =	sne.s32 s2, $0x0  }
0x6e: {  	s3 =	rddreg [dreg:$0x2];
	[bflag:$0x3] =	sbarrier.arrive $0xFFFF;
	s2 =	simm.s32 @!p0 $0x1C02  }
0x6f: {  	[timem:s3], [sflag:s2] =	dma.local @!p0 [hbm:s0], s1  }
0x70: {  	s0 =	simm.s32 @!p0 $0x2  }
0x71: {  	_ =	swait.ge @!p0 [sflag:s0], s1  }
0x72: {  	s1 =	ssub.s32 @!p0 $0x0, s1;
	[sflag:s0] =	ssyncset.done @!p0 $0x0  }
0x73: {  	[sflag:s0] =	ssyncadd.s32 @!p0 s1  }
0x74: {  	[bflag:$0x3] =	sbarrier.arrive $0xFFFF  }
0x75: {  	_ =	shalt  }

// kernel: kernel.14.cloned.1.call-start
scs
__scs_entry_jumppad:
0x0: {  	(pc) =	sbr.rel $0x88, $3  }
0x1: {  	(tag) =	ssettag $0x0;
	lr =	simm.s32 $0x1  }
0x2: {  	[smem:$0x3F93] =	sst lr;
	_ =	strace $0xD0000000  }
0x3: {  	_ = 	snop  }
0x4: {  	_ = 	snop  }
0x5: {  	_ = 	snop  }
0x6: {  	_ = 	snop  }
0x7: {  	_ = 	snop  }
__scs_overlays_trampoline_lowered:
0x8: {  	[smem:$0x3FA2] =	sst s0  }
0x9: {  	[smem:$0x3FA3] =	sst s1  }
0xa: {  	[smem:$0x3FA4] =	sst s2  }
0xb: {  	[smem:$0x3FA5] =	sst s3  }
0xc: {  	[smem:$0x3FA6] =	sst s4  }
0xd: {  	[smem:$0x3FA7] =	sst s5  }
0xe: {  	[smem:$0x3FA8] =	sst s6  }
0xf: {  	[smem:$0x3FA9] =	sst s7  }
0x10: {  	[smem:$0x3FAA] =	sst s8  }
0x11: {  	[smem:$0x3FAB] =	sst s9;
	s0 =	simm.s32 @!p0 $0x0  }
0x12: {  	s1 =	sld [smem:$0x3F91];
	s0 =	simm.s32 @p0 $0x1  }
0x13: {  	[smem:$0x3FAC] =	sst s0;
	s0 =	simm.s32 @!p1 $0x0  }
0x14: {  	s2 =	sld [smem:$0x3F90];
	s0 =	simm.s32 @p1 $0x1  }
0x15: {  	[smem:$0x3FAD] =	sst s0;
	s0 =	simm.s32 @!p2 $0x0  }
0x16: {  	s3 =	sld [smem:$0x3FDB];
	s0 =	simm.s32 @p2 $0x1  }
0x17: {  	s4 =	simm.s32 $0x1BF5;
	[smem:$0x3FAF] =	sst s0  }
0x18: {  	s0 =	sld [smem:$0x3F92];
	_ =	swait.ge [sflag:s4], $0x0  }
0x19: {  	s7 =	sld [smem:$0x3F93]  }
0x1a: {  	s8 =	sadd.s32 $0xFFFFE003, lr  }
0x1b: {  	s9 =	sadd.s32 $0xFFFFFEF7, lr;
	s5 =	simm.s32 $0xFFFFFFFF;
	p2 =	slt.u32 s8, $0xFFFFF086  }
0x1c: {  	p1 =	slt.u32 s9, $0xF7A;
	s5 =	simm.s32 @!p2 $0x0  }
0x1d: {  	s5 =	simm.s32 @p1 $0x1;
	p0 =	seq.s32 s7, s2  }
0x1e: {  	s7 =	smul.u32 @!p0 $0xF7A, s2;
	p2 =	seq.s32 @!p0 s5, $0x0  }
0x1f: {  	s9 =	smul.u32 $0xF7A, s1;
	s8 =	simm.s32 @!p0 $0x1BF5;
	p2 =	por !p2, p0  }
0x20: {  	[sflag:s8] =	ssyncset.s32 @!p0 $0xFFFFF086;
	s6 =	sadd.s32 @!p0 s3, s7;
	s7 =	simm.s32 @!p0 $0x108  }
0x21: {  	s3 =	sadd.s32 s3, s9;
	s6 =	sadd.s32 @!p0 $0x88, s6;
	s7 =	simm.s32 @p2 $0x1082  }
0x22: {  	[simem:s7], [sflag:s8] =	dma.local @!p0 [hbm:s6], $0xF7A  }
0x23: {  	s9 =	sor.u32 $0xD0000000, s2;
	s6 =	simm.s32 $0x108;
	_ =	swait.ge @!p0 [sflag:s8], $0x0  }
0x24: {  	s3 =	sadd.s32 $0x88, s3;
	s6 =	simm.s32 @!p1 $0x1082;
	[sflag:s4] =	ssyncset.s32 $0xFFFFF086  }
0x25: {  	[simem:s6], [sflag:s4] =	dma.local [hbm:s3], $0xF7A  }
0x26: {  	[smem:$0x3F93] =	sst s1;
	(tag) =	ssettag s2;
	_ =	strace s9  }
0x27: {  	s1 =	sld [smem:$0x3FA3]  }
0x28: {  	s2 =	sld [smem:$0x3FA4]  }
0x29: {  	s4 =	sld [smem:$0x3FA6]  }
0x2a: {  	p0 =	seq.s32 s5, $0x0;
	s5 =	sld [smem:$0x3FA7]  }
0x2b: {  	s6 =	sld [smem:$0x3FA8]  }
0x2c: {  	s7 =	sld [smem:$0x3FA9]  }
0x2d: {  	s3 =	simm.s32 $0x108;
	s8 =	sld [smem:$0x3FAA]  }
0x2e: {  	s3 =	simm.s32 @!p0 $0x1082;
	s9 =	sld [smem:$0x3FAB]  }
0x2f: {  	lr =	sadd.s32 s0, s3;
	s0 =	sld [smem:$0x3FA2]  }
0x30: {  	s3 =	sld [smem:$0x3FA5]  }
0x31: {  	[smem:$0x3FAE] =	sst s10  }
0x32: {  	s10 =	sld [smem:$0x3FAC];
	_ =	sdelay $0x3  }
0x33: {  	p0 =	seq.s32 s10, $0x1;
	s10 =	sld [smem:$0x3FAE];
	_ =	sdelay $0x3  }
0x34: {  	[smem:$0x3FAE] =	sst s10  }
0x35: {  	s10 =	sld [smem:$0x3FAD];
	_ =	sdelay $0x3  }
0x36: {  	p1 =	seq.s32 s10, $0x1;
	s10 =	sld [smem:$0x3FAE];
	_ =	sdelay $0x3  }
0x37: {  	[smem:$0x3FAE] =	sst s10  }
0x38: {  	s10 =	sld [smem:$0x3FAF]  }
0x39: {  	_ = 	snop;
	(pc) =	sbr.ind lr, $3  }
0x3a: {  	_ = 	snop  }
0x3b: {  	_ = 	snop  }
0x3c: {  	p2 =	seq.s32 s10, $0x1;
	s10 =	sld [smem:$0x3FAE]  }
0x3d: {  	_ =	shalt  }
0x3e: {  	_ =	shalt  }
0x3f: {  	_ =	shalt  }
0x40: {  	_ =	shalt  }
0x41: {  	_ =	shalt  }
0x42: {  	_ =	shalt  }
0x43: {  	_ =	shalt  }
0x44: {  	_ =	shalt  }
0x45: {  	_ =	shalt  }
0x46: {  	_ =	shalt  }
0x47: {  	_ =	shalt  }
0x48: {  	_ =	shalt  }
0x49: {  	_ =	shalt  }
0x4a: {  	_ =	shalt  }
0x4b: {  	_ =	shalt  }
0x4c: {  	_ =	shalt  }
0x4d: {  	_ =	shalt  }
0x4e: {  	_ =	shalt  }
0x4f: {  	_ =	shalt  }
0x50: {  	_ =	shalt  }
0x51: {  	_ =	shalt  }
0x52: {  	_ =	shalt  }
0x53: {  	_ =	shalt  }
0x54: {  	_ =	shalt  }
0x55: {  	_ =	shalt  }
0x56: {  	_ =	shalt  }
0x57: {  	_ =	shalt  }
0x58: {  	_ =	shalt  }
0x59: {  	_ =	shalt  }
0x5a: {  	_ =	shalt  }
0x5b: {  	_ =	shalt  }
0x5c: {  	_ =	shalt  }
0x5d: {  	_ =	shalt  }
0x5e: {  	_ =	shalt  }
0x5f: {  	_ =	shalt  }
0x60: {  	_ =	shalt  }
0x61: {  	_ =	shalt  }
0x62: {  	_ =	shalt  }
0x63: {  	_ =	shalt  }
0x64: {  	_ =	shalt  }
0x65: {  	_ =	shalt  }
0x66: {  	_ =	shalt  }
0x67: {  	_ =	shalt  }
0x68: {  	_ =	shalt  }
0x69: {  	_ =	shalt  }
0x6a: {  	_ =	shalt  }
0x6b: {  	_ =	shalt  }
0x6c: {  	_ =	shalt  }
0x6d: {  	_ =	shalt  }
0x6e: {  	_ =	shalt  }
0x6f: {  	_ =	shalt  }
0x70: {  	_ =	shalt  }
0x71: {  	_ =	shalt  }
0x72: {  	_ =	shalt  }
0x73: {  	_ =	shalt  }
0x74: {  	_ =	shalt  }
0x75: {  	_ =	shalt  }
0x76: {  	_ =	shalt  }
0x77: {  	_ =	shalt  }
0x78: {  	_ =	shalt  }
0x79: {  	_ =	shalt  }
0x7a: {  	_ =	shalt  }
0x7b: {  	_ =	shalt  }
0x7c: {  	_ =	shalt  }
0x7d: {  	_ =	shalt  }
0x7e: {  	_ =	shalt  }
0x7f: {  	_ =	shalt  }
0x80: {  	_ =	shalt  }
0x81: {  	_ =	shalt  }
0x82: {  	_ =	shalt  }
0x83: {  	_ =	shalt  }
0x84: {  	_ =	shalt  }
0x85: {  	_ =	shalt  }
0x86: {  	_ =	shalt  }
0x87: {  	_ =	shalt  }
.Lfunc_end0:
.L_simem_size_0:
called_computation.1_lowered:
.L_overlay_start_0:
0x88: {  	s2 =	sld [smem:$0x3FD9]  }
0x89: {  	s3 =	sld [smem:$0x3FFE];
	_ =	sdelay $0x1  }
0x8a: {  	s1 =	srdreg.scid  }
0x8b: {  	s0 =	sand.u32 $0x1, s1  }
0x8c: {  	s17 =	sshll.u32 s0, $0xA;
	s2 =	sadd.s32 s3, s2  }
0x8d: {  	s2 =	sadd.s32 s2, s17  }
0x8e: {  	[smem:$0x3FBA] =	sst s2  }
0x8f: {  	_ = 	snop  }
0x90: {  	s2 =	sld [smem:$0x3FD0];
	(tm) =	ssettm $0x1  }
0x91: {  	s18 =	sld [smem:$0x3FFB];
	_ =	sdelay $0x3  }
0x92: {  	_ =	strace s18  }
0x93: {  	s3 =	sld [smem:$0x3FFC];
	_ =	sdelay $0x3  }
0x94: {  	_ =	strace s3  }
0x95: {  	s3 =	sld [smem:$0x3FFD];
	_ =	sdelay $0x3  }
0x96: {  	_ =	strace s3  }
0x97: {  	_ =	strace $0x8FFFFFFF  }
0x98: {  	s19 =	sld [smem:$0x3FDB];
	_ =	sdelay $0x1  }
0x99: {  	s4 =	simm.s32 $_scs_section_size  }
0x9a: {  	s5 =	simm.s32 $_size__tile_overlayer_lowered;
	s6 =	simm.s32 $_tile_overlayer_lowered  }
0x9b: {  	s22 =	simm.s32 $0x1BFF;
	s21 =	sshll.u32 s6, $0x1;
	s3 =	sadd.s32 s4, s19  }
0x9c: {  	s7 =	simm.s32 $0x0;
	s20 =	sshll.u32 s5, $0x1;
	s5 =	sadd.s32 s21, s3  }
0x9d: {  	[timem:s7], [sflag:s22] =	dma.local [hbm:s5], s20  }
0x9e: {  	_ =	swait.ge [sflag:s22], s20  }
0x9f: {  	s4 =	ssub.s32 $0x0, s20;
	[sflag:s22] =	ssyncset.done $0x0  }
0xa0: {  	[sflag:s22] =	ssyncadd.s32 s4;
	_ =	sdelay $0x1  }
0xa1: {  	s23 =	simm.s32 $0x1B8B  }
0xa2: {  	_ =	swait.ge [sflag:s23], $0x1  }
0xa3: {  	[sflag:s23] =	ssyncset.done $0x0  }
0xa4: {  	s25 =	simm.s32 $0x1B8E;
	s24 =	sld [smem:$0x3FFE];
	[sflag:s23] =	ssyncadd.s32 $0xFFFFFFFF  }
0xa5: {  	s26 =	simm.s32 $execute0_lowered;
	[smem:$0x3FD2] =	sst s25  }
0xa6: {  	s5 =	sshll.u32 s26, $0x1;
	_ =	strace $0x80000049;
	[dreg:$0x1] =	wrdreg $0xFFFFFFFF  }
0xa7: {  	s28 =	simm.s32 $_size_execute0_lowered;
	s3 =	sadd.s32 s3, s5;
	[dreg:$0x0] =	wrdreg $0x0  }
0xa8: {  	s5 =	sshll.u32 s28, $0x1;
	[dreg:$0x2] =	wrdreg s3  }
0xa9: {  	[dreg:$0x3] =	wrdreg s5  }
0xaa: {  	[dreg:$0x4] =	wrdreg $0xC0  }
0xab: {  	_ =	task [dreg:s7], $0x5FFFF  }
0xac: {  	[dreg:$0x1] =	wrdreg $0xFFFFFFFF  }
0xad: {  	[dreg:$0x0] =	wrdreg $0x60  }
0xae: {  	[dreg:$0x2] =	wrdreg s2  }
0xaf: {  	[dreg:$0x3] =	wrdreg s24  }
0xb0: {  	[dreg:$0x4] =	wrdreg $0x9B000  }
0xb1: {  	[dreg:$0x5] =	wrdreg $0x9  }
0xb2: {  	_ =	task.clear_ibuf [dreg:s7], $0x6FFFF;
	_ =	strace $0x90000049  }
0xb3: {  	s29 =	simm.s32 $0x9;
	_ =	strace $0x8000004B  }
0xb4: {  	_ =	swait.ge [sflag:s29], $0x1  }
0xb5: {  	[sflag:s29] =	ssyncadd.s32 $0xFFFFFFFF  }
0xb6: {  	_ =	strace $0x9000004B  }
0xb7: {  	_ =	sfence  }
0xb8: {  	s30 =	sld [smem:$0x0];
	_ =	sdelay $0x2  }
0xb9: {  	s31 =	sshll.u32 s1, $0xD;
	s1 =	sshrl.u32 s1, $0x2  }
0xba: {  	s3 =	sand.u32 $0x4000, s31;
	s1 =	sadd.s32 s1, s30  }
0xbb: {  	s0 =	sor.u32 s3, s0;
	s1 =	sshll.u32 s1, $0x11  }
0xbc: {  	s0 =	sor.u32 s1, s0  }
0xbd: {  	s0 =	sadd.s32 $0x8F2B, s0  }
0xbe: {  	[sflag:s0] =	ssyncadd.remote.s32 $0x1  }
0xbf: {  	_ =	sfence.sel $0xFFFF  }
0xc0: {  	[dreg:$0x0] =	wrdreg $0xFFFFFFFF;
	(pc) =	sbr.abs _section_cstart, $3  }
0xc1: {  	[dreg:$0x1] =	wrdreg $0xFFFFFFFF  }
0xc2: {  	_ =	task.clear_ibuf [dreg:s7], $0x2FFFF;
	_ =	strace $0x9FFFFFFF  }
0xc3: {  	(tm) =	ssettm $0x7FFFFFFF  }
tec
execute0_lowered:
.L_overlay_start_1:
0x0: {  	(tag) =	ssettag $0x1  }
0x1: {  	s1 =	rddreg [dreg:$0x0]  }
0x2: {  	s0 =	rddreg [dreg:$0x1]  }
0x3: {  	s3 =	rddreg [dreg:$0x2]  }
0x4: {  	s2 =	srdreg.scid;
	s10 =	stileid.u32;
	s4 =	simm.s32 $0x0  }
0x5: {  	s28 =	simm.s32 $0x200;
	s29 =	simm.s32 $0x100;
	s30 =	simm.s32 $0x280  }
0x6: {  	s31 =	simm.s32 $0x2;
	s11 =	simm.s32 $0x0;
	s6 =	smul.u32 $0x2800, s10  }
0x7: {  	s2 =	sand.u32 $0x1, s2;
	[smem:$0x7FF] =	sst s4;
	s8 =	smul.u32 $0x50000, s10  }
0x8: {  	s5 =	sadd.s32 $0x2BA00, s0;
	s13 =	sadd.s32 $0x35800, s0;
	s19 =	smul.u32 $0x4EC0, s10  }
0x9: {  	s9 =	sadd.s32 $0x3F600, s0;
	s10 =	simm.s32 $0x1;
	s7 =	smul.u32 $0x28000, s2  }
0xa: {  	_ =	strace $0x8000004A;
	[dreg:$0x4] =	wrdreg s9;
	s12 =	ssub.s32 $0x2, s2  }
0xb: {  	s2 =	smul.u32 $0x2760, s2;
	s9 =	simm.s32 $0x5300;
	s8 =	sshrl.u32 s8, $0x2  }
0xc: {  	s14 =	sshrl.u32 s12, $0x1;
	s6 =	sadd.s32 s6, s7;
	s8 =	sadd.s32 s8, s3  }
0xd: {  	s15 =	ssub.s32 s12, s14;
	s2 =	sadd.s32 s2, s19;
	s17 =	sadd.s32 $0x2000, s8  }
0xe: {  	s7 =	simm.s32 $0x2B00;
	s18 =	sadd.s32 $0x4000, s8;
	[dreg:$0x5] =	wrdreg s17  }
0xf: {  	s0 =	sadd.s32 s6, s0;
	s20 =	sadd.s32 $0x6000, s8;
	[dreg:$0x6] =	wrdreg s18  }
0x10: {  	s21 =	sadd.s32 $0x8000, s8;
	s22 =	sadd.s32 $0xA000, s8;
	[dreg:$0x7] =	wrdreg s20  }
0x11: {  	s23 =	sadd.s32 $0xC000, s8;
	s24 =	sadd.s32 $0xE000, s8;
	[dreg:$0x8] =	wrdreg s21  }
0x12: {  	s16 =	sadd.s32 $0x10000, s8;
	s19 =	smax.u32 s15, $0x1;
	[dreg:$0x9] =	wrdreg s22  }
0x13: {  	s25 =	sadd.s32 $0xA0, s2;
	s26 =	sadd.s32 $0x50, s2;
	[dreg:$0xa] =	wrdreg s23  }
0x14: {  	[dreg:$0xb] =	wrdreg s24;
	s17 =	sadd.s32 $0x12000, s8;
	s18 =	sadd.s32 $0x3FA00, s0  }
0x15: {  	s20 =	sshrl.u32 s2, $0x3;
	s21 =	sshrl.u32 s25, $0x3;
	s22 =	sshrl.u32 s26, $0x3  }
0x16: {  	s23 =	simm.s32 $0x7B00;
	s24 =	simm.s32 $0x3;
	s25 =	simm.s32 $0x180  }
0x17: {  	s26 =	simm.s32 $0x80;
	s0 =	simm.s32 $0x50;
	s2 =	simm.s32 $0x300  }
.LBB2_1:
0x18: {  	s6 =	rddreg [dreg:$0x4]  }
0x19: {  	[tilespmem:s23], [sflag:$0x3] =	stream.linear.gather [hbm4b:s6+s4], $0x2000, $0x38;
	[tilespmem:$0x1DB00] =	vst v63  }
0x1a: {  	_ =	swait.ge [sflag:s24], $0x2000  }
0x1b: {  	[sflag:s24] =	ssyncset.done $0x0  }
0x1c: {  	[sflag:s24] =	ssyncadd.s32 $0xFFFFE000  }
0x1d: {  	[spmem:s8] =	stream.linear.scatter [tilespmem:s23], [sflag:$0x3], $0x2000, $0x38;
	[tilespmem:$0x1DB00] =	vst v63  }
0x1e: {  	_ =	swait.ge [sflag:s24], $0x2000  }
0x1f: {  	[sflag:s24] =	ssyncset.done $0x0  }
0x20: {  	s15 =	rddreg [dreg:$0x5];
	[sflag:s24] =	ssyncadd.s32 $0xFFFFE000  }
0x21: {  	[spmem:s15] =	stream.linear.scatter [tilespmem:s23], [sflag:$0x3], $0x2000, $0x38;
	[tilespmem:$0x1DB00] =	vst v63  }
0x22: {  	_ =	swait.ge [sflag:s24], $0x2000  }
0x23: {  	[sflag:s24] =	ssyncset.done $0x0  }
0x24: {  	s12 =	rddreg [dreg:$0x6];
	[sflag:s24] =	ssyncadd.s32 $0xFFFFE000  }
0x25: {  	[spmem:s12] =	stream.linear.scatter [tilespmem:s23], [sflag:$0x3], $0x2000, $0x38;
	[tilespmem:$0x1DB00] =	vst v63  }
0x26: {  	_ =	swait.ge [sflag:s24], $0x2000  }
0x27: {  	[sflag:s24] =	ssyncset.done $0x0  }
0x28: {  	s14 =	rddreg [dreg:$0x7];
	[sflag:s24] =	ssyncadd.s32 $0xFFFFE000  }
0x29: {  	[spmem:s14] =	stream.linear.scatter [tilespmem:s23], [sflag:$0x3], $0x2000, $0x38;
	[tilespmem:$0x1DB00] =	vst v63  }
0x2a: {  	_ =	swait.ge [sflag:s24], $0x2000  }
0x2b: {  	[sflag:s24] =	ssyncset.done $0x0  }
0x2c: {  	s15 =	rddreg [dreg:$0x8];
	[sflag:s24] =	ssyncadd.s32 $0xFFFFE000  }
0x2d: {  	[spmem:s15] =	stream.linear.scatter [tilespmem:s23], [sflag:$0x3], $0x2000, $0x38;
	[tilespmem:$0x1DB00] =	vst v63  }
0x2e: {  	_ =	swait.ge [sflag:s24], $0x2000  }
0x2f: {  	[sflag:s24] =	ssyncset.done $0x0  }
0x30: {  	s12 =	rddreg [dreg:$0x9];
	[sflag:s24] =	ssyncadd.s32 $0xFFFFE000  }
0x31: {  	[spmem:s12] =	stream.linear.scatter [tilespmem:s23], [sflag:$0x3], $0x2000, $0x38;
	[tilespmem:$0x1DB00] =	vst v63  }
0x32: {  	_ =	swait.ge [sflag:s24], $0x2000  }
0x33: {  	[sflag:s24] =	ssyncset.done $0x0  }
0x34: {  	s14 =	rddreg [dreg:$0xa];
	[sflag:s24] =	ssyncadd.s32 $0xFFFFE000  }
0x35: {  	[spmem:s14] =	stream.linear.scatter [tilespmem:s23], [sflag:$0x3], $0x2000, $0x38;
	[tilespmem:$0x1DB00] =	vst v63  }
0x36: {  	_ =	swait.ge [sflag:s24], $0x2000  }
0x37: {  	[sflag:s24] =	ssyncset.done $0x0  }
0x38: {  	s15 =	rddreg [dreg:$0xb];
	[sflag:s24] =	ssyncadd.s32 $0xFFFFE000  }
0x39: {  	[spmem:s15] =	stream.linear.scatter [tilespmem:s23], [sflag:$0x3], $0x2000, $0x38;
	[tilespmem:$0x1DB00] =	vst v63  }
0x3a: {  	_ =	swait.ge [sflag:s24], $0x2000  }
0x3b: {  	[sflag:s24] =	ssyncset.done $0x0  }
0x3c: {  	[sflag:s24] =	ssyncadd.s32 $0xFFFFE000  }
0x3d: {  	[spmem:s16] =	stream.linear.scatter [tilespmem:s23], [sflag:$0x3], $0x2000, $0x38;
	[tilespmem:$0x1DB00] =	vst v63  }
0x3e: {  	_ =	swait.ge [sflag:s24], $0x2000  }
0x3f: {  	[sflag:s24] =	ssyncset.done $0x0  }
0x40: {  	[sflag:s24] =	ssyncadd.s32 $0xFFFFE000  }
0x41: {  	[spmem:s17] =	stream.linear.scatter [tilespmem:s23], [sflag:$0x3], $0x2000, $0x38;
	[tilespmem:$0x1DB00] =	vst v63  }
0x42: {  	_ =	swait.ge [sflag:s24], $0x2000  }
0x43: {  	[sflag:s24] =	ssyncset.done $0x0  }
0x44: {  	[sflag:s24] =	ssyncadd.s32 $0xFFFFE000  }
0x45: {  	s12 =	sadd.s32 s5, s20;
	[bflag:$0x0] =	sbarrier.arrive $0xFFFF  }
0x46: {  	[tilespmem:s4], [sflag:$0x2] =	stream.linear.gather [hbm4b:s12+s4], $0x50, $0x38;
	[tilespmem:$0x1DB00] =	vst v63  }
0x47: {  	s14 =	sadd.s32 s13, s20  }
0x48: {  	[tilespmem:s25], [sflag:$0x2] =	stream.linear.gather [hbm4b:s14+s4], $0x50, $0x38;
	[tilespmem:$0x1DB00] =	vst v63  }
0x49: {  	s15 =	sadd.s32 s5, s22  }
0x4a: {  	[tilespmem:s26], [sflag:$0x2] =	stream.linear.gather [hbm4b:s15+s4], $0x50, $0x38;
	[tilespmem:$0x1DB00] =	vst v63  }
0x4b: {  	s12 =	sadd.s32 s13, s22  }
0x4c: {  	[tilespmem:s28], [sflag:$0x2] =	stream.linear.gather [hbm4b:s12+s4], $0x50, $0x38;
	[tilespmem:$0x1DB00] =	vst v63  }
0x4d: {  	s14 =	sadd.s32 s5, s21  }
0x4e: {  	[tilespmem:s29], [sflag:$0x2] =	stream.linear.gather [hbm4b:s14+s4], $0x50, $0x38;
	[tilespmem:$0x1DB00] =	vst v63  }
0x4f: {  	s15 =	sadd.s32 s13, s21  }
0x50: {  	[tilespmem:s30], [sflag:$0x2] =	stream.linear.gather [hbm4b:s15+s4], $0x50, $0x38;
	[tilespmem:$0x1DB00] =	vst v63  }
0x51: {  	_ =	swait.ge [sflag:s31], $0x50  }
0x52: {  	[sflag:s31] =	ssyncset.done $0x0  }
0x53: {  	[sflag:s31] =	ssyncadd.s32 $0xFFFFFFB0  }
0x54: {  	_ =	swait.ge [sflag:s31], $0x50  }
0x55: {  	[sflag:s31] =	ssyncset.done $0x0  }
0x56: {  	[sflag:s31] =	ssyncadd.s32 $0xFFFFFFB0  }
0x57: {  	_ =	swait.ge [sflag:s31], $0x50  }
0x58: {  	[sflag:s31] =	ssyncset.done $0x0  }
0x59: {  	[sflag:s31] =	ssyncadd.s32 $0xFFFFFFB0  }
0x5a: {  	_ =	swait.ge [sflag:s31], $0x50  }
0x5b: {  	[sflag:s31] =	ssyncset.done $0x0  }
0x5c: {  	[sflag:s31] =	ssyncadd.s32 $0xFFFFFFB0  }
0x5d: {  	_ =	swait.ge [sflag:s31], $0x50  }
0x5e: {  	[sflag:s31] =	ssyncset.done $0x0  }
0x5f: {  	[sflag:s31] =	ssyncadd.s32 $0xFFFFFFB0  }
0x60: {  	_ =	swait.ge [sflag:s31], $0x50  }
0x61: {  	[sflag:s31] =	ssyncset.done $0x0  }
0x62: {  	[sflag:s31] =	ssyncadd.s32 $0xFFFFFFB0  }
0x63: {  	[tilespmem:s2], [sflag:$0x1] =	stream.indirect.gather [hbm4b:s1+s0], $0x80, s4, s0, $0xb8;
	[tilespmem:$0x1DB00] =	vst v63  }
0x64: {  	_ = 	snop  }
0x65: {  	[tilespmem:s7], [sflag:$0x1] =	stream.indirect.gather [hbm4b:s1+s0], $0x80, s26, s0, $0xb8;
	[tilespmem:$0x1DB00] =	vst v63  }
0x66: {  	_ = 	snop  }
0x67: {  	[tilespmem:s9], [sflag:$0x1] =	stream.indirect.gather [hbm4b:s1+s0], $0x80, s29, s0, $0xb8;
	[tilespmem:$0x1DB00] =	vst v63  }
0x68: {  	_ =	swait.ge [sflag:s10], $0x2800  }
0x69: {  	[sflag:s10] =	ssyncset.done $0x0  }
0x6a: {  	[sflag:s10] =	ssyncadd.s32 $0xFFFFD800  }
0x6b: {  	[spmem:s3] =	stream.indirect.scatter.add.f32 [tilespmem:s2], [sflag:$0x3], $0x80, s25, s0, $0xb8;
	[tilespmem:$0x1DB00] =	vst v63  }
0x6c: {  	_ =	swait.ge [sflag:s24], $0x2800  }
0x6d: {  	[sflag:s24] =	ssyncset.done $0x0  }
0x6e: {  	[sflag:s24] =	ssyncadd.s32 $0xFFFFD800  }
0x6f: {  	_ =	swait.ge [sflag:s10], $0x2800  }
0x70: {  	[sflag:s10] =	ssyncset.done $0x0  }
0x71: {  	[sflag:s10] =	ssyncadd.s32 $0xFFFFD800  }
0x72: {  	[spmem:s3] =	stream.indirect.scatter.add.f32 [tilespmem:s7], [sflag:$0x3], $0x80, s28, s0, $0xb8;
	[tilespmem:$0x1DB00] =	vst v63  }
0x73: {  	_ =	swait.ge [sflag:s24], $0x2800  }
0x74: {  	[sflag:s24] =	ssyncset.done $0x0  }
0x75: {  	[sflag:s24] =	ssyncadd.s32 $0xFFFFD800  }
0x76: {  	_ =	swait.ge [sflag:s10], $0x2800  }
0x77: {  	[sflag:s10] =	ssyncset.done $0x0  }
0x78: {  	[sflag:s10] =	ssyncadd.s32 $0xFFFFD800  }
0x79: {  	[spmem:s3] =	stream.indirect.scatter.add.f32 [tilespmem:s9], [sflag:$0x3], $0x80, s30, s0, $0xb8;
	[tilespmem:$0x1DB00] =	vst v63  }
0x7a: {  	s6 =	smov.u32 s13;
	_ =	swait.ge [sflag:s24], $0x2800  }
0x7b: {  	s12 =	sadd.s32 $0x1E, s5;
	s14 =	simm.s32 $0x28;
	[sflag:s24] =	ssyncset.done $0x0  }
.LBB2_2:
0x7c: {  	s15 =	sadd.s32 s12, s20;
	[sflag:s24] =	ssyncadd.s32 $0xFFFFD800;
	s6 =	sadd.s32 $0x1E, s6  }
0x7d: {  	[tilespmem:s4], [sflag:$0x2] =	stream.linear.gather [hbm4b:s15+s4], $0x50, $0x38;
	[tilespmem:$0x1DB00] =	vst v63  }
0x7e: {  	p0 =	sne.s32 s14, $0x1;
	s14 =	sadd.s32 $0xFFFFFFFF, s14;
	s15 =	sadd.s32 s6, s20  }
0x7f: {  	[tilespmem:s25], [sflag:$0x2] =	stream.linear.gather [hbm4b:s15+s4], $0x50, $0x38;
	[tilespmem:$0x1DB00] =	vst v63  }
0x80: {  	s15 =	sadd.s32 s12, s22  }
0x81: {  	[tilespmem:s26], [sflag:$0x2] =	stream.linear.gather [hbm4b:s15+s4], $0x50, $0x38;
	[tilespmem:$0x1DB00] =	vst v63  }
0x82: {  	s15 =	sadd.s32 s6, s22  }
0x83: {  	[tilespmem:s28], [sflag:$0x2] =	stream.linear.gather [hbm4b:s15+s4], $0x50, $0x38;
	[tilespmem:$0x1DB00] =	vst v63  }
0x84: {  	s15 =	sadd.s32 s12, s21  }
0x85: {  	[tilespmem:s29], [sflag:$0x2] =	stream.linear.gather [hbm4b:s15+s4], $0x50, $0x38;
	[tilespmem:$0x1DB00] =	vst v63  }
0x86: {  	s15 =	sadd.s32 s6, s21  }
0x87: {  	[tilespmem:s30], [sflag:$0x2] =	stream.linear.gather [hbm4b:s15+s4], $0x50, $0x38;
	[tilespmem:$0x1DB00] =	vst v63  }
0x88: {  	_ =	swait.ge [sflag:s31], $0x50  }
0x89: {  	[sflag:s31] =	ssyncset.done $0x0  }
0x8a: {  	[sflag:s31] =	ssyncadd.s32 $0xFFFFFFB0  }
0x8b: {  	_ =	swait.ge [sflag:s31], $0x50  }
0x8c: {  	[sflag:s31] =	ssyncset.done $0x0  }
0x8d: {  	[sflag:s31] =	ssyncadd.s32 $0xFFFFFFB0  }
0x8e: {  	_ =	swait.ge [sflag:s31], $0x50  }
0x8f: {  	[sflag:s31] =	ssyncset.done $0x0  }
0x90: {  	[sflag:s31] =	ssyncadd.s32 $0xFFFFFFB0  }
0x91: {  	_ =	swait.ge [sflag:s31], $0x50  }
0x92: {  	[sflag:s31] =	ssyncset.done $0x0  }
0x93: {  	[sflag:s31] =	ssyncadd.s32 $0xFFFFFFB0  }
0x94: {  	_ =	swait.ge [sflag:s31], $0x50  }
0x95: {  	[sflag:s31] =	ssyncset.done $0x0  }
0x96: {  	[sflag:s31] =	ssyncadd.s32 $0xFFFFFFB0  }
0x97: {  	_ =	swait.ge [sflag:s31], $0x50  }
0x98: {  	[sflag:s31] =	ssyncset.done $0x0  }
0x99: {  	[sflag:s31] =	ssyncadd.s32 $0xFFFFFFB0  }
0x9a: {  	[tilespmem:s2], [sflag:$0x1] =	stream.indirect.gather [hbm4b:s1+s0], $0x80, s4, s0, $0xb8;
	[tilespmem:$0x1DB00] =	vst v63  }
0x9b: {  	_ = 	snop  }
0x9c: {  	[tilespmem:s7], [sflag:$0x1] =	stream.indirect.gather [hbm4b:s1+s0], $0x80, s26, s0, $0xb8;
	[tilespmem:$0x1DB00] =	vst v63  }
0x9d: {  	_ = 	snop  }
0x9e: {  	[tilespmem:s9], [sflag:$0x1] =	stream.indirect.gather [hbm4b:s1+s0], $0x80, s29, s0, $0xb8;
	[tilespmem:$0x1DB00] =	vst v63  }
0x9f: {  	_ =	swait.ge [sflag:s10], $0x2800  }
0xa0: {  	[sflag:s10] =	ssyncset.done $0x0  }
0xa1: {  	[sflag:s10] =	ssyncadd.s32 $0xFFFFD800  }
0xa2: {  	[spmem:s3] =	stream.indirect.scatter.add.f32 [tilespmem:s2], [sflag:$0x3], $0x80, s25, s0, $0xb8;
	[tilespmem:$0x1DB00] =	vst v63  }
0xa3: {  	_ =	swait.ge [sflag:s24], $0x2800  }
0xa4: {  	[sflag:s24] =	ssyncset.done $0x0  }
0xa5: {  	[sflag:s24] =	ssyncadd.s32 $0xFFFFD800  }
0xa6: {  	_ =	swait.ge [sflag:s10], $0x2800  }
0xa7: {  	[sflag:s10] =	ssyncset.done $0x0  }
0xa8: {  	[sflag:s10] =	ssyncadd.s32 $0xFFFFD800  }
0xa9: {  	[spmem:s3] =	stream.indirect.scatter.add.f32 [tilespmem:s7], [sflag:$0x3], $0x80, s28, s0, $0xb8;
	[tilespmem:$0x1DB00] =	vst v63  }
0xaa: {  	_ =	swait.ge [sflag:s24], $0x2800  }
0xab: {  	[sflag:s24] =	ssyncset.done $0x0  }
0xac: {  	[sflag:s24] =	ssyncadd.s32 $0xFFFFD800  }
0xad: {  	_ =	swait.ge [sflag:s10], $0x2800  }
.Ltmp0:
0xae: {  	[sflag:s10] =	ssyncset.done $0x0;
	(pc) =	sbr.rel @p0 .LBB2_2-.Ltmp0, $4  }
0xaf: {  	[sflag:s10] =	ssyncadd.s32 $0xFFFFD800  }
0xb0: {  	[spmem:s3] =	stream.indirect.scatter.add.f32 [tilespmem:s9], [sflag:$0x3], $0x80, s30, s0, $0xb8;
	[tilespmem:$0x1DB00] =	vst v63  }
0xb1: {  	_ =	swait.ge [sflag:s24], $0x2800  }
0xb2: {  	s12 =	sadd.s32 $0x1E, s12;
	[sflag:s24] =	ssyncset.done $0x0  }
0xb3: {  	s14 =	sadd.s32 s12, s20;
	[sflag:s24] =	ssyncadd.s32 $0xFFFFD800;
	s6 =	sadd.s32 $0x1E, s6  }
0xb4: {  	[tilespmem:s4], [sflag:$0x2] =	stream.linear.gather [hbm4b:s14+s4], $0x50, $0x38;
	[tilespmem:$0x1DB00] =	vst v63  }
0xb5: {  	s15 =	sadd.s32 s6, s20  }
0xb6: {  	[tilespmem:s25], [sflag:$0x2] =	stream.linear.gather [hbm4b:s15+s4], $0x50, $0x38;
	[tilespmem:$0x1DB00] =	vst v63  }
0xb7: {  	s15 =	sadd.s32 s12, s22  }
0xb8: {  	[tilespmem:s26], [sflag:$0x2] =	stream.linear.gather [hbm4b:s15+s4], $0x50, $0x38;
	[tilespmem:$0x1DB00] =	vst v63  }
0xb9: {  	s15 =	sadd.s32 s6, s22  }
0xba: {  	[tilespmem:s28], [sflag:$0x2] =	stream.linear.gather [hbm4b:s15+s4], $0x50, $0x38;
	[tilespmem:$0x1DB00] =	vst v63  }
0xbb: {  	s15 =	sadd.s32 s12, s21  }
0xbc: {  	[tilespmem:s29], [sflag:$0x2] =	stream.linear.gather [hbm4b:s15+s4], $0x50, $0x38;
	[tilespmem:$0x1DB00] =	vst v63  }
0xbd: {  	s6 =	sadd.s32 s6, s21  }
0xbe: {  	[tilespmem:s30], [sflag:$0x2] =	stream.linear.gather [hbm4b:s6+s4], $0x50, $0x38;
	[tilespmem:$0x1DB00] =	vst v63  }
0xbf: {  	_ =	swait.ge [sflag:s31], $0x50  }
0xc0: {  	[sflag:s31] =	ssyncset.done $0x0  }
0xc1: {  	[sflag:s31] =	ssyncadd.s32 $0xFFFFFFB0  }
0xc2: {  	_ =	swait.ge [sflag:s31], $0x50  }
0xc3: {  	[sflag:s31] =	ssyncset.done $0x0  }
0xc4: {  	[sflag:s31] =	ssyncadd.s32 $0xFFFFFFB0  }
0xc5: {  	_ =	swait.ge [sflag:s31], $0x50  }
0xc6: {  	[sflag:s31] =	ssyncset.done $0x0  }
0xc7: {  	[sflag:s31] =	ssyncadd.s32 $0xFFFFFFB0  }
0xc8: {  	_ =	swait.ge [sflag:s31], $0x50  }
0xc9: {  	[sflag:s31] =	ssyncset.done $0x0  }
0xca: {  	[sflag:s31] =	ssyncadd.s32 $0xFFFFFFB0  }
0xcb: {  	_ =	swait.ge [sflag:s31], $0x50  }
0xcc: {  	[sflag:s31] =	ssyncset.done $0x0  }
0xcd: {  	[sflag:s31] =	ssyncadd.s32 $0xFFFFFFB0  }
0xce: {  	_ =	swait.ge [sflag:s31], $0x50  }
0xcf: {  	[sflag:s31] =	ssyncset.done $0x0  }
0xd0: {  	[sflag:s31] =	ssyncadd.s32 $0xFFFFFFB0  }
0xd1: {  	[tilespmem:s2], [sflag:$0x1] =	stream.indirect.gather [hbm4b:s1+s0], $0x80, s4, s0, $0xb8;
	[tilespmem:$0x1DB00] =	vst v63  }
0xd2: {  	_ = 	snop  }
0xd3: {  	[tilespmem:s7], [sflag:$0x1] =	stream.indirect.gather [hbm4b:s1+s0], $0x80, s26, s0, $0xb8;
	[tilespmem:$0x1DB00] =	vst v63  }
0xd4: {  	_ = 	snop  }
0xd5: {  	[tilespmem:s9], [sflag:$0x1] =	stream.indirect.gather [hbm4b:s1+s0], $0x80, s29, s0, $0xb8;
	[tilespmem:$0x1DB00] =	vst v63  }
0xd6: {  	_ =	swait.ge [sflag:s10], $0x2800  }
0xd7: {  	[sflag:s10] =	ssyncset.done $0x0  }
0xd8: {  	[sflag:s10] =	ssyncadd.s32 $0xFFFFD800  }
0xd9: {  	[spmem:s3] =	stream.indirect.scatter.add.f32 [tilespmem:s2], [sflag:$0x3], $0x80, s25, s0, $0xb8;
	[tilespmem:$0x1DB00] =	vst v63  }
0xda: {  	_ =	swait.ge [sflag:s24], $0x2800  }
0xdb: {  	[sflag:s24] =	ssyncset.done $0x0  }
0xdc: {  	[sflag:s24] =	ssyncadd.s32 $0xFFFFD800  }
0xdd: {  	_ =	swait.ge [sflag:s10], $0x2800  }
0xde: {  	[sflag:s10] =	ssyncset.done $0x0  }
0xdf: {  	[sflag:s10] =	ssyncadd.s32 $0xFFFFD800  }
0xe0: {  	[spmem:s3] =	stream.indirect.scatter.add.f32 [tilespmem:s7], [sflag:$0x3], $0x80, s28, s0, $0xb8;
	[tilespmem:$0x1DB00] =	vst v63  }
0xe1: {  	_ =	swait.ge [sflag:s24], $0x2800  }
0xe2: {  	[sflag:s24] =	ssyncset.done $0x0  }
0xe3: {  	[sflag:s24] =	ssyncadd.s32 $0xFFFFD800  }
0xe4: {  	_ =	swait.ge [sflag:s10], $0x2800  }
0xe5: {  	[sflag:s10] =	ssyncset.done $0x0  }
0xe6: {  	[sflag:s10] =	ssyncadd.s32 $0xFFFFD800  }
0xe7: {  	[spmem:s3] =	stream.indirect.scatter.add.f32 [tilespmem:s9], [sflag:$0x3], $0x80, s30, s0, $0xb8;
	[tilespmem:$0x1DB00] =	vst v63  }
0xe8: {  	s11 =	sadd.s32 $0x1, s11;
	_ =	swait.ge [sflag:s24], $0x2800  }
0xe9: {  	s14 =	stileid.u32;
	p0 =	sne.s32 s11, s19;
	[sflag:s24] =	ssyncset.done $0x0  }
0xea: {  	s15 =	sshrl.u32 s8, $0x3;
	s6 =	sshll.u32 s14, $0x6;
	[sflag:s24] =	ssyncadd.s32 $0xFFFFD800  }
.Ltmp1:
0xeb: {  	s6 =	sor.u32 $0x1C03, s6;
	[bflag:$0x0] =	sbarrier.arrive $0xFFFF;
	(pc) =	sbr.rel @p0 .LBB2_1-.Ltmp1, $4  }
0xec: {  	[hbm:s18], [sflag:s6] =	dma.local [spmem:s15], $0x2800  }
0xed: {  	_ =	swait.ge [sflag:s24], $0x2800  }
0xee: {  	[sflag:s24] =	ssyncset.done $0x0  }
0xef: {  	[sflag:s24] =	ssyncadd.s32 $0xFFFFD800  }
0xf0: {  	_ =	sfence.sel $0x180000  }
0xf1: {  	[bflag:$0x0] =	sbarrier.arrive $0xFFFF  }
0xf2: {  	_ =	strace $0x9000004A  }
0xf3: {  	s0 =	stileid.u32;
	[bflag:$0x2] =	sbarrier.arrive $0xFFFF  }
0xf4: {  	p0 =	sne.s32 s0, $0x0;
	s0 =	rddreg [dreg:$0x3]  }
0xf5: {  	s0 =	sadd.s32 @!p0 $0x100000, s0  }
0xf6: {  	[sflag:s0] =	ssyncadd.tile.s32 @!p0 $0x1;
	_ =	shalt  }
.Lfunc_end2:
_tile_overlayer_lowered:
.L_overlay_start_2:
0xf7: {  	(tag) =	ssettag $0x2  }
0xf8: {  	s0 =	rddreg [dreg:$0x0];
	s2 =	stileid.u32  }
0xf9: {  	s1 =	rddreg [dreg:$0x1];
	p0 =	sne.s32 s2, $0x0  }
0xfa: {  	s3 =	rddreg [dreg:$0x2];
	[bflag:$0x3] =	sbarrier.arrive $0xFFFF;
	s2 =	simm.s32 @!p0 $0x1C03  }
0xfb: {  	[timem:s3], [sflag:s2] =	dma.local @!p0 [hbm:s0], s1  }
0xfc: {  	s0 =	simm.s32 @!p0 $0x3  }
0xfd: {  	_ =	swait.ge @!p0 [sflag:s0], s1  }
0xfe: {  	s1 =	ssub.s32 @!p0 $0x0, s1;
	[sflag:s0] =	ssyncset.done @!p0 $0x0  }
0xff: {  	[sflag:s0] =	ssyncadd.s32 @!p0 s1  }
0x100: {  	[bflag:$0x3] =	sbarrier.arrive $0xFFFF  }
0x101: {  	_ =	shalt  }

// kernel: kernel.17.cloned.1.call-start
scs
__scs_entry_jumppad:
0x0: {  	(pc) =	sbr.rel $0x88, $3  }
0x1: {  	(tag) =	ssettag $0x0;
	lr =	simm.s32 $0x1  }
0x2: {  	[smem:$0x3F93] =	sst lr;
	_ =	strace $0xD0000000  }
0x3: {  	_ = 	snop  }
0x4: {  	_ = 	snop  }
0x5: {  	_ = 	snop  }
0x6: {  	_ = 	snop  }
0x7: {  	_ = 	snop  }
__scs_overlays_trampoline_lowered:
0x8: {  	[smem:$0x3FA2] =	sst s0  }
0x9: {  	[smem:$0x3FA3] =	sst s1  }
0xa: {  	[smem:$0x3FA4] =	sst s2  }
0xb: {  	[smem:$0x3FA5] =	sst s3  }
0xc: {  	[smem:$0x3FA6] =	sst s4  }
0xd: {  	[smem:$0x3FA7] =	sst s5  }
0xe: {  	[smem:$0x3FA8] =	sst s6  }
0xf: {  	[smem:$0x3FA9] =	sst s7  }
0x10: {  	[smem:$0x3FAA] =	sst s8  }
0x11: {  	[smem:$0x3FAB] =	sst s9;
	s0 =	simm.s32 @!p0 $0x0  }
0x12: {  	s1 =	sld [smem:$0x3F91];
	s0 =	simm.s32 @p0 $0x1  }
0x13: {  	[smem:$0x3FAC] =	sst s0;
	s0 =	simm.s32 @!p1 $0x0  }
0x14: {  	s2 =	sld [smem:$0x3F90];
	s0 =	simm.s32 @p1 $0x1  }
0x15: {  	[smem:$0x3FAD] =	sst s0;
	s0 =	simm.s32 @!p2 $0x0  }
0x16: {  	s3 =	sld [smem:$0x3FDB];
	s0 =	simm.s32 @p2 $0x1  }
0x17: {  	s4 =	simm.s32 $0x1BF5;
	[smem:$0x3FAF] =	sst s0  }
0x18: {  	s0 =	sld [smem:$0x3F92];
	_ =	swait.ge [sflag:s4], $0x0  }
0x19: {  	s7 =	sld [smem:$0x3F93]  }
0x1a: {  	s8 =	sadd.s32 $0xFFFFE003, lr  }
0x1b: {  	s9 =	sadd.s32 $0xFFFFFEF7, lr;
	s5 =	simm.s32 $0xFFFFFFFF;
	p2 =	slt.u32 s8, $0xFFFFF086  }
0x1c: {  	p1 =	slt.u32 s9, $0xF7A;
	s5 =	simm.s32 @!p2 $0x0  }
0x1d: {  	s5 =	simm.s32 @p1 $0x1;
	p0 =	seq.s32 s7, s2  }
0x1e: {  	s7 =	smul.u32 @!p0 $0xF7A, s2;
	p2 =	seq.s32 @!p0 s5, $0x0  }
0x1f: {  	s9 =	smul.u32 $0xF7A, s1;
	s8 =	simm.s32 @!p0 $0x1BF5;
	p2 =	por !p2, p0  }
0x20: {  	[sflag:s8] =	ssyncset.s32 @!p0 $0xFFFFF086;
	s6 =	sadd.s32 @!p0 s3, s7;
	s7 =	simm.s32 @!p0 $0x108  }
0x21: {  	s3 =	sadd.s32 s3, s9;
	s6 =	sadd.s32 @!p0 $0x88, s6;
	s7 =	simm.s32 @p2 $0x1082  }
0x22: {  	[simem:s7], [sflag:s8] =	dma.local @!p0 [hbm:s6], $0xF7A  }
0x23: {  	s9 =	sor.u32 $0xD0000000, s2;
	s6 =	simm.s32 $0x108;
	_ =	swait.ge @!p0 [sflag:s8], $0x0  }
0x24: {  	s3 =	sadd.s32 $0x88, s3;
	s6 =	simm.s32 @!p1 $0x1082;
	[sflag:s4] =	ssyncset.s32 $0xFFFFF086  }
0x25: {  	[simem:s6], [sflag:s4] =	dma.local [hbm:s3], $0xF7A  }
0x26: {  	[smem:$0x3F93] =	sst s1;
	(tag) =	ssettag s2;
	_ =	strace s9  }
0x27: {  	s1 =	sld [smem:$0x3FA3]  }
0x28: {  	s2 =	sld [smem:$0x3FA4]  }
0x29: {  	s4 =	sld [smem:$0x3FA6]  }
0x2a: {  	p0 =	seq.s32 s5, $0x0;
	s5 =	sld [smem:$0x3FA7]  }
0x2b: {  	s6 =	sld [smem:$0x3FA8]  }
0x2c: {  	s7 =	sld [smem:$0x3FA9]  }
0x2d: {  	s3 =	simm.s32 $0x108;
	s8 =	sld [smem:$0x3FAA]  }
0x2e: {  	s3 =	simm.s32 @!p0 $0x1082;
	s9 =	sld [smem:$0x3FAB]  }
0x2f: {  	lr =	sadd.s32 s0, s3;
	s0 =	sld [smem:$0x3FA2]  }
0x30: {  	s3 =	sld [smem:$0x3FA5]  }
0x31: {  	[smem:$0x3FAE] =	sst s10  }
0x32: {  	s10 =	sld [smem:$0x3FAC];
	_ =	sdelay $0x3  }
0x33: {  	p0 =	seq.s32 s10, $0x1;
	s10 =	sld [smem:$0x3FAE];
	_ =	sdelay $0x3  }
0x34: {  	[smem:$0x3FAE] =	sst s10  }
0x35: {  	s10 =	sld [smem:$0x3FAD];
	_ =	sdelay $0x3  }
0x36: {  	p1 =	seq.s32 s10, $0x1;
	s10 =	sld [smem:$0x3FAE];
	_ =	sdelay $0x3  }
0x37: {  	[smem:$0x3FAE] =	sst s10  }
0x38: {  	s10 =	sld [smem:$0x3FAF]  }
0x39: {  	_ = 	snop;
	(pc) =	sbr.ind lr, $3  }
0x3a: {  	_ = 	snop  }
0x3b: {  	_ = 	snop  }
0x3c: {  	p2 =	seq.s32 s10, $0x1;
	s10 =	sld [smem:$0x3FAE]  }
0x3d: {  	_ =	shalt  }
0x3e: {  	_ =	shalt  }
0x3f: {  	_ =	shalt  }
0x40: {  	_ =	shalt  }
0x41: {  	_ =	shalt  }
0x42: {  	_ =	shalt  }
0x43: {  	_ =	shalt  }
0x44: {  	_ =	shalt  }
0x45: {  	_ =	shalt  }
0x46: {  	_ =	shalt  }
0x47: {  	_ =	shalt  }
0x48: {  	_ =	shalt  }
0x49: {  	_ =	shalt  }
0x4a: {  	_ =	shalt  }
0x4b: {  	_ =	shalt  }
0x4c: {  	_ =	shalt  }
0x4d: {  	_ =	shalt  }
0x4e: {  	_ =	shalt  }
0x4f: {  	_ =	shalt  }
0x50: {  	_ =	shalt  }
0x51: {  	_ =	shalt  }
0x52: {  	_ =	shalt  }
0x53: {  	_ =	shalt  }
0x54: {  	_ =	shalt  }
0x55: {  	_ =	shalt  }
0x56: {  	_ =	shalt  }
0x57: {  	_ =	shalt  }
0x58: {  	_ =	shalt  }
0x59: {  	_ =	shalt  }
0x5a: {  	_ =	shalt  }
0x5b: {  	_ =	shalt  }
0x5c: {  	_ =	shalt  }
0x5d: {  	_ =	shalt  }
0x5e: {  	_ =	shalt  }
0x5f: {  	_ =	shalt  }
0x60: {  	_ =	shalt  }
0x61: {  	_ =	shalt  }
0x62: {  	_ =	shalt  }
0x63: {  	_ =	shalt  }
0x64: {  	_ =	shalt  }
0x65: {  	_ =	shalt  }
0x66: {  	_ =	shalt  }
0x67: {  	_ =	shalt  }
0x68: {  	_ =	shalt  }
0x69: {  	_ =	shalt  }
0x6a: {  	_ =	shalt  }
0x6b: {  	_ =	shalt  }
0x6c: {  	_ =	shalt  }
0x6d: {  	_ =	shalt  }
0x6e: {  	_ =	shalt  }
0x6f: {  	_ =	shalt  }
0x70: {  	_ =	shalt  }
0x71: {  	_ =	shalt  }
0x72: {  	_ =	shalt  }
0x73: {  	_ =	shalt  }
0x74: {  	_ =	shalt  }
0x75: {  	_ =	shalt  }
0x76: {  	_ =	shalt  }
0x77: {  	_ =	shalt  }
0x78: {  	_ =	shalt  }
0x79: {  	_ =	shalt  }
0x7a: {  	_ =	shalt  }
0x7b: {  	_ =	shalt  }
0x7c: {  	_ =	shalt  }
0x7d: {  	_ =	shalt  }
0x7e: {  	_ =	shalt  }
0x7f: {  	_ =	shalt  }
0x80: {  	_ =	shalt  }
0x81: {  	_ =	shalt  }
0x82: {  	_ =	shalt  }
0x83: {  	_ =	shalt  }
0x84: {  	_ =	shalt  }
0x85: {  	_ =	shalt  }
0x86: {  	_ =	shalt  }
0x87: {  	_ =	shalt  }
.Lfunc_end0:
.L_simem_size_0:
called_computation.2_lowered:
.L_overlay_start_0:
0x88: {  	s2 =	sld [smem:$0x3FD9]  }
0x89: {  	s3 =	sld [smem:$0x3FFE];
	_ =	sdelay $0x1  }
0x8a: {  	s1 =	srdreg.scid  }
0x8b: {  	s0 =	sand.u32 $0x1, s1  }
0x8c: {  	s17 =	sshll.u32 s0, $0xA;
	s2 =	sadd.s32 s3, s2  }
0x8d: {  	s2 =	sadd.s32 s2, s17  }
0x8e: {  	[smem:$0x3FBA] =	sst s2  }
0x8f: {  	_ = 	snop  }
0x90: {  	s2 =	sld [smem:$0x3FD0];
	(tm) =	ssettm $0x1  }
0x91: {  	s18 =	sld [smem:$0x3FFB];
	_ =	sdelay $0x3  }
0x92: {  	_ =	strace s18  }
0x93: {  	s3 =	sld [smem:$0x3FFC];
	_ =	sdelay $0x3  }
0x94: {  	_ =	strace s3  }
0x95: {  	s3 =	sld [smem:$0x3FFD];
	_ =	sdelay $0x3  }
0x96: {  	_ =	strace s3  }
0x97: {  	_ =	strace $0x8FFFFFFF  }
0x98: {  	s19 =	sld [smem:$0x3FDB];
	_ =	sdelay $0x1  }
0x99: {  	s4 =	simm.s32 $_scs_section_size  }
0x9a: {  	s5 =	simm.s32 $_size__tile_overlayer_lowered;
	s6 =	simm.s32 $_tile_overlayer_lowered  }
0x9b: {  	s22 =	simm.s32 $0x1BFF;
	s21 =	sshll.u32 s6, $0x1;
	s3 =	sadd.s32 s4, s19  }
0x9c: {  	s7 =	simm.s32 $0x0;
	s20 =	sshll.u32 s5, $0x1;
	s5 =	sadd.s32 s21, s3  }
0x9d: {  	[timem:s7], [sflag:s22] =	dma.local [hbm:s5], s20  }
0x9e: {  	_ =	swait.ge [sflag:s22], s20  }
0x9f: {  	s4 =	ssub.s32 $0x0, s20;
	[sflag:s22] =	ssyncset.done $0x0  }
0xa0: {  	[sflag:s22] =	ssyncadd.s32 s4;
	_ =	sdelay $0x1  }
0xa1: {  	s23 =	simm.s32 $0x1B8B  }
0xa2: {  	_ =	swait.ge [sflag:s23], $0x1  }
0xa3: {  	[sflag:s23] =	ssyncset.done $0x0  }
0xa4: {  	s25 =	simm.s32 $0x1B8E;
	s24 =	sld [smem:$0x3FFE];
	[sflag:s23] =	ssyncadd.s32 $0xFFFFFFFF  }
0xa5: {  	s26 =	simm.s32 $execute0_lowered;
	[smem:$0x3FD2] =	sst s25  }
0xa6: {  	s5 =	sshll.u32 s26, $0x1;
	_ =	strace $0x8000004C;
	[dreg:$0x1] =	wrdreg $0xFFFFFFFF  }
0xa7: {  	s28 =	simm.s32 $_size_execute0_lowered;
	s3 =	sadd.s32 s3, s5;
	[dreg:$0x0] =	wrdreg $0x0  }
0xa8: {  	s5 =	sshll.u32 s28, $0x1;
	[dreg:$0x2] =	wrdreg s3  }
0xa9: {  	[dreg:$0x3] =	wrdreg s5  }
0xaa: {  	[dreg:$0x4] =	wrdreg $0xC0  }
0xab: {  	_ =	task [dreg:s7], $0x5FFFF  }
0xac: {  	[dreg:$0x1] =	wrdreg $0xFFFFFFFF  }
0xad: {  	[dreg:$0x0] =	wrdreg $0x60  }
0xae: {  	[dreg:$0x2] =	wrdreg s24  }
0xaf: {  	[dreg:$0x3] =	wrdreg s2  }
0xb0: {  	[dreg:$0x4] =	wrdreg $0x9B000  }
0xb1: {  	[dreg:$0x5] =	wrdreg $0x9  }
0xb2: {  	_ =	task.clear_ibuf [dreg:s7], $0x6FFFF;
	_ =	strace $0x9000004C  }
0xb3: {  	s29 =	simm.s32 $0x9;
	_ =	strace $0x8000004E  }
0xb4: {  	_ =	swait.ge [sflag:s29], $0x1  }
0xb5: {  	[sflag:s29] =	ssyncadd.s32 $0xFFFFFFFF  }
0xb6: {  	_ =	strace $0x9000004E  }
0xb7: {  	_ =	sfence  }
0xb8: {  	s30 =	sld [smem:$0x0];
	_ =	sdelay $0x2  }
0xb9: {  	s31 =	sshll.u32 s1, $0xD;
	s1 =	sshrl.u32 s1, $0x2  }
0xba: {  	s3 =	sand.u32 $0x4000, s31;
	s1 =	sadd.s32 s1, s30  }
0xbb: {  	s0 =	sor.u32 s3, s0;
	s1 =	sshll.u32 s1, $0x11  }
0xbc: {  	s0 =	sor.u32 s1, s0  }
0xbd: {  	s0 =	sadd.s32 $0x8F2B, s0  }
0xbe: {  	[sflag:s0] =	ssyncadd.remote.s32 $0x1  }
0xbf: {  	_ =	sfence.sel $0xFFFF  }
0xc0: {  	[dreg:$0x0] =	wrdreg $0xFFFFFFFF;
	(pc) =	sbr.abs _section_cstart, $3  }
0xc1: {  	[dreg:$0x1] =	wrdreg $0xFFFFFFFF  }
0xc2: {  	_ =	task.clear_ibuf [dreg:s7], $0x2FFFF;
	_ =	strace $0x9FFFFFFF  }
0xc3: {  	(tm) =	ssettm $0x7FFFFFFF  }
tec
execute0_lowered:
.L_overlay_start_1:
0x0: {  	(tag) =	ssettag $0x1  }
0x1: {  	s0 =	rddreg [dreg:$0x0]  }
0x2: {  	s2 =	rddreg [dreg:$0x1]  }
0x3: {  	s1 =	rddreg [dreg:$0x2]  }
0x4: {  	s3 =	simm.s32 $0x0;
	s11 =	stileid.u32;
	s6 =	srdreg.scid  }
0x5: {  	s28 =	simm.s32 $0x200;
	s29 =	simm.s32 $0x100;
	s30 =	simm.s32 $0x280  }
0x6: {  	s31 =	simm.s32 $0x2;
	[smem:$0x7FF] =	sst s3;
	s4 =	sadd.s32 $0x3A00, s0  }
0x7: {  	s7 =	smul.u32 $0x50000, s11;
	s5 =	sadd.s32 $0x2BA00, s0;
	s13 =	sadd.s32 $0x35800, s0  }
0x8: {  	s6 =	sand.u32 $0x1, s6;
	s0 =	sadd.s32 $0x3F600, s0;
	s10 =	smul.u32 $0x2800, s11  }
0x9: {  	s20 =	smul.u32 $0x4EC0, s11;
	s11 =	simm.s32 $0x0;
	_ =	strace $0x8000004D  }
0xa: {  	s14 =	ssub.s32 $0x2, s6;
	s15 =	smul.u32 $0x28000, s6;
	s7 =	sshrl.u32 s7, $0x2  }
0xb: {  	s6 =	smul.u32 $0x2760, s6;
	s9 =	sshrl.u32 s14, $0x1;
	s8 =	sadd.s32 s7, s1  }
0xc: {  	[dreg:$0x4] =	wrdreg s0;
	s0 =	ssub.s32 s14, s9;
	s7 =	sadd.s32 $0x2000, s8  }
0xd: {  	s6 =	sadd.s32 s6, s20;
	s18 =	sadd.s32 $0x4000, s8;
	[dreg:$0x5] =	wrdreg s7  }
0xe: {  	s9 =	simm.s32 $0x5300;
	s19 =	sadd.s32 $0x6000, s8;
	[dreg:$0x6] =	wrdreg s18  }
0xf: {  	s21 =	sadd.s32 $0x8000, s8;
	s22 =	sadd.s32 $0xA000, s8;
	[dreg:$0x7] =	wrdreg s19  }
0x10: {  	s23 =	sadd.s32 $0xC000, s8;
	s24 =	sadd.s32 $0xE000, s8;
	[dreg:$0x8] =	wrdreg s21  }
0x11: {  	s16 =	sadd.s32 $0x10000, s8;
	s17 =	sadd.s32 $0x12000, s8;
	[dreg:$0x9] =	wrdreg s22  }
0x12: {  	s25 =	sadd.s32 $0xA0, s6;
	s20 =	sshrl.u32 s6, $0x3;
	[dreg:$0xa] =	wrdreg s23  }
0x13: {  	s26 =	sadd.s32 $0x50, s6;
	[dreg:$0xb] =	wrdreg s24;
	s7 =	sadd.s32 s10, s15  }
0x14: {  	s19 =	smax.u32 s0, $0x1;
	s21 =	sshrl.u32 s25, $0x3;
	s22 =	sshrl.u32 s26, $0x3  }
0x15: {  	s23 =	simm.s32 $0x7B00;
	s24 =	simm.s32 $0x3;
	s25 =	simm.s32 $0x180  }
0x16: {  	s26 =	simm.s32 $0x80;
	s0 =	simm.s32 $0x50;
	s10 =	simm.s32 $0x1  }
0x17: {  	s18 =	sadd.s32 s2, s7;
	s2 =	simm.s32 $0x300;
	s7 =	simm.s32 $0x2B00  }
.LBB2_1:
0x18: {  	s6 =	rddreg [dreg:$0x4]  }
0x19: {  	[tilespmem:s23], [sflag:$0x3] =	stream.linear.gather [hbm4b:s6+s3], $0x2000, $0x38;
	[tilespmem:$0x1DB00] =	vst v63  }
0x1a: {  	_ =	swait.ge [sflag:s24], $0x2000  }
0x1b: {  	[sflag:s24] =	ssyncset.done $0x0  }
0x1c: {  	[sflag:s24] =	ssyncadd.s32 $0xFFFFE000  }
0x1d: {  	[spmem:s8] =	stream.linear.scatter [tilespmem:s23], [sflag:$0x3], $0x2000, $0x38;
	[tilespmem:$0x1DB00] =	vst v63  }
0x1e: {  	_ =	swait.ge [sflag:s24], $0x2000  }
0x1f: {  	[sflag:s24] =	ssyncset.done $0x0  }
0x20: {  	s15 =	rddreg [dreg:$0x5];
	[sflag:s24] =	ssyncadd.s32 $0xFFFFE000  }
0x21: {  	[spmem:s15] =	stream.linear.scatter [tilespmem:s23], [sflag:$0x3], $0x2000, $0x38;
	[tilespmem:$0x1DB00] =	vst v63  }
0x22: {  	_ =	swait.ge [sflag:s24], $0x2000  }
0x23: {  	[sflag:s24] =	ssyncset.done $0x0  }
0x24: {  	s12 =	rddreg [dreg:$0x6];
	[sflag:s24] =	ssyncadd.s32 $0xFFFFE000  }
0x25: {  	[spmem:s12] =	stream.linear.scatter [tilespmem:s23], [sflag:$0x3], $0x2000, $0x38;
	[tilespmem:$0x1DB00] =	vst v63  }
0x26: {  	_ =	swait.ge [sflag:s24], $0x2000  }
0x27: {  	[sflag:s24] =	ssyncset.done $0x0  }
0x28: {  	s14 =	rddreg [dreg:$0x7];
	[sflag:s24] =	ssyncadd.s32 $0xFFFFE000  }
0x29: {  	[spmem:s14] =	stream.linear.scatter [tilespmem:s23], [sflag:$0x3], $0x2000, $0x38;
	[tilespmem:$0x1DB00] =	vst v63  }
0x2a: {  	_ =	swait.ge [sflag:s24], $0x2000  }
0x2b: {  	[sflag:s24] =	ssyncset.done $0x0  }
0x2c: {  	s15 =	rddreg [dreg:$0x8];
	[sflag:s24] =	ssyncadd.s32 $0xFFFFE000  }
0x2d: {  	[spmem:s15] =	stream.linear.scatter [tilespmem:s23], [sflag:$0x3], $0x2000, $0x38;
	[tilespmem:$0x1DB00] =	vst v63  }
0x2e: {  	_ =	swait.ge [sflag:s24], $0x2000  }
0x2f: {  	[sflag:s24] =	ssyncset.done $0x0  }
0x30: {  	s12 =	rddreg [dreg:$0x9];
	[sflag:s24] =	ssyncadd.s32 $0xFFFFE000  }
0x31: {  	[spmem:s12] =	stream.linear.scatter [tilespmem:s23], [sflag:$0x3], $0x2000, $0x38;
	[tilespmem:$0x1DB00] =	vst v63  }
0x32: {  	_ =	swait.ge [sflag:s24], $0x2000  }
0x33: {  	[sflag:s24] =	ssyncset.done $0x0  }
0x34: {  	s14 =	rddreg [dreg:$0xa];
	[sflag:s24] =	ssyncadd.s32 $0xFFFFE000  }
0x35: {  	[spmem:s14] =	stream.linear.scatter [tilespmem:s23], [sflag:$0x3], $0x2000, $0x38;
	[tilespmem:$0x1DB00] =	vst v63  }
0x36: {  	_ =	swait.ge [sflag:s24], $0x2000  }
0x37: {  	[sflag:s24] =	ssyncset.done $0x0  }
0x38: {  	s15 =	rddreg [dreg:$0xb];
	[sflag:s24] =	ssyncadd.s32 $0xFFFFE000  }
0x39: {  	[spmem:s15] =	stream.linear.scatter [tilespmem:s23], [sflag:$0x3], $0x2000, $0x38;
	[tilespmem:$0x1DB00] =	vst v63  }
0x3a: {  	_ =	swait.ge [sflag:s24], $0x2000  }
0x3b: {  	[sflag:s24] =	ssyncset.done $0x0  }
0x3c: {  	[sflag:s24] =	ssyncadd.s32 $0xFFFFE000  }
0x3d: {  	[spmem:s16] =	stream.linear.scatter [tilespmem:s23], [sflag:$0x3], $0x2000, $0x38;
	[tilespmem:$0x1DB00] =	vst v63  }
0x3e: {  	_ =	swait.ge [sflag:s24], $0x2000  }
0x3f: {  	[sflag:s24] =	ssyncset.done $0x0  }
0x40: {  	[sflag:s24] =	ssyncadd.s32 $0xFFFFE000  }
0x41: {  	[spmem:s17] =	stream.linear.scatter [tilespmem:s23], [sflag:$0x3], $0x2000, $0x38;
	[tilespmem:$0x1DB00] =	vst v63  }
0x42: {  	_ =	swait.ge [sflag:s24], $0x2000  }
0x43: {  	[sflag:s24] =	ssyncset.done $0x0  }
0x44: {  	[sflag:s24] =	ssyncadd.s32 $0xFFFFE000  }
0x45: {  	s12 =	sadd.s32 s5, s20;
	[bflag:$0x0] =	sbarrier.arrive $0xFFFF  }
0x46: {  	[tilespmem:s3], [sflag:$0x2] =	stream.linear.gather [hbm4b:s12+s3], $0x50, $0x38;
	[tilespmem:$0x1DB00] =	vst v63  }
0x47: {  	s14 =	sadd.s32 s13, s20  }
0x48: {  	[tilespmem:s25], [sflag:$0x2] =	stream.linear.gather [hbm4b:s14+s3], $0x50, $0x38;
	[tilespmem:$0x1DB00] =	vst v63  }
0x49: {  	s15 =	sadd.s32 s5, s22  }
0x4a: {  	[tilespmem:s26], [sflag:$0x2] =	stream.linear.gather [hbm4b:s15+s3], $0x50, $0x38;
	[tilespmem:$0x1DB00] =	vst v63  }
0x4b: {  	s12 =	sadd.s32 s13, s22  }
0x4c: {  	[tilespmem:s28], [sflag:$0x2] =	stream.linear.gather [hbm4b:s12+s3], $0x50, $0x38;
	[tilespmem:$0x1DB00] =	vst v63  }
0x4d: {  	s14 =	sadd.s32 s5, s21  }
0x4e: {  	[tilespmem:s29], [sflag:$0x2] =	stream.linear.gather [hbm4b:s14+s3], $0x50, $0x38;
	[tilespmem:$0x1DB00] =	vst v63  }
0x4f: {  	s15 =	sadd.s32 s13, s21  }
0x50: {  	[tilespmem:s30], [sflag:$0x2] =	stream.linear.gather [hbm4b:s15+s3], $0x50, $0x38;
	[tilespmem:$0x1DB00] =	vst v63  }
0x51: {  	_ =	swait.ge [sflag:s31], $0x50  }
0x52: {  	[sflag:s31] =	ssyncset.done $0x0  }
0x53: {  	[sflag:s31] =	ssyncadd.s32 $0xFFFFFFB0  }
0x54: {  	_ =	swait.ge [sflag:s31], $0x50  }
0x55: {  	[sflag:s31] =	ssyncset.done $0x0  }
0x56: {  	[sflag:s31] =	ssyncadd.s32 $0xFFFFFFB0  }
0x57: {  	_ =	swait.ge [sflag:s31], $0x50  }
0x58: {  	[sflag:s31] =	ssyncset.done $0x0  }
0x59: {  	[sflag:s31] =	ssyncadd.s32 $0xFFFFFFB0  }
0x5a: {  	_ =	swait.ge [sflag:s31], $0x50  }
0x5b: {  	[sflag:s31] =	ssyncset.done $0x0  }
0x5c: {  	[sflag:s31] =	ssyncadd.s32 $0xFFFFFFB0  }
0x5d: {  	_ =	swait.ge [sflag:s31], $0x50  }
0x5e: {  	[sflag:s31] =	ssyncset.done $0x0  }
0x5f: {  	[sflag:s31] =	ssyncadd.s32 $0xFFFFFFB0  }
0x60: {  	_ =	swait.ge [sflag:s31], $0x50  }
0x61: {  	[sflag:s31] =	ssyncset.done $0x0  }
0x62: {  	[sflag:s31] =	ssyncadd.s32 $0xFFFFFFB0  }
0x63: {  	[tilespmem:s2], [sflag:$0x1] =	stream.indirect.gather [hbm4b:s4+s0], $0x80, s3, s0, $0xb8;
	[tilespmem:$0x1DB00] =	vst v63  }
0x64: {  	_ = 	snop  }
0x65: {  	[tilespmem:s7], [sflag:$0x1] =	stream.indirect.gather [hbm4b:s4+s0], $0x80, s26, s0, $0xb8;
	[tilespmem:$0x1DB00] =	vst v63  }
0x66: {  	_ = 	snop  }
0x67: {  	[tilespmem:s9], [sflag:$0x1] =	stream.indirect.gather [hbm4b:s4+s0], $0x80, s29, s0, $0xb8;
	[tilespmem:$0x1DB00] =	vst v63  }
0x68: {  	_ =	swait.ge [sflag:s10], $0x2800  }
0x69: {  	[sflag:s10] =	ssyncset.done $0x0  }
0x6a: {  	[sflag:s10] =	ssyncadd.s32 $0xFFFFD800  }
0x6b: {  	[spmem:s1] =	stream.indirect.scatter.add.f32 [tilespmem:s2], [sflag:$0x3], $0x80, s25, s0, $0xb8;
	[tilespmem:$0x1DB00] =	vst v63  }
0x6c: {  	_ =	swait.ge [sflag:s24], $0x2800  }
0x6d: {  	[sflag:s24] =	ssyncset.done $0x0  }
0x6e: {  	[sflag:s24] =	ssyncadd.s32 $0xFFFFD800  }
0x6f: {  	_ =	swait.ge [sflag:s10], $0x2800  }
0x70: {  	[sflag:s10] =	ssyncset.done $0x0  }
0x71: {  	[sflag:s10] =	ssyncadd.s32 $0xFFFFD800  }
0x72: {  	[spmem:s1] =	stream.indirect.scatter.add.f32 [tilespmem:s7], [sflag:$0x3], $0x80, s28, s0, $0xb8;
	[tilespmem:$0x1DB00] =	vst v63  }
0x73: {  	_ =	swait.ge [sflag:s24], $0x2800  }
0x74: {  	[sflag:s24] =	ssyncset.done $0x0  }
0x75: {  	[sflag:s24] =	ssyncadd.s32 $0xFFFFD800  }
0x76: {  	_ =	swait.ge [sflag:s10], $0x2800  }
0x77: {  	[sflag:s10] =	ssyncset.done $0x0  }
0x78: {  	[sflag:s10] =	ssyncadd.s32 $0xFFFFD800  }
0x79: {  	[spmem:s1] =	stream.indirect.scatter.add.f32 [tilespmem:s9], [sflag:$0x3], $0x80, s30, s0, $0xb8;
	[tilespmem:$0x1DB00] =	vst v63  }
0x7a: {  	s6 =	smov.u32 s13;
	_ =	swait.ge [sflag:s24], $0x2800  }
0x7b: {  	s12 =	sadd.s32 $0x1E, s5;
	s14 =	simm.s32 $0x28;
	[sflag:s24] =	ssyncset.done $0x0  }
.LBB2_2:
0x7c: {  	s15 =	sadd.s32 s12, s20;
	[sflag:s24] =	ssyncadd.s32 $0xFFFFD800;
	s6 =	sadd.s32 $0x1E, s6  }
0x7d: {  	[tilespmem:s3], [sflag:$0x2] =	stream.linear.gather [hbm4b:s15+s3], $0x50, $0x38;
	[tilespmem:$0x1DB00] =	vst v63  }
0x7e: {  	p0 =	sne.s32 s14, $0x1;
	s14 =	sadd.s32 $0xFFFFFFFF, s14;
	s15 =	sadd.s32 s6, s20  }
0x7f: {  	[tilespmem:s25], [sflag:$0x2] =	stream.linear.gather [hbm4b:s15+s3], $0x50, $0x38;
	[tilespmem:$0x1DB00] =	vst v63  }
0x80: {  	s15 =	sadd.s32 s12, s22  }
0x81: {  	[tilespmem:s26], [sflag:$0x2] =	stream.linear.gather [hbm4b:s15+s3], $0x50, $0x38;
	[tilespmem:$0x1DB00] =	vst v63  }
0x82: {  	s15 =	sadd.s32 s6, s22  }
0x83: {  	[tilespmem:s28], [sflag:$0x2] =	stream.linear.gather [hbm4b:s15+s3], $0x50, $0x38;
	[tilespmem:$0x1DB00] =	vst v63  }
0x84: {  	s15 =	sadd.s32 s12, s21  }
0x85: {  	[tilespmem:s29], [sflag:$0x2] =	stream.linear.gather [hbm4b:s15+s3], $0x50, $0x38;
	[tilespmem:$0x1DB00] =	vst v63  }
0x86: {  	s15 =	sadd.s32 s6, s21  }
0x87: {  	[tilespmem:s30], [sflag:$0x2] =	stream.linear.gather [hbm4b:s15+s3], $0x50, $0x38;
	[tilespmem:$0x1DB00] =	vst v63  }
0x88: {  	_ =	swait.ge [sflag:s31], $0x50  }
0x89: {  	[sflag:s31] =	ssyncset.done $0x0  }
0x8a: {  	[sflag:s31] =	ssyncadd.s32 $0xFFFFFFB0  }
0x8b: {  	_ =	swait.ge [sflag:s31], $0x50  }
0x8c: {  	[sflag:s31] =	ssyncset.done $0x0  }
0x8d: {  	[sflag:s31] =	ssyncadd.s32 $0xFFFFFFB0  }
0x8e: {  	_ =	swait.ge [sflag:s31], $0x50  }
0x8f: {  	[sflag:s31] =	ssyncset.done $0x0  }
0x90: {  	[sflag:s31] =	ssyncadd.s32 $0xFFFFFFB0  }
0x91: {  	_ =	swait.ge [sflag:s31], $0x50  }
0x92: {  	[sflag:s31] =	ssyncset.done $0x0  }
0x93: {  	[sflag:s31] =	ssyncadd.s32 $0xFFFFFFB0  }
0x94: {  	_ =	swait.ge [sflag:s31], $0x50  }
0x95: {  	[sflag:s31] =	ssyncset.done $0x0  }
0x96: {  	[sflag:s31] =	ssyncadd.s32 $0xFFFFFFB0  }
0x97: {  	_ =	swait.ge [sflag:s31], $0x50  }
0x98: {  	[sflag:s31] =	ssyncset.done $0x0  }
0x99: {  	[sflag:s31] =	ssyncadd.s32 $0xFFFFFFB0  }
0x9a: {  	[tilespmem:s2], [sflag:$0x1] =	stream.indirect.gather [hbm4b:s4+s0], $0x80, s3, s0, $0xb8;
	[tilespmem:$0x1DB00] =	vst v63  }
0x9b: {  	_ = 	snop  }
0x9c: {  	[tilespmem:s7], [sflag:$0x1] =	stream.indirect.gather [hbm4b:s4+s0], $0x80, s26, s0, $0xb8;
	[tilespmem:$0x1DB00] =	vst v63  }
0x9d: {  	_ = 	snop  }
0x9e: {  	[tilespmem:s9], [sflag:$0x1] =	stream.indirect.gather [hbm4b:s4+s0], $0x80, s29, s0, $0xb8;
	[tilespmem:$0x1DB00] =	vst v63  }
0x9f: {  	_ =	swait.ge [sflag:s10], $0x2800  }
0xa0: {  	[sflag:s10] =	ssyncset.done $0x0  }
0xa1: {  	[sflag:s10] =	ssyncadd.s32 $0xFFFFD800  }
0xa2: {  	[spmem:s1] =	stream.indirect.scatter.add.f32 [tilespmem:s2], [sflag:$0x3], $0x80, s25, s0, $0xb8;
	[tilespmem:$0x1DB00] =	vst v63  }
0xa3: {  	_ =	swait.ge [sflag:s24], $0x2800  }
0xa4: {  	[sflag:s24] =	ssyncset.done $0x0  }
0xa5: {  	[sflag:s24] =	ssyncadd.s32 $0xFFFFD800  }
0xa6: {  	_ =	swait.ge [sflag:s10], $0x2800  }
0xa7: {  	[sflag:s10] =	ssyncset.done $0x0  }
0xa8: {  	[sflag:s10] =	ssyncadd.s32 $0xFFFFD800  }
0xa9: {  	[spmem:s1] =	stream.indirect.scatter.add.f32 [tilespmem:s7], [sflag:$0x3], $0x80, s28, s0, $0xb8;
	[tilespmem:$0x1DB00] =	vst v63  }
0xaa: {  	_ =	swait.ge [sflag:s24], $0x2800  }
0xab: {  	[sflag:s24] =	ssyncset.done $0x0  }
0xac: {  	[sflag:s24] =	ssyncadd.s32 $0xFFFFD800  }
0xad: {  	_ =	swait.ge [sflag:s10], $0x2800  }
.Ltmp0:
0xae: {  	[sflag:s10] =	ssyncset.done $0x0;
	(pc) =	sbr.rel @p0 .LBB2_2-.Ltmp0, $4  }
0xaf: {  	[sflag:s10] =	ssyncadd.s32 $0xFFFFD800  }
0xb0: {  	[spmem:s1] =	stream.indirect.scatter.add.f32 [tilespmem:s9], [sflag:$0x3], $0x80, s30, s0, $0xb8;
	[tilespmem:$0x1DB00] =	vst v63  }
0xb1: {  	_ =	swait.ge [sflag:s24], $0x2800  }
0xb2: {  	s12 =	sadd.s32 $0x1E, s12;
	[sflag:s24] =	ssyncset.done $0x0  }
0xb3: {  	s14 =	sadd.s32 s12, s20;
	[sflag:s24] =	ssyncadd.s32 $0xFFFFD800;
	s6 =	sadd.s32 $0x1E, s6  }
0xb4: {  	[tilespmem:s3], [sflag:$0x2] =	stream.linear.gather [hbm4b:s14+s3], $0x50, $0x38;
	[tilespmem:$0x1DB00] =	vst v63  }
0xb5: {  	s15 =	sadd.s32 s6, s20  }
0xb6: {  	[tilespmem:s25], [sflag:$0x2] =	stream.linear.gather [hbm4b:s15+s3], $0x50, $0x38;
	[tilespmem:$0x1DB00] =	vst v63  }
0xb7: {  	s15 =	sadd.s32 s12, s22  }
0xb8: {  	[tilespmem:s26], [sflag:$0x2] =	stream.linear.gather [hbm4b:s15+s3], $0x50, $0x38;
	[tilespmem:$0x1DB00] =	vst v63  }
0xb9: {  	s15 =	sadd.s32 s6, s22  }
0xba: {  	[tilespmem:s28], [sflag:$0x2] =	stream.linear.gather [hbm4b:s15+s3], $0x50, $0x38;
	[tilespmem:$0x1DB00] =	vst v63  }
0xbb: {  	s15 =	sadd.s32 s12, s21  }
0xbc: {  	[tilespmem:s29], [sflag:$0x2] =	stream.linear.gather [hbm4b:s15+s3], $0x50, $0x38;
	[tilespmem:$0x1DB00] =	vst v63  }
0xbd: {  	s6 =	sadd.s32 s6, s21  }
0xbe: {  	[tilespmem:s30], [sflag:$0x2] =	stream.linear.gather [hbm4b:s6+s3], $0x50, $0x38;
	[tilespmem:$0x1DB00] =	vst v63  }
0xbf: {  	_ =	swait.ge [sflag:s31], $0x50  }
0xc0: {  	[sflag:s31] =	ssyncset.done $0x0  }
0xc1: {  	[sflag:s31] =	ssyncadd.s32 $0xFFFFFFB0  }
0xc2: {  	_ =	swait.ge [sflag:s31], $0x50  }
0xc3: {  	[sflag:s31] =	ssyncset.done $0x0  }
0xc4: {  	[sflag:s31] =	ssyncadd.s32 $0xFFFFFFB0  }
0xc5: {  	_ =	swait.ge [sflag:s31], $0x50  }
0xc6: {  	[sflag:s31] =	ssyncset.done $0x0  }
0xc7: {  	[sflag:s31] =	ssyncadd.s32 $0xFFFFFFB0  }
0xc8: {  	_ =	swait.ge [sflag:s31], $0x50  }
0xc9: {  	[sflag:s31] =	ssyncset.done $0x0  }
0xca: {  	[sflag:s31] =	ssyncadd.s32 $0xFFFFFFB0  }
0xcb: {  	_ =	swait.ge [sflag:s31], $0x50  }
0xcc: {  	[sflag:s31] =	ssyncset.done $0x0  }
0xcd: {  	[sflag:s31] =	ssyncadd.s32 $0xFFFFFFB0  }
0xce: {  	_ =	swait.ge [sflag:s31], $0x50  }
0xcf: {  	[sflag:s31] =	ssyncset.done $0x0  }
0xd0: {  	[sflag:s31] =	ssyncadd.s32 $0xFFFFFFB0  }
0xd1: {  	[tilespmem:s2], [sflag:$0x1] =	stream.indirect.gather [hbm4b:s4+s0], $0x80, s3, s0, $0xb8;
	[tilespmem:$0x1DB00] =	vst v63  }
0xd2: {  	_ = 	snop  }
0xd3: {  	[tilespmem:s7], [sflag:$0x1] =	stream.indirect.gather [hbm4b:s4+s0], $0x80, s26, s0, $0xb8;
	[tilespmem:$0x1DB00] =	vst v63  }
0xd4: {  	_ = 	snop  }
0xd5: {  	[tilespmem:s9], [sflag:$0x1] =	stream.indirect.gather [hbm4b:s4+s0], $0x80, s29, s0, $0xb8;
	[tilespmem:$0x1DB00] =	vst v63  }
0xd6: {  	_ =	swait.ge [sflag:s10], $0x2800  }
0xd7: {  	[sflag:s10] =	ssyncset.done $0x0  }
0xd8: {  	[sflag:s10] =	ssyncadd.s32 $0xFFFFD800  }
0xd9: {  	[spmem:s1] =	stream.indirect.scatter.add.f32 [tilespmem:s2], [sflag:$0x3], $0x80, s25, s0, $0xb8;
	[tilespmem:$0x1DB00] =	vst v63  }
0xda: {  	_ =	swait.ge [sflag:s24], $0x2800  }
0xdb: {  	[sflag:s24] =	ssyncset.done $0x0  }
0xdc: {  	[sflag:s24] =	ssyncadd.s32 $0xFFFFD800  }
0xdd: {  	_ =	swait.ge [sflag:s10], $0x2800  }
0xde: {  	[sflag:s10] =	ssyncset.done $0x0  }
0xdf: {  	[sflag:s10] =	ssyncadd.s32 $0xFFFFD800  }
0xe0: {  	[spmem:s1] =	stream.indirect.scatter.add.f32 [tilespmem:s7], [sflag:$0x3], $0x80, s28, s0, $0xb8;
	[tilespmem:$0x1DB00] =	vst v63  }
0xe1: {  	_ =	swait.ge [sflag:s24], $0x2800  }
0xe2: {  	[sflag:s24] =	ssyncset.done $0x0  }
0xe3: {  	[sflag:s24] =	ssyncadd.s32 $0xFFFFD800  }
0xe4: {  	_ =	swait.ge [sflag:s10], $0x2800  }
0xe5: {  	[sflag:s10] =	ssyncset.done $0x0  }
0xe6: {  	[sflag:s10] =	ssyncadd.s32 $0xFFFFD800  }
0xe7: {  	[spmem:s1] =	stream.indirect.scatter.add.f32 [tilespmem:s9], [sflag:$0x3], $0x80, s30, s0, $0xb8;
	[tilespmem:$0x1DB00] =	vst v63  }
0xe8: {  	s11 =	sadd.s32 $0x1, s11;
	_ =	swait.ge [sflag:s24], $0x2800  }
0xe9: {  	s14 =	stileid.u32;
	p0 =	sne.s32 s11, s19;
	[sflag:s24] =	ssyncset.done $0x0  }
0xea: {  	s15 =	sshrl.u32 s8, $0x3;
	s6 =	sshll.u32 s14, $0x6;
	[sflag:s24] =	ssyncadd.s32 $0xFFFFD800  }
.Ltmp1:
0xeb: {  	s6 =	sor.u32 $0x1C03, s6;
	[bflag:$0x0] =	sbarrier.arrive $0xFFFF;
	(pc) =	sbr.rel @p0 .LBB2_1-.Ltmp1, $4  }
0xec: {  	[hbm:s18], [sflag:s6] =	dma.local [spmem:s15], $0x2800  }
0xed: {  	_ =	swait.ge [sflag:s24], $0x2800  }
0xee: {  	[sflag:s24] =	ssyncset.done $0x0  }
0xef: {  	[sflag:s24] =	ssyncadd.s32 $0xFFFFD800  }
0xf0: {  	_ =	sfence.sel $0x180000  }
0xf1: {  	[bflag:$0x0] =	sbarrier.arrive $0xFFFF  }
0xf2: {  	_ =	strace $0x9000004D  }
0xf3: {  	s0 =	stileid.u32;
	[bflag:$0x2] =	sbarrier.arrive $0xFFFF  }
0xf4: {  	p0 =	sne.s32 s0, $0x0;
	s0 =	rddreg [dreg:$0x3]  }
0xf5: {  	s0 =	sadd.s32 @!p0 $0x100000, s0  }
0xf6: {  	[sflag:s0] =	ssyncadd.tile.s32 @!p0 $0x1;
	_ =	shalt  }
.Lfunc_end2:
_tile_overlayer_lowered:
.L_overlay_start_2:
0xf7: {  	(tag) =	ssettag $0x2  }
0xf8: {  	s0 =	rddreg [dreg:$0x0];
	s2 =	stileid.u32  }
0xf9: {  	s1 =	rddreg [dreg:$0x1];
	p0 =	sne.s32 s2, $0x0  }
0xfa: {  	s3 =	rddreg [dreg:$0x2];
	[bflag:$0x3] =	sbarrier.arrive $0xFFFF;
	s2 =	simm.s32 @!p0 $0x1C03  }
0xfb: {  	[timem:s3], [sflag:s2] =	dma.local @!p0 [hbm:s0], s1  }
0xfc: {  	s0 =	simm.s32 @!p0 $0x3  }
0xfd: {  	_ =	swait.ge @!p0 [sflag:s0], s1  }
0xfe: {  	s1 =	ssub.s32 @!p0 $0x0, s1;
	[sflag:s0] =	ssyncset.done @!p0 $0x0  }
0xff: {  	[sflag:s0] =	ssyncadd.s32 @!p0 s1  }
0x100: {  	[bflag:$0x3] =	sbarrier.arrive $0xFFFF  }
0x101: {  	_ =	shalt  }

// kernel: kernel.20.cloned.1.call-start
scs
__scs_entry_jumppad:
0x0: {  	(pc) =	sbr.rel $0x88, $3  }
0x1: {  	(tag) =	ssettag $0x0;
	lr =	simm.s32 $0x1  }
0x2: {  	[smem:$0x3F93] =	sst lr;
	_ =	strace $0xD0000000  }
0x3: {  	_ = 	snop  }
0x4: {  	_ = 	snop  }
0x5: {  	_ = 	snop  }
0x6: {  	_ = 	snop  }
0x7: {  	_ = 	snop  }
__scs_overlays_trampoline_lowered:
0x8: {  	[smem:$0x3FA2] =	sst s0  }
0x9: {  	[smem:$0x3FA3] =	sst s1  }
0xa: {  	[smem:$0x3FA4] =	sst s2  }
0xb: {  	[smem:$0x3FA5] =	sst s3  }
0xc: {  	[smem:$0x3FA6] =	sst s4  }
0xd: {  	[smem:$0x3FA7] =	sst s5  }
0xe: {  	[smem:$0x3FA8] =	sst s6  }
0xf: {  	[smem:$0x3FA9] =	sst s7  }
0x10: {  	[smem:$0x3FAA] =	sst s8  }
0x11: {  	[smem:$0x3FAB] =	sst s9;
	s0 =	simm.s32 @!p0 $0x0  }
0x12: {  	s1 =	sld [smem:$0x3F91];
	s0 =	simm.s32 @p0 $0x1  }
0x13: {  	[smem:$0x3FAC] =	sst s0;
	s0 =	simm.s32 @!p1 $0x0  }
0x14: {  	s2 =	sld [smem:$0x3F90];
	s0 =	simm.s32 @p1 $0x1  }
0x15: {  	[smem:$0x3FAD] =	sst s0;
	s0 =	simm.s32 @!p2 $0x0  }
0x16: {  	s3 =	sld [smem:$0x3FDB];
	s0 =	simm.s32 @p2 $0x1  }
0x17: {  	s4 =	simm.s32 $0x1BF5;
	[smem:$0x3FAF] =	sst s0  }
0x18: {  	s0 =	sld [smem:$0x3F92];
	_ =	swait.ge [sflag:s4], $0x0  }
0x19: {  	s7 =	sld [smem:$0x3F93]  }
0x1a: {  	s8 =	sadd.s32 $0xFFFFE003, lr  }
0x1b: {  	s9 =	sadd.s32 $0xFFFFFEF7, lr;
	s5 =	simm.s32 $0xFFFFFFFF;
	p2 =	slt.u32 s8, $0xFFFFF086  }
0x1c: {  	p1 =	slt.u32 s9, $0xF7A;
	s5 =	simm.s32 @!p2 $0x0  }
0x1d: {  	s5 =	simm.s32 @p1 $0x1;
	p0 =	seq.s32 s7, s2  }
0x1e: {  	s7 =	smul.u32 @!p0 $0xF7A, s2;
	p2 =	seq.s32 @!p0 s5, $0x0  }
0x1f: {  	s9 =	smul.u32 $0xF7A, s1;
	s8 =	simm.s32 @!p0 $0x1BF5;
	p2 =	por !p2, p0  }
0x20: {  	[sflag:s8] =	ssyncset.s32 @!p0 $0xFFFFF086;
	s6 =	sadd.s32 @!p0 s3, s7;
	s7 =	simm.s32 @!p0 $0x108  }
0x21: {  	s3 =	sadd.s32 s3, s9;
	s6 =	sadd.s32 @!p0 $0x88, s6;
	s7 =	simm.s32 @p2 $0x1082  }
0x22: {  	[simem:s7], [sflag:s8] =	dma.local @!p0 [hbm:s6], $0xF7A  }
0x23: {  	s9 =	sor.u32 $0xD0000000, s2;
	s6 =	simm.s32 $0x108;
	_ =	swait.ge @!p0 [sflag:s8], $0x0  }
0x24: {  	s3 =	sadd.s32 $0x88, s3;
	s6 =	simm.s32 @!p1 $0x1082;
	[sflag:s4] =	ssyncset.s32 $0xFFFFF086  }
0x25: {  	[simem:s6], [sflag:s4] =	dma.local [hbm:s3], $0xF7A  }
0x26: {  	[smem:$0x3F93] =	sst s1;
	(tag) =	ssettag s2;
	_ =	strace s9  }
0x27: {  	s1 =	sld [smem:$0x3FA3]  }
0x28: {  	s2 =	sld [smem:$0x3FA4]  }
0x29: {  	s4 =	sld [smem:$0x3FA6]  }
0x2a: {  	p0 =	seq.s32 s5, $0x0;
	s5 =	sld [smem:$0x3FA7]  }
0x2b: {  	s6 =	sld [smem:$0x3FA8]  }
0x2c: {  	s7 =	sld [smem:$0x3FA9]  }
0x2d: {  	s3 =	simm.s32 $0x108;
	s8 =	sld [smem:$0x3FAA]  }
0x2e: {  	s3 =	simm.s32 @!p0 $0x1082;
	s9 =	sld [smem:$0x3FAB]  }
0x2f: {  	lr =	sadd.s32 s0, s3;
	s0 =	sld [smem:$0x3FA2]  }
0x30: {  	s3 =	sld [smem:$0x3FA5]  }
0x31: {  	[smem:$0x3FAE] =	sst s10  }
0x32: {  	s10 =	sld [smem:$0x3FAC];
	_ =	sdelay $0x3  }
0x33: {  	p0 =	seq.s32 s10, $0x1;
	s10 =	sld [smem:$0x3FAE];
	_ =	sdelay $0x3  }
0x34: {  	[smem:$0x3FAE] =	sst s10  }
0x35: {  	s10 =	sld [smem:$0x3FAD];
	_ =	sdelay $0x3  }
0x36: {  	p1 =	seq.s32 s10, $0x1;
	s10 =	sld [smem:$0x3FAE];
	_ =	sdelay $0x3  }
0x37: {  	[smem:$0x3FAE] =	sst s10  }
0x38: {  	s10 =	sld [smem:$0x3FAF]  }
0x39: {  	_ = 	snop;
	(pc) =	sbr.ind lr, $3  }
0x3a: {  	_ = 	snop  }
0x3b: {  	_ = 	snop  }
0x3c: {  	p2 =	seq.s32 s10, $0x1;
	s10 =	sld [smem:$0x3FAE]  }
0x3d: {  	_ =	shalt  }
0x3e: {  	_ =	shalt  }
0x3f: {  	_ =	shalt  }
0x40: {  	_ =	shalt  }
0x41: {  	_ =	shalt  }
0x42: {  	_ =	shalt  }
0x43: {  	_ =	shalt  }
0x44: {  	_ =	shalt  }
0x45: {  	_ =	shalt  }
0x46: {  	_ =	shalt  }
0x47: {  	_ =	shalt  }
0x48: {  	_ =	shalt  }
0x49: {  	_ =	shalt  }
0x4a: {  	_ =	shalt  }
0x4b: {  	_ =	shalt  }
0x4c: {  	_ =	shalt  }
0x4d: {  	_ =	shalt  }
0x4e: {  	_ =	shalt  }
0x4f: {  	_ =	shalt  }
0x50: {  	_ =	shalt  }
0x51: {  	_ =	shalt  }
0x52: {  	_ =	shalt  }
0x53: {  	_ =	shalt  }
0x54: {  	_ =	shalt  }
0x55: {  	_ =	shalt  }
0x56: {  	_ =	shalt  }
0x57: {  	_ =	shalt  }
0x58: {  	_ =	shalt  }
0x59: {  	_ =	shalt  }
0x5a: {  	_ =	shalt  }
0x5b: {  	_ =	shalt  }
0x5c: {  	_ =	shalt  }
0x5d: {  	_ =	shalt  }
0x5e: {  	_ =	shalt  }
0x5f: {  	_ =	shalt  }
0x60: {  	_ =	shalt  }
0x61: {  	_ =	shalt  }
0x62: {  	_ =	shalt  }
0x63: {  	_ =	shalt  }
0x64: {  	_ =	shalt  }
0x65: {  	_ =	shalt  }
0x66: {  	_ =	shalt  }
0x67: {  	_ =	shalt  }
0x68: {  	_ =	shalt  }
0x69: {  	_ =	shalt  }
0x6a: {  	_ =	shalt  }
0x6b: {  	_ =	shalt  }
0x6c: {  	_ =	shalt  }
0x6d: {  	_ =	shalt  }
0x6e: {  	_ =	shalt  }
0x6f: {  	_ =	shalt  }
0x70: {  	_ =	shalt  }
0x71: {  	_ =	shalt  }
0x72: {  	_ =	shalt  }
0x73: {  	_ =	shalt  }
0x74: {  	_ =	shalt  }
0x75: {  	_ =	shalt  }
0x76: {  	_ =	shalt  }
0x77: {  	_ =	shalt  }
0x78: {  	_ =	shalt  }
0x79: {  	_ =	shalt  }
0x7a: {  	_ =	shalt  }
0x7b: {  	_ =	shalt  }
0x7c: {  	_ =	shalt  }
0x7d: {  	_ =	shalt  }
0x7e: {  	_ =	shalt  }
0x7f: {  	_ =	shalt  }
0x80: {  	_ =	shalt  }
0x81: {  	_ =	shalt  }
0x82: {  	_ =	shalt  }
0x83: {  	_ =	shalt  }
0x84: {  	_ =	shalt  }
0x85: {  	_ =	shalt  }
0x86: {  	_ =	shalt  }
0x87: {  	_ =	shalt  }
.Lfunc_end0:
.L_simem_size_0:
called_computation.3_lowered:
.L_overlay_start_0:
0x88: {  	s2 =	sld [smem:$0x3FD9]  }
0x89: {  	s3 =	sld [smem:$0x3FFE];
	_ =	sdelay $0x1  }
0x8a: {  	s1 =	srdreg.scid  }
0x8b: {  	s0 =	sand.u32 $0x1, s1  }
0x8c: {  	s17 =	sshll.u32 s0, $0xA;
	s2 =	sadd.s32 s3, s2  }
0x8d: {  	s2 =	sadd.s32 s2, s17  }
0x8e: {  	[smem:$0x3FBA] =	sst s2  }
0x8f: {  	_ = 	snop  }
0x90: {  	s2 =	sld [smem:$0x3FD0];
	(tm) =	ssettm $0x1  }
0x91: {  	s18 =	sld [smem:$0x3FFB];
	_ =	sdelay $0x3  }
0x92: {  	_ =	strace s18  }
0x93: {  	s3 =	sld [smem:$0x3FFC];
	_ =	sdelay $0x3  }
0x94: {  	_ =	strace s3  }
0x95: {  	s3 =	sld [smem:$0x3FFD];
	_ =	sdelay $0x3  }
0x96: {  	_ =	strace s3  }
0x97: {  	_ =	strace $0x8FFFFFFF  }
0x98: {  	s19 =	sld [smem:$0x3FDB];
	_ =	sdelay $0x1  }
0x99: {  	s4 =	simm.s32 $_scs_section_size  }
0x9a: {  	s5 =	simm.s32 $_size__tile_overlayer_lowered;
	s6 =	simm.s32 $_tile_overlayer_lowered  }
0x9b: {  	s22 =	simm.s32 $0x1BFF;
	s21 =	sshll.u32 s6, $0x1;
	s3 =	sadd.s32 s4, s19  }
0x9c: {  	s7 =	simm.s32 $0x0;
	s20 =	sshll.u32 s5, $0x1;
	s5 =	sadd.s32 s21, s3  }
0x9d: {  	[timem:s7], [sflag:s22] =	dma.local [hbm:s5], s20  }
0x9e: {  	_ =	swait.ge [sflag:s22], s20  }
0x9f: {  	s4 =	ssub.s32 $0x0, s20;
	[sflag:s22] =	ssyncset.done $0x0  }
0xa0: {  	[sflag:s22] =	ssyncadd.s32 s4;
	_ =	sdelay $0x1  }
0xa1: {  	s23 =	simm.s32 $0x1B8B  }
0xa2: {  	_ =	swait.ge [sflag:s23], $0x1  }
0xa3: {  	[sflag:s23] =	ssyncset.done $0x0  }
0xa4: {  	s25 =	simm.s32 $0x1B8E;
	s24 =	sld [smem:$0x3FFE];
	[sflag:s23] =	ssyncadd.s32 $0xFFFFFFFF  }
0xa5: {  	s26 =	simm.s32 $execute0_lowered;
	[smem:$0x3FD2] =	sst s25  }
0xa6: {  	s5 =	sshll.u32 s26, $0x1;
	_ =	strace $0x8000004F;
	[dreg:$0x1] =	wrdreg $0xFFFFFFFF  }
0xa7: {  	s28 =	simm.s32 $_size_execute0_lowered;
	s3 =	sadd.s32 s3, s5;
	[dreg:$0x0] =	wrdreg $0x0  }
0xa8: {  	s5 =	sshll.u32 s28, $0x1;
	[dreg:$0x2] =	wrdreg s3  }
0xa9: {  	[dreg:$0x3] =	wrdreg s5  }
0xaa: {  	[dreg:$0x4] =	wrdreg $0xC0  }
0xab: {  	_ =	task [dreg:s7], $0x5FFFF  }
0xac: {  	[dreg:$0x1] =	wrdreg $0xFFFFFFFF  }
0xad: {  	[dreg:$0x0] =	wrdreg $0x60  }
0xae: {  	[dreg:$0x2] =	wrdreg s24  }
0xaf: {  	[dreg:$0x3] =	wrdreg s2  }
0xb0: {  	[dreg:$0x4] =	wrdreg $0x9B000  }
0xb1: {  	[dreg:$0x5] =	wrdreg $0x9  }
0xb2: {  	_ =	task.clear_ibuf [dreg:s7], $0x6FFFF;
	_ =	strace $0x9000004F  }
0xb3: {  	s29 =	simm.s32 $0x9;
	_ =	strace $0x80000051  }
0xb4: {  	_ =	swait.ge [sflag:s29], $0x1  }
0xb5: {  	[sflag:s29] =	ssyncadd.s32 $0xFFFFFFFF  }
0xb6: {  	_ =	strace $0x90000051  }
0xb7: {  	_ =	sfence  }
0xb8: {  	s30 =	sld [smem:$0x0];
	_ =	sdelay $0x2  }
0xb9: {  	s31 =	sshll.u32 s1, $0xD;
	s1 =	sshrl.u32 s1, $0x2  }
0xba: {  	s3 =	sand.u32 $0x4000, s31;
	s1 =	sadd.s32 s1, s30  }
0xbb: {  	s0 =	sor.u32 s3, s0;
	s1 =	sshll.u32 s1, $0x11  }
0xbc: {  	s0 =	sor.u32 s1, s0  }
0xbd: {  	s0 =	sadd.s32 $0x8F2B, s0  }
0xbe: {  	[sflag:s0] =	ssyncadd.remote.s32 $0x1  }
0xbf: {  	_ =	sfence.sel $0xFFFF  }
0xc0: {  	[dreg:$0x0] =	wrdreg $0xFFFFFFFF;
	(pc) =	sbr.abs _section_cstart, $3  }
0xc1: {  	[dreg:$0x1] =	wrdreg $0xFFFFFFFF  }
0xc2: {  	_ =	task.clear_ibuf [dreg:s7], $0x2FFFF;
	_ =	strace $0x9FFFFFFF  }
0xc3: {  	(tm) =	ssettm $0x7FFFFFFF  }
tec
execute0_lowered:
.L_overlay_start_1:
0x0: {  	(tag) =	ssettag $0x1  }
0x1: {  	s0 =	rddreg [dreg:$0x0]  }
0x2: {  	s2 =	rddreg [dreg:$0x1]  }
0x3: {  	s1 =	rddreg [dreg:$0x2]  }
0x4: {  	s3 =	simm.s32 $0x0;
	s11 =	stileid.u32;
	s6 =	srdreg.scid  }
0x5: {  	s28 =	simm.s32 $0x200;
	s29 =	simm.s32 $0x100;
	s30 =	simm.s32 $0x280  }
0x6: {  	s31 =	simm.s32 $0x2;
	[smem:$0x7FF] =	sst s3;
	s4 =	sadd.s32 $0x3A00, s0  }
0x7: {  	s7 =	smul.u32 $0x50000, s11;
	s5 =	sadd.s32 $0x2BA00, s0;
	s13 =	sadd.s32 $0x35800, s0  }
0x8: {  	s6 =	sand.u32 $0x1, s6;
	s0 =	sadd.s32 $0x3F600, s0;
	s10 =	smul.u32 $0x2800, s11  }
0x9: {  	s20 =	smul.u32 $0x4EC0, s11;
	s11 =	simm.s32 $0x0;
	_ =	strace $0x80000050  }
0xa: {  	s14 =	ssub.s32 $0x2, s6;
	s15 =	smul.u32 $0x28000, s6;
	s7 =	sshrl.u32 s7, $0x2  }
0xb: {  	s6 =	smul.u32 $0x2760, s6;
	s9 =	sshrl.u32 s14, $0x1;
	s8 =	sadd.s32 s7, s1  }
0xc: {  	[dreg:$0x4] =	wrdreg s0;
	s0 =	ssub.s32 s14, s9;
	s7 =	sadd.s32 $0x2000, s8  }
0xd: {  	s6 =	sadd.s32 s6, s20;
	s18 =	sadd.s32 $0x4000, s8;
	[dreg:$0x5] =	wrdreg s7  }
0xe: {  	s9 =	simm.s32 $0x5300;
	s19 =	sadd.s32 $0x6000, s8;
	[dreg:$0x6] =	wrdreg s18  }
0xf: {  	s21 =	sadd.s32 $0x8000, s8;
	s22 =	sadd.s32 $0xA000, s8;
	[dreg:$0x7] =	wrdreg s19  }
0x10: {  	s23 =	sadd.s32 $0xC000, s8;
	s24 =	sadd.s32 $0xE000, s8;
	[dreg:$0x8] =	wrdreg s21  }
0x11: {  	s16 =	sadd.s32 $0x10000, s8;
	s17 =	sadd.s32 $0x12000, s8;
	[dreg:$0x9] =	wrdreg s22  }
0x12: {  	s25 =	sadd.s32 $0xA0, s6;
	s20 =	sshrl.u32 s6, $0x3;
	[dreg:$0xa] =	wrdreg s23  }
0x13: {  	s26 =	sadd.s32 $0x50, s6;
	[dreg:$0xb] =	wrdreg s24;
	s7 =	sadd.s32 s10, s15  }
0x14: {  	s19 =	smax.u32 s0, $0x1;
	s21 =	sshrl.u32 s25, $0x3;
	s22 =	sshrl.u32 s26, $0x3  }
0x15: {  	s23 =	simm.s32 $0x7B00;
	s24 =	simm.s32 $0x3;
	s25 =	simm.s32 $0x180  }
0x16: {  	s26 =	simm.s32 $0x80;
	s0 =	simm.s32 $0x50;
	s10 =	simm.s32 $0x1  }
0x17: {  	s18 =	sadd.s32 s2, s7;
	s2 =	simm.s32 $0x300;
	s7 =	simm.s32 $0x2B00  }
.LBB2_1:
0x18: {  	s6 =	rddreg [dreg:$0x4]  }
0x19: {  	[tilespmem:s23], [sflag:$0x3] =	stream.linear.gather [hbm4b:s6+s3], $0x2000, $0x38;
	[tilespmem:$0x1DB00] =	vst v63  }
0x1a: {  	_ =	swait.ge [sflag:s24], $0x2000  }
0x1b: {  	[sflag:s24] =	ssyncset.done $0x0  }
0x1c: {  	[sflag:s24] =	ssyncadd.s32 $0xFFFFE000  }
0x1d: {  	[spmem:s8] =	stream.linear.scatter [tilespmem:s23], [sflag:$0x3], $0x2000, $0x38;
	[tilespmem:$0x1DB00] =	vst v63  }
0x1e: {  	_ =	swait.ge [sflag:s24], $0x2000  }
0x1f: {  	[sflag:s24] =	ssyncset.done $0x0  }
0x20: {  	s15 =	rddreg [dreg:$0x5];
	[sflag:s24] =	ssyncadd.s32 $0xFFFFE000  }
0x21: {  	[spmem:s15] =	stream.linear.scatter [tilespmem:s23], [sflag:$0x3], $0x2000, $0x38;
	[tilespmem:$0x1DB00] =	vst v63  }
0x22: {  	_ =	swait.ge [sflag:s24], $0x2000  }
0x23: {  	[sflag:s24] =	ssyncset.done $0x0  }
0x24: {  	s12 =	rddreg [dreg:$0x6];
	[sflag:s24] =	ssyncadd.s32 $0xFFFFE000  }
0x25: {  	[spmem:s12] =	stream.linear.scatter [tilespmem:s23], [sflag:$0x3], $0x2000, $0x38;
	[tilespmem:$0x1DB00] =	vst v63  }
0x26: {  	_ =	swait.ge [sflag:s24], $0x2000  }
0x27: {  	[sflag:s24] =	ssyncset.done $0x0  }
0x28: {  	s14 =	rddreg [dreg:$0x7];
	[sflag:s24] =	ssyncadd.s32 $0xFFFFE000  }
0x29: {  	[spmem:s14] =	stream.linear.scatter [tilespmem:s23], [sflag:$0x3], $0x2000, $0x38;
	[tilespmem:$0x1DB00] =	vst v63  }
0x2a: {  	_ =	swait.ge [sflag:s24], $0x2000  }
0x2b: {  	[sflag:s24] =	ssyncset.done $0x0  }
0x2c: {  	s15 =	rddreg [dreg:$0x8];
	[sflag:s24] =	ssyncadd.s32 $0xFFFFE000  }
0x2d: {  	[spmem:s15] =	stream.linear.scatter [tilespmem:s23], [sflag:$0x3], $0x2000, $0x38;
	[tilespmem:$0x1DB00] =	vst v63  }
0x2e: {  	_ =	swait.ge [sflag:s24], $0x2000  }
0x2f: {  	[sflag:s24] =	ssyncset.done $0x0  }
0x30: {  	s12 =	rddreg [dreg:$0x9];
	[sflag:s24] =	ssyncadd.s32 $0xFFFFE000  }
0x31: {  	[spmem:s12] =	stream.linear.scatter [tilespmem:s23], [sflag:$0x3], $0x2000, $0x38;
	[tilespmem:$0x1DB00] =	vst v63  }
0x32: {  	_ =	swait.ge [sflag:s24], $0x2000  }
0x33: {  	[sflag:s24] =	ssyncset.done $0x0  }
0x34: {  	s14 =	rddreg [dreg:$0xa];
	[sflag:s24] =	ssyncadd.s32 $0xFFFFE000  }
0x35: {  	[spmem:s14] =	stream.linear.scatter [tilespmem:s23], [sflag:$0x3], $0x2000, $0x38;
	[tilespmem:$0x1DB00] =	vst v63  }
0x36: {  	_ =	swait.ge [sflag:s24], $0x2000  }
0x37: {  	[sflag:s24] =	ssyncset.done $0x0  }
0x38: {  	s15 =	rddreg [dreg:$0xb];
	[sflag:s24] =	ssyncadd.s32 $0xFFFFE000  }
0x39: {  	[spmem:s15] =	stream.linear.scatter [tilespmem:s23], [sflag:$0x3], $0x2000, $0x38;
	[tilespmem:$0x1DB00] =	vst v63  }
0x3a: {  	_ =	swait.ge [sflag:s24], $0x2000  }
0x3b: {  	[sflag:s24] =	ssyncset.done $0x0  }
0x3c: {  	[sflag:s24] =	ssyncadd.s32 $0xFFFFE000  }
0x3d: {  	[spmem:s16] =	stream.linear.scatter [tilespmem:s23], [sflag:$0x3], $0x2000, $0x38;
	[tilespmem:$0x1DB00] =	vst v63  }
0x3e: {  	_ =	swait.ge [sflag:s24], $0x2000  }
0x3f: {  	[sflag:s24] =	ssyncset.done $0x0  }
0x40: {  	[sflag:s24] =	ssyncadd.s32 $0xFFFFE000  }
0x41: {  	[spmem:s17] =	stream.linear.scatter [tilespmem:s23], [sflag:$0x3], $0x2000, $0x38;
	[tilespmem:$0x1DB00] =	vst v63  }
0x42: {  	_ =	swait.ge [sflag:s24], $0x2000  }
0x43: {  	[sflag:s24] =	ssyncset.done $0x0  }
0x44: {  	[sflag:s24] =	ssyncadd.s32 $0xFFFFE000  }
0x45: {  	s12 =	sadd.s32 s5, s20;
	[bflag:$0x0] =	sbarrier.arrive $0xFFFF  }
0x46: {  	[tilespmem:s3], [sflag:$0x2] =	stream.linear.gather [hbm4b:s12+s3], $0x50, $0x38;
	[tilespmem:$0x1DB00] =	vst v63  }
0x47: {  	s14 =	sadd.s32 s13, s20  }
0x48: {  	[tilespmem:s25], [sflag:$0x2] =	stream.linear.gather [hbm4b:s14+s3], $0x50, $0x38;
	[tilespmem:$0x1DB00] =	vst v63  }
0x49: {  	s15 =	sadd.s32 s5, s22  }
0x4a: {  	[tilespmem:s26], [sflag:$0x2] =	stream.linear.gather [hbm4b:s15+s3], $0x50, $0x38;
	[tilespmem:$0x1DB00] =	vst v63  }
0x4b: {  	s12 =	sadd.s32 s13, s22  }
0x4c: {  	[tilespmem:s28], [sflag:$0x2] =	stream.linear.gather [hbm4b:s12+s3], $0x50, $0x38;
	[tilespmem:$0x1DB00] =	vst v63  }
0x4d: {  	s14 =	sadd.s32 s5, s21  }
0x4e: {  	[tilespmem:s29], [sflag:$0x2] =	stream.linear.gather [hbm4b:s14+s3], $0x50, $0x38;
	[tilespmem:$0x1DB00] =	vst v63  }
0x4f: {  	s15 =	sadd.s32 s13, s21  }
0x50: {  	[tilespmem:s30], [sflag:$0x2] =	stream.linear.gather [hbm4b:s15+s3], $0x50, $0x38;
	[tilespmem:$0x1DB00] =	vst v63  }
0x51: {  	_ =	swait.ge [sflag:s31], $0x50  }
0x52: {  	[sflag:s31] =	ssyncset.done $0x0  }
0x53: {  	[sflag:s31] =	ssyncadd.s32 $0xFFFFFFB0  }
0x54: {  	_ =	swait.ge [sflag:s31], $0x50  }
0x55: {  	[sflag:s31] =	ssyncset.done $0x0  }
0x56: {  	[sflag:s31] =	ssyncadd.s32 $0xFFFFFFB0  }
0x57: {  	_ =	swait.ge [sflag:s31], $0x50  }
0x58: {  	[sflag:s31] =	ssyncset.done $0x0  }
0x59: {  	[sflag:s31] =	ssyncadd.s32 $0xFFFFFFB0  }
0x5a: {  	_ =	swait.ge [sflag:s31], $0x50  }
0x5b: {  	[sflag:s31] =	ssyncset.done $0x0  }
0x5c: {  	[sflag:s31] =	ssyncadd.s32 $0xFFFFFFB0  }
0x5d: {  	_ =	swait.ge [sflag:s31], $0x50  }
0x5e: {  	[sflag:s31] =	ssyncset.done $0x0  }
0x5f: {  	[sflag:s31] =	ssyncadd.s32 $0xFFFFFFB0  }
0x60: {  	_ =	swait.ge [sflag:s31], $0x50  }
0x61: {  	[sflag:s31] =	ssyncset.done $0x0  }
0x62: {  	[sflag:s31] =	ssyncadd.s32 $0xFFFFFFB0  }
0x63: {  	[tilespmem:s2], [sflag:$0x1] =	stream.indirect.gather [hbm4b:s4+s0], $0x80, s3, s0, $0xb8;
	[tilespmem:$0x1DB00] =	vst v63  }
0x64: {  	_ = 	snop  }
0x65: {  	[tilespmem:s7], [sflag:$0x1] =	stream.indirect.gather [hbm4b:s4+s0], $0x80, s26, s0, $0xb8;
	[tilespmem:$0x1DB00] =	vst v63  }
0x66: {  	_ = 	snop  }
0x67: {  	[tilespmem:s9], [sflag:$0x1] =	stream.indirect.gather [hbm4b:s4+s0], $0x80, s29, s0, $0xb8;
	[tilespmem:$0x1DB00] =	vst v63  }
0x68: {  	_ =	swait.ge [sflag:s10], $0x2800  }
0x69: {  	[sflag:s10] =	ssyncset.done $0x0  }
0x6a: {  	[sflag:s10] =	ssyncadd.s32 $0xFFFFD800  }
0x6b: {  	[spmem:s1] =	stream.indirect.scatter.add.f32 [tilespmem:s2], [sflag:$0x3], $0x80, s25, s0, $0xb8;
	[tilespmem:$0x1DB00] =	vst v63  }
0x6c: {  	_ =	swait.ge [sflag:s24], $0x2800  }
0x6d: {  	[sflag:s24] =	ssyncset.done $0x0  }
0x6e: {  	[sflag:s24] =	ssyncadd.s32 $0xFFFFD800  }
0x6f: {  	_ =	swait.ge [sflag:s10], $0x2800  }
0x70: {  	[sflag:s10] =	ssyncset.done $0x0  }
0x71: {  	[sflag:s10] =	ssyncadd.s32 $0xFFFFD800  }
0x72: {  	[spmem:s1] =	stream.indirect.scatter.add.f32 [tilespmem:s7], [sflag:$0x3], $0x80, s28, s0, $0xb8;
	[tilespmem:$0x1DB00] =	vst v63  }
0x73: {  	_ =	swait.ge [sflag:s24], $0x2800  }
0x74: {  	[sflag:s24] =	ssyncset.done $0x0  }
0x75: {  	[sflag:s24] =	ssyncadd.s32 $0xFFFFD800  }
0x76: {  	_ =	swait.ge [sflag:s10], $0x2800  }
0x77: {  	[sflag:s10] =	ssyncset.done $0x0  }
0x78: {  	[sflag:s10] =	ssyncadd.s32 $0xFFFFD800  }
0x79: {  	[spmem:s1] =	stream.indirect.scatter.add.f32 [tilespmem:s9], [sflag:$0x3], $0x80, s30, s0, $0xb8;
	[tilespmem:$0x1DB00] =	vst v63  }
0x7a: {  	s6 =	smov.u32 s13;
	_ =	swait.ge [sflag:s24], $0x2800  }
0x7b: {  	s12 =	sadd.s32 $0x1E, s5;
	s14 =	simm.s32 $0x28;
	[sflag:s24] =	ssyncset.done $0x0  }
.LBB2_2:
0x7c: {  	s15 =	sadd.s32 s12, s20;
	[sflag:s24] =	ssyncadd.s32 $0xFFFFD800;
	s6 =	sadd.s32 $0x1E, s6  }
0x7d: {  	[tilespmem:s3], [sflag:$0x2] =	stream.linear.gather [hbm4b:s15+s3], $0x50, $0x38;
	[tilespmem:$0x1DB00] =	vst v63  }
0x7e: {  	p0 =	sne.s32 s14, $0x1;
	s14 =	sadd.s32 $0xFFFFFFFF, s14;
	s15 =	sadd.s32 s6, s20  }
0x7f: {  	[tilespmem:s25], [sflag:$0x2] =	stream.linear.gather [hbm4b:s15+s3], $0x50, $0x38;
	[tilespmem:$0x1DB00] =	vst v63  }
0x80: {  	s15 =	sadd.s32 s12, s22  }
0x81: {  	[tilespmem:s26], [sflag:$0x2] =	stream.linear.gather [hbm4b:s15+s3], $0x50, $0x38;
	[tilespmem:$0x1DB00] =	vst v63  }
0x82: {  	s15 =	sadd.s32 s6, s22  }
0x83: {  	[tilespmem:s28], [sflag:$0x2] =	stream.linear.gather [hbm4b:s15+s3], $0x50, $0x38;
	[tilespmem:$0x1DB00] =	vst v63  }
0x84: {  	s15 =	sadd.s32 s12, s21  }
0x85: {  	[tilespmem:s29], [sflag:$0x2] =	stream.linear.gather [hbm4b:s15+s3], $0x50, $0x38;
	[tilespmem:$0x1DB00] =	vst v63  }
0x86: {  	s15 =	sadd.s32 s6, s21  }
0x87: {  	[tilespmem:s30], [sflag:$0x2] =	stream.linear.gather [hbm4b:s15+s3], $0x50, $0x38;
	[tilespmem:$0x1DB00] =	vst v63  }
0x88: {  	_ =	swait.ge [sflag:s31], $0x50  }
0x89: {  	[sflag:s31] =	ssyncset.done $0x0  }
0x8a: {  	[sflag:s31] =	ssyncadd.s32 $0xFFFFFFB0  }
0x8b: {  	_ =	swait.ge [sflag:s31], $0x50  }
0x8c: {  	[sflag:s31] =	ssyncset.done $0x0  }
0x8d: {  	[sflag:s31] =	ssyncadd.s32 $0xFFFFFFB0  }
0x8e: {  	_ =	swait.ge [sflag:s31], $0x50  }
0x8f: {  	[sflag:s31] =	ssyncset.done $0x0  }
0x90: {  	[sflag:s31] =	ssyncadd.s32 $0xFFFFFFB0  }
0x91: {  	_ =	swait.ge [sflag:s31], $0x50  }
0x92: {  	[sflag:s31] =	ssyncset.done $0x0  }
0x93: {  	[sflag:s31] =	ssyncadd.s32 $0xFFFFFFB0  }
0x94: {  	_ =	swait.ge [sflag:s31], $0x50  }
0x95: {  	[sflag:s31] =	ssyncset.done $0x0  }
0x96: {  	[sflag:s31] =	ssyncadd.s32 $0xFFFFFFB0  }
0x97: {  	_ =	swait.ge [sflag:s31], $0x50  }
0x98: {  	[sflag:s31] =	ssyncset.done $0x0  }
0x99: {  	[sflag:s31] =	ssyncadd.s32 $0xFFFFFFB0  }
0x9a: {  	[tilespmem:s2], [sflag:$0x1] =	stream.indirect.gather [hbm4b:s4+s0], $0x80, s3, s0, $0xb8;
	[tilespmem:$0x1DB00] =	vst v63  }
0x9b: {  	_ = 	snop  }
0x9c: {  	[tilespmem:s7], [sflag:$0x1] =	stream.indirect.gather [hbm4b:s4+s0], $0x80, s26, s0, $0xb8;
	[tilespmem:$0x1DB00] =	vst v63  }
0x9d: {  	_ = 	snop  }
0x9e: {  	[tilespmem:s9], [sflag:$0x1] =	stream.indirect.gather [hbm4b:s4+s0], $0x80, s29, s0, $0xb8;
	[tilespmem:$0x1DB00] =	vst v63  }
0x9f: {  	_ =	swait.ge [sflag:s10], $0x2800  }
0xa0: {  	[sflag:s10] =	ssyncset.done $0x0  }
0xa1: {  	[sflag:s10] =	ssyncadd.s32 $0xFFFFD800  }
0xa2: {  	[spmem:s1] =	stream.indirect.scatter.add.f32 [tilespmem:s2], [sflag:$0x3], $0x80, s25, s0, $0xb8;
	[tilespmem:$0x1DB00] =	vst v63  }
0xa3: {  	_ =	swait.ge [sflag:s24], $0x2800  }
0xa4: {  	[sflag:s24] =	ssyncset.done $0x0  }
0xa5: {  	[sflag:s24] =	ssyncadd.s32 $0xFFFFD800  }
0xa6: {  	_ =	swait.ge [sflag:s10], $0x2800  }
0xa7: {  	[sflag:s10] =	ssyncset.done $0x0  }
0xa8: {  	[sflag:s10] =	ssyncadd.s32 $0xFFFFD800  }
0xa9: {  	[spmem:s1] =	stream.indirect.scatter.add.f32 [tilespmem:s7], [sflag:$0x3], $0x80, s28, s0, $0xb8;
	[tilespmem:$0x1DB00] =	vst v63  }
0xaa: {  	_ =	swait.ge [sflag:s24], $0x2800  }
0xab: {  	[sflag:s24] =	ssyncset.done $0x0  }
0xac: {  	[sflag:s24] =	ssyncadd.s32 $0xFFFFD800  }
0xad: {  	_ =	swait.ge [sflag:s10], $0x2800  }
.Ltmp0:
0xae: {  	[sflag:s10] =	ssyncset.done $0x0;
	(pc) =	sbr.rel @p0 .LBB2_2-.Ltmp0, $4  }
0xaf: {  	[sflag:s10] =	ssyncadd.s32 $0xFFFFD800  }
0xb0: {  	[spmem:s1] =	stream.indirect.scatter.add.f32 [tilespmem:s9], [sflag:$0x3], $0x80, s30, s0, $0xb8;
	[tilespmem:$0x1DB00] =	vst v63  }
0xb1: {  	_ =	swait.ge [sflag:s24], $0x2800  }
0xb2: {  	s12 =	sadd.s32 $0x1E, s12;
	[sflag:s24] =	ssyncset.done $0x0  }
0xb3: {  	s14 =	sadd.s32 s12, s20;
	[sflag:s24] =	ssyncadd.s32 $0xFFFFD800;
	s6 =	sadd.s32 $0x1E, s6  }
0xb4: {  	[tilespmem:s3], [sflag:$0x2] =	stream.linear.gather [hbm4b:s14+s3], $0x50, $0x38;
	[tilespmem:$0x1DB00] =	vst v63  }
0xb5: {  	s15 =	sadd.s32 s6, s20  }
0xb6: {  	[tilespmem:s25], [sflag:$0x2] =	stream.linear.gather [hbm4b:s15+s3], $0x50, $0x38;
	[tilespmem:$0x1DB00] =	vst v63  }
0xb7: {  	s15 =	sadd.s32 s12, s22  }
0xb8: {  	[tilespmem:s26], [sflag:$0x2] =	stream.linear.gather [hbm4b:s15+s3], $0x50, $0x38;
	[tilespmem:$0x1DB00] =	vst v63  }
0xb9: {  	s15 =	sadd.s32 s6, s22  }
0xba: {  	[tilespmem:s28], [sflag:$0x2] =	stream.linear.gather [hbm4b:s15+s3], $0x50, $0x38;
	[tilespmem:$0x1DB00] =	vst v63  }
0xbb: {  	s15 =	sadd.s32 s12, s21  }
0xbc: {  	[tilespmem:s29], [sflag:$0x2] =	stream.linear.gather [hbm4b:s15+s3], $0x50, $0x38;
	[tilespmem:$0x1DB00] =	vst v63  }
0xbd: {  	s6 =	sadd.s32 s6, s21  }
0xbe: {  	[tilespmem:s30], [sflag:$0x2] =	stream.linear.gather [hbm4b:s6+s3], $0x50, $0x38;
	[tilespmem:$0x1DB00] =	vst v63  }
0xbf: {  	_ =	swait.ge [sflag:s31], $0x50  }
0xc0: {  	[sflag:s31] =	ssyncset.done $0x0  }
0xc1: {  	[sflag:s31] =	ssyncadd.s32 $0xFFFFFFB0  }
0xc2: {  	_ =	swait.ge [sflag:s31], $0x50  }
0xc3: {  	[sflag:s31] =	ssyncset.done $0x0  }
0xc4: {  	[sflag:s31] =	ssyncadd.s32 $0xFFFFFFB0  }
0xc5: {  	_ =	swait.ge [sflag:s31], $0x50  }
0xc6: {  	[sflag:s31] =	ssyncset.done $0x0  }
0xc7: {  	[sflag:s31] =	ssyncadd.s32 $0xFFFFFFB0  }
0xc8: {  	_ =	swait.ge [sflag:s31], $0x50  }
0xc9: {  	[sflag:s31] =	ssyncset.done $0x0  }
0xca: {  	[sflag:s31] =	ssyncadd.s32 $0xFFFFFFB0  }
0xcb: {  	_ =	swait.ge [sflag:s31], $0x50  }
0xcc: {  	[sflag:s31] =	ssyncset.done $0x0  }
0xcd: {  	[sflag:s31] =	ssyncadd.s32 $0xFFFFFFB0  }
0xce: {  	_ =	swait.ge [sflag:s31], $0x50  }
0xcf: {  	[sflag:s31] =	ssyncset.done $0x0  }
0xd0: {  	[sflag:s31] =	ssyncadd.s32 $0xFFFFFFB0  }
0xd1: {  	[tilespmem:s2], [sflag:$0x1] =	stream.indirect.gather [hbm4b:s4+s0], $0x80, s3, s0, $0xb8;
	[tilespmem:$0x1DB00] =	vst v63  }
0xd2: {  	_ = 	snop  }
0xd3: {  	[tilespmem:s7], [sflag:$0x1] =	stream.indirect.gather [hbm4b:s4+s0], $0x80, s26, s0, $0xb8;
	[tilespmem:$0x1DB00] =	vst v63  }
0xd4: {  	_ = 	snop  }
0xd5: {  	[tilespmem:s9], [sflag:$0x1] =	stream.indirect.gather [hbm4b:s4+s0], $0x80, s29, s0, $0xb8;
	[tilespmem:$0x1DB00] =	vst v63  }
0xd6: {  	_ =	swait.ge [sflag:s10], $0x2800  }
0xd7: {  	[sflag:s10] =	ssyncset.done $0x0  }
0xd8: {  	[sflag:s10] =	ssyncadd.s32 $0xFFFFD800  }
0xd9: {  	[spmem:s1] =	stream.indirect.scatter.add.f32 [tilespmem:s2], [sflag:$0x3], $0x80, s25, s0, $0xb8;
	[tilespmem:$0x1DB00] =	vst v63  }
0xda: {  	_ =	swait.ge [sflag:s24], $0x2800  }
0xdb: {  	[sflag:s24] =	ssyncset.done $0x0  }
0xdc: {  	[sflag:s24] =	ssyncadd.s32 $0xFFFFD800  }
0xdd: {  	_ =	swait.ge [sflag:s10], $0x2800  }
0xde: {  	[sflag:s10] =	ssyncset.done $0x0  }
0xdf: {  	[sflag:s10] =	ssyncadd.s32 $0xFFFFD800  }
0xe0: {  	[spmem:s1] =	stream.indirect.scatter.add.f32 [tilespmem:s7], [sflag:$0x3], $0x80, s28, s0, $0xb8;
	[tilespmem:$0x1DB00] =	vst v63  }
0xe1: {  	_ =	swait.ge [sflag:s24], $0x2800  }
0xe2: {  	[sflag:s24] =	ssyncset.done $0x0  }
0xe3: {  	[sflag:s24] =	ssyncadd.s32 $0xFFFFD800  }
0xe4: {  	_ =	swait.ge [sflag:s10], $0x2800  }
0xe5: {  	[sflag:s10] =	ssyncset.done $0x0  }
0xe6: {  	[sflag:s10] =	ssyncadd.s32 $0xFFFFD800  }
0xe7: {  	[spmem:s1] =	stream.indirect.scatter.add.f32 [tilespmem:s9], [sflag:$0x3], $0x80, s30, s0, $0xb8;
	[tilespmem:$0x1DB00] =	vst v63  }
0xe8: {  	s11 =	sadd.s32 $0x1, s11;
	_ =	swait.ge [sflag:s24], $0x2800  }
0xe9: {  	s14 =	stileid.u32;
	p0 =	sne.s32 s11, s19;
	[sflag:s24] =	ssyncset.done $0x0  }
0xea: {  	s15 =	sshrl.u32 s8, $0x3;
	s6 =	sshll.u32 s14, $0x6;
	[sflag:s24] =	ssyncadd.s32 $0xFFFFD800  }
.Ltmp1:
0xeb: {  	s6 =	sor.u32 $0x1C03, s6;
	[bflag:$0x0] =	sbarrier.arrive $0xFFFF;
	(pc) =	sbr.rel @p0 .LBB2_1-.Ltmp1, $4  }
0xec: {  	[hbm:s18], [sflag:s6] =	dma.local [spmem:s15], $0x2800  }
0xed: {  	_ =	swait.ge [sflag:s24], $0x2800  }
0xee: {  	[sflag:s24] =	ssyncset.done $0x0  }
0xef: {  	[sflag:s24] =	ssyncadd.s32 $0xFFFFD800  }
0xf0: {  	_ =	sfence.sel $0x180000  }
0xf1: {  	[bflag:$0x0] =	sbarrier.arrive $0xFFFF  }
0xf2: {  	_ =	strace $0x90000050  }
0xf3: {  	s0 =	stileid.u32;
	[bflag:$0x2] =	sbarrier.arrive $0xFFFF  }
0xf4: {  	p0 =	sne.s32 s0, $0x0;
	s0 =	rddreg [dreg:$0x3]  }
0xf5: {  	s0 =	sadd.s32 @!p0 $0x100000, s0  }
0xf6: {  	[sflag:s0] =	ssyncadd.tile.s32 @!p0 $0x1;
	_ =	shalt  }
.Lfunc_end2:
_tile_overlayer_lowered:
.L_overlay_start_2:
0xf7: {  	(tag) =	ssettag $0x2  }
0xf8: {  	s0 =	rddreg [dreg:$0x0];
	s2 =	stileid.u32  }
0xf9: {  	s1 =	rddreg [dreg:$0x1];
	p0 =	sne.s32 s2, $0x0  }
0xfa: {  	s3 =	rddreg [dreg:$0x2];
	[bflag:$0x3] =	sbarrier.arrive $0xFFFF;
	s2 =	simm.s32 @!p0 $0x1C03  }
0xfb: {  	[timem:s3], [sflag:s2] =	dma.local @!p0 [hbm:s0], s1  }
0xfc: {  	s0 =	simm.s32 @!p0 $0x3  }
0xfd: {  	_ =	swait.ge @!p0 [sflag:s0], s1  }
0xfe: {  	s1 =	ssub.s32 @!p0 $0x0, s1;
	[sflag:s0] =	ssyncset.done @!p0 $0x0  }
0xff: {  	[sflag:s0] =	ssyncadd.s32 @!p0 s1  }
0x100: {  	[bflag:$0x3] =	sbarrier.arrive $0xFFFF  }
0x101: {  	_ =	shalt  }

// kernel: kernel.23.cloned.1.call-start
scs
__scs_entry_jumppad:
0x0: {  	(pc) =	sbr.rel $0x88, $3  }
0x1: {  	(tag) =	ssettag $0x0;
	lr =	simm.s32 $0x1  }
0x2: {  	[smem:$0x3F93] =	sst lr;
	_ =	strace $0xD0000000  }
0x3: {  	_ = 	snop  }
0x4: {  	_ = 	snop  }
0x5: {  	_ = 	snop  }
0x6: {  	_ = 	snop  }
0x7: {  	_ = 	snop  }
__scs_overlays_trampoline_lowered:
0x8: {  	[smem:$0x3FA2] =	sst s0  }
0x9: {  	[smem:$0x3FA3] =	sst s1  }
0xa: {  	[smem:$0x3FA4] =	sst s2  }
0xb: {  	[smem:$0x3FA5] =	sst s3  }
0xc: {  	[smem:$0x3FA6] =	sst s4  }
0xd: {  	[smem:$0x3FA7] =	sst s5  }
0xe: {  	[smem:$0x3FA8] =	sst s6  }
0xf: {  	[smem:$0x3FA9] =	sst s7  }
0x10: {  	[smem:$0x3FAA] =	sst s8  }
0x11: {  	[smem:$0x3FAB] =	sst s9;
	s0 =	simm.s32 @!p0 $0x0  }
0x12: {  	s1 =	sld [smem:$0x3F91];
	s0 =	simm.s32 @p0 $0x1  }
0x13: {  	[smem:$0x3FAC] =	sst s0;
	s0 =	simm.s32 @!p1 $0x0  }
0x14: {  	s2 =	sld [smem:$0x3F90];
	s0 =	simm.s32 @p1 $0x1  }
0x15: {  	[smem:$0x3FAD] =	sst s0;
	s0 =	simm.s32 @!p2 $0x0  }
0x16: {  	s3 =	sld [smem:$0x3FDB];
	s0 =	simm.s32 @p2 $0x1  }
0x17: {  	s4 =	simm.s32 $0x1BF5;
	[smem:$0x3FAF] =	sst s0  }
0x18: {  	s0 =	sld [smem:$0x3F92];
	_ =	swait.ge [sflag:s4], $0x0  }
0x19: {  	s7 =	sld [smem:$0x3F93]  }
0x1a: {  	s8 =	sadd.s32 $0xFFFFE003, lr  }
0x1b: {  	s9 =	sadd.s32 $0xFFFFFEF7, lr;
	s5 =	simm.s32 $0xFFFFFFFF;
	p2 =	slt.u32 s8, $0xFFFFF086  }
0x1c: {  	p1 =	slt.u32 s9, $0xF7A;
	s5 =	simm.s32 @!p2 $0x0  }
0x1d: {  	s5 =	simm.s32 @p1 $0x1;
	p0 =	seq.s32 s7, s2  }
0x1e: {  	s7 =	smul.u32 @!p0 $0xF7A, s2;
	p2 =	seq.s32 @!p0 s5, $0x0  }
0x1f: {  	s9 =	smul.u32 $0xF7A, s1;
	s8 =	simm.s32 @!p0 $0x1BF5;
	p2 =	por !p2, p0  }
0x20: {  	[sflag:s8] =	ssyncset.s32 @!p0 $0xFFFFF086;
	s6 =	sadd.s32 @!p0 s3, s7;
	s7 =	simm.s32 @!p0 $0x108  }
0x21: {  	s3 =	sadd.s32 s3, s9;
	s6 =	sadd.s32 @!p0 $0x88, s6;
	s7 =	simm.s32 @p2 $0x1082  }
0x22: {  	[simem:s7], [sflag:s8] =	dma.local @!p0 [hbm:s6], $0xF7A  }
0x23: {  	s9 =	sor.u32 $0xD0000000, s2;
	s6 =	simm.s32 $0x108;
	_ =	swait.ge @!p0 [sflag:s8], $0x0  }
0x24: {  	s3 =	sadd.s32 $0x88, s3;
	s6 =	simm.s32 @!p1 $0x1082;
	[sflag:s4] =	ssyncset.s32 $0xFFFFF086  }
0x25: {  	[simem:s6], [sflag:s4] =	dma.local [hbm:s3], $0xF7A  }
0x26: {  	[smem:$0x3F93] =	sst s1;
	(tag) =	ssettag s2;
	_ =	strace s9  }
0x27: {  	s1 =	sld [smem:$0x3FA3]  }
0x28: {  	s2 =	sld [smem:$0x3FA4]  }
0x29: {  	s4 =	sld [smem:$0x3FA6]  }
0x2a: {  	p0 =	seq.s32 s5, $0x0;
	s5 =	sld [smem:$0x3FA7]  }
0x2b: {  	s6 =	sld [smem:$0x3FA8]  }
0x2c: {  	s7 =	sld [smem:$0x3FA9]  }
0x2d: {  	s3 =	simm.s32 $0x108;
	s8 =	sld [smem:$0x3FAA]  }
0x2e: {  	s3 =	simm.s32 @!p0 $0x1082;
	s9 =	sld [smem:$0x3FAB]  }
0x2f: {  	lr =	sadd.s32 s0, s3;
	s0 =	sld [smem:$0x3FA2]  }
0x30: {  	s3 =	sld [smem:$0x3FA5]  }
0x31: {  	[smem:$0x3FAE] =	sst s10  }
0x32: {  	s10 =	sld [smem:$0x3FAC];
	_ =	sdelay $0x3  }
0x33: {  	p0 =	seq.s32 s10, $0x1;
	s10 =	sld [smem:$0x3FAE];
	_ =	sdelay $0x3  }
0x34: {  	[smem:$0x3FAE] =	sst s10  }
0x35: {  	s10 =	sld [smem:$0x3FAD];
	_ =	sdelay $0x3  }
0x36: {  	p1 =	seq.s32 s10, $0x1;
	s10 =	sld [smem:$0x3FAE];
	_ =	sdelay $0x3  }
0x37: {  	[smem:$0x3FAE] =	sst s10  }
0x38: {  	s10 =	sld [smem:$0x3FAF]  }
0x39: {  	_ = 	snop;
	(pc) =	sbr.ind lr, $3  }
0x3a: {  	_ = 	snop  }
0x3b: {  	_ = 	snop  }
0x3c: {  	p2 =	seq.s32 s10, $0x1;
	s10 =	sld [smem:$0x3FAE]  }
0x3d: {  	_ =	shalt  }
0x3e: {  	_ =	shalt  }
0x3f: {  	_ =	shalt  }
0x40: {  	_ =	shalt  }
0x41: {  	_ =	shalt  }
0x42: {  	_ =	shalt  }
0x43: {  	_ =	shalt  }
0x44: {  	_ =	shalt  }
0x45: {  	_ =	shalt  }
0x46: {  	_ =	shalt  }
0x47: {  	_ =	shalt  }
0x48: {  	_ =	shalt  }
0x49: {  	_ =	shalt  }
0x4a: {  	_ =	shalt  }
0x4b: {  	_ =	shalt  }
0x4c: {  	_ =	shalt  }
0x4d: {  	_ =	shalt  }
0x4e: {  	_ =	shalt  }
0x4f: {  	_ =	shalt  }
0x50: {  	_ =	shalt  }
0x51: {  	_ =	shalt  }
0x52: {  	_ =	shalt  }
0x53: {  	_ =	shalt  }
0x54: {  	_ =	shalt  }
0x55: {  	_ =	shalt  }
0x56: {  	_ =	shalt  }
0x57: {  	_ =	shalt  }
0x58: {  	_ =	shalt  }
0x59: {  	_ =	shalt  }
0x5a: {  	_ =	shalt  }
0x5b: {  	_ =	shalt  }
0x5c: {  	_ =	shalt  }
0x5d: {  	_ =	shalt  }
0x5e: {  	_ =	shalt  }
0x5f: {  	_ =	shalt  }
0x60: {  	_ =	shalt  }
0x61: {  	_ =	shalt  }
0x62: {  	_ =	shalt  }
0x63: {  	_ =	shalt  }
0x64: {  	_ =	shalt  }
0x65: {  	_ =	shalt  }
0x66: {  	_ =	shalt  }
0x67: {  	_ =	shalt  }
0x68: {  	_ =	shalt  }
0x69: {  	_ =	shalt  }
0x6a: {  	_ =	shalt  }
0x6b: {  	_ =	shalt  }
0x6c: {  	_ =	shalt  }
0x6d: {  	_ =	shalt  }
0x6e: {  	_ =	shalt  }
0x6f: {  	_ =	shalt  }
0x70: {  	_ =	shalt  }
0x71: {  	_ =	shalt  }
0x72: {  	_ =	shalt  }
0x73: {  	_ =	shalt  }
0x74: {  	_ =	shalt  }
0x75: {  	_ =	shalt  }
0x76: {  	_ =	shalt  }
0x77: {  	_ =	shalt  }
0x78: {  	_ =	shalt  }
0x79: {  	_ =	shalt  }
0x7a: {  	_ =	shalt  }
0x7b: {  	_ =	shalt  }
0x7c: {  	_ =	shalt  }
0x7d: {  	_ =	shalt  }
0x7e: {  	_ =	shalt  }
0x7f: {  	_ =	shalt  }
0x80: {  	_ =	shalt  }
0x81: {  	_ =	shalt  }
0x82: {  	_ =	shalt  }
0x83: {  	_ =	shalt  }
0x84: {  	_ =	shalt  }
0x85: {  	_ =	shalt  }
0x86: {  	_ =	shalt  }
0x87: {  	_ =	shalt  }
.Lfunc_end0:
.L_simem_size_0:
called_computation.4_lowered:
.L_overlay_start_0:
0x88: {  	s2 =	sld [smem:$0x3FD9]  }
0x89: {  	s3 =	sld [smem:$0x3FFE];
	_ =	sdelay $0x1  }
0x8a: {  	s1 =	srdreg.scid  }
0x8b: {  	s0 =	sand.u32 $0x1, s1  }
0x8c: {  	s17 =	sshll.u32 s0, $0xA;
	s2 =	sadd.s32 s3, s2  }
0x8d: {  	s2 =	sadd.s32 s2, s17  }
0x8e: {  	[smem:$0x3FBA] =	sst s2  }
0x8f: {  	_ = 	snop  }
0x90: {  	s2 =	sld [smem:$0x3FD0];
	(tm) =	ssettm $0x1  }
0x91: {  	s18 =	sld [smem:$0x3FFB];
	_ =	sdelay $0x3  }
0x92: {  	_ =	strace s18  }
0x93: {  	s3 =	sld [smem:$0x3FFC];
	_ =	sdelay $0x3  }
0x94: {  	_ =	strace s3  }
0x95: {  	s3 =	sld [smem:$0x3FFD];
	_ =	sdelay $0x3  }
0x96: {  	_ =	strace s3  }
0x97: {  	_ =	strace $0x8FFFFFFF  }
0x98: {  	s19 =	sld [smem:$0x3FDB];
	_ =	sdelay $0x1  }
0x99: {  	s4 =	simm.s32 $_scs_section_size  }
0x9a: {  	s5 =	simm.s32 $_size__tile_overlayer_lowered;
	s6 =	simm.s32 $_tile_overlayer_lowered  }
0x9b: {  	s22 =	simm.s32 $0x1BFF;
	s21 =	sshll.u32 s6, $0x1;
	s3 =	sadd.s32 s4, s19  }
0x9c: {  	s7 =	simm.s32 $0x0;
	s20 =	sshll.u32 s5, $0x1;
	s5 =	sadd.s32 s21, s3  }
0x9d: {  	[timem:s7], [sflag:s22] =	dma.local [hbm:s5], s20  }
0x9e: {  	_ =	swait.ge [sflag:s22], s20  }
0x9f: {  	s4 =	ssub.s32 $0x0, s20;
	[sflag:s22] =	ssyncset.done $0x0  }
0xa0: {  	[sflag:s22] =	ssyncadd.s32 s4;
	_ =	sdelay $0x1  }
0xa1: {  	s23 =	simm.s32 $0x1B8B  }
0xa2: {  	_ =	swait.ge [sflag:s23], $0x1  }
0xa3: {  	[sflag:s23] =	ssyncset.done $0x0  }
0xa4: {  	s25 =	simm.s32 $0x1B8E;
	s24 =	sld [smem:$0x3FFE];
	[sflag:s23] =	ssyncadd.s32 $0xFFFFFFFF  }
0xa5: {  	s26 =	simm.s32 $execute0_lowered;
	[smem:$0x3FD2] =	sst s25  }
0xa6: {  	s5 =	sshll.u32 s26, $0x1;
	_ =	strace $0x80000052;
	[dreg:$0x1] =	wrdreg $0xFFFFFFFF  }
0xa7: {  	s28 =	simm.s32 $_size_execute0_lowered;
	s3 =	sadd.s32 s3, s5;
	[dreg:$0x0] =	wrdreg $0x0  }
0xa8: {  	s5 =	sshll.u32 s28, $0x1;
	[dreg:$0x2] =	wrdreg s3  }
0xa9: {  	[dreg:$0x3] =	wrdreg s5  }
0xaa: {  	[dreg:$0x4] =	wrdreg $0xC0  }
0xab: {  	_ =	task [dreg:s7], $0x5FFFF  }
0xac: {  	[dreg:$0x1] =	wrdreg $0xFFFFFFFF  }
0xad: {  	[dreg:$0x0] =	wrdreg $0x60  }
0xae: {  	[dreg:$0x2] =	wrdreg s24  }
0xaf: {  	[dreg:$0x3] =	wrdreg s2  }
0xb0: {  	[dreg:$0x4] =	wrdreg $0x9B000  }
0xb1: {  	[dreg:$0x5] =	wrdreg $0x9  }
0xb2: {  	_ =	task.clear_ibuf [dreg:s7], $0x6FFFF;
	_ =	strace $0x90000052  }
0xb3: {  	s29 =	simm.s32 $0x9;
	_ =	strace $0x80000054  }
0xb4: {  	_ =	swait.ge [sflag:s29], $0x1  }
0xb5: {  	[sflag:s29] =	ssyncadd.s32 $0xFFFFFFFF  }
0xb6: {  	_ =	strace $0x90000054  }
0xb7: {  	_ =	sfence  }
0xb8: {  	s30 =	sld [smem:$0x0];
	_ =	sdelay $0x2  }
0xb9: {  	s31 =	sshll.u32 s1, $0xD;
	s1 =	sshrl.u32 s1, $0x2  }
0xba: {  	s3 =	sand.u32 $0x4000, s31;
	s1 =	sadd.s32 s1, s30  }
0xbb: {  	s0 =	sor.u32 s3, s0;
	s1 =	sshll.u32 s1, $0x11  }
0xbc: {  	s0 =	sor.u32 s1, s0  }
0xbd: {  	s0 =	sadd.s32 $0x8F2B, s0  }
0xbe: {  	[sflag:s0] =	ssyncadd.remote.s32 $0x1  }
0xbf: {  	_ =	sfence.sel $0xFFFF  }
0xc0: {  	[dreg:$0x0] =	wrdreg $0xFFFFFFFF;
	(pc) =	sbr.abs _section_cstart, $3  }
0xc1: {  	[dreg:$0x1] =	wrdreg $0xFFFFFFFF  }
0xc2: {  	_ =	task.clear_ibuf [dreg:s7], $0x2FFFF;
	_ =	strace $0x9FFFFFFF  }
0xc3: {  	(tm) =	ssettm $0x7FFFFFFF  }
tec
execute0_lowered:
.L_overlay_start_1:
0x0: {  	(tag) =	ssettag $0x1  }
0x1: {  	s0 =	rddreg [dreg:$0x0]  }
0x2: {  	s2 =	rddreg [dreg:$0x1]  }
0x3: {  	s1 =	rddreg [dreg:$0x2]  }
0x4: {  	s3 =	simm.s32 $0x0;
	s11 =	stileid.u32;
	s6 =	srdreg.scid  }
0x5: {  	s28 =	simm.s32 $0x200;
	s29 =	simm.s32 $0x100;
	s30 =	simm.s32 $0x280  }
0x6: {  	s31 =	simm.s32 $0x2;
	[smem:$0x7FF] =	sst s3;
	s4 =	sadd.s32 $0x3A00, s0  }
0x7: {  	s7 =	smul.u32 $0x50000, s11;
	s5 =	sadd.s32 $0x2BA00, s0;
	s13 =	sadd.s32 $0x35800, s0  }
0x8: {  	s6 =	sand.u32 $0x1, s6;
	s0 =	sadd.s32 $0x3F600, s0;
	s10 =	smul.u32 $0x2800, s11  }
0x9: {  	s20 =	smul.u32 $0x4EC0, s11;
	s11 =	simm.s32 $0x0;
	_ =	strace $0x80000053  }
0xa: {  	s14 =	ssub.s32 $0x2, s6;
	s15 =	smul.u32 $0x28000, s6;
	s7 =	sshrl.u32 s7, $0x2  }
0xb: {  	s6 =	smul.u32 $0x2760, s6;
	s9 =	sshrl.u32 s14, $0x1;
	s8 =	sadd.s32 s7, s1  }
0xc: {  	[dreg:$0x4] =	wrdreg s0;
	s0 =	ssub.s32 s14, s9;
	s7 =	sadd.s32 $0x2000, s8  }
0xd: {  	s6 =	sadd.s32 s6, s20;
	s18 =	sadd.s32 $0x4000, s8;
	[dreg:$0x5] =	wrdreg s7  }
0xe: {  	s9 =	simm.s32 $0x5300;
	s19 =	sadd.s32 $0x6000, s8;
	[dreg:$0x6] =	wrdreg s18  }
0xf: {  	s21 =	sadd.s32 $0x8000, s8;
	s22 =	sadd.s32 $0xA000, s8;
	[dreg:$0x7] =	wrdreg s19  }
0x10: {  	s23 =	sadd.s32 $0xC000, s8;
	s24 =	sadd.s32 $0xE000, s8;
	[dreg:$0x8] =	wrdreg s21  }
0x11: {  	s16 =	sadd.s32 $0x10000, s8;
	s17 =	sadd.s32 $0x12000, s8;
	[dreg:$0x9] =	wrdreg s22  }
0x12: {  	s25 =	sadd.s32 $0xA0, s6;
	s20 =	sshrl.u32 s6, $0x3;
	[dreg:$0xa] =	wrdreg s23  }
0x13: {  	s26 =	sadd.s32 $0x50, s6;
	[dreg:$0xb] =	wrdreg s24;
	s7 =	sadd.s32 s10, s15  }
0x14: {  	s19 =	smax.u32 s0, $0x1;
	s21 =	sshrl.u32 s25, $0x3;
	s22 =	sshrl.u32 s26, $0x3  }
0x15: {  	s23 =	simm.s32 $0x7B00;
	s24 =	simm.s32 $0x3;
	s25 =	simm.s32 $0x180  }
0x16: {  	s26 =	simm.s32 $0x80;
	s0 =	simm.s32 $0x50;
	s10 =	simm.s32 $0x1  }
0x17: {  	s18 =	sadd.s32 s2, s7;
	s2 =	simm.s32 $0x300;
	s7 =	simm.s32 $0x2B00  }
.LBB2_1:
0x18: {  	s6 =	rddreg [dreg:$0x4]  }
0x19: {  	[tilespmem:s23], [sflag:$0x3] =	stream.linear.gather [hbm4b:s6+s3], $0x2000, $0x38;
	[tilespmem:$0x1DB00] =	vst v63  }
0x1a: {  	_ =	swait.ge [sflag:s24], $0x2000  }
0x1b: {  	[sflag:s24] =	ssyncset.done $0x0  }
0x1c: {  	[sflag:s24] =	ssyncadd.s32 $0xFFFFE000  }
0x1d: {  	[spmem:s8] =	stream.linear.scatter [tilespmem:s23], [sflag:$0x3], $0x2000, $0x38;
	[tilespmem:$0x1DB00] =	vst v63  }
0x1e: {  	_ =	swait.ge [sflag:s24], $0x2000  }
0x1f: {  	[sflag:s24] =	ssyncset.done $0x0  }
0x20: {  	s15 =	rddreg [dreg:$0x5];
	[sflag:s24] =	ssyncadd.s32 $0xFFFFE000  }
0x21: {  	[spmem:s15] =	stream.linear.scatter [tilespmem:s23], [sflag:$0x3], $0x2000, $0x38;
	[tilespmem:$0x1DB00] =	vst v63  }
0x22: {  	_ =	swait.ge [sflag:s24], $0x2000  }
0x23: {  	[sflag:s24] =	ssyncset.done $0x0  }
0x24: {  	s12 =	rddreg [dreg:$0x6];
	[sflag:s24] =	ssyncadd.s32 $0xFFFFE000  }
0x25: {  	[spmem:s12] =	stream.linear.scatter [tilespmem:s23], [sflag:$0x3], $0x2000, $0x38;
	[tilespmem:$0x1DB00] =	vst v63  }
0x26: {  	_ =	swait.ge [sflag:s24], $0x2000  }
0x27: {  	[sflag:s24] =	ssyncset.done $0x0  }
0x28: {  	s14 =	rddreg [dreg:$0x7];
	[sflag:s24] =	ssyncadd.s32 $0xFFFFE000  }
0x29: {  	[spmem:s14] =	stream.linear.scatter [tilespmem:s23], [sflag:$0x3], $0x2000, $0x38;
	[tilespmem:$0x1DB00] =	vst v63  }
0x2a: {  	_ =	swait.ge [sflag:s24], $0x2000  }
0x2b: {  	[sflag:s24] =	ssyncset.done $0x0  }
0x2c: {  	s15 =	rddreg [dreg:$0x8];
	[sflag:s24] =	ssyncadd.s32 $0xFFFFE000  }
0x2d: {  	[spmem:s15] =	stream.linear.scatter [tilespmem:s23], [sflag:$0x3], $0x2000, $0x38;
	[tilespmem:$0x1DB00] =	vst v63  }
0x2e: {  	_ =	swait.ge [sflag:s24], $0x2000  }
0x2f: {  	[sflag:s24] =	ssyncset.done $0x0  }
0x30: {  	s12 =	rddreg [dreg:$0x9];
	[sflag:s24] =	ssyncadd.s32 $0xFFFFE000  }
0x31: {  	[spmem:s12] =	stream.linear.scatter [tilespmem:s23], [sflag:$0x3], $0x2000, $0x38;
	[tilespmem:$0x1DB00] =	vst v63  }
0x32: {  	_ =	swait.ge [sflag:s24], $0x2000  }
0x33: {  	[sflag:s24] =	ssyncset.done $0x0  }
0x34: {  	s14 =	rddreg [dreg:$0xa];
	[sflag:s24] =	ssyncadd.s32 $0xFFFFE000  }
0x35: {  	[spmem:s14] =	stream.linear.scatter [tilespmem:s23], [sflag:$0x3], $0x2000, $0x38;
	[tilespmem:$0x1DB00] =	vst v63  }
0x36: {  	_ =	swait.ge [sflag:s24], $0x2000  }
0x37: {  	[sflag:s24] =	ssyncset.done $0x0  }
0x38: {  	s15 =	rddreg [dreg:$0xb];
	[sflag:s24] =	ssyncadd.s32 $0xFFFFE000  }
0x39: {  	[spmem:s15] =	stream.linear.scatter [tilespmem:s23], [sflag:$0x3], $0x2000, $0x38;
	[tilespmem:$0x1DB00] =	vst v63  }
0x3a: {  	_ =	swait.ge [sflag:s24], $0x2000  }
0x3b: {  	[sflag:s24] =	ssyncset.done $0x0  }
0x3c: {  	[sflag:s24] =	ssyncadd.s32 $0xFFFFE000  }
0x3d: {  	[spmem:s16] =	stream.linear.scatter [tilespmem:s23], [sflag:$0x3], $0x2000, $0x38;
	[tilespmem:$0x1DB00] =	vst v63  }
0x3e: {  	_ =	swait.ge [sflag:s24], $0x2000  }
0x3f: {  	[sflag:s24] =	ssyncset.done $0x0  }
0x40: {  	[sflag:s24] =	ssyncadd.s32 $0xFFFFE000  }
0x41: {  	[spmem:s17] =	stream.linear.scatter [tilespmem:s23], [sflag:$0x3], $0x2000, $0x38;
	[tilespmem:$0x1DB00] =	vst v63  }
0x42: {  	_ =	swait.ge [sflag:s24], $0x2000  }
0x43: {  	[sflag:s24] =	ssyncset.done $0x0  }
0x44: {  	[sflag:s24] =	ssyncadd.s32 $0xFFFFE000  }
0x45: {  	s12 =	sadd.s32 s5, s20;
	[bflag:$0x0] =	sbarrier.arrive $0xFFFF  }
0x46: {  	[tilespmem:s3], [sflag:$0x2] =	stream.linear.gather [hbm4b:s12+s3], $0x50, $0x38;
	[tilespmem:$0x1DB00] =	vst v63  }
0x47: {  	s14 =	sadd.s32 s13, s20  }
0x48: {  	[tilespmem:s25], [sflag:$0x2] =	stream.linear.gather [hbm4b:s14+s3], $0x50, $0x38;
	[tilespmem:$0x1DB00] =	vst v63  }
0x49: {  	s15 =	sadd.s32 s5, s22  }
0x4a: {  	[tilespmem:s26], [sflag:$0x2] =	stream.linear.gather [hbm4b:s15+s3], $0x50, $0x38;
	[tilespmem:$0x1DB00] =	vst v63  }
0x4b: {  	s12 =	sadd.s32 s13, s22  }
0x4c: {  	[tilespmem:s28], [sflag:$0x2] =	stream.linear.gather [hbm4b:s12+s3], $0x50, $0x38;
	[tilespmem:$0x1DB00] =	vst v63  }
0x4d: {  	s14 =	sadd.s32 s5, s21  }
0x4e: {  	[tilespmem:s29], [sflag:$0x2] =	stream.linear.gather [hbm4b:s14+s3], $0x50, $0x38;
	[tilespmem:$0x1DB00] =	vst v63  }
0x4f: {  	s15 =	sadd.s32 s13, s21  }
0x50: {  	[tilespmem:s30], [sflag:$0x2] =	stream.linear.gather [hbm4b:s15+s3], $0x50, $0x38;
	[tilespmem:$0x1DB00] =	vst v63  }
0x51: {  	_ =	swait.ge [sflag:s31], $0x50  }
0x52: {  	[sflag:s31] =	ssyncset.done $0x0  }
0x53: {  	[sflag:s31] =	ssyncadd.s32 $0xFFFFFFB0  }
0x54: {  	_ =	swait.ge [sflag:s31], $0x50  }
0x55: {  	[sflag:s31] =	ssyncset.done $0x0  }
0x56: {  	[sflag:s31] =	ssyncadd.s32 $0xFFFFFFB0  }
0x57: {  	_ =	swait.ge [sflag:s31], $0x50  }
0x58: {  	[sflag:s31] =	ssyncset.done $0x0  }
0x59: {  	[sflag:s31] =	ssyncadd.s32 $0xFFFFFFB0  }
0x5a: {  	_ =	swait.ge [sflag:s31], $0x50  }
0x5b: {  	[sflag:s31] =	ssyncset.done $0x0  }
0x5c: {  	[sflag:s31] =	ssyncadd.s32 $0xFFFFFFB0  }
0x5d: {  	_ =	swait.ge [sflag:s31], $0x50  }
0x5e: {  	[sflag:s31] =	ssyncset.done $0x0  }
0x5f: {  	[sflag:s31] =	ssyncadd.s32 $0xFFFFFFB0  }
0x60: {  	_ =	swait.ge [sflag:s31], $0x50  }
0x61: {  	[sflag:s31] =	ssyncset.done $0x0  }
0x62: {  	[sflag:s31] =	ssyncadd.s32 $0xFFFFFFB0  }
0x63: {  	[tilespmem:s2], [sflag:$0x1] =	stream.indirect.gather [hbm4b:s4+s0], $0x80, s3, s0, $0xb8;
	[tilespmem:$0x1DB00] =	vst v63  }
0x64: {  	_ = 	snop  }
0x65: {  	[tilespmem:s7], [sflag:$0x1] =	stream.indirect.gather [hbm4b:s4+s0], $0x80, s26, s0, $0xb8;
	[tilespmem:$0x1DB00] =	vst v63  }
0x66: {  	_ = 	snop  }
0x67: {  	[tilespmem:s9], [sflag:$0x1] =	stream.indirect.gather [hbm4b:s4+s0], $0x80, s29, s0, $0xb8;
	[tilespmem:$0x1DB00] =	vst v63  }
0x68: {  	_ =	swait.ge [sflag:s10], $0x2800  }
0x69: {  	[sflag:s10] =	ssyncset.done $0x0  }
0x6a: {  	[sflag:s10] =	ssyncadd.s32 $0xFFFFD800  }
0x6b: {  	[spmem:s1] =	stream.indirect.scatter.add.f32 [tilespmem:s2], [sflag:$0x3], $0x80, s25, s0, $0xb8;
	[tilespmem:$0x1DB00] =	vst v63  }
0x6c: {  	_ =	swait.ge [sflag:s24], $0x2800  }
0x6d: {  	[sflag:s24] =	ssyncset.done $0x0  }
0x6e: {  	[sflag:s24] =	ssyncadd.s32 $0xFFFFD800  }
0x6f: {  	_ =	swait.ge [sflag:s10], $0x2800  }
0x70: {  	[sflag:s10] =	ssyncset.done $0x0  }
0x71: {  	[sflag:s10] =	ssyncadd.s32 $0xFFFFD800  }
0x72: {  	[spmem:s1] =	stream.indirect.scatter.add.f32 [tilespmem:s7], [sflag:$0x3], $0x80, s28, s0, $0xb8;
	[tilespmem:$0x1DB00] =	vst v63  }
0x73: {  	_ =	swait.ge [sflag:s24], $0x2800  }
0x74: {  	[sflag:s24] =	ssyncset.done $0x0  }
0x75: {  	[sflag:s24] =	ssyncadd.s32 $0xFFFFD800  }
0x76: {  	_ =	swait.ge [sflag:s10], $0x2800  }
0x77: {  	[sflag:s10] =	ssyncset.done $0x0  }
0x78: {  	[sflag:s10] =	ssyncadd.s32 $0xFFFFD800  }
0x79: {  	[spmem:s1] =	stream.indirect.scatter.add.f32 [tilespmem:s9], [sflag:$0x3], $0x80, s30, s0, $0xb8;
	[tilespmem:$0x1DB00] =	vst v63  }
0x7a: {  	s6 =	smov.u32 s13;
	_ =	swait.ge [sflag:s24], $0x2800  }
0x7b: {  	s12 =	sadd.s32 $0x1E, s5;
	s14 =	simm.s32 $0x28;
	[sflag:s24] =	ssyncset.done $0x0  }
.LBB2_2:
0x7c: {  	s15 =	sadd.s32 s12, s20;
	[sflag:s24] =	ssyncadd.s32 $0xFFFFD800;
	s6 =	sadd.s32 $0x1E, s6  }
0x7d: {  	[tilespmem:s3], [sflag:$0x2] =	stream.linear.gather [hbm4b:s15+s3], $0x50, $0x38;
	[tilespmem:$0x1DB00] =	vst v63  }
0x7e: {  	p0 =	sne.s32 s14, $0x1;
	s14 =	sadd.s32 $0xFFFFFFFF, s14;
	s15 =	sadd.s32 s6, s20  }
0x7f: {  	[tilespmem:s25], [sflag:$0x2] =	stream.linear.gather [hbm4b:s15+s3], $0x50, $0x38;
	[tilespmem:$0x1DB00] =	vst v63  }
0x80: {  	s15 =	sadd.s32 s12, s22  }
0x81: {  	[tilespmem:s26], [sflag:$0x2] =	stream.linear.gather [hbm4b:s15+s3], $0x50, $0x38;
	[tilespmem:$0x1DB00] =	vst v63  }
0x82: {  	s15 =	sadd.s32 s6, s22  }
0x83: {  	[tilespmem:s28], [sflag:$0x2] =	stream.linear.gather [hbm4b:s15+s3], $0x50, $0x38;
	[tilespmem:$0x1DB00] =	vst v63  }
0x84: {  	s15 =	sadd.s32 s12, s21  }
0x85: {  	[tilespmem:s29], [sflag:$0x2] =	stream.linear.gather [hbm4b:s15+s3], $0x50, $0x38;
	[tilespmem:$0x1DB00] =	vst v63  }
0x86: {  	s15 =	sadd.s32 s6, s21  }
0x87: {  	[tilespmem:s30], [sflag:$0x2] =	stream.linear.gather [hbm4b:s15+s3], $0x50, $0x38;
	[tilespmem:$0x1DB00] =	vst v63  }
0x88: {  	_ =	swait.ge [sflag:s31], $0x50  }
0x89: {  	[sflag:s31] =	ssyncset.done $0x0  }
0x8a: {  	[sflag:s31] =	ssyncadd.s32 $0xFFFFFFB0  }
0x8b: {  	_ =	swait.ge [sflag:s31], $0x50  }
0x8c: {  	[sflag:s31] =	ssyncset.done $0x0  }
0x8d: {  	[sflag:s31] =	ssyncadd.s32 $0xFFFFFFB0  }
0x8e: {  	_ =	swait.ge [sflag:s31], $0x50  }
0x8f: {  	[sflag:s31] =	ssyncset.done $0x0  }
0x90: {  	[sflag:s31] =	ssyncadd.s32 $0xFFFFFFB0  }
0x91: {  	_ =	swait.ge [sflag:s31], $0x50  }
0x92: {  	[sflag:s31] =	ssyncset.done $0x0  }
0x93: {  	[sflag:s31] =	ssyncadd.s32 $0xFFFFFFB0  }
0x94: {  	_ =	swait.ge [sflag:s31], $0x50  }
0x95: {  	[sflag:s31] =	ssyncset.done $0x0  }
0x96: {  	[sflag:s31] =	ssyncadd.s32 $0xFFFFFFB0  }
0x97: {  	_ =	swait.ge [sflag:s31], $0x50  }
0x98: {  	[sflag:s31] =	ssyncset.done $0x0  }
0x99: {  	[sflag:s31] =	ssyncadd.s32 $0xFFFFFFB0  }
0x9a: {  	[tilespmem:s2], [sflag:$0x1] =	stream.indirect.gather [hbm4b:s4+s0], $0x80, s3, s0, $0xb8;
	[tilespmem:$0x1DB00] =	vst v63  }
0x9b: {  	_ = 	snop  }
0x9c: {  	[tilespmem:s7], [sflag:$0x1] =	stream.indirect.gather [hbm4b:s4+s0], $0x80, s26, s0, $0xb8;
	[tilespmem:$0x1DB00] =	vst v63  }
0x9d: {  	_ = 	snop  }
0x9e: {  	[tilespmem:s9], [sflag:$0x1] =	stream.indirect.gather [hbm4b:s4+s0], $0x80, s29, s0, $0xb8;
	[tilespmem:$0x1DB00] =	vst v63  }
0x9f: {  	_ =	swait.ge [sflag:s10], $0x2800  }
0xa0: {  	[sflag:s10] =	ssyncset.done $0x0  }
0xa1: {  	[sflag:s10] =	ssyncadd.s32 $0xFFFFD800  }
0xa2: {  	[spmem:s1] =	stream.indirect.scatter.add.f32 [tilespmem:s2], [sflag:$0x3], $0x80, s25, s0, $0xb8;
	[tilespmem:$0x1DB00] =	vst v63  }
0xa3: {  	_ =	swait.ge [sflag:s24], $0x2800  }
0xa4: {  	[sflag:s24] =	ssyncset.done $0x0  }
0xa5: {  	[sflag:s24] =	ssyncadd.s32 $0xFFFFD800  }
0xa6: {  	_ =	swait.ge [sflag:s10], $0x2800  }
0xa7: {  	[sflag:s10] =	ssyncset.done $0x0  }
0xa8: {  	[sflag:s10] =	ssyncadd.s32 $0xFFFFD800  }
0xa9: {  	[spmem:s1] =	stream.indirect.scatter.add.f32 [tilespmem:s7], [sflag:$0x3], $0x80, s28, s0, $0xb8;
	[tilespmem:$0x1DB00] =	vst v63  }
0xaa: {  	_ =	swait.ge [sflag:s24], $0x2800  }
0xab: {  	[sflag:s24] =	ssyncset.done $0x0  }
0xac: {  	[sflag:s24] =	ssyncadd.s32 $0xFFFFD800  }
0xad: {  	_ =	swait.ge [sflag:s10], $0x2800  }
.Ltmp0:
0xae: {  	[sflag:s10] =	ssyncset.done $0x0;
	(pc) =	sbr.rel @p0 .LBB2_2-.Ltmp0, $4  }
0xaf: {  	[sflag:s10] =	ssyncadd.s32 $0xFFFFD800  }
0xb0: {  	[spmem:s1] =	stream.indirect.scatter.add.f32 [tilespmem:s9], [sflag:$0x3], $0x80, s30, s0, $0xb8;
	[tilespmem:$0x1DB00] =	vst v63  }
0xb1: {  	_ =	swait.ge [sflag:s24], $0x2800  }
0xb2: {  	s12 =	sadd.s32 $0x1E, s12;
	[sflag:s24] =	ssyncset.done $0x0  }
0xb3: {  	s14 =	sadd.s32 s12, s20;
	[sflag:s24] =	ssyncadd.s32 $0xFFFFD800;
	s6 =	sadd.s32 $0x1E, s6  }
0xb4: {  	[tilespmem:s3], [sflag:$0x2] =	stream.linear.gather [hbm4b:s14+s3], $0x50, $0x38;
	[tilespmem:$0x1DB00] =	vst v63  }
0xb5: {  	s15 =	sadd.s32 s6, s20  }
0xb6: {  	[tilespmem:s25], [sflag:$0x2] =	stream.linear.gather [hbm4b:s15+s3], $0x50, $0x38;
	[tilespmem:$0x1DB00] =	vst v63  }
0xb7: {  	s15 =	sadd.s32 s12, s22  }
0xb8: {  	[tilespmem:s26], [sflag:$0x2] =	stream.linear.gather [hbm4b:s15+s3], $0x50, $0x38;
	[tilespmem:$0x1DB00] =	vst v63  }
0xb9: {  	s15 =	sadd.s32 s6, s22  }
0xba: {  	[tilespmem:s28], [sflag:$0x2] =	stream.linear.gather [hbm4b:s15+s3], $0x50, $0x38;
	[tilespmem:$0x1DB00] =	vst v63  }
0xbb: {  	s15 =	sadd.s32 s12, s21  }
0xbc: {  	[tilespmem:s29], [sflag:$0x2] =	stream.linear.gather [hbm4b:s15+s3], $0x50, $0x38;
	[tilespmem:$0x1DB00] =	vst v63  }
0xbd: {  	s6 =	sadd.s32 s6, s21  }
0xbe: {  	[tilespmem:s30], [sflag:$0x2] =	stream.linear.gather [hbm4b:s6+s3], $0x50, $0x38;
	[tilespmem:$0x1DB00] =	vst v63  }
0xbf: {  	_ =	swait.ge [sflag:s31], $0x50  }
0xc0: {  	[sflag:s31] =	ssyncset.done $0x0  }
0xc1: {  	[sflag:s31] =	ssyncadd.s32 $0xFFFFFFB0  }
0xc2: {  	_ =	swait.ge [sflag:s31], $0x50  }
0xc3: {  	[sflag:s31] =	ssyncset.done $0x0  }
0xc4: {  	[sflag:s31] =	ssyncadd.s32 $0xFFFFFFB0  }
0xc5: {  	_ =	swait.ge [sflag:s31], $0x50  }
0xc6: {  	[sflag:s31] =	ssyncset.done $0x0  }
0xc7: {  	[sflag:s31] =	ssyncadd.s32 $0xFFFFFFB0  }
0xc8: {  	_ =	swait.ge [sflag:s31], $0x50  }
0xc9: {  	[sflag:s31] =	ssyncset.done $0x0  }
0xca: {  	[sflag:s31] =	ssyncadd.s32 $0xFFFFFFB0  }
0xcb: {  	_ =	swait.ge [sflag:s31], $0x50  }
0xcc: {  	[sflag:s31] =	ssyncset.done $0x0  }
0xcd: {  	[sflag:s31] =	ssyncadd.s32 $0xFFFFFFB0  }
0xce: {  	_ =	swait.ge [sflag:s31], $0x50  }
0xcf: {  	[sflag:s31] =	ssyncset.done $0x0  }
0xd0: {  	[sflag:s31] =	ssyncadd.s32 $0xFFFFFFB0  }
0xd1: {  	[tilespmem:s2], [sflag:$0x1] =	stream.indirect.gather [hbm4b:s4+s0], $0x80, s3, s0, $0xb8;
	[tilespmem:$0x1DB00] =	vst v63  }
0xd2: {  	_ = 	snop  }
0xd3: {  	[tilespmem:s7], [sflag:$0x1] =	stream.indirect.gather [hbm4b:s4+s0], $0x80, s26, s0, $0xb8;
	[tilespmem:$0x1DB00] =	vst v63  }
0xd4: {  	_ = 	snop  }
0xd5: {  	[tilespmem:s9], [sflag:$0x1] =	stream.indirect.gather [hbm4b:s4+s0], $0x80, s29, s0, $0xb8;
	[tilespmem:$0x1DB00] =	vst v63  }
0xd6: {  	_ =	swait.ge [sflag:s10], $0x2800  }
0xd7: {  	[sflag:s10] =	ssyncset.done $0x0  }
0xd8: {  	[sflag:s10] =	ssyncadd.s32 $0xFFFFD800  }
0xd9: {  	[spmem:s1] =	stream.indirect.scatter.add.f32 [tilespmem:s2], [sflag:$0x3], $0x80, s25, s0, $0xb8;
	[tilespmem:$0x1DB00] =	vst v63  }
0xda: {  	_ =	swait.ge [sflag:s24], $0x2800  }
0xdb: {  	[sflag:s24] =	ssyncset.done $0x0  }
0xdc: {  	[sflag:s24] =	ssyncadd.s32 $0xFFFFD800  }
0xdd: {  	_ =	swait.ge [sflag:s10], $0x2800  }
0xde: {  	[sflag:s10] =	ssyncset.done $0x0  }
0xdf: {  	[sflag:s10] =	ssyncadd.s32 $0xFFFFD800  }
0xe0: {  	[spmem:s1] =	stream.indirect.scatter.add.f32 [tilespmem:s7], [sflag:$0x3], $0x80, s28, s0, $0xb8;
	[tilespmem:$0x1DB00] =	vst v63  }
0xe1: {  	_ =	swait.ge [sflag:s24], $0x2800  }
0xe2: {  	[sflag:s24] =	ssyncset.done $0x0  }
0xe3: {  	[sflag:s24] =	ssyncadd.s32 $0xFFFFD800  }
0xe4: {  	_ =	swait.ge [sflag:s10], $0x2800  }
0xe5: {  	[sflag:s10] =	ssyncset.done $0x0  }
0xe6: {  	[sflag:s10] =	ssyncadd.s32 $0xFFFFD800  }
0xe7: {  	[spmem:s1] =	stream.indirect.scatter.add.f32 [tilespmem:s9], [sflag:$0x3], $0x80, s30, s0, $0xb8;
	[tilespmem:$0x1DB00] =	vst v63  }
0xe8: {  	s11 =	sadd.s32 $0x1, s11;
	_ =	swait.ge [sflag:s24], $0x2800  }
0xe9: {  	s14 =	stileid.u32;
	p0 =	sne.s32 s11, s19;
	[sflag:s24] =	ssyncset.done $0x0  }
0xea: {  	s15 =	sshrl.u32 s8, $0x3;
	s6 =	sshll.u32 s14, $0x6;
	[sflag:s24] =	ssyncadd.s32 $0xFFFFD800  }
.Ltmp1:
0xeb: {  	s6 =	sor.u32 $0x1C03, s6;
	[bflag:$0x0] =	sbarrier.arrive $0xFFFF;
	(pc) =	sbr.rel @p0 .LBB2_1-.Ltmp1, $4  }
0xec: {  	[hbm:s18], [sflag:s6] =	dma.local [spmem:s15], $0x2800  }
0xed: {  	_ =	swait.ge [sflag:s24], $0x2800  }
0xee: {  	[sflag:s24] =	ssyncset.done $0x0  }
0xef: {  	[sflag:s24] =	ssyncadd.s32 $0xFFFFD800  }
0xf0: {  	_ =	sfence.sel $0x180000  }
0xf1: {  	[bflag:$0x0] =	sbarrier.arrive $0xFFFF  }
0xf2: {  	_ =	strace $0x90000053  }
0xf3: {  	s0 =	stileid.u32;
	[bflag:$0x2] =	sbarrier.arrive $0xFFFF  }
0xf4: {  	p0 =	sne.s32 s0, $0x0;
	s0 =	rddreg [dreg:$0x3]  }
0xf5: {  	s0 =	sadd.s32 @!p0 $0x100000, s0  }
0xf6: {  	[sflag:s0] =	ssyncadd.tile.s32 @!p0 $0x1;
	_ =	shalt  }
.Lfunc_end2:
_tile_overlayer_lowered:
.L_overlay_start_2:
0xf7: {  	(tag) =	ssettag $0x2  }
0xf8: {  	s0 =	rddreg [dreg:$0x0];
	s2 =	stileid.u32  }
0xf9: {  	s1 =	rddreg [dreg:$0x1];
	p0 =	sne.s32 s2, $0x0  }
0xfa: {  	s3 =	rddreg [dreg:$0x2];
	[bflag:$0x3] =	sbarrier.arrive $0xFFFF;
	s2 =	simm.s32 @!p0 $0x1C03  }
0xfb: {  	[timem:s3], [sflag:s2] =	dma.local @!p0 [hbm:s0], s1  }
0xfc: {  	s0 =	simm.s32 @!p0 $0x3  }
0xfd: {  	_ =	swait.ge @!p0 [sflag:s0], s1  }
0xfe: {  	s1 =	ssub.s32 @!p0 $0x0, s1;
	[sflag:s0] =	ssyncset.done @!p0 $0x0  }
0xff: {  	[sflag:s0] =	ssyncadd.s32 @!p0 s1  }
0x100: {  	[bflag:$0x3] =	sbarrier.arrive $0xFFFF  }
0x101: {  	_ =	shalt  }

</sc_bundles>
